<compile_context>
chip_gen: v7x
topology: tpu7x:2x2x1
jax: 0.10.2.dev20260603
libtpu: 0.0.44.dev20260713+nightly
codegen_flags: <defaults>
</compile_context>

<pallas_src>
import math

import jax
import jax.numpy as jnp
import numpy as np
from jax import lax
from jax.experimental import pallas as pl
from jax.experimental.pallas import tpu as pltpu
from jax.experimental.pallas import tpu_sc as plsc

V = 100000
D = 64
B = 4096
S = 200

NC = 2
NS = 16
NW = NC * NS
LB = B // NW
NBG = 4
NBO = 4
NGROUP = S // NBG
SCALE = math.sqrt(D)


def _positional_encoding():
    position = np.arange(0, S, dtype=np.float32)[:, None]
    div_term = np.exp(
        np.arange(0, D, 2, dtype=np.float32) * -(math.log(10000.0) / D))
    enc = np.zeros((S, D), dtype=np.float32)
    enc[:, 0::2] = np.sin(position * div_term)
    enc[:, 1::2] = np.cos(position * div_term)
    return enc


_ENC = _positional_encoding()

_mesh = plsc.VectorSubcoreMesh(
    core_axis_name="c", subcore_axis_name="s", num_cores=NC, num_subcores=NS)


@jax.jit
def _emb_kernel(xt, table, enc):
    @pl.kernel(
        out_type=jax.ShapeDtypeStruct((S, D // 8, NW, 8, LB), jnp.float32),
        mesh=_mesh,
        scratch_types=[
            pltpu.VMEM((S // 8, 8, LB), jnp.int32),
            pltpu.VMEM((S, D), jnp.float32),
            pltpu.VMEM((NBG, LB, D), jnp.float32),
            pltpu.VMEM((NBO, D // 8, 8, LB), jnp.float32),
            pltpu.VMEM((2 * (LB // 16) * (D // 16), 16 * 17), jnp.float32),
            pltpu.SemaphoreType.DMA((NBG,)),
            pltpu.SemaphoreType.DMA((NBO,)),
        ],
        compiler_params=pltpu.CompilerParams(
            use_tc_tiling_on_sc=False, needs_layout_passes=False),
    )
    def body(xt_hbm, table_hbm, enc_hbm, out_hbm,
             idx_v, enc_v, gbuf, obuf, shear, gsem, osem):
        wid = lax.axis_index("s") * NC + lax.axis_index("c")
        pltpu.sync_copy(xt_hbm.at[:, wid], idx_v)
        pltpu.sync_copy(enc_hbm, enc_v)

        lanes17 = lax.iota(jnp.int32, 16) * 17

        for b in range(NBG):
            pltpu.async_copy(
                table_hbm.at[idx_v.at[0, b]], gbuf.at[b], gsem.at[b])

        NBLK = (LB // 16) * (D // 16)

        def group_body(g, carry):
            for p in range(NBG // 2):
                b0 = 2 * p
                s0 = g * NBG + b0
                for j in range(2):
                    pltpu.make_async_copy(
                        table_hbm.at[idx_v.at[(s0 + j) // 8, (s0 + j) % 8]],
                        gbuf.at[b0 + j], gsem.at[b0 + j]).wait()

                    @pl.when(g > 0)
                    def _():
                        pltpu.make_async_copy(
                            obuf.at[b0 + j], out_hbm.at[0, :, 0],
                            osem.at[b0 + j]).wait()

                @plsc.parallel_loop(0, 2 * NBLK)
                def p1_body(i):
                    j = i // NBLK
                    blk = i % NBLK
                    lb_i = blk // (D // 16)
                    dc = blk % (D // 16)
                    r0 = lb_i * 16
                    d0 = dc * 16
                    ev16 = enc_v[s0 + j, pl.ds(d0, 16)]
                    sc = shear.at[i]
                    for l in range(16):
                        y = gbuf[b0 + j, r0 + l, pl.ds(d0, 16)]
                        sc[pl.ds(l * 17, 16)] = y * SCALE + ev16

                @plsc.parallel_loop(0, 2 * NBLK)
                def p2_body(i):
                    j = i // NBLK
                    blk = i % NBLK
                    lb_i = blk // (D // 16)
                    dc = blk % (D // 16)
                    r0 = lb_i * 16
                    d0 = dc * 16
                    sc = shear.at[i]
                    for k in range(16):
                        d = d0 + k
                        ov = plsc.load_gather(sc, [lanes17 + k])
                        obuf[b0 + j, d // 8, d % 8, pl.ds(r0, 16)] = ov

                for j in range(2):
                    sn = s0 + j + NBG

                    @pl.when(sn < S)
                    def _():
                        pltpu.async_copy(
                            table_hbm.at[idx_v.at[sn // 8, sn % 8]],
                            gbuf.at[b0 + j], gsem.at[b0 + j])

                    pltpu.async_copy(
                        obuf.at[b0 + j], out_hbm.at[s0 + j, :, wid],
                        osem.at[b0 + j])
            return carry

        lax.fori_loop(0, NGROUP, group_body, 0)

        for o in range(NBO):
            pltpu.make_async_copy(
                obuf.at[o], out_hbm.at[0, :, 0], osem.at[o]).wait()

    return body(xt, table, enc)


def kernel(x, table):
    xt4 = x.T.reshape(S // 8, 8, NW, LB).transpose(0, 2, 1, 3)
    p5 = _emb_kernel(xt4, table, _ENC)
    return jnp.transpose(p5, (2, 4, 0, 1, 3)).reshape(B, S, D)

# --- scband reference (transcript-rebuilt; emitter-appended) ---
"""Pipeline reference for scband-transformer-embedding-79680233276102 (READ-ONLY COPY).

The authoritative reference and input builder live on the scoring server;
editing this copy changes nothing except your own understanding.
"""

import jax, jax.numpy as jnp
import numpy as np
import math

V = 100000
D = 64
B = 4096
S = 200
MAX_SEQ = 200

def _positional_encoding(max_seq_len, d_embed):
    position = np.arange(0, max_seq_len, dtype=np.float32)[:, None]
    div_term = np.exp(np.arange(0, d_embed, 2, dtype=np.float32) * -(math.log(10000.0) / d_embed))
    enc = np.zeros((max_seq_len, d_embed), dtype=np.float32)
    enc[:, 0::2] = np.sin(position * div_term)
    enc[:, 1::2] = np.cos(position * div_term)
    return jnp.asarray(enc)

_ENC = _positional_encoding(MAX_SEQ, D)

def setup_inputs(seed: int = 0) -> dict:
    key = jax.random.key(seed)
    k1, k2 = jax.random.split(key)
    x = jax.random.randint(k1, (B, S), 0, V, dtype=jnp.int32)
    table = jax.random.normal(k2, (V, D), dtype=jnp.float32)
    return {"x": x, "table": table}

def reference(x, table):
    # Embedding lookup scaled by sqrt(d_embed)
    emb = jnp.take(table, x, axis=0) * math.sqrt(D)
    # Add (non-learned) sinusoidal positional encoding
    out = emb + _ENC[None, :S, :]
    return out

if __name__ == "__main__":
    import jax
    _d = setup_inputs()
    print(jax.jit(kernel)(*tuple(_d.values())))

</pallas_src>

<mosaic_0001>
#map = affine_map<(d0, d1) -> (0, 0, 0, 0)>
#map1 = affine_map<(d0, d1) -> (0, 0)>
#map2 = affine_map<(d0, d1) -> (0, 0, 0, 0, 0)>
module attributes {stable_mosaic.version = 14 : i64} {
  func.func @body(%arg0: i32, %arg1: i32, %arg2: memref<25x32x8x128xi32, #tpu.memory_space<hbm>>, %arg3: memref<100000x64xf32, #tpu.memory_space<hbm>>, %arg4: memref<200x64xf32, #tpu.memory_space<hbm>>, %arg5: memref<200x8x32x8x128xf32, #tpu.memory_space<hbm>>, %arg6: memref<25x8x128xi32, #tpu.memory_space<vmem>>, %arg7: memref<200x64xf32, #tpu.memory_space<vmem>>, %arg8: memref<4x128x64xf32, #tpu.memory_space<vmem>>, %arg9: memref<4x8x8x128xf32, #tpu.memory_space<vmem>>, %arg10: memref<64x272xf32, #tpu.memory_space<vmem>>, %arg11: memref<4x!tpu.dma_semaphore, #tpu.memory_space<semaphore_mem>>, %arg12: memref<4x!tpu.dma_semaphore, #tpu.memory_space<semaphore_mem>>) attributes {dimension_semantics = [#tpu.dimension_semantics<core_parallel>, #tpu.dimension_semantics<subcore_parallel>], iteration_bounds = array<i64: 2, 16>, scalar_prefetch = 0 : i64, scratch_operands = 7 : i64, tpu.core_type = #tpu.core_type<sc_vector_subcore>, window_params = [{transform_indices = #map}, {transform_indices = #map1}, {transform_indices = #map1}, {transform_indices = #map2}]} {
    %mul3A = arith.constant 2 : i32
    %mul3A_0 = arith.muli %arg1, %mul3A : i32
    %add3A = arith.addi %mul3A_0, %arg0 : i32
    "tpu.region"() ({
      %run_scoped3A = tpu.sem_alloc : memref<!tpu.dma_semaphore, #tpu.memory_space<semaphore_mem>>
      %dma_start3A_175 = arith.constant 0 : i32
      %dma_start3A_176 = arith.constant 0 : i32
      %dma_start3A_177 = arith.constant 0 : i32
      %dma_start3A_178 = tpu.memref_slice %arg2[%dma_start3A_175, %add3A, %dma_start3A_176, %dma_start3A_177] : memref<25x32x8x128xi32, #tpu.memory_space<hbm>> -> memref<25x1x8x128xi32, #tpu.memory_space<hbm>>
      %dma_start3A_179 = tpu.memref_squeeze %dma_start3A_178 : memref<25x1x8x128xi32, #tpu.memory_space<hbm>> -> memref<25x8x128xi32, #tpu.memory_space<hbm>>
      %dma_start3A_180 = arith.constant 0 : i32
      %dma_start3A_181 = arith.constant 0 : i32
      %dma_start3A_182 = arith.constant 0 : i32
      %dma_start3A_183 = tpu.memref_slice %arg2[%dma_start3A_180, %add3A, %dma_start3A_181, %dma_start3A_182] : memref<25x32x8x128xi32, #tpu.memory_space<hbm>> -> memref<25x1x8x128xi32, #tpu.memory_space<hbm>>
      %dma_start3A_184 = tpu.memref_squeeze %dma_start3A_183 : memref<25x1x8x128xi32, #tpu.memory_space<hbm>> -> memref<25x8x128xi32, #tpu.memory_space<hbm>>
      tpu.enqueue_dma source(%dma_start3A_184 : memref<25x8x128xi32, #tpu.memory_space<hbm>>) target(%arg6 : memref<25x8x128xi32, #tpu.memory_space<vmem>>) target_semaphore(%run_scoped3A : memref<!tpu.dma_semaphore, #tpu.memory_space<semaphore_mem>>)
      %dma_wait3A_185 = arith.constant 0 : i32
      %dma_wait3A_186 = arith.constant 0 : i32
      %dma_wait3A_187 = arith.constant 0 : i32
      %dma_wait3A_188 = tpu.memref_slice %arg2[%dma_wait3A_185, %add3A, %dma_wait3A_186, %dma_wait3A_187] : memref<25x32x8x128xi32, #tpu.memory_space<hbm>> -> memref<25x1x8x128xi32, #tpu.memory_space<hbm>>
      %dma_wait3A_189 = tpu.memref_squeeze %dma_wait3A_188 : memref<25x1x8x128xi32, #tpu.memory_space<hbm>> -> memref<25x8x128xi32, #tpu.memory_space<hbm>>
      %dma_wait3A_190 = arith.constant 0 : i32
      %dma_wait3A_191 = arith.constant 0 : i32
      %dma_wait3A_192 = arith.constant 0 : i32
      %dma_wait3A_193 = tpu.memref_slice %arg2[%dma_wait3A_190, %add3A, %dma_wait3A_191, %dma_wait3A_192] : memref<25x32x8x128xi32, #tpu.memory_space<hbm>> -> memref<25x1x8x128xi32, #tpu.memory_space<hbm>>
      %dma_wait3A_194 = tpu.memref_squeeze %dma_wait3A_193 : memref<25x1x8x128xi32, #tpu.memory_space<hbm>> -> memref<25x8x128xi32, #tpu.memory_space<hbm>>
      tpu.wait_dma2 semaphore(%run_scoped3A : memref<!tpu.dma_semaphore, #tpu.memory_space<semaphore_mem>>) src(%dma_wait3A_194 : memref<25x8x128xi32, #tpu.memory_space<hbm>>) dst(%arg6 : memref<25x8x128xi32, #tpu.memory_space<vmem>>)
      tpu.yield
    }) : () -> ()
    "tpu.region"() ({
      %run_scoped3A = tpu.sem_alloc : memref<!tpu.dma_semaphore, #tpu.memory_space<semaphore_mem>>
      tpu.enqueue_dma source(%arg4 : memref<200x64xf32, #tpu.memory_space<hbm>>) target(%arg7 : memref<200x64xf32, #tpu.memory_space<vmem>>) target_semaphore(%run_scoped3A : memref<!tpu.dma_semaphore, #tpu.memory_space<semaphore_mem>>)
      tpu.wait_dma2 semaphore(%run_scoped3A : memref<!tpu.dma_semaphore, #tpu.memory_space<semaphore_mem>>) src(%arg4 : memref<200x64xf32, #tpu.memory_space<hbm>>) dst(%arg7 : memref<200x64xf32, #tpu.memory_space<vmem>>)
      tpu.yield
    }) : () -> ()
    %iota3A = tpu.iota {dimensions = array<i32: 0>} : vector<16xi32>
    %mul3A_1 = arith.constant 17 : i32
    %mul3A_2 = vector.broadcast %mul3A_1 : i32 to vector<16xi32>
    %mul3A_3 = arith.muli %iota3A, %mul3A_2 : vector<16xi32>
    %dma_start3A = arith.constant 0 : i32
    %dma_start3A_4 = arith.constant 0 : i32
    %dma_start3A_5 = arith.constant 0 : i32
    %dma_start3A_6 = arith.constant 0 : i32
    %dma_start3A_7 = arith.constant 0 : i32
    %dma_start3A_8 = arith.constant 0 : i32
    %dma_start3A_9 = tpu.memref_slice %arg8[%dma_start3A_5, %dma_start3A_7, %dma_start3A_8] : memref<4x128x64xf32, #tpu.memory_space<vmem>> -> memref<1x128x64xf32, #tpu.memory_space<vmem>>
    %dma_start3A_10 = tpu.memref_squeeze %dma_start3A_9 : memref<1x128x64xf32, #tpu.memory_space<vmem>> -> memref<128x64xf32, #tpu.memory_space<vmem>>
    %dma_start3A_11 = arith.constant 0 : i32
    %dma_start3A_12 = tpu.memref_slice %arg6[%dma_start3A, %dma_start3A_4, %dma_start3A_11] : memref<25x8x128xi32, #tpu.memory_space<vmem>> -> memref<1x1x128xi32, #tpu.memory_space<vmem>>
    %dma_start3A_13 = tpu.memref_squeeze %dma_start3A_12 : memref<1x1x128xi32, #tpu.memory_space<vmem>> -> memref<128xi32, #tpu.memory_space<vmem>>
    %dma_start3A_14 = arith.constant 0 : i32
    %dma_start3A_15 = arith.constant 0 : i32
    %dma_start3A_16 = tpu.memref_slice %arg3[%dma_start3A_14, %dma_start3A_15] : memref<100000x64xf32, #tpu.memory_space<hbm>> -> memref<100000x64xf32, #tpu.memory_space<hbm>>
    %dma_start3A_17 = tpu.memref_slice %arg11[%dma_start3A_6] : memref<4x!tpu.dma_semaphore, #tpu.memory_space<semaphore_mem>> -> memref<1x!tpu.dma_semaphore, #tpu.memory_space<semaphore_mem>>
    %dma_start3A_18 = tpu.memref_squeeze %dma_start3A_17 : memref<1x!tpu.dma_semaphore, #tpu.memory_space<semaphore_mem>> -> memref<!tpu.dma_semaphore, #tpu.memory_space<semaphore_mem>>
    tpu.enqueue_indirect_dma source(%dma_start3A_16 : memref<100000x64xf32, #tpu.memory_space<hbm>>) target(%dma_start3A_10 : memref<128x64xf32, #tpu.memory_space<vmem>>) offsets(%dma_start3A_13 : memref<128xi32, #tpu.memory_space<vmem>>) semaphore(%dma_start3A_18 : memref<!tpu.dma_semaphore, #tpu.memory_space<semaphore_mem>>)
    %dma_start3A_19 = arith.constant 0 : i32
    %dma_start3A_20 = arith.constant 1 : i32
    %dma_start3A_21 = arith.constant 1 : i32
    %dma_start3A_22 = arith.constant 1 : i32
    %dma_start3A_23 = arith.constant 0 : i32
    %dma_start3A_24 = arith.constant 0 : i32
    %dma_start3A_25 = tpu.memref_slice %arg8[%dma_start3A_21, %dma_start3A_23, %dma_start3A_24] : memref<4x128x64xf32, #tpu.memory_space<vmem>> -> memref<1x128x64xf32, #tpu.memory_space<vmem>>
    %dma_start3A_26 = tpu.memref_squeeze %dma_start3A_25 : memref<1x128x64xf32, #tpu.memory_space<vmem>> -> memref<128x64xf32, #tpu.memory_space<vmem>>
    %dma_start3A_27 = arith.constant 0 : i32
    %dma_start3A_28 = tpu.memref_slice %arg6[%dma_start3A_19, %dma_start3A_20, %dma_start3A_27] : memref<25x8x128xi32, #tpu.memory_space<vmem>> -> memref<1x1x128xi32, #tpu.memory_space<vmem>>
    %dma_start3A_29 = tpu.memref_squeeze %dma_start3A_28 : memref<1x1x128xi32, #tpu.memory_space<vmem>> -> memref<128xi32, #tpu.memory_space<vmem>>
    %dma_start3A_30 = arith.constant 0 : i32
    %dma_start3A_31 = arith.constant 0 : i32
    %dma_start3A_32 = tpu.memref_slice %arg3[%dma_start3A_30, %dma_start3A_31] : memref<100000x64xf32, #tpu.memory_space<hbm>> -> memref<100000x64xf32, #tpu.memory_space<hbm>>
    %dma_start3A_33 = tpu.memref_slice %arg11[%dma_start3A_22] : memref<4x!tpu.dma_semaphore, #tpu.memory_space<semaphore_mem>> -> memref<1x!tpu.dma_semaphore, #tpu.memory_space<semaphore_mem>>
    %dma_start3A_34 = tpu.memref_squeeze %dma_start3A_33 : memref<1x!tpu.dma_semaphore, #tpu.memory_space<semaphore_mem>> -> memref<!tpu.dma_semaphore, #tpu.memory_space<semaphore_mem>>
    tpu.enqueue_indirect_dma source(%dma_start3A_32 : memref<100000x64xf32, #tpu.memory_space<hbm>>) target(%dma_start3A_26 : memref<128x64xf32, #tpu.memory_space<vmem>>) offsets(%dma_start3A_29 : memref<128xi32, #tpu.memory_space<vmem>>) semaphore(%dma_start3A_34 : memref<!tpu.dma_semaphore, #tpu.memory_space<semaphore_mem>>)
    %dma_start3A_35 = arith.constant 0 : i32
    %dma_start3A_36 = arith.constant 2 : i32
    %dma_start3A_37 = arith.constant 2 : i32
    %dma_start3A_38 = arith.constant 2 : i32
    %dma_start3A_39 = arith.constant 0 : i32
    %dma_start3A_40 = arith.constant 0 : i32
    %dma_start3A_41 = tpu.memref_slice %arg8[%dma_start3A_37, %dma_start3A_39, %dma_start3A_40] : memref<4x128x64xf32, #tpu.memory_space<vmem>> -> memref<1x128x64xf32, #tpu.memory_space<vmem>>
    %dma_start3A_42 = tpu.memref_squeeze %dma_start3A_41 : memref<1x128x64xf32, #tpu.memory_space<vmem>> -> memref<128x64xf32, #tpu.memory_space<vmem>>
    %dma_start3A_43 = arith.constant 0 : i32
    %dma_start3A_44 = tpu.memref_slice %arg6[%dma_start3A_35, %dma_start3A_36, %dma_start3A_43] : memref<25x8x128xi32, #tpu.memory_space<vmem>> -> memref<1x1x128xi32, #tpu.memory_space<vmem>>
    %dma_start3A_45 = tpu.memref_squeeze %dma_start3A_44 : memref<1x1x128xi32, #tpu.memory_space<vmem>> -> memref<128xi32, #tpu.memory_space<vmem>>
    %dma_start3A_46 = arith.constant 0 : i32
    %dma_start3A_47 = arith.constant 0 : i32
    %dma_start3A_48 = tpu.memref_slice %arg3[%dma_start3A_46, %dma_start3A_47] : memref<100000x64xf32, #tpu.memory_space<hbm>> -> memref<100000x64xf32, #tpu.memory_space<hbm>>
    %dma_start3A_49 = tpu.memref_slice %arg11[%dma_start3A_38] : memref<4x!tpu.dma_semaphore, #tpu.memory_space<semaphore_mem>> -> memref<1x!tpu.dma_semaphore, #tpu.memory_space<semaphore_mem>>
    %dma_start3A_50 = tpu.memref_squeeze %dma_start3A_49 : memref<1x!tpu.dma_semaphore, #tpu.memory_space<semaphore_mem>> -> memref<!tpu.dma_semaphore, #tpu.memory_space<semaphore_mem>>
    tpu.enqueue_indirect_dma source(%dma_start3A_48 : memref<100000x64xf32, #tpu.memory_space<hbm>>) target(%dma_start3A_42 : memref<128x64xf32, #tpu.memory_space<vmem>>) offsets(%dma_start3A_45 : memref<128xi32, #tpu.memory_space<vmem>>) semaphore(%dma_start3A_50 : memref<!tpu.dma_semaphore, #tpu.memory_space<semaphore_mem>>)
    %dma_start3A_51 = arith.constant 0 : i32
    %dma_start3A_52 = arith.constant 3 : i32
    %dma_start3A_53 = arith.constant 3 : i32
    %dma_start3A_54 = arith.constant 3 : i32
    %dma_start3A_55 = arith.constant 0 : i32
    %dma_start3A_56 = arith.constant 0 : i32
    %dma_start3A_57 = tpu.memref_slice %arg8[%dma_start3A_53, %dma_start3A_55, %dma_start3A_56] : memref<4x128x64xf32, #tpu.memory_space<vmem>> -> memref<1x128x64xf32, #tpu.memory_space<vmem>>
    %dma_start3A_58 = tpu.memref_squeeze %dma_start3A_57 : memref<1x128x64xf32, #tpu.memory_space<vmem>> -> memref<128x64xf32, #tpu.memory_space<vmem>>
    %dma_start3A_59 = arith.constant 0 : i32
    %dma_start3A_60 = tpu.memref_slice %arg6[%dma_start3A_51, %dma_start3A_52, %dma_start3A_59] : memref<25x8x128xi32, #tpu.memory_space<vmem>> -> memref<1x1x128xi32, #tpu.memory_space<vmem>>
    %dma_start3A_61 = tpu.memref_squeeze %dma_start3A_60 : memref<1x1x128xi32, #tpu.memory_space<vmem>> -> memref<128xi32, #tpu.memory_space<vmem>>
    %dma_start3A_62 = arith.constant 0 : i32
    %dma_start3A_63 = arith.constant 0 : i32
    %dma_start3A_64 = tpu.memref_slice %arg3[%dma_start3A_62, %dma_start3A_63] : memref<100000x64xf32, #tpu.memory_space<hbm>> -> memref<100000x64xf32, #tpu.memory_space<hbm>>
    %dma_start3A_65 = tpu.memref_slice %arg11[%dma_start3A_54] : memref<4x!tpu.dma_semaphore, #tpu.memory_space<semaphore_mem>> -> memref<1x!tpu.dma_semaphore, #tpu.memory_space<semaphore_mem>>
    %dma_start3A_66 = tpu.memref_squeeze %dma_start3A_65 : memref<1x!tpu.dma_semaphore, #tpu.memory_space<semaphore_mem>> -> memref<!tpu.dma_semaphore, #tpu.memory_space<semaphore_mem>>
    tpu.enqueue_indirect_dma source(%dma_start3A_64 : memref<100000x64xf32, #tpu.memory_space<hbm>>) target(%dma_start3A_58 : memref<128x64xf32, #tpu.memory_space<vmem>>) offsets(%dma_start3A_61 : memref<128xi32, #tpu.memory_space<vmem>>) semaphore(%dma_start3A_66 : memref<!tpu.dma_semaphore, #tpu.memory_space<semaphore_mem>>)
    %scan3A = arith.constant 0 : i32
    %scan3A_67 = arith.constant 0 : i32
    %scan3A_68 = arith.constant 50 : i32
    %scan3A_69 = arith.addi %scan3A_67, %scan3A_68 : i32
    %scan3A_70 = arith.constant 1 : i32
    scf.for %scan3A_175 = %scan3A_67 to %scan3A_69 step %scan3A_70  : i32 {
      %mul3A_176 = arith.constant 4 : i32
      %mul3A_177 = arith.muli %scan3A_175, %mul3A_176 : i32
      %add3A_178 = arith.constant 0 : i32
      %add3A_179 = arith.addi %mul3A_177, %add3A_178 : i32
      %add3A_180 = arith.constant 0 : i32
      %add3A_181 = arith.addi %add3A_179, %add3A_180 : i32
      %jit3A = arith.constant 8 : i32
      %div3A = arith.divsi %add3A_181, %jit3A : i32
      %sign3A = arith.constant 0 : i32
      %sign3A_182 = arith.cmpi sgt, %add3A_181, %sign3A : i32
      %sign3A_183 = arith.extui %sign3A_182 : i1 to i32
      %sign3A_184 = arith.constant 0 : i32
      %sign3A_185 = arith.cmpi slt, %add3A_181, %sign3A_184 : i32
      %sign3A_186 = arith.extui %sign3A_185 : i1 to i32
      %sign3A_187 = arith.subi %sign3A_183, %sign3A_186 : i32
      %sign3A_188 = arith.constant 0 : i32
      %sign3A_189 = arith.cmpi sgt, %jit3A, %sign3A_188 : i32
      %sign3A_190 = arith.extui %sign3A_189 : i1 to i32
      %sign3A_191 = arith.constant 0 : i32
      %sign3A_192 = arith.cmpi slt, %jit3A, %sign3A_191 : i32
      %sign3A_193 = arith.extui %sign3A_192 : i1 to i32
      %sign3A_194 = arith.subi %sign3A_190, %sign3A_193 : i32
      %ne3A = arith.cmpi ne, %sign3A_187, %sign3A_194 : i32
      %rem3A = arith.remsi %add3A_181, %jit3A : i32
      %ne3A_195 = arith.constant 0 : i32
      %ne3A_196 = arith.cmpi ne, %rem3A, %ne3A_195 : i32
      %and3A = arith.andi %ne3A, %ne3A_196 : i1
      %sub3A = arith.constant 1 : i32
      %sub3A_197 = arith.subi %div3A, %sub3A : i32
      %select_n3A = arith.select %and3A, %sub3A_197, %div3A : i32
      %add3A_198 = arith.constant 0 : i32
      %add3A_199 = arith.addi %add3A_179, %add3A_198 : i32
      %jit3A_200 = arith.constant 8 : i32
      %eq3A = arith.constant 0 : i32
      %eq3A_201 = arith.cmpi eq, %jit3A_200, %eq3A : i32
      %jit3A_202 = arith.constant 1 : i32
      %select_n3A_203 = arith.select %eq3A_201, %jit3A_202, %jit3A_200 : i32
      %rem3A_204 = arith.remsi %add3A_199, %select_n3A_203 : i32
      %ne3A_205 = arith.constant 0 : i32
      %ne3A_206 = arith.cmpi ne, %rem3A_204, %ne3A_205 : i32
      %lt3A = arith.constant 0 : i32
      %lt3A_207 = arith.cmpi slt, %rem3A_204, %lt3A : i32
      %lt3A_208 = arith.constant 0 : i32
      %lt3A_209 = arith.cmpi slt, %select_n3A_203, %lt3A_208 : i32
      %ne3A_210 = arith.xori %lt3A_207, %lt3A_209 : i1
      %and3A_211 = arith.andi %ne3A_210, %ne3A_206 : i1
      %add3A_212 = arith.addi %rem3A_204, %select_n3A_203 : i32
      %select_n3A_213 = arith.select %and3A_211, %add3A_212, %rem3A_204 : i32
      %dma_wait3A_214 = arith.constant 0 : i32
      %dma_wait3A_215 = arith.constant 0 : i32
      %dma_wait3A_216 = arith.constant 0 : i32
      %dma_wait3A_217 = arith.constant 0 : i32
      %dma_wait3A_218 = tpu.memref_slice %arg8[%dma_wait3A_214, %dma_wait3A_216, %dma_wait3A_217] : memref<4x128x64xf32, #tpu.memory_space<vmem>> -> memref<1x128x64xf32, #tpu.memory_space<vmem>>
      %dma_wait3A_219 = tpu.memref_squeeze %dma_wait3A_218 : memref<1x128x64xf32, #tpu.memory_space<vmem>> -> memref<128x64xf32, #tpu.memory_space<vmem>>
      %dma_wait3A_220 = arith.constant 0 : i32
      %dma_wait3A_221 = tpu.memref_slice %arg6[%select_n3A, %select_n3A_213, %dma_wait3A_220] : memref<25x8x128xi32, #tpu.memory_space<vmem>> -> memref<1x1x128xi32, #tpu.memory_space<vmem>>
      %dma_wait3A_222 = tpu.memref_squeeze %dma_wait3A_221 : memref<1x1x128xi32, #tpu.memory_space<vmem>> -> memref<128xi32, #tpu.memory_space<vmem>>
      %dma_wait3A_223 = arith.constant 0 : i32
      %dma_wait3A_224 = arith.constant 0 : i32
      %dma_wait3A_225 = tpu.memref_slice %arg3[%dma_wait3A_223, %dma_wait3A_224] : memref<100000x64xf32, #tpu.memory_space<hbm>> -> memref<100000x64xf32, #tpu.memory_space<hbm>>
      %dma_wait3A_226 = tpu.memref_slice %arg11[%dma_wait3A_215] : memref<4x!tpu.dma_semaphore, #tpu.memory_space<semaphore_mem>> -> memref<1x!tpu.dma_semaphore, #tpu.memory_space<semaphore_mem>>
      %dma_wait3A_227 = tpu.memref_squeeze %dma_wait3A_226 : memref<1x!tpu.dma_semaphore, #tpu.memory_space<semaphore_mem>> -> memref<!tpu.dma_semaphore, #tpu.memory_space<semaphore_mem>>
      tpu.wait_indirect_dma semaphore(%dma_wait3A_227 : memref<!tpu.dma_semaphore, #tpu.memory_space<semaphore_mem>>) src(%dma_wait3A_225 : memref<100000x64xf32, #tpu.memory_space<hbm>>) dst(%dma_wait3A_219 : memref<128x64xf32, #tpu.memory_space<vmem>>)
      %gt3A = arith.constant 0 : i32
      %gt3A_228 = arith.cmpi sgt, %scan3A_175, %gt3A : i32
      %convert_element_type3A = arith.extui %gt3A_228 : i1 to i32
      %cond3A = arith.constant 0 : i32
      %cond3A_229 = arith.cmpi ne, %convert_element_type3A, %cond3A : i32
      scf.if %cond3A_229 {
        %dma_wait3A_574 = arith.constant 0 : i32
        %dma_wait3A_575 = arith.constant 0 : i32
        %dma_wait3A_576 = arith.constant 0 : i32
        %dma_wait3A_577 = arith.constant 0 : i32
        %dma_wait3A_578 = arith.constant 0 : i32
        %dma_wait3A_579 = arith.constant 0 : i32
        %dma_wait3A_580 = arith.constant 0 : i32
        %dma_wait3A_581 = tpu.memref_slice %arg9[%dma_wait3A_574, %dma_wait3A_578, %dma_wait3A_579, %dma_wait3A_580] : memref<4x8x8x128xf32, #tpu.memory_space<vmem>> -> memref<1x8x8x128xf32, #tpu.memory_space<vmem>>
        %dma_wait3A_582 = tpu.memref_squeeze %dma_wait3A_581 : memref<1x8x8x128xf32, #tpu.memory_space<vmem>> -> memref<8x8x128xf32, #tpu.memory_space<vmem>>
        %dma_wait3A_583 = arith.constant 0 : i32
        %dma_wait3A_584 = arith.constant 0 : i32
        %dma_wait3A_585 = arith.constant 0 : i32
        %dma_wait3A_586 = tpu.memref_slice %arg5[%dma_wait3A_575, %dma_wait3A_583, %dma_wait3A_576, %dma_wait3A_584, %dma_wait3A_585] : memref<200x8x32x8x128xf32, #tpu.memory_space<hbm>> -> memref<1x8x1x8x128xf32, #tpu.memory_space<hbm>>
        %dma_wait3A_587 = tpu.memref_squeeze %dma_wait3A_586 : memref<1x8x1x8x128xf32, #tpu.memory_space<hbm>> -> memref<8x8x128xf32, #tpu.memory_space<hbm>>
        %dma_wait3A_588 = tpu.memref_slice %arg12[%dma_wait3A_577] : memref<4x!tpu.dma_semaphore, #tpu.memory_space<semaphore_mem>> -> memref<1x!tpu.dma_semaphore, #tpu.memory_space<semaphore_mem>>
        %dma_wait3A_589 = tpu.memref_squeeze %dma_wait3A_588 : memref<1x!tpu.dma_semaphore, #tpu.memory_space<semaphore_mem>> -> memref<!tpu.dma_semaphore, #tpu.memory_space<semaphore_mem>>
        %dma_wait3A_590 = arith.constant 0 : i32
        %dma_wait3A_591 = arith.constant 0 : i32
        %dma_wait3A_592 = arith.constant 0 : i32
        %dma_wait3A_593 = tpu.memref_slice %arg5[%dma_wait3A_575, %dma_wait3A_590, %dma_wait3A_576, %dma_wait3A_591, %dma_wait3A_592] : memref<200x8x32x8x128xf32, #tpu.memory_space<hbm>> -> memref<1x8x1x8x128xf32, #tpu.memory_space<hbm>>
        %dma_wait3A_594 = tpu.memref_squeeze %dma_wait3A_593 : memref<1x8x1x8x128xf32, #tpu.memory_space<hbm>> -> memref<8x8x128xf32, #tpu.memory_space<hbm>>
        %dma_wait3A_595 = arith.constant 0 : i32
        %dma_wait3A_596 = arith.constant 0 : i32
        %dma_wait3A_597 = arith.constant 0 : i32
        %dma_wait3A_598 = tpu.memref_slice %arg9[%dma_wait3A_574, %dma_wait3A_595, %dma_wait3A_596, %dma_wait3A_597] : memref<4x8x8x128xf32, #tpu.memory_space<vmem>> -> memref<1x8x8x128xf32, #tpu.memory_space<vmem>>
        %dma_wait3A_599 = tpu.memref_squeeze %dma_wait3A_598 : memref<1x8x8x128xf32, #tpu.memory_space<vmem>> -> memref<8x8x128xf32, #tpu.memory_space<vmem>>
        tpu.wait_dma2 semaphore(%dma_wait3A_589 : memref<!tpu.dma_semaphore, #tpu.memory_space<semaphore_mem>>) src(%dma_wait3A_599 : memref<8x8x128xf32, #tpu.memory_space<vmem>>) dst(%dma_wait3A_594 : memref<8x8x128xf32, #tpu.memory_space<hbm>>)
      } else {
      }
      %add3A_230 = arith.constant 1 : i32
      %add3A_231 = arith.addi %add3A_179, %add3A_230 : i32
      %jit3A_232 = arith.constant 8 : i32
      %div3A_233 = arith.divsi %add3A_231, %jit3A_232 : i32
      %sign3A_234 = arith.constant 0 : i32
      %sign3A_235 = arith.cmpi sgt, %add3A_231, %sign3A_234 : i32
      %sign3A_236 = arith.extui %sign3A_235 : i1 to i32
      %sign3A_237 = arith.constant 0 : i32
      %sign3A_238 = arith.cmpi slt, %add3A_231, %sign3A_237 : i32
      %sign3A_239 = arith.extui %sign3A_238 : i1 to i32
      %sign3A_240 = arith.subi %sign3A_236, %sign3A_239 : i32
      %sign3A_241 = arith.constant 0 : i32
      %sign3A_242 = arith.cmpi sgt, %jit3A_232, %sign3A_241 : i32
      %sign3A_243 = arith.extui %sign3A_242 : i1 to i32
      %sign3A_244 = arith.constant 0 : i32
      %sign3A_245 = arith.cmpi slt, %jit3A_232, %sign3A_244 : i32
      %sign3A_246 = arith.extui %sign3A_245 : i1 to i32
      %sign3A_247 = arith.subi %sign3A_243, %sign3A_246 : i32
      %ne3A_248 = arith.cmpi ne, %sign3A_240, %sign3A_247 : i32
      %rem3A_249 = arith.remsi %add3A_231, %jit3A_232 : i32
      %ne3A_250 = arith.constant 0 : i32
      %ne3A_251 = arith.cmpi ne, %rem3A_249, %ne3A_250 : i32
      %and3A_252 = arith.andi %ne3A_248, %ne3A_251 : i1
      %sub3A_253 = arith.constant 1 : i32
      %sub3A_254 = arith.subi %div3A_233, %sub3A_253 : i32
      %select_n3A_255 = arith.select %and3A_252, %sub3A_254, %div3A_233 : i32
      %add3A_256 = arith.constant 1 : i32
      %add3A_257 = arith.addi %add3A_179, %add3A_256 : i32
      %jit3A_258 = arith.constant 8 : i32
      %eq3A_259 = arith.constant 0 : i32
      %eq3A_260 = arith.cmpi eq, %jit3A_258, %eq3A_259 : i32
      %jit3A_261 = arith.constant 1 : i32
      %select_n3A_262 = arith.select %eq3A_260, %jit3A_261, %jit3A_258 : i32
      %rem3A_263 = arith.remsi %add3A_257, %select_n3A_262 : i32
      %ne3A_264 = arith.constant 0 : i32
      %ne3A_265 = arith.cmpi ne, %rem3A_263, %ne3A_264 : i32
      %lt3A_266 = arith.constant 0 : i32
      %lt3A_267 = arith.cmpi slt, %rem3A_263, %lt3A_266 : i32
      %lt3A_268 = arith.constant 0 : i32
      %lt3A_269 = arith.cmpi slt, %select_n3A_262, %lt3A_268 : i32
      %ne3A_270 = arith.xori %lt3A_267, %lt3A_269 : i1
      %and3A_271 = arith.andi %ne3A_270, %ne3A_265 : i1
      %add3A_272 = arith.addi %rem3A_263, %select_n3A_262 : i32
      %select_n3A_273 = arith.select %and3A_271, %add3A_272, %rem3A_263 : i32
      %dma_wait3A_274 = arith.constant 1 : i32
      %dma_wait3A_275 = arith.constant 1 : i32
      %dma_wait3A_276 = arith.constant 0 : i32
      %dma_wait3A_277 = arith.constant 0 : i32
      %dma_wait3A_278 = tpu.memref_slice %arg8[%dma_wait3A_274, %dma_wait3A_276, %dma_wait3A_277] : memref<4x128x64xf32, #tpu.memory_space<vmem>> -> memref<1x128x64xf32, #tpu.memory_space<vmem>>
      %dma_wait3A_279 = tpu.memref_squeeze %dma_wait3A_278 : memref<1x128x64xf32, #tpu.memory_space<vmem>> -> memref<128x64xf32, #tpu.memory_space<vmem>>
      %dma_wait3A_280 = arith.constant 0 : i32
      %dma_wait3A_281 = tpu.memref_slice %arg6[%select_n3A_255, %select_n3A_273, %dma_wait3A_280] : memref<25x8x128xi32, #tpu.memory_space<vmem>> -> memref<1x1x128xi32, #tpu.memory_space<vmem>>
      %dma_wait3A_282 = tpu.memref_squeeze %dma_wait3A_281 : memref<1x1x128xi32, #tpu.memory_space<vmem>> -> memref<128xi32, #tpu.memory_space<vmem>>
      %dma_wait3A_283 = arith.constant 0 : i32
      %dma_wait3A_284 = arith.constant 0 : i32
      %dma_wait3A_285 = tpu.memref_slice %arg3[%dma_wait3A_283, %dma_wait3A_284] : memref<100000x64xf32, #tpu.memory_space<hbm>> -> memref<100000x64xf32, #tpu.memory_space<hbm>>
      %dma_wait3A_286 = tpu.memref_slice %arg11[%dma_wait3A_275] : memref<4x!tpu.dma_semaphore, #tpu.memory_space<semaphore_mem>> -> memref<1x!tpu.dma_semaphore, #tpu.memory_space<semaphore_mem>>
      %dma_wait3A_287 = tpu.memref_squeeze %dma_wait3A_286 : memref<1x!tpu.dma_semaphore, #tpu.memory_space<semaphore_mem>> -> memref<!tpu.dma_semaphore, #tpu.memory_space<semaphore_mem>>
      tpu.wait_indirect_dma semaphore(%dma_wait3A_287 : memref<!tpu.dma_semaphore, #tpu.memory_space<semaphore_mem>>) src(%dma_wait3A_285 : memref<100000x64xf32, #tpu.memory_space<hbm>>) dst(%dma_wait3A_279 : memref<128x64xf32, #tpu.memory_space<vmem>>)
      %gt3A_288 = arith.constant 0 : i32
      %gt3A_289 = arith.cmpi sgt, %scan3A_175, %gt3A_288 : i32
      %convert_element_type3A_290 = arith.extui %gt3A_289 : i1 to i32
      %cond3A_291 = arith.constant 0 : i32
      %cond3A_292 = arith.cmpi ne, %convert_element_type3A_290, %cond3A_291 : i32
      scf.if %cond3A_292 {
        %dma_wait3A_574 = arith.constant 1 : i32
        %dma_wait3A_575 = arith.constant 0 : i32
        %dma_wait3A_576 = arith.constant 0 : i32
        %dma_wait3A_577 = arith.constant 1 : i32
        %dma_wait3A_578 = arith.constant 0 : i32
        %dma_wait3A_579 = arith.constant 0 : i32
        %dma_wait3A_580 = arith.constant 0 : i32
        %dma_wait3A_581 = tpu.memref_slice %arg9[%dma_wait3A_574, %dma_wait3A_578, %dma_wait3A_579, %dma_wait3A_580] : memref<4x8x8x128xf32, #tpu.memory_space<vmem>> -> memref<1x8x8x128xf32, #tpu.memory_space<vmem>>
        %dma_wait3A_582 = tpu.memref_squeeze %dma_wait3A_581 : memref<1x8x8x128xf32, #tpu.memory_space<vmem>> -> memref<8x8x128xf32, #tpu.memory_space<vmem>>
        %dma_wait3A_583 = arith.constant 0 : i32
        %dma_wait3A_584 = arith.constant 0 : i32
        %dma_wait3A_585 = arith.constant 0 : i32
        %dma_wait3A_586 = tpu.memref_slice %arg5[%dma_wait3A_575, %dma_wait3A_583, %dma_wait3A_576, %dma_wait3A_584, %dma_wait3A_585] : memref<200x8x32x8x128xf32, #tpu.memory_space<hbm>> -> memref<1x8x1x8x128xf32, #tpu.memory_space<hbm>>
        %dma_wait3A_587 = tpu.memref_squeeze %dma_wait3A_586 : memref<1x8x1x8x128xf32, #tpu.memory_space<hbm>> -> memref<8x8x128xf32, #tpu.memory_space<hbm>>
        %dma_wait3A_588 = tpu.memref_slice %arg12[%dma_wait3A_577] : memref<4x!tpu.dma_semaphore, #tpu.memory_space<semaphore_mem>> -> memref<1x!tpu.dma_semaphore, #tpu.memory_space<semaphore_mem>>
        %dma_wait3A_589 = tpu.memref_squeeze %dma_wait3A_588 : memref<1x!tpu.dma_semaphore, #tpu.memory_space<semaphore_mem>> -> memref<!tpu.dma_semaphore, #tpu.memory_space<semaphore_mem>>
        %dma_wait3A_590 = arith.constant 0 : i32
        %dma_wait3A_591 = arith.constant 0 : i32
        %dma_wait3A_592 = arith.constant 0 : i32
        %dma_wait3A_593 = tpu.memref_slice %arg5[%dma_wait3A_575, %dma_wait3A_590, %dma_wait3A_576, %dma_wait3A_591, %dma_wait3A_592] : memref<200x8x32x8x128xf32, #tpu.memory_space<hbm>> -> memref<1x8x1x8x128xf32, #tpu.memory_space<hbm>>
        %dma_wait3A_594 = tpu.memref_squeeze %dma_wait3A_593 : memref<1x8x1x8x128xf32, #tpu.memory_space<hbm>> -> memref<8x8x128xf32, #tpu.memory_space<hbm>>
        %dma_wait3A_595 = arith.constant 0 : i32
        %dma_wait3A_596 = arith.constant 0 : i32
        %dma_wait3A_597 = arith.constant 0 : i32
        %dma_wait3A_598 = tpu.memref_slice %arg9[%dma_wait3A_574, %dma_wait3A_595, %dma_wait3A_596, %dma_wait3A_597] : memref<4x8x8x128xf32, #tpu.memory_space<vmem>> -> memref<1x8x8x128xf32, #tpu.memory_space<vmem>>
        %dma_wait3A_599 = tpu.memref_squeeze %dma_wait3A_598 : memref<1x8x8x128xf32, #tpu.memory_space<vmem>> -> memref<8x8x128xf32, #tpu.memory_space<vmem>>
        tpu.wait_dma2 semaphore(%dma_wait3A_589 : memref<!tpu.dma_semaphore, #tpu.memory_space<semaphore_mem>>) src(%dma_wait3A_599 : memref<8x8x128xf32, #tpu.memory_space<vmem>>) dst(%dma_wait3A_594 : memref<8x8x128xf32, #tpu.memory_space<hbm>>)
      } else {
      }
      %parallel_loop3A = arith.constant 0 : i32
      %parallel_loop3A_293 = arith.constant 64 : i32
      %parallel_loop3A_294 = arith.constant 1 : i32
      scf.for %parallel_loop3A_574 = %parallel_loop3A to %parallel_loop3A_293 step %parallel_loop3A_294  : i32 {
        %parallel_loop3A_575 = arith.constant 32 : i32
        %parallel_loop3A_576 = arith.divsi %parallel_loop3A_574, %parallel_loop3A_575 : i32
        %parallel_loop3A_577 = arith.constant 0 : i32
        %parallel_loop3A_578 = arith.cmpi sgt, %parallel_loop3A_574, %parallel_loop3A_577 : i32
        %parallel_loop3A_579 = arith.extui %parallel_loop3A_578 : i1 to i32
        %parallel_loop3A_580 = arith.constant 0 : i32
        %parallel_loop3A_581 = arith.cmpi slt, %parallel_loop3A_574, %parallel_loop3A_580 : i32
        %parallel_loop3A_582 = arith.extui %parallel_loop3A_581 : i1 to i32
        %parallel_loop3A_583 = arith.subi %parallel_loop3A_579, %parallel_loop3A_582 : i32
        %parallel_loop3A_584 = arith.constant 0 : i32
        %parallel_loop3A_585 = arith.cmpi sgt, %parallel_loop3A_575, %parallel_loop3A_584 : i32
        %parallel_loop3A_586 = arith.extui %parallel_loop3A_585 : i1 to i32
        %parallel_loop3A_587 = arith.constant 0 : i32
        %parallel_loop3A_588 = arith.cmpi slt, %parallel_loop3A_575, %parallel_loop3A_587 : i32
        %parallel_loop3A_589 = arith.extui %parallel_loop3A_588 : i1 to i32
        %parallel_loop3A_590 = arith.subi %parallel_loop3A_586, %parallel_loop3A_589 : i32
        %parallel_loop3A_591 = arith.cmpi ne, %parallel_loop3A_583, %parallel_loop3A_590 : i32
        %parallel_loop3A_592 = arith.remsi %parallel_loop3A_574, %parallel_loop3A_575 : i32
        %parallel_loop3A_593 = arith.constant 0 : i32
        %parallel_loop3A_594 = arith.cmpi ne, %parallel_loop3A_592, %parallel_loop3A_593 : i32
        %parallel_loop3A_595 = arith.andi %parallel_loop3A_591, %parallel_loop3A_594 : i1
        %parallel_loop3A_596 = arith.constant 1 : i32
        %parallel_loop3A_597 = arith.subi %parallel_loop3A_576, %parallel_loop3A_596 : i32
        %parallel_loop3A_598 = arith.select %parallel_loop3A_595, %parallel_loop3A_597, %parallel_loop3A_576 : i32
        %parallel_loop3A_599 = arith.constant 32 : i32
        %parallel_loop3A_600 = arith.constant 0 : i32
        %parallel_loop3A_601 = arith.cmpi eq, %parallel_loop3A_599, %parallel_loop3A_600 : i32
        %parallel_loop3A_602 = arith.constant 1 : i32
        %parallel_loop3A_603 = arith.select %parallel_loop3A_601, %parallel_loop3A_602, %parallel_loop3A_599 : i32
        %parallel_loop3A_604 = arith.remsi %parallel_loop3A_574, %parallel_loop3A_603 : i32
        %parallel_loop3A_605 = arith.constant 0 : i32
        %parallel_loop3A_606 = arith.cmpi ne, %parallel_loop3A_604, %parallel_loop3A_605 : i32
        %parallel_loop3A_607 = arith.constant 0 : i32
        %parallel_loop3A_608 = arith.cmpi slt, %parallel_loop3A_604, %parallel_loop3A_607 : i32
        %parallel_loop3A_609 = arith.constant 0 : i32
        %parallel_loop3A_610 = arith.cmpi slt, %parallel_loop3A_603, %parallel_loop3A_609 : i32
        %parallel_loop3A_611 = arith.xori %parallel_loop3A_608, %parallel_loop3A_610 : i1
        %parallel_loop3A_612 = arith.andi %parallel_loop3A_611, %parallel_loop3A_606 : i1
        %parallel_loop3A_613 = arith.addi %parallel_loop3A_604, %parallel_loop3A_603 : i32
        %parallel_loop3A_614 = arith.select %parallel_loop3A_612, %parallel_loop3A_613, %parallel_loop3A_604 : i32
        %parallel_loop3A_615 = arith.constant 4 : i32
        %parallel_loop3A_616 = arith.divsi %parallel_loop3A_614, %parallel_loop3A_615 : i32
        %parallel_loop3A_617 = arith.constant 0 : i32
        %parallel_loop3A_618 = arith.cmpi sgt, %parallel_loop3A_614, %parallel_loop3A_617 : i32
        %parallel_loop3A_619 = arith.extui %parallel_loop3A_618 : i1 to i32
        %parallel_loop3A_620 = arith.constant 0 : i32
        %parallel_loop3A_621 = arith.cmpi slt, %parallel_loop3A_614, %parallel_loop3A_620 : i32
        %parallel_loop3A_622 = arith.extui %parallel_loop3A_621 : i1 to i32
        %parallel_loop3A_623 = arith.subi %parallel_loop3A_619, %parallel_loop3A_622 : i32
        %parallel_loop3A_624 = arith.constant 0 : i32
        %parallel_loop3A_625 = arith.cmpi sgt, %parallel_loop3A_615, %parallel_loop3A_624 : i32
        %parallel_loop3A_626 = arith.extui %parallel_loop3A_625 : i1 to i32
        %parallel_loop3A_627 = arith.constant 0 : i32
        %parallel_loop3A_628 = arith.cmpi slt, %parallel_loop3A_615, %parallel_loop3A_627 : i32
        %parallel_loop3A_629 = arith.extui %parallel_loop3A_628 : i1 to i32
        %parallel_loop3A_630 = arith.subi %parallel_loop3A_626, %parallel_loop3A_629 : i32
        %parallel_loop3A_631 = arith.cmpi ne, %parallel_loop3A_623, %parallel_loop3A_630 : i32
        %parallel_loop3A_632 = arith.remsi %parallel_loop3A_614, %parallel_loop3A_615 : i32
        %parallel_loop3A_633 = arith.constant 0 : i32
        %parallel_loop3A_634 = arith.cmpi ne, %parallel_loop3A_632, %parallel_loop3A_633 : i32
        %parallel_loop3A_635 = arith.andi %parallel_loop3A_631, %parallel_loop3A_634 : i1
        %parallel_loop3A_636 = arith.constant 1 : i32
        %parallel_loop3A_637 = arith.subi %parallel_loop3A_616, %parallel_loop3A_636 : i32
        %parallel_loop3A_638 = arith.select %parallel_loop3A_635, %parallel_loop3A_637, %parallel_loop3A_616 : i32
        %parallel_loop3A_639 = arith.constant 4 : i32
        %parallel_loop3A_640 = arith.constant 0 : i32
        %parallel_loop3A_641 = arith.cmpi eq, %parallel_loop3A_639, %parallel_loop3A_640 : i32
        %parallel_loop3A_642 = arith.constant 1 : i32
        %parallel_loop3A_643 = arith.select %parallel_loop3A_641, %parallel_loop3A_642, %parallel_loop3A_639 : i32
        %parallel_loop3A_644 = arith.remsi %parallel_loop3A_614, %parallel_loop3A_643 : i32
        %parallel_loop3A_645 = arith.constant 0 : i32
        %parallel_loop3A_646 = arith.cmpi ne, %parallel_loop3A_644, %parallel_loop3A_645 : i32
        %parallel_loop3A_647 = arith.constant 0 : i32
        %parallel_loop3A_648 = arith.cmpi slt, %parallel_loop3A_644, %parallel_loop3A_647 : i32
        %parallel_loop3A_649 = arith.constant 0 : i32
        %parallel_loop3A_650 = arith.cmpi slt, %parallel_loop3A_643, %parallel_loop3A_649 : i32
        %parallel_loop3A_651 = arith.xori %parallel_loop3A_648, %parallel_loop3A_650 : i1
        %parallel_loop3A_652 = arith.andi %parallel_loop3A_651, %parallel_loop3A_646 : i1
        %parallel_loop3A_653 = arith.addi %parallel_loop3A_644, %parallel_loop3A_643 : i32
        %parallel_loop3A_654 = arith.select %parallel_loop3A_652, %parallel_loop3A_653, %parallel_loop3A_644 : i32
        %parallel_loop3A_655 = arith.constant 16 : i32
        %parallel_loop3A_656 = arith.muli %parallel_loop3A_638, %parallel_loop3A_655 : i32
        %parallel_loop3A_657 = arith.constant 16 : i32
        %parallel_loop3A_658 = arith.muli %parallel_loop3A_654, %parallel_loop3A_657 : i32
        %parallel_loop3A_659 = arith.addi %add3A_179, %parallel_loop3A_598 : i32
        %parallel_loop3A_660 = arith.index_cast %parallel_loop3A_659 : i32 to index
        %parallel_loop3A_661 = arith.index_cast %parallel_loop3A_658 : i32 to index
        %parallel_loop3A_662 = tpu.vector_load %arg7[%parallel_loop3A_660, %parallel_loop3A_661] {strides = array<i32>} : memref<200x64xf32, #tpu.memory_space<vmem>>, vector<16xf32>,
        %parallel_loop3A_663 = arith.constant 0 : i32
        %parallel_loop3A_664 = arith.addi %parallel_loop3A_663, %parallel_loop3A_598 : i32
        %parallel_loop3A_665 = arith.constant 0 : i32
        %parallel_loop3A_666 = arith.addi %parallel_loop3A_656, %parallel_loop3A_665 : i32
        %parallel_loop3A_667 = arith.index_cast %parallel_loop3A_664 : i32 to index
        %parallel_loop3A_668 = arith.index_cast %parallel_loop3A_666 : i32 to index
        %parallel_loop3A_669 = arith.index_cast %parallel_loop3A_658 : i32 to index
        %parallel_loop3A_670 = tpu.vector_load %arg8[%parallel_loop3A_667, %parallel_loop3A_668, %parallel_loop3A_669] {strides = array<i32>} : memref<4x128x64xf32, #tpu.memory_space<vmem>>, vector<16xf32>,
        %parallel_loop3A_671 = arith.constant 8.000000e+00 : f32
        %parallel_loop3A_672 = vector.broadcast %parallel_loop3A_671 : f32 to vector<16xf32>
        %parallel_loop3A_673 = arith.mulf %parallel_loop3A_670, %parallel_loop3A_672 : vector<16xf32>
        %parallel_loop3A_674 = arith.addf %parallel_loop3A_673, %parallel_loop3A_662 : vector<16xf32>
        %parallel_loop3A_675 = arith.constant 0 : i32
        %parallel_loop3A_676 = tpu.memref_slice %arg10[%parallel_loop3A_574, %parallel_loop3A_675] : memref<64x272xf32, #tpu.memory_space<vmem>> -> memref<1x272xf32, #tpu.memory_space<vmem>>
        %parallel_loop3A_677 = tpu.memref_squeeze %parallel_loop3A_676 : memref<1x272xf32, #tpu.memory_space<vmem>> -> memref<272xf32, #tpu.memory_space<vmem>>
        %parallel_loop3A_678 = arith.constant 0 : index
        %parallel_loop3A_679 = tpu.vector_load %parallel_loop3A_677[%parallel_loop3A_678] {strides = array<i32>} : memref<272xf32, #tpu.memory_space<vmem>>, vector<16xf32>,
        tpu.vector_store %parallel_loop3A_677[%parallel_loop3A_678], %parallel_loop3A_674 {strides = array<i32>} : memref<272xf32, #tpu.memory_space<vmem>>, vector<16xf32>,
        %parallel_loop3A_680 = arith.constant 0 : i32
        %parallel_loop3A_681 = arith.addi %parallel_loop3A_680, %parallel_loop3A_598 : i32
        %parallel_loop3A_682 = arith.constant 1 : i32
        %parallel_loop3A_683 = arith.addi %parallel_loop3A_656, %parallel_loop3A_682 : i32
        %parallel_loop3A_684 = arith.index_cast %parallel_loop3A_681 : i32 to index
        %parallel_loop3A_685 = arith.index_cast %parallel_loop3A_683 : i32 to index
        %parallel_loop3A_686 = arith.index_cast %parallel_loop3A_658 : i32 to index
        %parallel_loop3A_687 = tpu.vector_load %arg8[%parallel_loop3A_684, %parallel_loop3A_685, %parallel_loop3A_686] {strides = array<i32>} : memref<4x128x64xf32, #tpu.memory_space<vmem>>, vector<16xf32>,
        %parallel_loop3A_688 = arith.constant 8.000000e+00 : f32
        %parallel_loop3A_689 = vector.broadcast %parallel_loop3A_688 : f32 to vector<16xf32>
        %parallel_loop3A_690 = arith.mulf %parallel_loop3A_687, %parallel_loop3A_689 : vector<16xf32>
        %parallel_loop3A_691 = arith.addf %parallel_loop3A_690, %parallel_loop3A_662 : vector<16xf32>
        %parallel_loop3A_692 = arith.constant 0 : i32
        %parallel_loop3A_693 = tpu.memref_slice %arg10[%parallel_loop3A_574, %parallel_loop3A_692] : memref<64x272xf32, #tpu.memory_space<vmem>> -> memref<1x272xf32, #tpu.memory_space<vmem>>
        %parallel_loop3A_694 = tpu.memref_squeeze %parallel_loop3A_693 : memref<1x272xf32, #tpu.memory_space<vmem>> -> memref<272xf32, #tpu.memory_space<vmem>>
        %parallel_loop3A_695 = arith.constant 17 : index
        %parallel_loop3A_696 = tpu.vector_load %parallel_loop3A_694[%parallel_loop3A_695] {strides = array<i32>} : memref<272xf32, #tpu.memory_space<vmem>>, vector<16xf32>,
        tpu.vector_store %parallel_loop3A_694[%parallel_loop3A_695], %parallel_loop3A_691 {strides = array<i32>} : memref<272xf32, #tpu.memory_space<vmem>>, vector<16xf32>,
        %parallel_loop3A_697 = arith.constant 0 : i32
        %parallel_loop3A_698 = arith.addi %parallel_loop3A_697, %parallel_loop3A_598 : i32
        %parallel_loop3A_699 = arith.constant 2 : i32
        %parallel_loop3A_700 = arith.addi %parallel_loop3A_656, %parallel_loop3A_699 : i32
        %parallel_loop3A_701 = arith.index_cast %parallel_loop3A_698 : i32 to index
        %parallel_loop3A_702 = arith.index_cast %parallel_loop3A_700 : i32 to index
        %parallel_loop3A_703 = arith.index_cast %parallel_loop3A_658 : i32 to index
        %parallel_loop3A_704 = tpu.vector_load %arg8[%parallel_loop3A_701, %parallel_loop3A_702, %parallel_loop3A_703] {strides = array<i32>} : memref<4x128x64xf32, #tpu.memory_space<vmem>>, vector<16xf32>,
        %parallel_loop3A_705 = arith.constant 8.000000e+00 : f32
        %parallel_loop3A_706 = vector.broadcast %parallel_loop3A_705 : f32 to vector<16xf32>
        %parallel_loop3A_707 = arith.mulf %parallel_loop3A_704, %parallel_loop3A_706 : vector<16xf32>
        %parallel_loop3A_708 = arith.addf %parallel_loop3A_707, %parallel_loop3A_662 : vector<16xf32>
        %parallel_loop3A_709 = arith.constant 0 : i32
        %parallel_loop3A_710 = tpu.memref_slice %arg10[%parallel_loop3A_574, %parallel_loop3A_709] : memref<64x272xf32, #tpu.memory_space<vmem>> -> memref<1x272xf32, #tpu.memory_space<vmem>>
        %parallel_loop3A_711 = tpu.memref_squeeze %parallel_loop3A_710 : memref<1x272xf32, #tpu.memory_space<vmem>> -> memref<272xf32, #tpu.memory_space<vmem>>
        %parallel_loop3A_712 = arith.constant 34 : index
        %parallel_loop3A_713 = tpu.vector_load %parallel_loop3A_711[%parallel_loop3A_712] {strides = array<i32>} : memref<272xf32, #tpu.memory_space<vmem>>, vector<16xf32>,
        tpu.vector_store %parallel_loop3A_711[%parallel_loop3A_712], %parallel_loop3A_708 {strides = array<i32>} : memref<272xf32, #tpu.memory_space<vmem>>, vector<16xf32>,
        %parallel_loop3A_714 = arith.constant 0 : i32
        %parallel_loop3A_715 = arith.addi %parallel_loop3A_714, %parallel_loop3A_598 : i32
        %parallel_loop3A_716 = arith.constant 3 : i32
        %parallel_loop3A_717 = arith.addi %parallel_loop3A_656, %parallel_loop3A_716 : i32
        %parallel_loop3A_718 = arith.index_cast %parallel_loop3A_715 : i32 to index
        %parallel_loop3A_719 = arith.index_cast %parallel_loop3A_717 : i32 to index
        %parallel_loop3A_720 = arith.index_cast %parallel_loop3A_658 : i32 to index
        %parallel_loop3A_721 = tpu.vector_load %arg8[%parallel_loop3A_718, %parallel_loop3A_719, %parallel_loop3A_720] {strides = array<i32>} : memref<4x128x64xf32, #tpu.memory_space<vmem>>, vector<16xf32>,
        %parallel_loop3A_722 = arith.constant 8.000000e+00 : f32
        %parallel_loop3A_723 = vector.broadcast %parallel_loop3A_722 : f32 to vector<16xf32>
        %parallel_loop3A_724 = arith.mulf %parallel_loop3A_721, %parallel_loop3A_723 : vector<16xf32>
        %parallel_loop3A_725 = arith.addf %parallel_loop3A_724, %parallel_loop3A_662 : vector<16xf32>
        %parallel_loop3A_726 = arith.constant 0 : i32
        %parallel_loop3A_727 = tpu.memref_slice %arg10[%parallel_loop3A_574, %parallel_loop3A_726] : memref<64x272xf32, #tpu.memory_space<vmem>> -> memref<1x272xf32, #tpu.memory_space<vmem>>
        %parallel_loop3A_728 = tpu.memref_squeeze %parallel_loop3A_727 : memref<1x272xf32, #tpu.memory_space<vmem>> -> memref<272xf32, #tpu.memory_space<vmem>>
        %parallel_loop3A_729 = arith.constant 51 : index
        %parallel_loop3A_730 = tpu.vector_load %parallel_loop3A_728[%parallel_loop3A_729] {strides = array<i32>} : memref<272xf32, #tpu.memory_space<vmem>>, vector<16xf32>,
        tpu.vector_store %parallel_loop3A_728[%parallel_loop3A_729], %parallel_loop3A_725 {strides = array<i32>} : memref<272xf32, #tpu.memory_space<vmem>>, vector<16xf32>,
        %parallel_loop3A_731 = arith.constant 0 : i32
        %parallel_loop3A_732 = arith.addi %parallel_loop3A_731, %parallel_loop3A_598 : i32
        %parallel_loop3A_733 = arith.constant 4 : i32
        %parallel_loop3A_734 = arith.addi %parallel_loop3A_656, %parallel_loop3A_733 : i32
        %parallel_loop3A_735 = arith.index_cast %parallel_loop3A_732 : i32 to index
        %parallel_loop3A_736 = arith.index_cast %parallel_loop3A_734 : i32 to index
        %parallel_loop3A_737 = arith.index_cast %parallel_loop3A_658 : i32 to index
        %parallel_loop3A_738 = tpu.vector_load %arg8[%parallel_loop3A_735, %parallel_loop3A_736, %parallel_loop3A_737] {strides = array<i32>} : memref<4x128x64xf32, #tpu.memory_space<vmem>>, vector<16xf32>,
        %parallel_loop3A_739 = arith.constant 8.000000e+00 : f32
        %parallel_loop3A_740 = vector.broadcast %parallel_loop3A_739 : f32 to vector<16xf32>
        %parallel_loop3A_741 = arith.mulf %parallel_loop3A_738, %parallel_loop3A_740 : vector<16xf32>
        %parallel_loop3A_742 = arith.addf %parallel_loop3A_741, %parallel_loop3A_662 : vector<16xf32>
        %parallel_loop3A_743 = arith.constant 0 : i32
        %parallel_loop3A_744 = tpu.memref_slice %arg10[%parallel_loop3A_574, %parallel_loop3A_743] : memref<64x272xf32, #tpu.memory_space<vmem>> -> memref<1x272xf32, #tpu.memory_space<vmem>>
        %parallel_loop3A_745 = tpu.memref_squeeze %parallel_loop3A_744 : memref<1x272xf32, #tpu.memory_space<vmem>> -> memref<272xf32, #tpu.memory_space<vmem>>
        %parallel_loop3A_746 = arith.constant 68 : index
        %parallel_loop3A_747 = tpu.vector_load %parallel_loop3A_745[%parallel_loop3A_746] {strides = array<i32>} : memref<272xf32, #tpu.memory_space<vmem>>, vector<16xf32>,
        tpu.vector_store %parallel_loop3A_745[%parallel_loop3A_746], %parallel_loop3A_742 {strides = array<i32>} : memref<272xf32, #tpu.memory_space<vmem>>, vector<16xf32>,
        %parallel_loop3A_748 = arith.constant 0 : i32
        %parallel_loop3A_749 = arith.addi %parallel_loop3A_748, %parallel_loop3A_598 : i32
        %parallel_loop3A_750 = arith.constant 5 : i32
        %parallel_loop3A_751 = arith.addi %parallel_loop3A_656, %parallel_loop3A_750 : i32
        %parallel_loop3A_752 = arith.index_cast %parallel_loop3A_749 : i32 to index
        %parallel_loop3A_753 = arith.index_cast %parallel_loop3A_751 : i32 to index
        %parallel_loop3A_754 = arith.index_cast %parallel_loop3A_658 : i32 to index
        %parallel_loop3A_755 = tpu.vector_load %arg8[%parallel_loop3A_752, %parallel_loop3A_753, %parallel_loop3A_754] {strides = array<i32>} : memref<4x128x64xf32, #tpu.memory_space<vmem>>, vector<16xf32>,
        %parallel_loop3A_756 = arith.constant 8.000000e+00 : f32
        %parallel_loop3A_757 = vector.broadcast %parallel_loop3A_756 : f32 to vector<16xf32>
        %parallel_loop3A_758 = arith.mulf %parallel_loop3A_755, %parallel_loop3A_757 : vector<16xf32>
        %parallel_loop3A_759 = arith.addf %parallel_loop3A_758, %parallel_loop3A_662 : vector<16xf32>
        %parallel_loop3A_760 = arith.constant 0 : i32
        %parallel_loop3A_761 = tpu.memref_slice %arg10[%parallel_loop3A_574, %parallel_loop3A_760] : memref<64x272xf32, #tpu.memory_space<vmem>> -> memref<1x272xf32, #tpu.memory_space<vmem>>
        %parallel_loop3A_762 = tpu.memref_squeeze %parallel_loop3A_761 : memref<1x272xf32, #tpu.memory_space<vmem>> -> memref<272xf32, #tpu.memory_space<vmem>>
        %parallel_loop3A_763 = arith.constant 85 : index
        %parallel_loop3A_764 = tpu.vector_load %parallel_loop3A_762[%parallel_loop3A_763] {strides = array<i32>} : memref<272xf32, #tpu.memory_space<vmem>>, vector<16xf32>,
        tpu.vector_store %parallel_loop3A_762[%parallel_loop3A_763], %parallel_loop3A_759 {strides = array<i32>} : memref<272xf32, #tpu.memory_space<vmem>>, vector<16xf32>,
        %parallel_loop3A_765 = arith.constant 0 : i32
        %parallel_loop3A_766 = arith.addi %parallel_loop3A_765, %parallel_loop3A_598 : i32
        %parallel_loop3A_767 = arith.constant 6 : i32
        %parallel_loop3A_768 = arith.addi %parallel_loop3A_656, %parallel_loop3A_767 : i32
        %parallel_loop3A_769 = arith.index_cast %parallel_loop3A_766 : i32 to index
        %parallel_loop3A_770 = arith.index_cast %parallel_loop3A_768 : i32 to index
        %parallel_loop3A_771 = arith.index_cast %parallel_loop3A_658 : i32 to index
        %parallel_loop3A_772 = tpu.vector_load %arg8[%parallel_loop3A_769, %parallel_loop3A_770, %parallel_loop3A_771] {strides = array<i32>} : memref<4x128x64xf32, #tpu.memory_space<vmem>>, vector<16xf32>,
        %parallel_loop3A_773 = arith.constant 8.000000e+00 : f32
        %parallel_loop3A_774 = vector.broadcast %parallel_loop3A_773 : f32 to vector<16xf32>
        %parallel_loop3A_775 = arith.mulf %parallel_loop3A_772, %parallel_loop3A_774 : vector<16xf32>
        %parallel_loop3A_776 = arith.addf %parallel_loop3A_775, %parallel_loop3A_662 : vector<16xf32>
        %parallel_loop3A_777 = arith.constant 0 : i32
        %parallel_loop3A_778 = tpu.memref_slice %arg10[%parallel_loop3A_574, %parallel_loop3A_777] : memref<64x272xf32, #tpu.memory_space<vmem>> -> memref<1x272xf32, #tpu.memory_space<vmem>>
        %parallel_loop3A_779 = tpu.memref_squeeze %parallel_loop3A_778 : memref<1x272xf32, #tpu.memory_space<vmem>> -> memref<272xf32, #tpu.memory_space<vmem>>
        %parallel_loop3A_780 = arith.constant 102 : index
        %parallel_loop3A_781 = tpu.vector_load %parallel_loop3A_779[%parallel_loop3A_780] {strides = array<i32>} : memref<272xf32, #tpu.memory_space<vmem>>, vector<16xf32>,
        tpu.vector_store %parallel_loop3A_779[%parallel_loop3A_780], %parallel_loop3A_776 {strides = array<i32>} : memref<272xf32, #tpu.memory_space<vmem>>, vector<16xf32>,
        %parallel_loop3A_782 = arith.constant 0 : i32
        %parallel_loop3A_783 = arith.addi %parallel_loop3A_782, %parallel_loop3A_598 : i32
        %parallel_loop3A_784 = arith.constant 7 : i32
        %parallel_loop3A_785 = arith.addi %parallel_loop3A_656, %parallel_loop3A_784 : i32
        %parallel_loop3A_786 = arith.index_cast %parallel_loop3A_783 : i32 to index
        %parallel_loop3A_787 = arith.index_cast %parallel_loop3A_785 : i32 to index
        %parallel_loop3A_788 = arith.index_cast %parallel_loop3A_658 : i32 to index
        %parallel_loop3A_789 = tpu.vector_load %arg8[%parallel_loop3A_786, %parallel_loop3A_787, %parallel_loop3A_788] {strides = array<i32>} : memref<4x128x64xf32, #tpu.memory_space<vmem>>, vector<16xf32>,
        %parallel_loop3A_790 = arith.constant 8.000000e+00 : f32
        %parallel_loop3A_791 = vector.broadcast %parallel_loop3A_790 : f32 to vector<16xf32>
        %parallel_loop3A_792 = arith.mulf %parallel_loop3A_789, %parallel_loop3A_791 : vector<16xf32>
        %parallel_loop3A_793 = arith.addf %parallel_loop3A_792, %parallel_loop3A_662 : vector<16xf32>
        %parallel_loop3A_794 = arith.constant 0 : i32
        %parallel_loop3A_795 = tpu.memref_slice %arg10[%parallel_loop3A_574, %parallel_loop3A_794] : memref<64x272xf32, #tpu.memory_space<vmem>> -> memref<1x272xf32, #tpu.memory_space<vmem>>
        %parallel_loop3A_796 = tpu.memref_squeeze %parallel_loop3A_795 : memref<1x272xf32, #tpu.memory_space<vmem>> -> memref<272xf32, #tpu.memory_space<vmem>>
        %parallel_loop3A_797 = arith.constant 119 : index
        %parallel_loop3A_798 = tpu.vector_load %parallel_loop3A_796[%parallel_loop3A_797] {strides = array<i32>} : memref<272xf32, #tpu.memory_space<vmem>>, vector<16xf32>,
        tpu.vector_store %parallel_loop3A_796[%parallel_loop3A_797], %parallel_loop3A_793 {strides = array<i32>} : memref<272xf32, #tpu.memory_space<vmem>>, vector<16xf32>,
        %parallel_loop3A_799 = arith.constant 0 : i32
        %parallel_loop3A_800 = arith.addi %parallel_loop3A_799, %parallel_loop3A_598 : i32
        %parallel_loop3A_801 = arith.constant 8 : i32
        %parallel_loop3A_802 = arith.addi %parallel_loop3A_656, %parallel_loop3A_801 : i32
        %parallel_loop3A_803 = arith.index_cast %parallel_loop3A_800 : i32 to index
        %parallel_loop3A_804 = arith.index_cast %parallel_loop3A_802 : i32 to index
        %parallel_loop3A_805 = arith.index_cast %parallel_loop3A_658 : i32 to index
        %parallel_loop3A_806 = tpu.vector_load %arg8[%parallel_loop3A_803, %parallel_loop3A_804, %parallel_loop3A_805] {strides = array<i32>} : memref<4x128x64xf32, #tpu.memory_space<vmem>>, vector<16xf32>,
        %parallel_loop3A_807 = arith.constant 8.000000e+00 : f32
        %parallel_loop3A_808 = vector.broadcast %parallel_loop3A_807 : f32 to vector<16xf32>
        %parallel_loop3A_809 = arith.mulf %parallel_loop3A_806, %parallel_loop3A_808 : vector<16xf32>
        %parallel_loop3A_810 = arith.addf %parallel_loop3A_809, %parallel_loop3A_662 : vector<16xf32>
        %parallel_loop3A_811 = arith.constant 0 : i32
        %parallel_loop3A_812 = tpu.memref_slice %arg10[%parallel_loop3A_574, %parallel_loop3A_811] : memref<64x272xf32, #tpu.memory_space<vmem>> -> memref<1x272xf32, #tpu.memory_space<vmem>>
        %parallel_loop3A_813 = tpu.memref_squeeze %parallel_loop3A_812 : memref<1x272xf32, #tpu.memory_space<vmem>> -> memref<272xf32, #tpu.memory_space<vmem>>
        %parallel_loop3A_814 = arith.constant 136 : index
        %parallel_loop3A_815 = tpu.vector_load %parallel_loop3A_813[%parallel_loop3A_814] {strides = array<i32>} : memref<272xf32, #tpu.memory_space<vmem>>, vector<16xf32>,
        tpu.vector_store %parallel_loop3A_813[%parallel_loop3A_814], %parallel_loop3A_810 {strides = array<i32>} : memref<272xf32, #tpu.memory_space<vmem>>, vector<16xf32>,
        %parallel_loop3A_816 = arith.constant 0 : i32
        %parallel_loop3A_817 = arith.addi %parallel_loop3A_816, %parallel_loop3A_598 : i32
        %parallel_loop3A_818 = arith.constant 9 : i32
        %parallel_loop3A_819 = arith.addi %parallel_loop3A_656, %parallel_loop3A_818 : i32
        %parallel_loop3A_820 = arith.index_cast %parallel_loop3A_817 : i32 to index
        %parallel_loop3A_821 = arith.index_cast %parallel_loop3A_819 : i32 to index
        %parallel_loop3A_822 = arith.index_cast %parallel_loop3A_658 : i32 to index
        %parallel_loop3A_823 = tpu.vector_load %arg8[%parallel_loop3A_820, %parallel_loop3A_821, %parallel_loop3A_822] {strides = array<i32>} : memref<4x128x64xf32, #tpu.memory_space<vmem>>, vector<16xf32>,
        %parallel_loop3A_824 = arith.constant 8.000000e+00 : f32
        %parallel_loop3A_825 = vector.broadcast %parallel_loop3A_824 : f32 to vector<16xf32>
        %parallel_loop3A_826 = arith.mulf %parallel_loop3A_823, %parallel_loop3A_825 : vector<16xf32>
        %parallel_loop3A_827 = arith.addf %parallel_loop3A_826, %parallel_loop3A_662 : vector<16xf32>
        %parallel_loop3A_828 = arith.constant 0 : i32
        %parallel_loop3A_829 = tpu.memref_slice %arg10[%parallel_loop3A_574, %parallel_loop3A_828] : memref<64x272xf32, #tpu.memory_space<vmem>> -> memref<1x272xf32, #tpu.memory_space<vmem>>
        %parallel_loop3A_830 = tpu.memref_squeeze %parallel_loop3A_829 : memref<1x272xf32, #tpu.memory_space<vmem>> -> memref<272xf32, #tpu.memory_space<vmem>>
        %parallel_loop3A_831 = arith.constant 153 : index
        %parallel_loop3A_832 = tpu.vector_load %parallel_loop3A_830[%parallel_loop3A_831] {strides = array<i32>} : memref<272xf32, #tpu.memory_space<vmem>>, vector<16xf32>,
        tpu.vector_store %parallel_loop3A_830[%parallel_loop3A_831], %parallel_loop3A_827 {strides = array<i32>} : memref<272xf32, #tpu.memory_space<vmem>>, vector<16xf32>,
        %parallel_loop3A_833 = arith.constant 0 : i32
        %parallel_loop3A_834 = arith.addi %parallel_loop3A_833, %parallel_loop3A_598 : i32
        %parallel_loop3A_835 = arith.constant 10 : i32
        %parallel_loop3A_836 = arith.addi %parallel_loop3A_656, %parallel_loop3A_835 : i32
        %parallel_loop3A_837 = arith.index_cast %parallel_loop3A_834 : i32 to index
        %parallel_loop3A_838 = arith.index_cast %parallel_loop3A_836 : i32 to index
        %parallel_loop3A_839 = arith.index_cast %parallel_loop3A_658 : i32 to index
        %parallel_loop3A_840 = tpu.vector_load %arg8[%parallel_loop3A_837, %parallel_loop3A_838, %parallel_loop3A_839] {strides = array<i32>} : memref<4x128x64xf32, #tpu.memory_space<vmem>>, vector<16xf32>,
        %parallel_loop3A_841 = arith.constant 8.000000e+00 : f32
        %parallel_loop3A_842 = vector.broadcast %parallel_loop3A_841 : f32 to vector<16xf32>
        %parallel_loop3A_843 = arith.mulf %parallel_loop3A_840, %parallel_loop3A_842 : vector<16xf32>
        %parallel_loop3A_844 = arith.addf %parallel_loop3A_843, %parallel_loop3A_662 : vector<16xf32>
        %parallel_loop3A_845 = arith.constant 0 : i32
        %parallel_loop3A_846 = tpu.memref_slice %arg10[%parallel_loop3A_574, %parallel_loop3A_845] : memref<64x272xf32, #tpu.memory_space<vmem>> -> memref<1x272xf32, #tpu.memory_space<vmem>>
        %parallel_loop3A_847 = tpu.memref_squeeze %parallel_loop3A_846 : memref<1x272xf32, #tpu.memory_space<vmem>> -> memref<272xf32, #tpu.memory_space<vmem>>
        %parallel_loop3A_848 = arith.constant 170 : index
        %parallel_loop3A_849 = tpu.vector_load %parallel_loop3A_847[%parallel_loop3A_848] {strides = array<i32>} : memref<272xf32, #tpu.memory_space<vmem>>, vector<16xf32>,
        tpu.vector_store %parallel_loop3A_847[%parallel_loop3A_848], %parallel_loop3A_844 {strides = array<i32>} : memref<272xf32, #tpu.memory_space<vmem>>, vector<16xf32>,
        %parallel_loop3A_850 = arith.constant 0 : i32
        %parallel_loop3A_851 = arith.addi %parallel_loop3A_850, %parallel_loop3A_598 : i32
        %parallel_loop3A_852 = arith.constant 11 : i32
        %parallel_loop3A_853 = arith.addi %parallel_loop3A_656, %parallel_loop3A_852 : i32
        %parallel_loop3A_854 = arith.index_cast %parallel_loop3A_851 : i32 to index
        %parallel_loop3A_855 = arith.index_cast %parallel_loop3A_853 : i32 to index
        %parallel_loop3A_856 = arith.index_cast %parallel_loop3A_658 : i32 to index
        %parallel_loop3A_857 = tpu.vector_load %arg8[%parallel_loop3A_854, %parallel_loop3A_855, %parallel_loop3A_856] {strides = array<i32>} : memref<4x128x64xf32, #tpu.memory_space<vmem>>, vector<16xf32>,
        %parallel_loop3A_858 = arith.constant 8.000000e+00 : f32
        %parallel_loop3A_859 = vector.broadcast %parallel_loop3A_858 : f32 to vector<16xf32>
        %parallel_loop3A_860 = arith.mulf %parallel_loop3A_857, %parallel_loop3A_859 : vector<16xf32>
        %parallel_loop3A_861 = arith.addf %parallel_loop3A_860, %parallel_loop3A_662 : vector<16xf32>
        %parallel_loop3A_862 = arith.constant 0 : i32
        %parallel_loop3A_863 = tpu.memref_slice %arg10[%parallel_loop3A_574, %parallel_loop3A_862] : memref<64x272xf32, #tpu.memory_space<vmem>> -> memref<1x272xf32, #tpu.memory_space<vmem>>
        %parallel_loop3A_864 = tpu.memref_squeeze %parallel_loop3A_863 : memref<1x272xf32, #tpu.memory_space<vmem>> -> memref<272xf32, #tpu.memory_space<vmem>>
        %parallel_loop3A_865 = arith.constant 187 : index
        %parallel_loop3A_866 = tpu.vector_load %parallel_loop3A_864[%parallel_loop3A_865] {strides = array<i32>} : memref<272xf32, #tpu.memory_space<vmem>>, vector<16xf32>,
        tpu.vector_store %parallel_loop3A_864[%parallel_loop3A_865], %parallel_loop3A_861 {strides = array<i32>} : memref<272xf32, #tpu.memory_space<vmem>>, vector<16xf32>,
        %parallel_loop3A_867 = arith.constant 0 : i32
        %parallel_loop3A_868 = arith.addi %parallel_loop3A_867, %parallel_loop3A_598 : i32
        %parallel_loop3A_869 = arith.constant 12 : i32
        %parallel_loop3A_870 = arith.addi %parallel_loop3A_656, %parallel_loop3A_869 : i32
        %parallel_loop3A_871 = arith.index_cast %parallel_loop3A_868 : i32 to index
        %parallel_loop3A_872 = arith.index_cast %parallel_loop3A_870 : i32 to index
        %parallel_loop3A_873 = arith.index_cast %parallel_loop3A_658 : i32 to index
        %parallel_loop3A_874 = tpu.vector_load %arg8[%parallel_loop3A_871, %parallel_loop3A_872, %parallel_loop3A_873] {strides = array<i32>} : memref<4x128x64xf32, #tpu.memory_space<vmem>>, vector<16xf32>,
        %parallel_loop3A_875 = arith.constant 8.000000e+00 : f32
        %parallel_loop3A_876 = vector.broadcast %parallel_loop3A_875 : f32 to vector<16xf32>
        %parallel_loop3A_877 = arith.mulf %parallel_loop3A_874, %parallel_loop3A_876 : vector<16xf32>
        %parallel_loop3A_878 = arith.addf %parallel_loop3A_877, %parallel_loop3A_662 : vector<16xf32>
        %parallel_loop3A_879 = arith.constant 0 : i32
        %parallel_loop3A_880 = tpu.memref_slice %arg10[%parallel_loop3A_574, %parallel_loop3A_879] : memref<64x272xf32, #tpu.memory_space<vmem>> -> memref<1x272xf32, #tpu.memory_space<vmem>>
        %parallel_loop3A_881 = tpu.memref_squeeze %parallel_loop3A_880 : memref<1x272xf32, #tpu.memory_space<vmem>> -> memref<272xf32, #tpu.memory_space<vmem>>
        %parallel_loop3A_882 = arith.constant 204 : index
        %parallel_loop3A_883 = tpu.vector_load %parallel_loop3A_881[%parallel_loop3A_882] {strides = array<i32>} : memref<272xf32, #tpu.memory_space<vmem>>, vector<16xf32>,
        tpu.vector_store %parallel_loop3A_881[%parallel_loop3A_882], %parallel_loop3A_878 {strides = array<i32>} : memref<272xf32, #tpu.memory_space<vmem>>, vector<16xf32>,
        %parallel_loop3A_884 = arith.constant 0 : i32
        %parallel_loop3A_885 = arith.addi %parallel_loop3A_884, %parallel_loop3A_598 : i32
        %parallel_loop3A_886 = arith.constant 13 : i32
        %parallel_loop3A_887 = arith.addi %parallel_loop3A_656, %parallel_loop3A_886 : i32
        %parallel_loop3A_888 = arith.index_cast %parallel_loop3A_885 : i32 to index
        %parallel_loop3A_889 = arith.index_cast %parallel_loop3A_887 : i32 to index
        %parallel_loop3A_890 = arith.index_cast %parallel_loop3A_658 : i32 to index
        %parallel_loop3A_891 = tpu.vector_load %arg8[%parallel_loop3A_888, %parallel_loop3A_889, %parallel_loop3A_890] {strides = array<i32>} : memref<4x128x64xf32, #tpu.memory_space<vmem>>, vector<16xf32>,
        %parallel_loop3A_892 = arith.constant 8.000000e+00 : f32
        %parallel_loop3A_893 = vector.broadcast %parallel_loop3A_892 : f32 to vector<16xf32>
        %parallel_loop3A_894 = arith.mulf %parallel_loop3A_891, %parallel_loop3A_893 : vector<16xf32>
        %parallel_loop3A_895 = arith.addf %parallel_loop3A_894, %parallel_loop3A_662 : vector<16xf32>
        %parallel_loop3A_896 = arith.constant 0 : i32
        %parallel_loop3A_897 = tpu.memref_slice %arg10[%parallel_loop3A_574, %parallel_loop3A_896] : memref<64x272xf32, #tpu.memory_space<vmem>> -> memref<1x272xf32, #tpu.memory_space<vmem>>
        %parallel_loop3A_898 = tpu.memref_squeeze %parallel_loop3A_897 : memref<1x272xf32, #tpu.memory_space<vmem>> -> memref<272xf32, #tpu.memory_space<vmem>>
        %parallel_loop3A_899 = arith.constant 221 : index
        %parallel_loop3A_900 = tpu.vector_load %parallel_loop3A_898[%parallel_loop3A_899] {strides = array<i32>} : memref<272xf32, #tpu.memory_space<vmem>>, vector<16xf32>,
        tpu.vector_store %parallel_loop3A_898[%parallel_loop3A_899], %parallel_loop3A_895 {strides = array<i32>} : memref<272xf32, #tpu.memory_space<vmem>>, vector<16xf32>,
        %parallel_loop3A_901 = arith.constant 0 : i32
        %parallel_loop3A_902 = arith.addi %parallel_loop3A_901, %parallel_loop3A_598 : i32
        %parallel_loop3A_903 = arith.constant 14 : i32
        %parallel_loop3A_904 = arith.addi %parallel_loop3A_656, %parallel_loop3A_903 : i32
        %parallel_loop3A_905 = arith.index_cast %parallel_loop3A_902 : i32 to index
        %parallel_loop3A_906 = arith.index_cast %parallel_loop3A_904 : i32 to index
        %parallel_loop3A_907 = arith.index_cast %parallel_loop3A_658 : i32 to index
        %parallel_loop3A_908 = tpu.vector_load %arg8[%parallel_loop3A_905, %parallel_loop3A_906, %parallel_loop3A_907] {strides = array<i32>} : memref<4x128x64xf32, #tpu.memory_space<vmem>>, vector<16xf32>,
        %parallel_loop3A_909 = arith.constant 8.000000e+00 : f32
        %parallel_loop3A_910 = vector.broadcast %parallel_loop3A_909 : f32 to vector<16xf32>
        %parallel_loop3A_911 = arith.mulf %parallel_loop3A_908, %parallel_loop3A_910 : vector<16xf32>
        %parallel_loop3A_912 = arith.addf %parallel_loop3A_911, %parallel_loop3A_662 : vector<16xf32>
        %parallel_loop3A_913 = arith.constant 0 : i32
        %parallel_loop3A_914 = tpu.memref_slice %arg10[%parallel_loop3A_574, %parallel_loop3A_913] : memref<64x272xf32, #tpu.memory_space<vmem>> -> memref<1x272xf32, #tpu.memory_space<vmem>>
        %parallel_loop3A_915 = tpu.memref_squeeze %parallel_loop3A_914 : memref<1x272xf32, #tpu.memory_space<vmem>> -> memref<272xf32, #tpu.memory_space<vmem>>
        %parallel_loop3A_916 = arith.constant 238 : index
        %parallel_loop3A_917 = tpu.vector_load %parallel_loop3A_915[%parallel_loop3A_916] {strides = array<i32>} : memref<272xf32, #tpu.memory_space<vmem>>, vector<16xf32>,
        tpu.vector_store %parallel_loop3A_915[%parallel_loop3A_916], %parallel_loop3A_912 {strides = array<i32>} : memref<272xf32, #tpu.memory_space<vmem>>, vector<16xf32>,
        %parallel_loop3A_918 = arith.constant 0 : i32
        %parallel_loop3A_919 = arith.addi %parallel_loop3A_918, %parallel_loop3A_598 : i32
        %parallel_loop3A_920 = arith.constant 15 : i32
        %parallel_loop3A_921 = arith.addi %parallel_loop3A_656, %parallel_loop3A_920 : i32
        %parallel_loop3A_922 = arith.index_cast %parallel_loop3A_919 : i32 to index
        %parallel_loop3A_923 = arith.index_cast %parallel_loop3A_921 : i32 to index
        %parallel_loop3A_924 = arith.index_cast %parallel_loop3A_658 : i32 to index
        %parallel_loop3A_925 = tpu.vector_load %arg8[%parallel_loop3A_922, %parallel_loop3A_923, %parallel_loop3A_924] {strides = array<i32>} : memref<4x128x64xf32, #tpu.memory_space<vmem>>, vector<16xf32>,
        %parallel_loop3A_926 = arith.constant 8.000000e+00 : f32
        %parallel_loop3A_927 = vector.broadcast %parallel_loop3A_926 : f32 to vector<16xf32>
        %parallel_loop3A_928 = arith.mulf %parallel_loop3A_925, %parallel_loop3A_927 : vector<16xf32>
        %parallel_loop3A_929 = arith.addf %parallel_loop3A_928, %parallel_loop3A_662 : vector<16xf32>
        %parallel_loop3A_930 = arith.constant 0 : i32
        %parallel_loop3A_931 = tpu.memref_slice %arg10[%parallel_loop3A_574, %parallel_loop3A_930] : memref<64x272xf32, #tpu.memory_space<vmem>> -> memref<1x272xf32, #tpu.memory_space<vmem>>
        %parallel_loop3A_932 = tpu.memref_squeeze %parallel_loop3A_931 : memref<1x272xf32, #tpu.memory_space<vmem>> -> memref<272xf32, #tpu.memory_space<vmem>>
        %parallel_loop3A_933 = arith.constant 255 : index
        %parallel_loop3A_934 = tpu.vector_load %parallel_loop3A_932[%parallel_loop3A_933] {strides = array<i32>} : memref<272xf32, #tpu.memory_space<vmem>>, vector<16xf32>,
        tpu.vector_store %parallel_loop3A_932[%parallel_loop3A_933], %parallel_loop3A_929 {strides = array<i32>} : memref<272xf32, #tpu.memory_space<vmem>>, vector<16xf32>,
      } {sc.loop_unroll_factor = 1 : i64, sc.parallel_access}
      %parallel_loop3A_295 = arith.constant 0 : i32
      %parallel_loop3A_296 = arith.constant 64 : i32
      %parallel_loop3A_297 = arith.constant 1 : i32
      scf.for %parallel_loop3A_574 = %parallel_loop3A_295 to %parallel_loop3A_296 step %parallel_loop3A_297  : i32 {
        %parallel_loop3A_575 = arith.constant 32 : i32
        %parallel_loop3A_576 = arith.divsi %parallel_loop3A_574, %parallel_loop3A_575 : i32
        %parallel_loop3A_577 = arith.constant 0 : i32
        %parallel_loop3A_578 = arith.cmpi sgt, %parallel_loop3A_574, %parallel_loop3A_577 : i32
        %parallel_loop3A_579 = arith.extui %parallel_loop3A_578 : i1 to i32
        %parallel_loop3A_580 = arith.constant 0 : i32
        %parallel_loop3A_581 = arith.cmpi slt, %parallel_loop3A_574, %parallel_loop3A_580 : i32
        %parallel_loop3A_582 = arith.extui %parallel_loop3A_581 : i1 to i32
        %parallel_loop3A_583 = arith.subi %parallel_loop3A_579, %parallel_loop3A_582 : i32
        %parallel_loop3A_584 = arith.constant 0 : i32
        %parallel_loop3A_585 = arith.cmpi sgt, %parallel_loop3A_575, %parallel_loop3A_584 : i32
        %parallel_loop3A_586 = arith.extui %parallel_loop3A_585 : i1 to i32
        %parallel_loop3A_587 = arith.constant 0 : i32
        %parallel_loop3A_588 = arith.cmpi slt, %parallel_loop3A_575, %parallel_loop3A_587 : i32
        %parallel_loop3A_589 = arith.extui %parallel_loop3A_588 : i1 to i32
        %parallel_loop3A_590 = arith.subi %parallel_loop3A_586, %parallel_loop3A_589 : i32
        %parallel_loop3A_591 = arith.cmpi ne, %parallel_loop3A_583, %parallel_loop3A_590 : i32
        %parallel_loop3A_592 = arith.remsi %parallel_loop3A_574, %parallel_loop3A_575 : i32
        %parallel_loop3A_593 = arith.constant 0 : i32
        %parallel_loop3A_594 = arith.cmpi ne, %parallel_loop3A_592, %parallel_loop3A_593 : i32
        %parallel_loop3A_595 = arith.andi %parallel_loop3A_591, %parallel_loop3A_594 : i1
        %parallel_loop3A_596 = arith.constant 1 : i32
        %parallel_loop3A_597 = arith.subi %parallel_loop3A_576, %parallel_loop3A_596 : i32
        %parallel_loop3A_598 = arith.select %parallel_loop3A_595, %parallel_loop3A_597, %parallel_loop3A_576 : i32
        %parallel_loop3A_599 = arith.constant 32 : i32
        %parallel_loop3A_600 = arith.constant 0 : i32
        %parallel_loop3A_601 = arith.cmpi eq, %parallel_loop3A_599, %parallel_loop3A_600 : i32
        %parallel_loop3A_602 = arith.constant 1 : i32
        %parallel_loop3A_603 = arith.select %parallel_loop3A_601, %parallel_loop3A_602, %parallel_loop3A_599 : i32
        %parallel_loop3A_604 = arith.remsi %parallel_loop3A_574, %parallel_loop3A_603 : i32
        %parallel_loop3A_605 = arith.constant 0 : i32
        %parallel_loop3A_606 = arith.cmpi ne, %parallel_loop3A_604, %parallel_loop3A_605 : i32
        %parallel_loop3A_607 = arith.constant 0 : i32
        %parallel_loop3A_608 = arith.cmpi slt, %parallel_loop3A_604, %parallel_loop3A_607 : i32
        %parallel_loop3A_609 = arith.constant 0 : i32
        %parallel_loop3A_610 = arith.cmpi slt, %parallel_loop3A_603, %parallel_loop3A_609 : i32
        %parallel_loop3A_611 = arith.xori %parallel_loop3A_608, %parallel_loop3A_610 : i1
        %parallel_loop3A_612 = arith.andi %parallel_loop3A_611, %parallel_loop3A_606 : i1
        %parallel_loop3A_613 = arith.addi %parallel_loop3A_604, %parallel_loop3A_603 : i32
        %parallel_loop3A_614 = arith.select %parallel_loop3A_612, %parallel_loop3A_613, %parallel_loop3A_604 : i32
        %parallel_loop3A_615 = arith.constant 4 : i32
        %parallel_loop3A_616 = arith.divsi %parallel_loop3A_614, %parallel_loop3A_615 : i32
        %parallel_loop3A_617 = arith.constant 0 : i32
        %parallel_loop3A_618 = arith.cmpi sgt, %parallel_loop3A_614, %parallel_loop3A_617 : i32
        %parallel_loop3A_619 = arith.extui %parallel_loop3A_618 : i1 to i32
        %parallel_loop3A_620 = arith.constant 0 : i32
        %parallel_loop3A_621 = arith.cmpi slt, %parallel_loop3A_614, %parallel_loop3A_620 : i32
        %parallel_loop3A_622 = arith.extui %parallel_loop3A_621 : i1 to i32
        %parallel_loop3A_623 = arith.subi %parallel_loop3A_619, %parallel_loop3A_622 : i32
        %parallel_loop3A_624 = arith.constant 0 : i32
        %parallel_loop3A_625 = arith.cmpi sgt, %parallel_loop3A_615, %parallel_loop3A_624 : i32
        %parallel_loop3A_626 = arith.extui %parallel_loop3A_625 : i1 to i32
        %parallel_loop3A_627 = arith.constant 0 : i32
        %parallel_loop3A_628 = arith.cmpi slt, %parallel_loop3A_615, %parallel_loop3A_627 : i32
        %parallel_loop3A_629 = arith.extui %parallel_loop3A_628 : i1 to i32
        %parallel_loop3A_630 = arith.subi %parallel_loop3A_626, %parallel_loop3A_629 : i32
        %parallel_loop3A_631 = arith.cmpi ne, %parallel_loop3A_623, %parallel_loop3A_630 : i32
        %parallel_loop3A_632 = arith.remsi %parallel_loop3A_614, %parallel_loop3A_615 : i32
        %parallel_loop3A_633 = arith.constant 0 : i32
        %parallel_loop3A_634 = arith.cmpi ne, %parallel_loop3A_632, %parallel_loop3A_633 : i32
        %parallel_loop3A_635 = arith.andi %parallel_loop3A_631, %parallel_loop3A_634 : i1
        %parallel_loop3A_636 = arith.constant 1 : i32
        %parallel_loop3A_637 = arith.subi %parallel_loop3A_616, %parallel_loop3A_636 : i32
        %parallel_loop3A_638 = arith.select %parallel_loop3A_635, %parallel_loop3A_637, %parallel_loop3A_616 : i32
        %parallel_loop3A_639 = arith.constant 4 : i32
        %parallel_loop3A_640 = arith.constant 0 : i32
        %parallel_loop3A_641 = arith.cmpi eq, %parallel_loop3A_639, %parallel_loop3A_640 : i32
        %parallel_loop3A_642 = arith.constant 1 : i32
        %parallel_loop3A_643 = arith.select %parallel_loop3A_641, %parallel_loop3A_642, %parallel_loop3A_639 : i32
        %parallel_loop3A_644 = arith.remsi %parallel_loop3A_614, %parallel_loop3A_643 : i32
        %parallel_loop3A_645 = arith.constant 0 : i32
        %parallel_loop3A_646 = arith.cmpi ne, %parallel_loop3A_644, %parallel_loop3A_645 : i32
        %parallel_loop3A_647 = arith.constant 0 : i32
        %parallel_loop3A_648 = arith.cmpi slt, %parallel_loop3A_644, %parallel_loop3A_647 : i32
        %parallel_loop3A_649 = arith.constant 0 : i32
        %parallel_loop3A_650 = arith.cmpi slt, %parallel_loop3A_643, %parallel_loop3A_649 : i32
        %parallel_loop3A_651 = arith.xori %parallel_loop3A_648, %parallel_loop3A_650 : i1
        %parallel_loop3A_652 = arith.andi %parallel_loop3A_651, %parallel_loop3A_646 : i1
        %parallel_loop3A_653 = arith.addi %parallel_loop3A_644, %parallel_loop3A_643 : i32
        %parallel_loop3A_654 = arith.select %parallel_loop3A_652, %parallel_loop3A_653, %parallel_loop3A_644 : i32
        %parallel_loop3A_655 = arith.constant 16 : i32
        %parallel_loop3A_656 = arith.muli %parallel_loop3A_638, %parallel_loop3A_655 : i32
        %parallel_loop3A_657 = arith.constant 16 : i32
        %parallel_loop3A_658 = arith.muli %parallel_loop3A_654, %parallel_loop3A_657 : i32
        %parallel_loop3A_659 = arith.constant 0 : i32
        %parallel_loop3A_660 = arith.addi %parallel_loop3A_658, %parallel_loop3A_659 : i32
        %parallel_loop3A_661 = arith.constant 0 : i32
        %parallel_loop3A_662 = vector.broadcast %parallel_loop3A_661 : i32 to vector<16xi32>
        %parallel_loop3A_663 = arith.addi %mul3A_3, %parallel_loop3A_662 : vector<16xi32>
        %parallel_loop3A_664 = arith.constant 0 : i32
        %parallel_loop3A_665 = tpu.memref_slice %arg10[%parallel_loop3A_574, %parallel_loop3A_664] : memref<64x272xf32, #tpu.memory_space<vmem>> -> memref<1x272xf32, #tpu.memory_space<vmem>>
        %parallel_loop3A_666 = tpu.memref_squeeze %parallel_loop3A_665 : memref<1x272xf32, #tpu.memory_space<vmem>> -> memref<272xf32, #tpu.memory_space<vmem>>
        %parallel_loop3A_667 = tpu.vector_load_idx %parallel_loop3A_666[%parallel_loop3A_663] : memref<272xf32, #tpu.memory_space<vmem>>[vector<16xi32>], vector<16xf32>,
        %parallel_loop3A_668 = arith.constant 0 : i32
        %parallel_loop3A_669 = arith.addi %parallel_loop3A_668, %parallel_loop3A_598 : i32
        %parallel_loop3A_670 = arith.constant 8 : i32
        %parallel_loop3A_671 = arith.divsi %parallel_loop3A_660, %parallel_loop3A_670 : i32
        %parallel_loop3A_672 = arith.constant 0 : i32
        %parallel_loop3A_673 = arith.cmpi sgt, %parallel_loop3A_660, %parallel_loop3A_672 : i32
        %parallel_loop3A_674 = arith.extui %parallel_loop3A_673 : i1 to i32
        %parallel_loop3A_675 = arith.constant 0 : i32
        %parallel_loop3A_676 = arith.cmpi slt, %parallel_loop3A_660, %parallel_loop3A_675 : i32
        %parallel_loop3A_677 = arith.extui %parallel_loop3A_676 : i1 to i32
        %parallel_loop3A_678 = arith.subi %parallel_loop3A_674, %parallel_loop3A_677 : i32
        %parallel_loop3A_679 = arith.constant 0 : i32
        %parallel_loop3A_680 = arith.cmpi sgt, %parallel_loop3A_670, %parallel_loop3A_679 : i32
        %parallel_loop3A_681 = arith.extui %parallel_loop3A_680 : i1 to i32
        %parallel_loop3A_682 = arith.constant 0 : i32
        %parallel_loop3A_683 = arith.cmpi slt, %parallel_loop3A_670, %parallel_loop3A_682 : i32
        %parallel_loop3A_684 = arith.extui %parallel_loop3A_683 : i1 to i32
        %parallel_loop3A_685 = arith.subi %parallel_loop3A_681, %parallel_loop3A_684 : i32
        %parallel_loop3A_686 = arith.cmpi ne, %parallel_loop3A_678, %parallel_loop3A_685 : i32
        %parallel_loop3A_687 = arith.remsi %parallel_loop3A_660, %parallel_loop3A_670 : i32
        %parallel_loop3A_688 = arith.constant 0 : i32
        %parallel_loop3A_689 = arith.cmpi ne, %parallel_loop3A_687, %parallel_loop3A_688 : i32
        %parallel_loop3A_690 = arith.andi %parallel_loop3A_686, %parallel_loop3A_689 : i1
        %parallel_loop3A_691 = arith.constant 1 : i32
        %parallel_loop3A_692 = arith.subi %parallel_loop3A_671, %parallel_loop3A_691 : i32
        %parallel_loop3A_693 = arith.select %parallel_loop3A_690, %parallel_loop3A_692, %parallel_loop3A_671 : i32
        %parallel_loop3A_694 = arith.constant 8 : i32
        %parallel_loop3A_695 = arith.constant 0 : i32
        %parallel_loop3A_696 = arith.cmpi eq, %parallel_loop3A_694, %parallel_loop3A_695 : i32
        %parallel_loop3A_697 = arith.constant 1 : i32
        %parallel_loop3A_698 = arith.select %parallel_loop3A_696, %parallel_loop3A_697, %parallel_loop3A_694 : i32
        %parallel_loop3A_699 = arith.remsi %parallel_loop3A_660, %parallel_loop3A_698 : i32
        %parallel_loop3A_700 = arith.constant 0 : i32
        %parallel_loop3A_701 = arith.cmpi ne, %parallel_loop3A_699, %parallel_loop3A_700 : i32
        %parallel_loop3A_702 = arith.constant 0 : i32
        %parallel_loop3A_703 = arith.cmpi slt, %parallel_loop3A_699, %parallel_loop3A_702 : i32
        %parallel_loop3A_704 = arith.constant 0 : i32
        %parallel_loop3A_705 = arith.cmpi slt, %parallel_loop3A_698, %parallel_loop3A_704 : i32
        %parallel_loop3A_706 = arith.xori %parallel_loop3A_703, %parallel_loop3A_705 : i1
        %parallel_loop3A_707 = arith.andi %parallel_loop3A_706, %parallel_loop3A_701 : i1
        %parallel_loop3A_708 = arith.addi %parallel_loop3A_699, %parallel_loop3A_698 : i32
        %parallel_loop3A_709 = arith.select %parallel_loop3A_707, %parallel_loop3A_708, %parallel_loop3A_699 : i32
        %parallel_loop3A_710 = arith.index_cast %parallel_loop3A_669 : i32 to index
        %parallel_loop3A_711 = arith.index_cast %parallel_loop3A_693 : i32 to index
        %parallel_loop3A_712 = arith.index_cast %parallel_loop3A_709 : i32 to index
        %parallel_loop3A_713 = arith.index_cast %parallel_loop3A_656 : i32 to index
        %parallel_loop3A_714 = tpu.vector_load %arg9[%parallel_loop3A_710, %parallel_loop3A_711, %parallel_loop3A_712, %parallel_loop3A_713] {strides = array<i32>} : memref<4x8x8x128xf32, #tpu.memory_space<vmem>>, vector<16xf32>,
        tpu.vector_store %arg9[%parallel_loop3A_710, %parallel_loop3A_711, %parallel_loop3A_712, %parallel_loop3A_713], %parallel_loop3A_667 {strides = array<i32>} : memref<4x8x8x128xf32, #tpu.memory_space<vmem>>, vector<16xf32>,
        %parallel_loop3A_715 = arith.constant 1 : i32
        %parallel_loop3A_716 = arith.addi %parallel_loop3A_658, %parallel_loop3A_715 : i32
        %parallel_loop3A_717 = arith.constant 1 : i32
        %parallel_loop3A_718 = vector.broadcast %parallel_loop3A_717 : i32 to vector<16xi32>
        %parallel_loop3A_719 = arith.addi %mul3A_3, %parallel_loop3A_718 : vector<16xi32>
        %parallel_loop3A_720 = arith.constant 0 : i32
        %parallel_loop3A_721 = tpu.memref_slice %arg10[%parallel_loop3A_574, %parallel_loop3A_720] : memref<64x272xf32, #tpu.memory_space<vmem>> -> memref<1x272xf32, #tpu.memory_space<vmem>>
        %parallel_loop3A_722 = tpu.memref_squeeze %parallel_loop3A_721 : memref<1x272xf32, #tpu.memory_space<vmem>> -> memref<272xf32, #tpu.memory_space<vmem>>
        %parallel_loop3A_723 = tpu.vector_load_idx %parallel_loop3A_722[%parallel_loop3A_719] : memref<272xf32, #tpu.memory_space<vmem>>[vector<16xi32>], vector<16xf32>,
        %parallel_loop3A_724 = arith.constant 0 : i32
        %parallel_loop3A_725 = arith.addi %parallel_loop3A_724, %parallel_loop3A_598 : i32
        %parallel_loop3A_726 = arith.constant 8 : i32
        %parallel_loop3A_727 = arith.divsi %parallel_loop3A_716, %parallel_loop3A_726 : i32
        %parallel_loop3A_728 = arith.constant 0 : i32
        %parallel_loop3A_729 = arith.cmpi sgt, %parallel_loop3A_716, %parallel_loop3A_728 : i32
        %parallel_loop3A_730 = arith.extui %parallel_loop3A_729 : i1 to i32
        %parallel_loop3A_731 = arith.constant 0 : i32
        %parallel_loop3A_732 = arith.cmpi slt, %parallel_loop3A_716, %parallel_loop3A_731 : i32
        %parallel_loop3A_733 = arith.extui %parallel_loop3A_732 : i1 to i32
        %parallel_loop3A_734 = arith.subi %parallel_loop3A_730, %parallel_loop3A_733 : i32
        %parallel_loop3A_735 = arith.constant 0 : i32
        %parallel_loop3A_736 = arith.cmpi sgt, %parallel_loop3A_726, %parallel_loop3A_735 : i32
        %parallel_loop3A_737 = arith.extui %parallel_loop3A_736 : i1 to i32
        %parallel_loop3A_738 = arith.constant 0 : i32
        %parallel_loop3A_739 = arith.cmpi slt, %parallel_loop3A_726, %parallel_loop3A_738 : i32
        %parallel_loop3A_740 = arith.extui %parallel_loop3A_739 : i1 to i32
        %parallel_loop3A_741 = arith.subi %parallel_loop3A_737, %parallel_loop3A_740 : i32
        %parallel_loop3A_742 = arith.cmpi ne, %parallel_loop3A_734, %parallel_loop3A_741 : i32
        %parallel_loop3A_743 = arith.remsi %parallel_loop3A_716, %parallel_loop3A_726 : i32
        %parallel_loop3A_744 = arith.constant 0 : i32
        %parallel_loop3A_745 = arith.cmpi ne, %parallel_loop3A_743, %parallel_loop3A_744 : i32
        %parallel_loop3A_746 = arith.andi %parallel_loop3A_742, %parallel_loop3A_745 : i1
        %parallel_loop3A_747 = arith.constant 1 : i32
        %parallel_loop3A_748 = arith.subi %parallel_loop3A_727, %parallel_loop3A_747 : i32
        %parallel_loop3A_749 = arith.select %parallel_loop3A_746, %parallel_loop3A_748, %parallel_loop3A_727 : i32
        %parallel_loop3A_750 = arith.constant 8 : i32
        %parallel_loop3A_751 = arith.constant 0 : i32
        %parallel_loop3A_752 = arith.cmpi eq, %parallel_loop3A_750, %parallel_loop3A_751 : i32
        %parallel_loop3A_753 = arith.constant 1 : i32
        %parallel_loop3A_754 = arith.select %parallel_loop3A_752, %parallel_loop3A_753, %parallel_loop3A_750 : i32
        %parallel_loop3A_755 = arith.remsi %parallel_loop3A_716, %parallel_loop3A_754 : i32
        %parallel_loop3A_756 = arith.constant 0 : i32
        %parallel_loop3A_757 = arith.cmpi ne, %parallel_loop3A_755, %parallel_loop3A_756 : i32
        %parallel_loop3A_758 = arith.constant 0 : i32
        %parallel_loop3A_759 = arith.cmpi slt, %parallel_loop3A_755, %parallel_loop3A_758 : i32
        %parallel_loop3A_760 = arith.constant 0 : i32
        %parallel_loop3A_761 = arith.cmpi slt, %parallel_loop3A_754, %parallel_loop3A_760 : i32
        %parallel_loop3A_762 = arith.xori %parallel_loop3A_759, %parallel_loop3A_761 : i1
        %parallel_loop3A_763 = arith.andi %parallel_loop3A_762, %parallel_loop3A_757 : i1
        %parallel_loop3A_764 = arith.addi %parallel_loop3A_755, %parallel_loop3A_754 : i32
        %parallel_loop3A_765 = arith.select %parallel_loop3A_763, %parallel_loop3A_764, %parallel_loop3A_755 : i32
        %parallel_loop3A_766 = arith.index_cast %parallel_loop3A_725 : i32 to index
        %parallel_loop3A_767 = arith.index_cast %parallel_loop3A_749 : i32 to index
        %parallel_loop3A_768 = arith.index_cast %parallel_loop3A_765 : i32 to index
        %parallel_loop3A_769 = arith.index_cast %parallel_loop3A_656 : i32 to index
        %parallel_loop3A_770 = tpu.vector_load %arg9[%parallel_loop3A_766, %parallel_loop3A_767, %parallel_loop3A_768, %parallel_loop3A_769] {strides = array<i32>} : memref<4x8x8x128xf32, #tpu.memory_space<vmem>>, vector<16xf32>,
        tpu.vector_store %arg9[%parallel_loop3A_766, %parallel_loop3A_767, %parallel_loop3A_768, %parallel_loop3A_769], %parallel_loop3A_723 {strides = array<i32>} : memref<4x8x8x128xf32, #tpu.memory_space<vmem>>, vector<16xf32>,
        %parallel_loop3A_771 = arith.constant 2 : i32
        %parallel_loop3A_772 = arith.addi %parallel_loop3A_658, %parallel_loop3A_771 : i32
        %parallel_loop3A_773 = arith.constant 2 : i32
        %parallel_loop3A_774 = vector.broadcast %parallel_loop3A_773 : i32 to vector<16xi32>
        %parallel_loop3A_775 = arith.addi %mul3A_3, %parallel_loop3A_774 : vector<16xi32>
        %parallel_loop3A_776 = arith.constant 0 : i32
        %parallel_loop3A_777 = tpu.memref_slice %arg10[%parallel_loop3A_574, %parallel_loop3A_776] : memref<64x272xf32, #tpu.memory_space<vmem>> -> memref<1x272xf32, #tpu.memory_space<vmem>>
        %parallel_loop3A_778 = tpu.memref_squeeze %parallel_loop3A_777 : memref<1x272xf32, #tpu.memory_space<vmem>> -> memref<272xf32, #tpu.memory_space<vmem>>
        %parallel_loop3A_779 = tpu.vector_load_idx %parallel_loop3A_778[%parallel_loop3A_775] : memref<272xf32, #tpu.memory_space<vmem>>[vector<16xi32>], vector<16xf32>,
        %parallel_loop3A_780 = arith.constant 0 : i32
        %parallel_loop3A_781 = arith.addi %parallel_loop3A_780, %parallel_loop3A_598 : i32
        %parallel_loop3A_782 = arith.constant 8 : i32
        %parallel_loop3A_783 = arith.divsi %parallel_loop3A_772, %parallel_loop3A_782 : i32
        %parallel_loop3A_784 = arith.constant 0 : i32
        %parallel_loop3A_785 = arith.cmpi sgt, %parallel_loop3A_772, %parallel_loop3A_784 : i32
        %parallel_loop3A_786 = arith.extui %parallel_loop3A_785 : i1 to i32
        %parallel_loop3A_787 = arith.constant 0 : i32
        %parallel_loop3A_788 = arith.cmpi slt, %parallel_loop3A_772, %parallel_loop3A_787 : i32
        %parallel_loop3A_789 = arith.extui %parallel_loop3A_788 : i1 to i32
        %parallel_loop3A_790 = arith.subi %parallel_loop3A_786, %parallel_loop3A_789 : i32
        %parallel_loop3A_791 = arith.constant 0 : i32
        %parallel_loop3A_792 = arith.cmpi sgt, %parallel_loop3A_782, %parallel_loop3A_791 : i32
        %parallel_loop3A_793 = arith.extui %parallel_loop3A_792 : i1 to i32
        %parallel_loop3A_794 = arith.constant 0 : i32
        %parallel_loop3A_795 = arith.cmpi slt, %parallel_loop3A_782, %parallel_loop3A_794 : i32
        %parallel_loop3A_796 = arith.extui %parallel_loop3A_795 : i1 to i32
        %parallel_loop3A_797 = arith.subi %parallel_loop3A_793, %parallel_loop3A_796 : i32
        %parallel_loop3A_798 = arith.cmpi ne, %parallel_loop3A_790, %parallel_loop3A_797 : i32
        %parallel_loop3A_799 = arith.remsi %parallel_loop3A_772, %parallel_loop3A_782 : i32
        %parallel_loop3A_800 = arith.constant 0 : i32
        %parallel_loop3A_801 = arith.cmpi ne, %parallel_loop3A_799, %parallel_loop3A_800 : i32
        %parallel_loop3A_802 = arith.andi %parallel_loop3A_798, %parallel_loop3A_801 : i1
        %parallel_loop3A_803 = arith.constant 1 : i32
        %parallel_loop3A_804 = arith.subi %parallel_loop3A_783, %parallel_loop3A_803 : i32
        %parallel_loop3A_805 = arith.select %parallel_loop3A_802, %parallel_loop3A_804, %parallel_loop3A_783 : i32
        %parallel_loop3A_806 = arith.constant 8 : i32
        %parallel_loop3A_807 = arith.constant 0 : i32
        %parallel_loop3A_808 = arith.cmpi eq, %parallel_loop3A_806, %parallel_loop3A_807 : i32
        %parallel_loop3A_809 = arith.constant 1 : i32
        %parallel_loop3A_810 = arith.select %parallel_loop3A_808, %parallel_loop3A_809, %parallel_loop3A_806 : i32
        %parallel_loop3A_811 = arith.remsi %parallel_loop3A_772, %parallel_loop3A_810 : i32
        %parallel_loop3A_812 = arith.constant 0 : i32
        %parallel_loop3A_813 = arith.cmpi ne, %parallel_loop3A_811, %parallel_loop3A_812 : i32
        %parallel_loop3A_814 = arith.constant 0 : i32
        %parallel_loop3A_815 = arith.cmpi slt, %parallel_loop3A_811, %parallel_loop3A_814 : i32
        %parallel_loop3A_816 = arith.constant 0 : i32
        %parallel_loop3A_817 = arith.cmpi slt, %parallel_loop3A_810, %parallel_loop3A_816 : i32
        %parallel_loop3A_818 = arith.xori %parallel_loop3A_815, %parallel_loop3A_817 : i1
        %parallel_loop3A_819 = arith.andi %parallel_loop3A_818, %parallel_loop3A_813 : i1
        %parallel_loop3A_820 = arith.addi %parallel_loop3A_811, %parallel_loop3A_810 : i32
        %parallel_loop3A_821 = arith.select %parallel_loop3A_819, %parallel_loop3A_820, %parallel_loop3A_811 : i32
        %parallel_loop3A_822 = arith.index_cast %parallel_loop3A_781 : i32 to index
        %parallel_loop3A_823 = arith.index_cast %parallel_loop3A_805 : i32 to index
        %parallel_loop3A_824 = arith.index_cast %parallel_loop3A_821 : i32 to index
        %parallel_loop3A_825 = arith.index_cast %parallel_loop3A_656 : i32 to index
        %parallel_loop3A_826 = tpu.vector_load %arg9[%parallel_loop3A_822, %parallel_loop3A_823, %parallel_loop3A_824, %parallel_loop3A_825] {strides = array<i32>} : memref<4x8x8x128xf32, #tpu.memory_space<vmem>>, vector<16xf32>,
        tpu.vector_store %arg9[%parallel_loop3A_822, %parallel_loop3A_823, %parallel_loop3A_824, %parallel_loop3A_825], %parallel_loop3A_779 {strides = array<i32>} : memref<4x8x8x128xf32, #tpu.memory_space<vmem>>, vector<16xf32>,
        %parallel_loop3A_827 = arith.constant 3 : i32
        %parallel_loop3A_828 = arith.addi %parallel_loop3A_658, %parallel_loop3A_827 : i32
        %parallel_loop3A_829 = arith.constant 3 : i32
        %parallel_loop3A_830 = vector.broadcast %parallel_loop3A_829 : i32 to vector<16xi32>
        %parallel_loop3A_831 = arith.addi %mul3A_3, %parallel_loop3A_830 : vector<16xi32>
        %parallel_loop3A_832 = arith.constant 0 : i32
        %parallel_loop3A_833 = tpu.memref_slice %arg10[%parallel_loop3A_574, %parallel_loop3A_832] : memref<64x272xf32, #tpu.memory_space<vmem>> -> memref<1x272xf32, #tpu.memory_space<vmem>>
        %parallel_loop3A_834 = tpu.memref_squeeze %parallel_loop3A_833 : memref<1x272xf32, #tpu.memory_space<vmem>> -> memref<272xf32, #tpu.memory_space<vmem>>
        %parallel_loop3A_835 = tpu.vector_load_idx %parallel_loop3A_834[%parallel_loop3A_831] : memref<272xf32, #tpu.memory_space<vmem>>[vector<16xi32>], vector<16xf32>,
        %parallel_loop3A_836 = arith.constant 0 : i32
        %parallel_loop3A_837 = arith.addi %parallel_loop3A_836, %parallel_loop3A_598 : i32
        %parallel_loop3A_838 = arith.constant 8 : i32
        %parallel_loop3A_839 = arith.divsi %parallel_loop3A_828, %parallel_loop3A_838 : i32
        %parallel_loop3A_840 = arith.constant 0 : i32
        %parallel_loop3A_841 = arith.cmpi sgt, %parallel_loop3A_828, %parallel_loop3A_840 : i32
        %parallel_loop3A_842 = arith.extui %parallel_loop3A_841 : i1 to i32
        %parallel_loop3A_843 = arith.constant 0 : i32
        %parallel_loop3A_844 = arith.cmpi slt, %parallel_loop3A_828, %parallel_loop3A_843 : i32
        %parallel_loop3A_845 = arith.extui %parallel_loop3A_844 : i1 to i32
        %parallel_loop3A_846 = arith.subi %parallel_loop3A_842, %parallel_loop3A_845 : i32
        %parallel_loop3A_847 = arith.constant 0 : i32
        %parallel_loop3A_848 = arith.cmpi sgt, %parallel_loop3A_838, %parallel_loop3A_847 : i32
        %parallel_loop3A_849 = arith.extui %parallel_loop3A_848 : i1 to i32
        %parallel_loop3A_850 = arith.constant 0 : i32
        %parallel_loop3A_851 = arith.cmpi slt, %parallel_loop3A_838, %parallel_loop3A_850 : i32
        %parallel_loop3A_852 = arith.extui %parallel_loop3A_851 : i1 to i32
        %parallel_loop3A_853 = arith.subi %parallel_loop3A_849, %parallel_loop3A_852 : i32
        %parallel_loop3A_854 = arith.cmpi ne, %parallel_loop3A_846, %parallel_loop3A_853 : i32
        %parallel_loop3A_855 = arith.remsi %parallel_loop3A_828, %parallel_loop3A_838 : i32
        %parallel_loop3A_856 = arith.constant 0 : i32
        %parallel_loop3A_857 = arith.cmpi ne, %parallel_loop3A_855, %parallel_loop3A_856 : i32
        %parallel_loop3A_858 = arith.andi %parallel_loop3A_854, %parallel_loop3A_857 : i1
        %parallel_loop3A_859 = arith.constant 1 : i32
        %parallel_loop3A_860 = arith.subi %parallel_loop3A_839, %parallel_loop3A_859 : i32
        %parallel_loop3A_861 = arith.select %parallel_loop3A_858, %parallel_loop3A_860, %parallel_loop3A_839 : i32
        %parallel_loop3A_862 = arith.constant 8 : i32
        %parallel_loop3A_863 = arith.constant 0 : i32
        %parallel_loop3A_864 = arith.cmpi eq, %parallel_loop3A_862, %parallel_loop3A_863 : i32
        %parallel_loop3A_865 = arith.constant 1 : i32
        %parallel_loop3A_866 = arith.select %parallel_loop3A_864, %parallel_loop3A_865, %parallel_loop3A_862 : i32
        %parallel_loop3A_867 = arith.remsi %parallel_loop3A_828, %parallel_loop3A_866 : i32
        %parallel_loop3A_868 = arith.constant 0 : i32
        %parallel_loop3A_869 = arith.cmpi ne, %parallel_loop3A_867, %parallel_loop3A_868 : i32
        %parallel_loop3A_870 = arith.constant 0 : i32
        %parallel_loop3A_871 = arith.cmpi slt, %parallel_loop3A_867, %parallel_loop3A_870 : i32
        %parallel_loop3A_872 = arith.constant 0 : i32
        %parallel_loop3A_873 = arith.cmpi slt, %parallel_loop3A_866, %parallel_loop3A_872 : i32
        %parallel_loop3A_874 = arith.xori %parallel_loop3A_871, %parallel_loop3A_873 : i1
        %parallel_loop3A_875 = arith.andi %parallel_loop3A_874, %parallel_loop3A_869 : i1
        %parallel_loop3A_876 = arith.addi %parallel_loop3A_867, %parallel_loop3A_866 : i32
        %parallel_loop3A_877 = arith.select %parallel_loop3A_875, %parallel_loop3A_876, %parallel_loop3A_867 : i32
        %parallel_loop3A_878 = arith.index_cast %parallel_loop3A_837 : i32 to index
        %parallel_loop3A_879 = arith.index_cast %parallel_loop3A_861 : i32 to index
        %parallel_loop3A_880 = arith.index_cast %parallel_loop3A_877 : i32 to index
        %parallel_loop3A_881 = arith.index_cast %parallel_loop3A_656 : i32 to index
        %parallel_loop3A_882 = tpu.vector_load %arg9[%parallel_loop3A_878, %parallel_loop3A_879, %parallel_loop3A_880, %parallel_loop3A_881] {strides = array<i32>} : memref<4x8x8x128xf32, #tpu.memory_space<vmem>>, vector<16xf32>,
        tpu.vector_store %arg9[%parallel_loop3A_878, %parallel_loop3A_879, %parallel_loop3A_880, %parallel_loop3A_881], %parallel_loop3A_835 {strides = array<i32>} : memref<4x8x8x128xf32, #tpu.memory_space<vmem>>, vector<16xf32>,
        %parallel_loop3A_883 = arith.constant 4 : i32
        %parallel_loop3A_884 = arith.addi %parallel_loop3A_658, %parallel_loop3A_883 : i32
        %parallel_loop3A_885 = arith.constant 4 : i32
        %parallel_loop3A_886 = vector.broadcast %parallel_loop3A_885 : i32 to vector<16xi32>
        %parallel_loop3A_887 = arith.addi %mul3A_3, %parallel_loop3A_886 : vector<16xi32>
        %parallel_loop3A_888 = arith.constant 0 : i32
        %parallel_loop3A_889 = tpu.memref_slice %arg10[%parallel_loop3A_574, %parallel_loop3A_888] : memref<64x272xf32, #tpu.memory_space<vmem>> -> memref<1x272xf32, #tpu.memory_space<vmem>>
        %parallel_loop3A_890 = tpu.memref_squeeze %parallel_loop3A_889 : memref<1x272xf32, #tpu.memory_space<vmem>> -> memref<272xf32, #tpu.memory_space<vmem>>
        %parallel_loop3A_891 = tpu.vector_load_idx %parallel_loop3A_890[%parallel_loop3A_887] : memref<272xf32, #tpu.memory_space<vmem>>[vector<16xi32>], vector<16xf32>,
        %parallel_loop3A_892 = arith.constant 0 : i32
        %parallel_loop3A_893 = arith.addi %parallel_loop3A_892, %parallel_loop3A_598 : i32
        %parallel_loop3A_894 = arith.constant 8 : i32
        %parallel_loop3A_895 = arith.divsi %parallel_loop3A_884, %parallel_loop3A_894 : i32
        %parallel_loop3A_896 = arith.constant 0 : i32
        %parallel_loop3A_897 = arith.cmpi sgt, %parallel_loop3A_884, %parallel_loop3A_896 : i32
        %parallel_loop3A_898 = arith.extui %parallel_loop3A_897 : i1 to i32
        %parallel_loop3A_899 = arith.constant 0 : i32
        %parallel_loop3A_900 = arith.cmpi slt, %parallel_loop3A_884, %parallel_loop3A_899 : i32
        %parallel_loop3A_901 = arith.extui %parallel_loop3A_900 : i1 to i32
        %parallel_loop3A_902 = arith.subi %parallel_loop3A_898, %parallel_loop3A_901 : i32
        %parallel_loop3A_903 = arith.constant 0 : i32
        %parallel_loop3A_904 = arith.cmpi sgt, %parallel_loop3A_894, %parallel_loop3A_903 : i32
        %parallel_loop3A_905 = arith.extui %parallel_loop3A_904 : i1 to i32
        %parallel_loop3A_906 = arith.constant 0 : i32
        %parallel_loop3A_907 = arith.cmpi slt, %parallel_loop3A_894, %parallel_loop3A_906 : i32
        %parallel_loop3A_908 = arith.extui %parallel_loop3A_907 : i1 to i32
        %parallel_loop3A_909 = arith.subi %parallel_loop3A_905, %parallel_loop3A_908 : i32
        %parallel_loop3A_910 = arith.cmpi ne, %parallel_loop3A_902, %parallel_loop3A_909 : i32
        %parallel_loop3A_911 = arith.remsi %parallel_loop3A_884, %parallel_loop3A_894 : i32
        %parallel_loop3A_912 = arith.constant 0 : i32
        %parallel_loop3A_913 = arith.cmpi ne, %parallel_loop3A_911, %parallel_loop3A_912 : i32
        %parallel_loop3A_914 = arith.andi %parallel_loop3A_910, %parallel_loop3A_913 : i1
        %parallel_loop3A_915 = arith.constant 1 : i32
        %parallel_loop3A_916 = arith.subi %parallel_loop3A_895, %parallel_loop3A_915 : i32
        %parallel_loop3A_917 = arith.select %parallel_loop3A_914, %parallel_loop3A_916, %parallel_loop3A_895 : i32
        %parallel_loop3A_918 = arith.constant 8 : i32
        %parallel_loop3A_919 = arith.constant 0 : i32
        %parallel_loop3A_920 = arith.cmpi eq, %parallel_loop3A_918, %parallel_loop3A_919 : i32
        %parallel_loop3A_921 = arith.constant 1 : i32
        %parallel_loop3A_922 = arith.select %parallel_loop3A_920, %parallel_loop3A_921, %parallel_loop3A_918 : i32
        %parallel_loop3A_923 = arith.remsi %parallel_loop3A_884, %parallel_loop3A_922 : i32
        %parallel_loop3A_924 = arith.constant 0 : i32
        %parallel_loop3A_925 = arith.cmpi ne, %parallel_loop3A_923, %parallel_loop3A_924 : i32
        %parallel_loop3A_926 = arith.constant 0 : i32
        %parallel_loop3A_927 = arith.cmpi slt, %parallel_loop3A_923, %parallel_loop3A_926 : i32
        %parallel_loop3A_928 = arith.constant 0 : i32
        %parallel_loop3A_929 = arith.cmpi slt, %parallel_loop3A_922, %parallel_loop3A_928 : i32
        %parallel_loop3A_930 = arith.xori %parallel_loop3A_927, %parallel_loop3A_929 : i1
        %parallel_loop3A_931 = arith.andi %parallel_loop3A_930, %parallel_loop3A_925 : i1
        %parallel_loop3A_932 = arith.addi %parallel_loop3A_923, %parallel_loop3A_922 : i32
        %parallel_loop3A_933 = arith.select %parallel_loop3A_931, %parallel_loop3A_932, %parallel_loop3A_923 : i32
        %parallel_loop3A_934 = arith.index_cast %parallel_loop3A_893 : i32 to index
        %parallel_loop3A_935 = arith.index_cast %parallel_loop3A_917 : i32 to index
        %parallel_loop3A_936 = arith.index_cast %parallel_loop3A_933 : i32 to index
        %parallel_loop3A_937 = arith.index_cast %parallel_loop3A_656 : i32 to index
        %parallel_loop3A_938 = tpu.vector_load %arg9[%parallel_loop3A_934, %parallel_loop3A_935, %parallel_loop3A_936, %parallel_loop3A_937] {strides = array<i32>} : memref<4x8x8x128xf32, #tpu.memory_space<vmem>>, vector<16xf32>,
        tpu.vector_store %arg9[%parallel_loop3A_934, %parallel_loop3A_935, %parallel_loop3A_936, %parallel_loop3A_937], %parallel_loop3A_891 {strides = array<i32>} : memref<4x8x8x128xf32, #tpu.memory_space<vmem>>, vector<16xf32>,
        %parallel_loop3A_939 = arith.constant 5 : i32
        %parallel_loop3A_940 = arith.addi %parallel_loop3A_658, %parallel_loop3A_939 : i32
        %parallel_loop3A_941 = arith.constant 5 : i32
        %parallel_loop3A_942 = vector.broadcast %parallel_loop3A_941 : i32 to vector<16xi32>
        %parallel_loop3A_943 = arith.addi %mul3A_3, %parallel_loop3A_942 : vector<16xi32>
        %parallel_loop3A_944 = arith.constant 0 : i32
        %parallel_loop3A_945 = tpu.memref_slice %arg10[%parallel_loop3A_574, %parallel_loop3A_944] : memref<64x272xf32, #tpu.memory_space<vmem>> -> memref<1x272xf32, #tpu.memory_space<vmem>>
        %parallel_loop3A_946 = tpu.memref_squeeze %parallel_loop3A_945 : memref<1x272xf32, #tpu.memory_space<vmem>> -> memref<272xf32, #tpu.memory_space<vmem>>
        %parallel_loop3A_947 = tpu.vector_load_idx %parallel_loop3A_946[%parallel_loop3A_943] : memref<272xf32, #tpu.memory_space<vmem>>[vector<16xi32>], vector<16xf32>,
        %parallel_loop3A_948 = arith.constant 0 : i32
        %parallel_loop3A_949 = arith.addi %parallel_loop3A_948, %parallel_loop3A_598 : i32
        %parallel_loop3A_950 = arith.constant 8 : i32
        %parallel_loop3A_951 = arith.divsi %parallel_loop3A_940, %parallel_loop3A_950 : i32
        %parallel_loop3A_952 = arith.constant 0 : i32
        %parallel_loop3A_953 = arith.cmpi sgt, %parallel_loop3A_940, %parallel_loop3A_952 : i32
        %parallel_loop3A_954 = arith.extui %parallel_loop3A_953 : i1 to i32
        %parallel_loop3A_955 = arith.constant 0 : i32
        %parallel_loop3A_956 = arith.cmpi slt, %parallel_loop3A_940, %parallel_loop3A_955 : i32
        %parallel_loop3A_957 = arith.extui %parallel_loop3A_956 : i1 to i32
        %parallel_loop3A_958 = arith.subi %parallel_loop3A_954, %parallel_loop3A_957 : i32
        %parallel_loop3A_959 = arith.constant 0 : i32
        %parallel_loop3A_960 = arith.cmpi sgt, %parallel_loop3A_950, %parallel_loop3A_959 : i32
        %parallel_loop3A_961 = arith.extui %parallel_loop3A_960 : i1 to i32
        %parallel_loop3A_962 = arith.constant 0 : i32
        %parallel_loop3A_963 = arith.cmpi slt, %parallel_loop3A_950, %parallel_loop3A_962 : i32
        %parallel_loop3A_964 = arith.extui %parallel_loop3A_963 : i1 to i32
        %parallel_loop3A_965 = arith.subi %parallel_loop3A_961, %parallel_loop3A_964 : i32
        %parallel_loop3A_966 = arith.cmpi ne, %parallel_loop3A_958, %parallel_loop3A_965 : i32
        %parallel_loop3A_967 = arith.remsi %parallel_loop3A_940, %parallel_loop3A_950 : i32
        %parallel_loop3A_968 = arith.constant 0 : i32
        %parallel_loop3A_969 = arith.cmpi ne, %parallel_loop3A_967, %parallel_loop3A_968 : i32
        %parallel_loop3A_970 = arith.andi %parallel_loop3A_966, %parallel_loop3A_969 : i1
        %parallel_loop3A_971 = arith.constant 1 : i32
        %parallel_loop3A_972 = arith.subi %parallel_loop3A_951, %parallel_loop3A_971 : i32
        %parallel_loop3A_973 = arith.select %parallel_loop3A_970, %parallel_loop3A_972, %parallel_loop3A_951 : i32
        %parallel_loop3A_974 = arith.constant 8 : i32
        %parallel_loop3A_975 = arith.constant 0 : i32
        %parallel_loop3A_976 = arith.cmpi eq, %parallel_loop3A_974, %parallel_loop3A_975 : i32
        %parallel_loop3A_977 = arith.constant 1 : i32
        %parallel_loop3A_978 = arith.select %parallel_loop3A_976, %parallel_loop3A_977, %parallel_loop3A_974 : i32
        %parallel_loop3A_979 = arith.remsi %parallel_loop3A_940, %parallel_loop3A_978 : i32
        %parallel_loop3A_980 = arith.constant 0 : i32
        %parallel_loop3A_981 = arith.cmpi ne, %parallel_loop3A_979, %parallel_loop3A_980 : i32
        %parallel_loop3A_982 = arith.constant 0 : i32
        %parallel_loop3A_983 = arith.cmpi slt, %parallel_loop3A_979, %parallel_loop3A_982 : i32
        %parallel_loop3A_984 = arith.constant 0 : i32
        %parallel_loop3A_985 = arith.cmpi slt, %parallel_loop3A_978, %parallel_loop3A_984 : i32
        %parallel_loop3A_986 = arith.xori %parallel_loop3A_983, %parallel_loop3A_985 : i1
        %parallel_loop3A_987 = arith.andi %parallel_loop3A_986, %parallel_loop3A_981 : i1
        %parallel_loop3A_988 = arith.addi %parallel_loop3A_979, %parallel_loop3A_978 : i32
        %parallel_loop3A_989 = arith.select %parallel_loop3A_987, %parallel_loop3A_988, %parallel_loop3A_979 : i32
        %parallel_loop3A_990 = arith.index_cast %parallel_loop3A_949 : i32 to index
        %parallel_loop3A_991 = arith.index_cast %parallel_loop3A_973 : i32 to index
        %parallel_loop3A_992 = arith.index_cast %parallel_loop3A_989 : i32 to index
        %parallel_loop3A_993 = arith.index_cast %parallel_loop3A_656 : i32 to index
        %parallel_loop3A_994 = tpu.vector_load %arg9[%parallel_loop3A_990, %parallel_loop3A_991, %parallel_loop3A_992, %parallel_loop3A_993] {strides = array<i32>} : memref<4x8x8x128xf32, #tpu.memory_space<vmem>>, vector<16xf32>,
        tpu.vector_store %arg9[%parallel_loop3A_990, %parallel_loop3A_991, %parallel_loop3A_992, %parallel_loop3A_993], %parallel_loop3A_947 {strides = array<i32>} : memref<4x8x8x128xf32, #tpu.memory_space<vmem>>, vector<16xf32>,
        %parallel_loop3A_995 = arith.constant 6 : i32
        %parallel_loop3A_996 = arith.addi %parallel_loop3A_658, %parallel_loop3A_995 : i32
        %parallel_loop3A_997 = arith.constant 6 : i32
        %parallel_loop3A_998 = vector.broadcast %parallel_loop3A_997 : i32 to vector<16xi32>
        %parallel_loop3A_999 = arith.addi %mul3A_3, %parallel_loop3A_998 : vector<16xi32>
        %parallel_loop3A_1000 = arith.constant 0 : i32
        %parallel_loop3A_1001 = tpu.memref_slice %arg10[%parallel_loop3A_574, %parallel_loop3A_1000] : memref<64x272xf32, #tpu.memory_space<vmem>> -> memref<1x272xf32, #tpu.memory_space<vmem>>
        %parallel_loop3A_1002 = tpu.memref_squeeze %parallel_loop3A_1001 : memref<1x272xf32, #tpu.memory_space<vmem>> -> memref<272xf32, #tpu.memory_space<vmem>>
        %parallel_loop3A_1003 = tpu.vector_load_idx %parallel_loop3A_1002[%parallel_loop3A_999] : memref<272xf32, #tpu.memory_space<vmem>>[vector<16xi32>], vector<16xf32>,
        %parallel_loop3A_1004 = arith.constant 0 : i32
        %parallel_loop3A_1005 = arith.addi %parallel_loop3A_1004, %parallel_loop3A_598 : i32
        %parallel_loop3A_1006 = arith.constant 8 : i32
        %parallel_loop3A_1007 = arith.divsi %parallel_loop3A_996, %parallel_loop3A_1006 : i32
        %parallel_loop3A_1008 = arith.constant 0 : i32
        %parallel_loop3A_1009 = arith.cmpi sgt, %parallel_loop3A_996, %parallel_loop3A_1008 : i32
        %parallel_loop3A_1010 = arith.extui %parallel_loop3A_1009 : i1 to i32
        %parallel_loop3A_1011 = arith.constant 0 : i32
        %parallel_loop3A_1012 = arith.cmpi slt, %parallel_loop3A_996, %parallel_loop3A_1011 : i32
        %parallel_loop3A_1013 = arith.extui %parallel_loop3A_1012 : i1 to i32
        %parallel_loop3A_1014 = arith.subi %parallel_loop3A_1010, %parallel_loop3A_1013 : i32
        %parallel_loop3A_1015 = arith.constant 0 : i32
        %parallel_loop3A_1016 = arith.cmpi sgt, %parallel_loop3A_1006, %parallel_loop3A_1015 : i32
        %parallel_loop3A_1017 = arith.extui %parallel_loop3A_1016 : i1 to i32
        %parallel_loop3A_1018 = arith.constant 0 : i32
        %parallel_loop3A_1019 = arith.cmpi slt, %parallel_loop3A_1006, %parallel_loop3A_1018 : i32
        %parallel_loop3A_1020 = arith.extui %parallel_loop3A_1019 : i1 to i32
        %parallel_loop3A_1021 = arith.subi %parallel_loop3A_1017, %parallel_loop3A_1020 : i32
        %parallel_loop3A_1022 = arith.cmpi ne, %parallel_loop3A_1014, %parallel_loop3A_1021 : i32
        %parallel_loop3A_1023 = arith.remsi %parallel_loop3A_996, %parallel_loop3A_1006 : i32
        %parallel_loop3A_1024 = arith.constant 0 : i32
        %parallel_loop3A_1025 = arith.cmpi ne, %parallel_loop3A_1023, %parallel_loop3A_1024 : i32
        %parallel_loop3A_1026 = arith.andi %parallel_loop3A_1022, %parallel_loop3A_1025 : i1
        %parallel_loop3A_1027 = arith.constant 1 : i32
        %parallel_loop3A_1028 = arith.subi %parallel_loop3A_1007, %parallel_loop3A_1027 : i32
        %parallel_loop3A_1029 = arith.select %parallel_loop3A_1026, %parallel_loop3A_1028, %parallel_loop3A_1007 : i32
        %parallel_loop3A_1030 = arith.constant 8 : i32
        %parallel_loop3A_1031 = arith.constant 0 : i32
        %parallel_loop3A_1032 = arith.cmpi eq, %parallel_loop3A_1030, %parallel_loop3A_1031 : i32
        %parallel_loop3A_1033 = arith.constant 1 : i32
        %parallel_loop3A_1034 = arith.select %parallel_loop3A_1032, %parallel_loop3A_1033, %parallel_loop3A_1030 : i32
        %parallel_loop3A_1035 = arith.remsi %parallel_loop3A_996, %parallel_loop3A_1034 : i32
        %parallel_loop3A_1036 = arith.constant 0 : i32
        %parallel_loop3A_1037 = arith.cmpi ne, %parallel_loop3A_1035, %parallel_loop3A_1036 : i32
        %parallel_loop3A_1038 = arith.constant 0 : i32
        %parallel_loop3A_1039 = arith.cmpi slt, %parallel_loop3A_1035, %parallel_loop3A_1038 : i32
        %parallel_loop3A_1040 = arith.constant 0 : i32
        %parallel_loop3A_1041 = arith.cmpi slt, %parallel_loop3A_1034, %parallel_loop3A_1040 : i32
        %parallel_loop3A_1042 = arith.xori %parallel_loop3A_1039, %parallel_loop3A_1041 : i1
        %parallel_loop3A_1043 = arith.andi %parallel_loop3A_1042, %parallel_loop3A_1037 : i1
        %parallel_loop3A_1044 = arith.addi %parallel_loop3A_1035, %parallel_loop3A_1034 : i32
        %parallel_loop3A_1045 = arith.select %parallel_loop3A_1043, %parallel_loop3A_1044, %parallel_loop3A_1035 : i32
        %parallel_loop3A_1046 = arith.index_cast %parallel_loop3A_1005 : i32 to index
        %parallel_loop3A_1047 = arith.index_cast %parallel_loop3A_1029 : i32 to index
        %parallel_loop3A_1048 = arith.index_cast %parallel_loop3A_1045 : i32 to index
        %parallel_loop3A_1049 = arith.index_cast %parallel_loop3A_656 : i32 to index
        %parallel_loop3A_1050 = tpu.vector_load %arg9[%parallel_loop3A_1046, %parallel_loop3A_1047, %parallel_loop3A_1048, %parallel_loop3A_1049] {strides = array<i32>} : memref<4x8x8x128xf32, #tpu.memory_space<vmem>>, vector<16xf32>,
        tpu.vector_store %arg9[%parallel_loop3A_1046, %parallel_loop3A_1047, %parallel_loop3A_1048, %parallel_loop3A_1049], %parallel_loop3A_1003 {strides = array<i32>} : memref<4x8x8x128xf32, #tpu.memory_space<vmem>>, vector<16xf32>,
        %parallel_loop3A_1051 = arith.constant 7 : i32
        %parallel_loop3A_1052 = arith.addi %parallel_loop3A_658, %parallel_loop3A_1051 : i32
        %parallel_loop3A_1053 = arith.constant 7 : i32
        %parallel_loop3A_1054 = vector.broadcast %parallel_loop3A_1053 : i32 to vector<16xi32>
        %parallel_loop3A_1055 = arith.addi %mul3A_3, %parallel_loop3A_1054 : vector<16xi32>
        %parallel_loop3A_1056 = arith.constant 0 : i32
        %parallel_loop3A_1057 = tpu.memref_slice %arg10[%parallel_loop3A_574, %parallel_loop3A_1056] : memref<64x272xf32, #tpu.memory_space<vmem>> -> memref<1x272xf32, #tpu.memory_space<vmem>>
        %parallel_loop3A_1058 = tpu.memref_squeeze %parallel_loop3A_1057 : memref<1x272xf32, #tpu.memory_space<vmem>> -> memref<272xf32, #tpu.memory_space<vmem>>
        %parallel_loop3A_1059 = tpu.vector_load_idx %parallel_loop3A_1058[%parallel_loop3A_1055] : memref<272xf32, #tpu.memory_space<vmem>>[vector<16xi32>], vector<16xf32>,
        %parallel_loop3A_1060 = arith.constant 0 : i32
        %parallel_loop3A_1061 = arith.addi %parallel_loop3A_1060, %parallel_loop3A_598 : i32
        %parallel_loop3A_1062 = arith.constant 8 : i32
        %parallel_loop3A_1063 = arith.divsi %parallel_loop3A_1052, %parallel_loop3A_1062 : i32
        %parallel_loop3A_1064 = arith.constant 0 : i32
        %parallel_loop3A_1065 = arith.cmpi sgt, %parallel_loop3A_1052, %parallel_loop3A_1064 : i32
        %parallel_loop3A_1066 = arith.extui %parallel_loop3A_1065 : i1 to i32
        %parallel_loop3A_1067 = arith.constant 0 : i32
        %parallel_loop3A_1068 = arith.cmpi slt, %parallel_loop3A_1052, %parallel_loop3A_1067 : i32
        %parallel_loop3A_1069 = arith.extui %parallel_loop3A_1068 : i1 to i32
        %parallel_loop3A_1070 = arith.subi %parallel_loop3A_1066, %parallel_loop3A_1069 : i32
        %parallel_loop3A_1071 = arith.constant 0 : i32
        %parallel_loop3A_1072 = arith.cmpi sgt, %parallel_loop3A_1062, %parallel_loop3A_1071 : i32
        %parallel_loop3A_1073 = arith.extui %parallel_loop3A_1072 : i1 to i32
        %parallel_loop3A_1074 = arith.constant 0 : i32
        %parallel_loop3A_1075 = arith.cmpi slt, %parallel_loop3A_1062, %parallel_loop3A_1074 : i32
        %parallel_loop3A_1076 = arith.extui %parallel_loop3A_1075 : i1 to i32
        %parallel_loop3A_1077 = arith.subi %parallel_loop3A_1073, %parallel_loop3A_1076 : i32
        %parallel_loop3A_1078 = arith.cmpi ne, %parallel_loop3A_1070, %parallel_loop3A_1077 : i32
        %parallel_loop3A_1079 = arith.remsi %parallel_loop3A_1052, %parallel_loop3A_1062 : i32
        %parallel_loop3A_1080 = arith.constant 0 : i32
        %parallel_loop3A_1081 = arith.cmpi ne, %parallel_loop3A_1079, %parallel_loop3A_1080 : i32
        %parallel_loop3A_1082 = arith.andi %parallel_loop3A_1078, %parallel_loop3A_1081 : i1
        %parallel_loop3A_1083 = arith.constant 1 : i32
        %parallel_loop3A_1084 = arith.subi %parallel_loop3A_1063, %parallel_loop3A_1083 : i32
        %parallel_loop3A_1085 = arith.select %parallel_loop3A_1082, %parallel_loop3A_1084, %parallel_loop3A_1063 : i32
        %parallel_loop3A_1086 = arith.constant 8 : i32
        %parallel_loop3A_1087 = arith.constant 0 : i32
        %parallel_loop3A_1088 = arith.cmpi eq, %parallel_loop3A_1086, %parallel_loop3A_1087 : i32
        %parallel_loop3A_1089 = arith.constant 1 : i32
        %parallel_loop3A_1090 = arith.select %parallel_loop3A_1088, %parallel_loop3A_1089, %parallel_loop3A_1086 : i32
        %parallel_loop3A_1091 = arith.remsi %parallel_loop3A_1052, %parallel_loop3A_1090 : i32
        %parallel_loop3A_1092 = arith.constant 0 : i32
        %parallel_loop3A_1093 = arith.cmpi ne, %parallel_loop3A_1091, %parallel_loop3A_1092 : i32
        %parallel_loop3A_1094 = arith.constant 0 : i32
        %parallel_loop3A_1095 = arith.cmpi slt, %parallel_loop3A_1091, %parallel_loop3A_1094 : i32
        %parallel_loop3A_1096 = arith.constant 0 : i32
        %parallel_loop3A_1097 = arith.cmpi slt, %parallel_loop3A_1090, %parallel_loop3A_1096 : i32
        %parallel_loop3A_1098 = arith.xori %parallel_loop3A_1095, %parallel_loop3A_1097 : i1
        %parallel_loop3A_1099 = arith.andi %parallel_loop3A_1098, %parallel_loop3A_1093 : i1
        %parallel_loop3A_1100 = arith.addi %parallel_loop3A_1091, %parallel_loop3A_1090 : i32
        %parallel_loop3A_1101 = arith.select %parallel_loop3A_1099, %parallel_loop3A_1100, %parallel_loop3A_1091 : i32
        %parallel_loop3A_1102 = arith.index_cast %parallel_loop3A_1061 : i32 to index
        %parallel_loop3A_1103 = arith.index_cast %parallel_loop3A_1085 : i32 to index
        %parallel_loop3A_1104 = arith.index_cast %parallel_loop3A_1101 : i32 to index
        %parallel_loop3A_1105 = arith.index_cast %parallel_loop3A_656 : i32 to index
        %parallel_loop3A_1106 = tpu.vector_load %arg9[%parallel_loop3A_1102, %parallel_loop3A_1103, %parallel_loop3A_1104, %parallel_loop3A_1105] {strides = array<i32>} : memref<4x8x8x128xf32, #tpu.memory_space<vmem>>, vector<16xf32>,
        tpu.vector_store %arg9[%parallel_loop3A_1102, %parallel_loop3A_1103, %parallel_loop3A_1104, %parallel_loop3A_1105], %parallel_loop3A_1059 {strides = array<i32>} : memref<4x8x8x128xf32, #tpu.memory_space<vmem>>, vector<16xf32>,
        %parallel_loop3A_1107 = arith.constant 8 : i32
        %parallel_loop3A_1108 = arith.addi %parallel_loop3A_658, %parallel_loop3A_1107 : i32
        %parallel_loop3A_1109 = arith.constant 8 : i32
        %parallel_loop3A_1110 = vector.broadcast %parallel_loop3A_1109 : i32 to vector<16xi32>
        %parallel_loop3A_1111 = arith.addi %mul3A_3, %parallel_loop3A_1110 : vector<16xi32>
        %parallel_loop3A_1112 = arith.constant 0 : i32
        %parallel_loop3A_1113 = tpu.memref_slice %arg10[%parallel_loop3A_574, %parallel_loop3A_1112] : memref<64x272xf32, #tpu.memory_space<vmem>> -> memref<1x272xf32, #tpu.memory_space<vmem>>
        %parallel_loop3A_1114 = tpu.memref_squeeze %parallel_loop3A_1113 : memref<1x272xf32, #tpu.memory_space<vmem>> -> memref<272xf32, #tpu.memory_space<vmem>>
        %parallel_loop3A_1115 = tpu.vector_load_idx %parallel_loop3A_1114[%parallel_loop3A_1111] : memref<272xf32, #tpu.memory_space<vmem>>[vector<16xi32>], vector<16xf32>,
        %parallel_loop3A_1116 = arith.constant 0 : i32
        %parallel_loop3A_1117 = arith.addi %parallel_loop3A_1116, %parallel_loop3A_598 : i32
        %parallel_loop3A_1118 = arith.constant 8 : i32
        %parallel_loop3A_1119 = arith.divsi %parallel_loop3A_1108, %parallel_loop3A_1118 : i32
        %parallel_loop3A_1120 = arith.constant 0 : i32
        %parallel_loop3A_1121 = arith.cmpi sgt, %parallel_loop3A_1108, %parallel_loop3A_1120 : i32
        %parallel_loop3A_1122 = arith.extui %parallel_loop3A_1121 : i1 to i32
        %parallel_loop3A_1123 = arith.constant 0 : i32
        %parallel_loop3A_1124 = arith.cmpi slt, %parallel_loop3A_1108, %parallel_loop3A_1123 : i32
        %parallel_loop3A_1125 = arith.extui %parallel_loop3A_1124 : i1 to i32
        %parallel_loop3A_1126 = arith.subi %parallel_loop3A_1122, %parallel_loop3A_1125 : i32
        %parallel_loop3A_1127 = arith.constant 0 : i32
        %parallel_loop3A_1128 = arith.cmpi sgt, %parallel_loop3A_1118, %parallel_loop3A_1127 : i32
        %parallel_loop3A_1129 = arith.extui %parallel_loop3A_1128 : i1 to i32
        %parallel_loop3A_1130 = arith.constant 0 : i32
        %parallel_loop3A_1131 = arith.cmpi slt, %parallel_loop3A_1118, %parallel_loop3A_1130 : i32
        %parallel_loop3A_1132 = arith.extui %parallel_loop3A_1131 : i1 to i32
        %parallel_loop3A_1133 = arith.subi %parallel_loop3A_1129, %parallel_loop3A_1132 : i32
        %parallel_loop3A_1134 = arith.cmpi ne, %parallel_loop3A_1126, %parallel_loop3A_1133 : i32
        %parallel_loop3A_1135 = arith.remsi %parallel_loop3A_1108, %parallel_loop3A_1118 : i32
        %parallel_loop3A_1136 = arith.constant 0 : i32
        %parallel_loop3A_1137 = arith.cmpi ne, %parallel_loop3A_1135, %parallel_loop3A_1136 : i32
        %parallel_loop3A_1138 = arith.andi %parallel_loop3A_1134, %parallel_loop3A_1137 : i1
        %parallel_loop3A_1139 = arith.constant 1 : i32
        %parallel_loop3A_1140 = arith.subi %parallel_loop3A_1119, %parallel_loop3A_1139 : i32
        %parallel_loop3A_1141 = arith.select %parallel_loop3A_1138, %parallel_loop3A_1140, %parallel_loop3A_1119 : i32
        %parallel_loop3A_1142 = arith.constant 8 : i32
        %parallel_loop3A_1143 = arith.constant 0 : i32
        %parallel_loop3A_1144 = arith.cmpi eq, %parallel_loop3A_1142, %parallel_loop3A_1143 : i32
        %parallel_loop3A_1145 = arith.constant 1 : i32
        %parallel_loop3A_1146 = arith.select %parallel_loop3A_1144, %parallel_loop3A_1145, %parallel_loop3A_1142 : i32
        %parallel_loop3A_1147 = arith.remsi %parallel_loop3A_1108, %parallel_loop3A_1146 : i32
        %parallel_loop3A_1148 = arith.constant 0 : i32
        %parallel_loop3A_1149 = arith.cmpi ne, %parallel_loop3A_1147, %parallel_loop3A_1148 : i32
        %parallel_loop3A_1150 = arith.constant 0 : i32
        %parallel_loop3A_1151 = arith.cmpi slt, %parallel_loop3A_1147, %parallel_loop3A_1150 : i32
        %parallel_loop3A_1152 = arith.constant 0 : i32
        %parallel_loop3A_1153 = arith.cmpi slt, %parallel_loop3A_1146, %parallel_loop3A_1152 : i32
        %parallel_loop3A_1154 = arith.xori %parallel_loop3A_1151, %parallel_loop3A_1153 : i1
        %parallel_loop3A_1155 = arith.andi %parallel_loop3A_1154, %parallel_loop3A_1149 : i1
        %parallel_loop3A_1156 = arith.addi %parallel_loop3A_1147, %parallel_loop3A_1146 : i32
        %parallel_loop3A_1157 = arith.select %parallel_loop3A_1155, %parallel_loop3A_1156, %parallel_loop3A_1147 : i32
        %parallel_loop3A_1158 = arith.index_cast %parallel_loop3A_1117 : i32 to index
        %parallel_loop3A_1159 = arith.index_cast %parallel_loop3A_1141 : i32 to index
        %parallel_loop3A_1160 = arith.index_cast %parallel_loop3A_1157 : i32 to index
        %parallel_loop3A_1161 = arith.index_cast %parallel_loop3A_656 : i32 to index
        %parallel_loop3A_1162 = tpu.vector_load %arg9[%parallel_loop3A_1158, %parallel_loop3A_1159, %parallel_loop3A_1160, %parallel_loop3A_1161] {strides = array<i32>} : memref<4x8x8x128xf32, #tpu.memory_space<vmem>>, vector<16xf32>,
        tpu.vector_store %arg9[%parallel_loop3A_1158, %parallel_loop3A_1159, %parallel_loop3A_1160, %parallel_loop3A_1161], %parallel_loop3A_1115 {strides = array<i32>} : memref<4x8x8x128xf32, #tpu.memory_space<vmem>>, vector<16xf32>,
        %parallel_loop3A_1163 = arith.constant 9 : i32
        %parallel_loop3A_1164 = arith.addi %parallel_loop3A_658, %parallel_loop3A_1163 : i32
        %parallel_loop3A_1165 = arith.constant 9 : i32
        %parallel_loop3A_1166 = vector.broadcast %parallel_loop3A_1165 : i32 to vector<16xi32>
        %parallel_loop3A_1167 = arith.addi %mul3A_3, %parallel_loop3A_1166 : vector<16xi32>
        %parallel_loop3A_1168 = arith.constant 0 : i32
        %parallel_loop3A_1169 = tpu.memref_slice %arg10[%parallel_loop3A_574, %parallel_loop3A_1168] : memref<64x272xf32, #tpu.memory_space<vmem>> -> memref<1x272xf32, #tpu.memory_space<vmem>>
        %parallel_loop3A_1170 = tpu.memref_squeeze %parallel_loop3A_1169 : memref<1x272xf32, #tpu.memory_space<vmem>> -> memref<272xf32, #tpu.memory_space<vmem>>
        %parallel_loop3A_1171 = tpu.vector_load_idx %parallel_loop3A_1170[%parallel_loop3A_1167] : memref<272xf32, #tpu.memory_space<vmem>>[vector<16xi32>], vector<16xf32>,
        %parallel_loop3A_1172 = arith.constant 0 : i32
        %parallel_loop3A_1173 = arith.addi %parallel_loop3A_1172, %parallel_loop3A_598 : i32
        %parallel_loop3A_1174 = arith.constant 8 : i32
        %parallel_loop3A_1175 = arith.divsi %parallel_loop3A_1164, %parallel_loop3A_1174 : i32
        %parallel_loop3A_1176 = arith.constant 0 : i32
        %parallel_loop3A_1177 = arith.cmpi sgt, %parallel_loop3A_1164, %parallel_loop3A_1176 : i32
        %parallel_loop3A_1178 = arith.extui %parallel_loop3A_1177 : i1 to i32
        %parallel_loop3A_1179 = arith.constant 0 : i32
        %parallel_loop3A_1180 = arith.cmpi slt, %parallel_loop3A_1164, %parallel_loop3A_1179 : i32
        %parallel_loop3A_1181 = arith.extui %parallel_loop3A_1180 : i1 to i32
        %parallel_loop3A_1182 = arith.subi %parallel_loop3A_1178, %parallel_loop3A_1181 : i32
        %parallel_loop3A_1183 = arith.constant 0 : i32
        %parallel_loop3A_1184 = arith.cmpi sgt, %parallel_loop3A_1174, %parallel_loop3A_1183 : i32
        %parallel_loop3A_1185 = arith.extui %parallel_loop3A_1184 : i1 to i32
        %parallel_loop3A_1186 = arith.constant 0 : i32
        %parallel_loop3A_1187 = arith.cmpi slt, %parallel_loop3A_1174, %parallel_loop3A_1186 : i32
        %parallel_loop3A_1188 = arith.extui %parallel_loop3A_1187 : i1 to i32
        %parallel_loop3A_1189 = arith.subi %parallel_loop3A_1185, %parallel_loop3A_1188 : i32
        %parallel_loop3A_1190 = arith.cmpi ne, %parallel_loop3A_1182, %parallel_loop3A_1189 : i32
        %parallel_loop3A_1191 = arith.remsi %parallel_loop3A_1164, %parallel_loop3A_1174 : i32
        %parallel_loop3A_1192 = arith.constant 0 : i32
        %parallel_loop3A_1193 = arith.cmpi ne, %parallel_loop3A_1191, %parallel_loop3A_1192 : i32
        %parallel_loop3A_1194 = arith.andi %parallel_loop3A_1190, %parallel_loop3A_1193 : i1
        %parallel_loop3A_1195 = arith.constant 1 : i32
        %parallel_loop3A_1196 = arith.subi %parallel_loop3A_1175, %parallel_loop3A_1195 : i32
        %parallel_loop3A_1197 = arith.select %parallel_loop3A_1194, %parallel_loop3A_1196, %parallel_loop3A_1175 : i32
        %parallel_loop3A_1198 = arith.constant 8 : i32
        %parallel_loop3A_1199 = arith.constant 0 : i32
        %parallel_loop3A_1200 = arith.cmpi eq, %parallel_loop3A_1198, %parallel_loop3A_1199 : i32
        %parallel_loop3A_1201 = arith.constant 1 : i32
        %parallel_loop3A_1202 = arith.select %parallel_loop3A_1200, %parallel_loop3A_1201, %parallel_loop3A_1198 : i32
        %parallel_loop3A_1203 = arith.remsi %parallel_loop3A_1164, %parallel_loop3A_1202 : i32
        %parallel_loop3A_1204 = arith.constant 0 : i32
        %parallel_loop3A_1205 = arith.cmpi ne, %parallel_loop3A_1203, %parallel_loop3A_1204 : i32
        %parallel_loop3A_1206 = arith.constant 0 : i32
        %parallel_loop3A_1207 = arith.cmpi slt, %parallel_loop3A_1203, %parallel_loop3A_1206 : i32
        %parallel_loop3A_1208 = arith.constant 0 : i32
        %parallel_loop3A_1209 = arith.cmpi slt, %parallel_loop3A_1202, %parallel_loop3A_1208 : i32
        %parallel_loop3A_1210 = arith.xori %parallel_loop3A_1207, %parallel_loop3A_1209 : i1
        %parallel_loop3A_1211 = arith.andi %parallel_loop3A_1210, %parallel_loop3A_1205 : i1
        %parallel_loop3A_1212 = arith.addi %parallel_loop3A_1203, %parallel_loop3A_1202 : i32
        %parallel_loop3A_1213 = arith.select %parallel_loop3A_1211, %parallel_loop3A_1212, %parallel_loop3A_1203 : i32
        %parallel_loop3A_1214 = arith.index_cast %parallel_loop3A_1173 : i32 to index
        %parallel_loop3A_1215 = arith.index_cast %parallel_loop3A_1197 : i32 to index
        %parallel_loop3A_1216 = arith.index_cast %parallel_loop3A_1213 : i32 to index
        %parallel_loop3A_1217 = arith.index_cast %parallel_loop3A_656 : i32 to index
        %parallel_loop3A_1218 = tpu.vector_load %arg9[%parallel_loop3A_1214, %parallel_loop3A_1215, %parallel_loop3A_1216, %parallel_loop3A_1217] {strides = array<i32>} : memref<4x8x8x128xf32, #tpu.memory_space<vmem>>, vector<16xf32>,
        tpu.vector_store %arg9[%parallel_loop3A_1214, %parallel_loop3A_1215, %parallel_loop3A_1216, %parallel_loop3A_1217], %parallel_loop3A_1171 {strides = array<i32>} : memref<4x8x8x128xf32, #tpu.memory_space<vmem>>, vector<16xf32>,
        %parallel_loop3A_1219 = arith.constant 10 : i32
        %parallel_loop3A_1220 = arith.addi %parallel_loop3A_658, %parallel_loop3A_1219 : i32
        %parallel_loop3A_1221 = arith.constant 10 : i32
        %parallel_loop3A_1222 = vector.broadcast %parallel_loop3A_1221 : i32 to vector<16xi32>
        %parallel_loop3A_1223 = arith.addi %mul3A_3, %parallel_loop3A_1222 : vector<16xi32>
        %parallel_loop3A_1224 = arith.constant 0 : i32
        %parallel_loop3A_1225 = tpu.memref_slice %arg10[%parallel_loop3A_574, %parallel_loop3A_1224] : memref<64x272xf32, #tpu.memory_space<vmem>> -> memref<1x272xf32, #tpu.memory_space<vmem>>
        %parallel_loop3A_1226 = tpu.memref_squeeze %parallel_loop3A_1225 : memref<1x272xf32, #tpu.memory_space<vmem>> -> memref<272xf32, #tpu.memory_space<vmem>>
        %parallel_loop3A_1227 = tpu.vector_load_idx %parallel_loop3A_1226[%parallel_loop3A_1223] : memref<272xf32, #tpu.memory_space<vmem>>[vector<16xi32>], vector<16xf32>,
        %parallel_loop3A_1228 = arith.constant 0 : i32
        %parallel_loop3A_1229 = arith.addi %parallel_loop3A_1228, %parallel_loop3A_598 : i32
        %parallel_loop3A_1230 = arith.constant 8 : i32
        %parallel_loop3A_1231 = arith.divsi %parallel_loop3A_1220, %parallel_loop3A_1230 : i32
        %parallel_loop3A_1232 = arith.constant 0 : i32
        %parallel_loop3A_1233 = arith.cmpi sgt, %parallel_loop3A_1220, %parallel_loop3A_1232 : i32
        %parallel_loop3A_1234 = arith.extui %parallel_loop3A_1233 : i1 to i32
        %parallel_loop3A_1235 = arith.constant 0 : i32
        %parallel_loop3A_1236 = arith.cmpi slt, %parallel_loop3A_1220, %parallel_loop3A_1235 : i32
        %parallel_loop3A_1237 = arith.extui %parallel_loop3A_1236 : i1 to i32
        %parallel_loop3A_1238 = arith.subi %parallel_loop3A_1234, %parallel_loop3A_1237 : i32
        %parallel_loop3A_1239 = arith.constant 0 : i32
        %parallel_loop3A_1240 = arith.cmpi sgt, %parallel_loop3A_1230, %parallel_loop3A_1239 : i32
        %parallel_loop3A_1241 = arith.extui %parallel_loop3A_1240 : i1 to i32
        %parallel_loop3A_1242 = arith.constant 0 : i32
        %parallel_loop3A_1243 = arith.cmpi slt, %parallel_loop3A_1230, %parallel_loop3A_1242 : i32
        %parallel_loop3A_1244 = arith.extui %parallel_loop3A_1243 : i1 to i32
        %parallel_loop3A_1245 = arith.subi %parallel_loop3A_1241, %parallel_loop3A_1244 : i32
        %parallel_loop3A_1246 = arith.cmpi ne, %parallel_loop3A_1238, %parallel_loop3A_1245 : i32
        %parallel_loop3A_1247 = arith.remsi %parallel_loop3A_1220, %parallel_loop3A_1230 : i32
        %parallel_loop3A_1248 = arith.constant 0 : i32
        %parallel_loop3A_1249 = arith.cmpi ne, %parallel_loop3A_1247, %parallel_loop3A_1248 : i32
        %parallel_loop3A_1250 = arith.andi %parallel_loop3A_1246, %parallel_loop3A_1249 : i1
        %parallel_loop3A_1251 = arith.constant 1 : i32
        %parallel_loop3A_1252 = arith.subi %parallel_loop3A_1231, %parallel_loop3A_1251 : i32
        %parallel_loop3A_1253 = arith.select %parallel_loop3A_1250, %parallel_loop3A_1252, %parallel_loop3A_1231 : i32
        %parallel_loop3A_1254 = arith.constant 8 : i32
        %parallel_loop3A_1255 = arith.constant 0 : i32
        %parallel_loop3A_1256 = arith.cmpi eq, %parallel_loop3A_1254, %parallel_loop3A_1255 : i32
        %parallel_loop3A_1257 = arith.constant 1 : i32
        %parallel_loop3A_1258 = arith.select %parallel_loop3A_1256, %parallel_loop3A_1257, %parallel_loop3A_1254 : i32
        %parallel_loop3A_1259 = arith.remsi %parallel_loop3A_1220, %parallel_loop3A_1258 : i32
        %parallel_loop3A_1260 = arith.constant 0 : i32
        %parallel_loop3A_1261 = arith.cmpi ne, %parallel_loop3A_1259, %parallel_loop3A_1260 : i32
        %parallel_loop3A_1262 = arith.constant 0 : i32
        %parallel_loop3A_1263 = arith.cmpi slt, %parallel_loop3A_1259, %parallel_loop3A_1262 : i32
        %parallel_loop3A_1264 = arith.constant 0 : i32
        %parallel_loop3A_1265 = arith.cmpi slt, %parallel_loop3A_1258, %parallel_loop3A_1264 : i32
        %parallel_loop3A_1266 = arith.xori %parallel_loop3A_1263, %parallel_loop3A_1265 : i1
        %parallel_loop3A_1267 = arith.andi %parallel_loop3A_1266, %parallel_loop3A_1261 : i1
        %parallel_loop3A_1268 = arith.addi %parallel_loop3A_1259, %parallel_loop3A_1258 : i32
        %parallel_loop3A_1269 = arith.select %parallel_loop3A_1267, %parallel_loop3A_1268, %parallel_loop3A_1259 : i32
        %parallel_loop3A_1270 = arith.index_cast %parallel_loop3A_1229 : i32 to index
        %parallel_loop3A_1271 = arith.index_cast %parallel_loop3A_1253 : i32 to index
        %parallel_loop3A_1272 = arith.index_cast %parallel_loop3A_1269 : i32 to index
        %parallel_loop3A_1273 = arith.index_cast %parallel_loop3A_656 : i32 to index
        %parallel_loop3A_1274 = tpu.vector_load %arg9[%parallel_loop3A_1270, %parallel_loop3A_1271, %parallel_loop3A_1272, %parallel_loop3A_1273] {strides = array<i32>} : memref<4x8x8x128xf32, #tpu.memory_space<vmem>>, vector<16xf32>,
        tpu.vector_store %arg9[%parallel_loop3A_1270, %parallel_loop3A_1271, %parallel_loop3A_1272, %parallel_loop3A_1273], %parallel_loop3A_1227 {strides = array<i32>} : memref<4x8x8x128xf32, #tpu.memory_space<vmem>>, vector<16xf32>,
        %parallel_loop3A_1275 = arith.constant 11 : i32
        %parallel_loop3A_1276 = arith.addi %parallel_loop3A_658, %parallel_loop3A_1275 : i32
        %parallel_loop3A_1277 = arith.constant 11 : i32
        %parallel_loop3A_1278 = vector.broadcast %parallel_loop3A_1277 : i32 to vector<16xi32>
        %parallel_loop3A_1279 = arith.addi %mul3A_3, %parallel_loop3A_1278 : vector<16xi32>
        %parallel_loop3A_1280 = arith.constant 0 : i32
        %parallel_loop3A_1281 = tpu.memref_slice %arg10[%parallel_loop3A_574, %parallel_loop3A_1280] : memref<64x272xf32, #tpu.memory_space<vmem>> -> memref<1x272xf32, #tpu.memory_space<vmem>>
        %parallel_loop3A_1282 = tpu.memref_squeeze %parallel_loop3A_1281 : memref<1x272xf32, #tpu.memory_space<vmem>> -> memref<272xf32, #tpu.memory_space<vmem>>
        %parallel_loop3A_1283 = tpu.vector_load_idx %parallel_loop3A_1282[%parallel_loop3A_1279] : memref<272xf32, #tpu.memory_space<vmem>>[vector<16xi32>], vector<16xf32>,
        %parallel_loop3A_1284 = arith.constant 0 : i32
        %parallel_loop3A_1285 = arith.addi %parallel_loop3A_1284, %parallel_loop3A_598 : i32
        %parallel_loop3A_1286 = arith.constant 8 : i32
        %parallel_loop3A_1287 = arith.divsi %parallel_loop3A_1276, %parallel_loop3A_1286 : i32
        %parallel_loop3A_1288 = arith.constant 0 : i32
        %parallel_loop3A_1289 = arith.cmpi sgt, %parallel_loop3A_1276, %parallel_loop3A_1288 : i32
        %parallel_loop3A_1290 = arith.extui %parallel_loop3A_1289 : i1 to i32
        %parallel_loop3A_1291 = arith.constant 0 : i32
        %parallel_loop3A_1292 = arith.cmpi slt, %parallel_loop3A_1276, %parallel_loop3A_1291 : i32
        %parallel_loop3A_1293 = arith.extui %parallel_loop3A_1292 : i1 to i32
        %parallel_loop3A_1294 = arith.subi %parallel_loop3A_1290, %parallel_loop3A_1293 : i32
        %parallel_loop3A_1295 = arith.constant 0 : i32
        %parallel_loop3A_1296 = arith.cmpi sgt, %parallel_loop3A_1286, %parallel_loop3A_1295 : i32
        %parallel_loop3A_1297 = arith.extui %parallel_loop3A_1296 : i1 to i32
        %parallel_loop3A_1298 = arith.constant 0 : i32
        %parallel_loop3A_1299 = arith.cmpi slt, %parallel_loop3A_1286, %parallel_loop3A_1298 : i32
        %parallel_loop3A_1300 = arith.extui %parallel_loop3A_1299 : i1 to i32
        %parallel_loop3A_1301 = arith.subi %parallel_loop3A_1297, %parallel_loop3A_1300 : i32
        %parallel_loop3A_1302 = arith.cmpi ne, %parallel_loop3A_1294, %parallel_loop3A_1301 : i32
        %parallel_loop3A_1303 = arith.remsi %parallel_loop3A_1276, %parallel_loop3A_1286 : i32
        %parallel_loop3A_1304 = arith.constant 0 : i32
        %parallel_loop3A_1305 = arith.cmpi ne, %parallel_loop3A_1303, %parallel_loop3A_1304 : i32
        %parallel_loop3A_1306 = arith.andi %parallel_loop3A_1302, %parallel_loop3A_1305 : i1
        %parallel_loop3A_1307 = arith.constant 1 : i32
        %parallel_loop3A_1308 = arith.subi %parallel_loop3A_1287, %parallel_loop3A_1307 : i32
        %parallel_loop3A_1309 = arith.select %parallel_loop3A_1306, %parallel_loop3A_1308, %parallel_loop3A_1287 : i32
        %parallel_loop3A_1310 = arith.constant 8 : i32
        %parallel_loop3A_1311 = arith.constant 0 : i32
        %parallel_loop3A_1312 = arith.cmpi eq, %parallel_loop3A_1310, %parallel_loop3A_1311 : i32
        %parallel_loop3A_1313 = arith.constant 1 : i32
        %parallel_loop3A_1314 = arith.select %parallel_loop3A_1312, %parallel_loop3A_1313, %parallel_loop3A_1310 : i32
        %parallel_loop3A_1315 = arith.remsi %parallel_loop3A_1276, %parallel_loop3A_1314 : i32
        %parallel_loop3A_1316 = arith.constant 0 : i32
        %parallel_loop3A_1317 = arith.cmpi ne, %parallel_loop3A_1315, %parallel_loop3A_1316 : i32
        %parallel_loop3A_1318 = arith.constant 0 : i32
        %parallel_loop3A_1319 = arith.cmpi slt, %parallel_loop3A_1315, %parallel_loop3A_1318 : i32
        %parallel_loop3A_1320 = arith.constant 0 : i32
        %parallel_loop3A_1321 = arith.cmpi slt, %parallel_loop3A_1314, %parallel_loop3A_1320 : i32
        %parallel_loop3A_1322 = arith.xori %parallel_loop3A_1319, %parallel_loop3A_1321 : i1
        %parallel_loop3A_1323 = arith.andi %parallel_loop3A_1322, %parallel_loop3A_1317 : i1
        %parallel_loop3A_1324 = arith.addi %parallel_loop3A_1315, %parallel_loop3A_1314 : i32
        %parallel_loop3A_1325 = arith.select %parallel_loop3A_1323, %parallel_loop3A_1324, %parallel_loop3A_1315 : i32
        %parallel_loop3A_1326 = arith.index_cast %parallel_loop3A_1285 : i32 to index
        %parallel_loop3A_1327 = arith.index_cast %parallel_loop3A_1309 : i32 to index
        %parallel_loop3A_1328 = arith.index_cast %parallel_loop3A_1325 : i32 to index
        %parallel_loop3A_1329 = arith.index_cast %parallel_loop3A_656 : i32 to index
        %parallel_loop3A_1330 = tpu.vector_load %arg9[%parallel_loop3A_1326, %parallel_loop3A_1327, %parallel_loop3A_1328, %parallel_loop3A_1329] {strides = array<i32>} : memref<4x8x8x128xf32, #tpu.memory_space<vmem>>, vector<16xf32>,
        tpu.vector_store %arg9[%parallel_loop3A_1326, %parallel_loop3A_1327, %parallel_loop3A_1328, %parallel_loop3A_1329], %parallel_loop3A_1283 {strides = array<i32>} : memref<4x8x8x128xf32, #tpu.memory_space<vmem>>, vector<16xf32>,
        %parallel_loop3A_1331 = arith.constant 12 : i32
        %parallel_loop3A_1332 = arith.addi %parallel_loop3A_658, %parallel_loop3A_1331 : i32
        %parallel_loop3A_1333 = arith.constant 12 : i32
        %parallel_loop3A_1334 = vector.broadcast %parallel_loop3A_1333 : i32 to vector<16xi32>
        %parallel_loop3A_1335 = arith.addi %mul3A_3, %parallel_loop3A_1334 : vector<16xi32>
        %parallel_loop3A_1336 = arith.constant 0 : i32
        %parallel_loop3A_1337 = tpu.memref_slice %arg10[%parallel_loop3A_574, %parallel_loop3A_1336] : memref<64x272xf32, #tpu.memory_space<vmem>> -> memref<1x272xf32, #tpu.memory_space<vmem>>
        %parallel_loop3A_1338 = tpu.memref_squeeze %parallel_loop3A_1337 : memref<1x272xf32, #tpu.memory_space<vmem>> -> memref<272xf32, #tpu.memory_space<vmem>>
        %parallel_loop3A_1339 = tpu.vector_load_idx %parallel_loop3A_1338[%parallel_loop3A_1335] : memref<272xf32, #tpu.memory_space<vmem>>[vector<16xi32>], vector<16xf32>,
        %parallel_loop3A_1340 = arith.constant 0 : i32
        %parallel_loop3A_1341 = arith.addi %parallel_loop3A_1340, %parallel_loop3A_598 : i32
        %parallel_loop3A_1342 = arith.constant 8 : i32
        %parallel_loop3A_1343 = arith.divsi %parallel_loop3A_1332, %parallel_loop3A_1342 : i32
        %parallel_loop3A_1344 = arith.constant 0 : i32
        %parallel_loop3A_1345 = arith.cmpi sgt, %parallel_loop3A_1332, %parallel_loop3A_1344 : i32
        %parallel_loop3A_1346 = arith.extui %parallel_loop3A_1345 : i1 to i32
        %parallel_loop3A_1347 = arith.constant 0 : i32
        %parallel_loop3A_1348 = arith.cmpi slt, %parallel_loop3A_1332, %parallel_loop3A_1347 : i32
        %parallel_loop3A_1349 = arith.extui %parallel_loop3A_1348 : i1 to i32
        %parallel_loop3A_1350 = arith.subi %parallel_loop3A_1346, %parallel_loop3A_1349 : i32
        %parallel_loop3A_1351 = arith.constant 0 : i32
        %parallel_loop3A_1352 = arith.cmpi sgt, %parallel_loop3A_1342, %parallel_loop3A_1351 : i32
        %parallel_loop3A_1353 = arith.extui %parallel_loop3A_1352 : i1 to i32
        %parallel_loop3A_1354 = arith.constant 0 : i32
        %parallel_loop3A_1355 = arith.cmpi slt, %parallel_loop3A_1342, %parallel_loop3A_1354 : i32
        %parallel_loop3A_1356 = arith.extui %parallel_loop3A_1355 : i1 to i32
        %parallel_loop3A_1357 = arith.subi %parallel_loop3A_1353, %parallel_loop3A_1356 : i32
        %parallel_loop3A_1358 = arith.cmpi ne, %parallel_loop3A_1350, %parallel_loop3A_1357 : i32
        %parallel_loop3A_1359 = arith.remsi %parallel_loop3A_1332, %parallel_loop3A_1342 : i32
        %parallel_loop3A_1360 = arith.constant 0 : i32
        %parallel_loop3A_1361 = arith.cmpi ne, %parallel_loop3A_1359, %parallel_loop3A_1360 : i32
        %parallel_loop3A_1362 = arith.andi %parallel_loop3A_1358, %parallel_loop3A_1361 : i1
        %parallel_loop3A_1363 = arith.constant 1 : i32
        %parallel_loop3A_1364 = arith.subi %parallel_loop3A_1343, %parallel_loop3A_1363 : i32
        %parallel_loop3A_1365 = arith.select %parallel_loop3A_1362, %parallel_loop3A_1364, %parallel_loop3A_1343 : i32
        %parallel_loop3A_1366 = arith.constant 8 : i32
        %parallel_loop3A_1367 = arith.constant 0 : i32
        %parallel_loop3A_1368 = arith.cmpi eq, %parallel_loop3A_1366, %parallel_loop3A_1367 : i32
        %parallel_loop3A_1369 = arith.constant 1 : i32
        %parallel_loop3A_1370 = arith.select %parallel_loop3A_1368, %parallel_loop3A_1369, %parallel_loop3A_1366 : i32
        %parallel_loop3A_1371 = arith.remsi %parallel_loop3A_1332, %parallel_loop3A_1370 : i32
        %parallel_loop3A_1372 = arith.constant 0 : i32
        %parallel_loop3A_1373 = arith.cmpi ne, %parallel_loop3A_1371, %parallel_loop3A_1372 : i32
        %parallel_loop3A_1374 = arith.constant 0 : i32
        %parallel_loop3A_1375 = arith.cmpi slt, %parallel_loop3A_1371, %parallel_loop3A_1374 : i32
        %parallel_loop3A_1376 = arith.constant 0 : i32
        %parallel_loop3A_1377 = arith.cmpi slt, %parallel_loop3A_1370, %parallel_loop3A_1376 : i32
        %parallel_loop3A_1378 = arith.xori %parallel_loop3A_1375, %parallel_loop3A_1377 : i1
        %parallel_loop3A_1379 = arith.andi %parallel_loop3A_1378, %parallel_loop3A_1373 : i1
        %parallel_loop3A_1380 = arith.addi %parallel_loop3A_1371, %parallel_loop3A_1370 : i32
        %parallel_loop3A_1381 = arith.select %parallel_loop3A_1379, %parallel_loop3A_1380, %parallel_loop3A_1371 : i32
        %parallel_loop3A_1382 = arith.index_cast %parallel_loop3A_1341 : i32 to index
        %parallel_loop3A_1383 = arith.index_cast %parallel_loop3A_1365 : i32 to index
        %parallel_loop3A_1384 = arith.index_cast %parallel_loop3A_1381 : i32 to index
        %parallel_loop3A_1385 = arith.index_cast %parallel_loop3A_656 : i32 to index
        %parallel_loop3A_1386 = tpu.vector_load %arg9[%parallel_loop3A_1382, %parallel_loop3A_1383, %parallel_loop3A_1384, %parallel_loop3A_1385] {strides = array<i32>} : memref<4x8x8x128xf32, #tpu.memory_space<vmem>>, vector<16xf32>,
        tpu.vector_store %arg9[%parallel_loop3A_1382, %parallel_loop3A_1383, %parallel_loop3A_1384, %parallel_loop3A_1385], %parallel_loop3A_1339 {strides = array<i32>} : memref<4x8x8x128xf32, #tpu.memory_space<vmem>>, vector<16xf32>,
        %parallel_loop3A_1387 = arith.constant 13 : i32
        %parallel_loop3A_1388 = arith.addi %parallel_loop3A_658, %parallel_loop3A_1387 : i32
        %parallel_loop3A_1389 = arith.constant 13 : i32
        %parallel_loop3A_1390 = vector.broadcast %parallel_loop3A_1389 : i32 to vector<16xi32>
        %parallel_loop3A_1391 = arith.addi %mul3A_3, %parallel_loop3A_1390 : vector<16xi32>
        %parallel_loop3A_1392 = arith.constant 0 : i32
        %parallel_loop3A_1393 = tpu.memref_slice %arg10[%parallel_loop3A_574, %parallel_loop3A_1392] : memref<64x272xf32, #tpu.memory_space<vmem>> -> memref<1x272xf32, #tpu.memory_space<vmem>>
        %parallel_loop3A_1394 = tpu.memref_squeeze %parallel_loop3A_1393 : memref<1x272xf32, #tpu.memory_space<vmem>> -> memref<272xf32, #tpu.memory_space<vmem>>
        %parallel_loop3A_1395 = tpu.vector_load_idx %parallel_loop3A_1394[%parallel_loop3A_1391] : memref<272xf32, #tpu.memory_space<vmem>>[vector<16xi32>], vector<16xf32>,
        %parallel_loop3A_1396 = arith.constant 0 : i32
        %parallel_loop3A_1397 = arith.addi %parallel_loop3A_1396, %parallel_loop3A_598 : i32
        %parallel_loop3A_1398 = arith.constant 8 : i32
        %parallel_loop3A_1399 = arith.divsi %parallel_loop3A_1388, %parallel_loop3A_1398 : i32
        %parallel_loop3A_1400 = arith.constant 0 : i32
        %parallel_loop3A_1401 = arith.cmpi sgt, %parallel_loop3A_1388, %parallel_loop3A_1400 : i32
        %parallel_loop3A_1402 = arith.extui %parallel_loop3A_1401 : i1 to i32
        %parallel_loop3A_1403 = arith.constant 0 : i32
        %parallel_loop3A_1404 = arith.cmpi slt, %parallel_loop3A_1388, %parallel_loop3A_1403 : i32
        %parallel_loop3A_1405 = arith.extui %parallel_loop3A_1404 : i1 to i32
        %parallel_loop3A_1406 = arith.subi %parallel_loop3A_1402, %parallel_loop3A_1405 : i32
        %parallel_loop3A_1407 = arith.constant 0 : i32
        %parallel_loop3A_1408 = arith.cmpi sgt, %parallel_loop3A_1398, %parallel_loop3A_1407 : i32
        %parallel_loop3A_1409 = arith.extui %parallel_loop3A_1408 : i1 to i32
        %parallel_loop3A_1410 = arith.constant 0 : i32
        %parallel_loop3A_1411 = arith.cmpi slt, %parallel_loop3A_1398, %parallel_loop3A_1410 : i32
        %parallel_loop3A_1412 = arith.extui %parallel_loop3A_1411 : i1 to i32
        %parallel_loop3A_1413 = arith.subi %parallel_loop3A_1409, %parallel_loop3A_1412 : i32
        %parallel_loop3A_1414 = arith.cmpi ne, %parallel_loop3A_1406, %parallel_loop3A_1413 : i32
        %parallel_loop3A_1415 = arith.remsi %parallel_loop3A_1388, %parallel_loop3A_1398 : i32
        %parallel_loop3A_1416 = arith.constant 0 : i32
        %parallel_loop3A_1417 = arith.cmpi ne, %parallel_loop3A_1415, %parallel_loop3A_1416 : i32
        %parallel_loop3A_1418 = arith.andi %parallel_loop3A_1414, %parallel_loop3A_1417 : i1
        %parallel_loop3A_1419 = arith.constant 1 : i32
        %parallel_loop3A_1420 = arith.subi %parallel_loop3A_1399, %parallel_loop3A_1419 : i32
        %parallel_loop3A_1421 = arith.select %parallel_loop3A_1418, %parallel_loop3A_1420, %parallel_loop3A_1399 : i32
        %parallel_loop3A_1422 = arith.constant 8 : i32
        %parallel_loop3A_1423 = arith.constant 0 : i32
        %parallel_loop3A_1424 = arith.cmpi eq, %parallel_loop3A_1422, %parallel_loop3A_1423 : i32
        %parallel_loop3A_1425 = arith.constant 1 : i32
        %parallel_loop3A_1426 = arith.select %parallel_loop3A_1424, %parallel_loop3A_1425, %parallel_loop3A_1422 : i32
        %parallel_loop3A_1427 = arith.remsi %parallel_loop3A_1388, %parallel_loop3A_1426 : i32
        %parallel_loop3A_1428 = arith.constant 0 : i32
        %parallel_loop3A_1429 = arith.cmpi ne, %parallel_loop3A_1427, %parallel_loop3A_1428 : i32
        %parallel_loop3A_1430 = arith.constant 0 : i32
        %parallel_loop3A_1431 = arith.cmpi slt, %parallel_loop3A_1427, %parallel_loop3A_1430 : i32
        %parallel_loop3A_1432 = arith.constant 0 : i32
        %parallel_loop3A_1433 = arith.cmpi slt, %parallel_loop3A_1426, %parallel_loop3A_1432 : i32
        %parallel_loop3A_1434 = arith.xori %parallel_loop3A_1431, %parallel_loop3A_1433 : i1
        %parallel_loop3A_1435 = arith.andi %parallel_loop3A_1434, %parallel_loop3A_1429 : i1
        %parallel_loop3A_1436 = arith.addi %parallel_loop3A_1427, %parallel_loop3A_1426 : i32
        %parallel_loop3A_1437 = arith.select %parallel_loop3A_1435, %parallel_loop3A_1436, %parallel_loop3A_1427 : i32
        %parallel_loop3A_1438 = arith.index_cast %parallel_loop3A_1397 : i32 to index
        %parallel_loop3A_1439 = arith.index_cast %parallel_loop3A_1421 : i32 to index
        %parallel_loop3A_1440 = arith.index_cast %parallel_loop3A_1437 : i32 to index
        %parallel_loop3A_1441 = arith.index_cast %parallel_loop3A_656 : i32 to index
        %parallel_loop3A_1442 = tpu.vector_load %arg9[%parallel_loop3A_1438, %parallel_loop3A_1439, %parallel_loop3A_1440, %parallel_loop3A_1441] {strides = array<i32>} : memref<4x8x8x128xf32, #tpu.memory_space<vmem>>, vector<16xf32>,
        tpu.vector_store %arg9[%parallel_loop3A_1438, %parallel_loop3A_1439, %parallel_loop3A_1440, %parallel_loop3A_1441], %parallel_loop3A_1395 {strides = array<i32>} : memref<4x8x8x128xf32, #tpu.memory_space<vmem>>, vector<16xf32>,
        %parallel_loop3A_1443 = arith.constant 14 : i32
        %parallel_loop3A_1444 = arith.addi %parallel_loop3A_658, %parallel_loop3A_1443 : i32
        %parallel_loop3A_1445 = arith.constant 14 : i32
        %parallel_loop3A_1446 = vector.broadcast %parallel_loop3A_1445 : i32 to vector<16xi32>
        %parallel_loop3A_1447 = arith.addi %mul3A_3, %parallel_loop3A_1446 : vector<16xi32>
        %parallel_loop3A_1448 = arith.constant 0 : i32
        %parallel_loop3A_1449 = tpu.memref_slice %arg10[%parallel_loop3A_574, %parallel_loop3A_1448] : memref<64x272xf32, #tpu.memory_space<vmem>> -> memref<1x272xf32, #tpu.memory_space<vmem>>
        %parallel_loop3A_1450 = tpu.memref_squeeze %parallel_loop3A_1449 : memref<1x272xf32, #tpu.memory_space<vmem>> -> memref<272xf32, #tpu.memory_space<vmem>>
        %parallel_loop3A_1451 = tpu.vector_load_idx %parallel_loop3A_1450[%parallel_loop3A_1447] : memref<272xf32, #tpu.memory_space<vmem>>[vector<16xi32>], vector<16xf32>,
        %parallel_loop3A_1452 = arith.constant 0 : i32
        %parallel_loop3A_1453 = arith.addi %parallel_loop3A_1452, %parallel_loop3A_598 : i32
        %parallel_loop3A_1454 = arith.constant 8 : i32
        %parallel_loop3A_1455 = arith.divsi %parallel_loop3A_1444, %parallel_loop3A_1454 : i32
        %parallel_loop3A_1456 = arith.constant 0 : i32
        %parallel_loop3A_1457 = arith.cmpi sgt, %parallel_loop3A_1444, %parallel_loop3A_1456 : i32
        %parallel_loop3A_1458 = arith.extui %parallel_loop3A_1457 : i1 to i32
        %parallel_loop3A_1459 = arith.constant 0 : i32
        %parallel_loop3A_1460 = arith.cmpi slt, %parallel_loop3A_1444, %parallel_loop3A_1459 : i32
        %parallel_loop3A_1461 = arith.extui %parallel_loop3A_1460 : i1 to i32
        %parallel_loop3A_1462 = arith.subi %parallel_loop3A_1458, %parallel_loop3A_1461 : i32
        %parallel_loop3A_1463 = arith.constant 0 : i32
        %parallel_loop3A_1464 = arith.cmpi sgt, %parallel_loop3A_1454, %parallel_loop3A_1463 : i32
        %parallel_loop3A_1465 = arith.extui %parallel_loop3A_1464 : i1 to i32
        %parallel_loop3A_1466 = arith.constant 0 : i32
        %parallel_loop3A_1467 = arith.cmpi slt, %parallel_loop3A_1454, %parallel_loop3A_1466 : i32
        %parallel_loop3A_1468 = arith.extui %parallel_loop3A_1467 : i1 to i32
        %parallel_loop3A_1469 = arith.subi %parallel_loop3A_1465, %parallel_loop3A_1468 : i32
        %parallel_loop3A_1470 = arith.cmpi ne, %parallel_loop3A_1462, %parallel_loop3A_1469 : i32
        %parallel_loop3A_1471 = arith.remsi %parallel_loop3A_1444, %parallel_loop3A_1454 : i32
        %parallel_loop3A_1472 = arith.constant 0 : i32
        %parallel_loop3A_1473 = arith.cmpi ne, %parallel_loop3A_1471, %parallel_loop3A_1472 : i32
        %parallel_loop3A_1474 = arith.andi %parallel_loop3A_1470, %parallel_loop3A_1473 : i1
        %parallel_loop3A_1475 = arith.constant 1 : i32
        %parallel_loop3A_1476 = arith.subi %parallel_loop3A_1455, %parallel_loop3A_1475 : i32
        %parallel_loop3A_1477 = arith.select %parallel_loop3A_1474, %parallel_loop3A_1476, %parallel_loop3A_1455 : i32
        %parallel_loop3A_1478 = arith.constant 8 : i32
        %parallel_loop3A_1479 = arith.constant 0 : i32
        %parallel_loop3A_1480 = arith.cmpi eq, %parallel_loop3A_1478, %parallel_loop3A_1479 : i32
        %parallel_loop3A_1481 = arith.constant 1 : i32
        %parallel_loop3A_1482 = arith.select %parallel_loop3A_1480, %parallel_loop3A_1481, %parallel_loop3A_1478 : i32
        %parallel_loop3A_1483 = arith.remsi %parallel_loop3A_1444, %parallel_loop3A_1482 : i32
        %parallel_loop3A_1484 = arith.constant 0 : i32
        %parallel_loop3A_1485 = arith.cmpi ne, %parallel_loop3A_1483, %parallel_loop3A_1484 : i32
        %parallel_loop3A_1486 = arith.constant 0 : i32
        %parallel_loop3A_1487 = arith.cmpi slt, %parallel_loop3A_1483, %parallel_loop3A_1486 : i32
        %parallel_loop3A_1488 = arith.constant 0 : i32
        %parallel_loop3A_1489 = arith.cmpi slt, %parallel_loop3A_1482, %parallel_loop3A_1488 : i32
        %parallel_loop3A_1490 = arith.xori %parallel_loop3A_1487, %parallel_loop3A_1489 : i1
        %parallel_loop3A_1491 = arith.andi %parallel_loop3A_1490, %parallel_loop3A_1485 : i1
        %parallel_loop3A_1492 = arith.addi %parallel_loop3A_1483, %parallel_loop3A_1482 : i32
        %parallel_loop3A_1493 = arith.select %parallel_loop3A_1491, %parallel_loop3A_1492, %parallel_loop3A_1483 : i32
        %parallel_loop3A_1494 = arith.index_cast %parallel_loop3A_1453 : i32 to index
        %parallel_loop3A_1495 = arith.index_cast %parallel_loop3A_1477 : i32 to index
        %parallel_loop3A_1496 = arith.index_cast %parallel_loop3A_1493 : i32 to index
        %parallel_loop3A_1497 = arith.index_cast %parallel_loop3A_656 : i32 to index
        %parallel_loop3A_1498 = tpu.vector_load %arg9[%parallel_loop3A_1494, %parallel_loop3A_1495, %parallel_loop3A_1496, %parallel_loop3A_1497] {strides = array<i32>} : memref<4x8x8x128xf32, #tpu.memory_space<vmem>>, vector<16xf32>,
        tpu.vector_store %arg9[%parallel_loop3A_1494, %parallel_loop3A_1495, %parallel_loop3A_1496, %parallel_loop3A_1497], %parallel_loop3A_1451 {strides = array<i32>} : memref<4x8x8x128xf32, #tpu.memory_space<vmem>>, vector<16xf32>,
        %parallel_loop3A_1499 = arith.constant 15 : i32
        %parallel_loop3A_1500 = arith.addi %parallel_loop3A_658, %parallel_loop3A_1499 : i32
        %parallel_loop3A_1501 = arith.constant 15 : i32
        %parallel_loop3A_1502 = vector.broadcast %parallel_loop3A_1501 : i32 to vector<16xi32>
        %parallel_loop3A_1503 = arith.addi %mul3A_3, %parallel_loop3A_1502 : vector<16xi32>
        %parallel_loop3A_1504 = arith.constant 0 : i32
        %parallel_loop3A_1505 = tpu.memref_slice %arg10[%parallel_loop3A_574, %parallel_loop3A_1504] : memref<64x272xf32, #tpu.memory_space<vmem>> -> memref<1x272xf32, #tpu.memory_space<vmem>>
        %parallel_loop3A_1506 = tpu.memref_squeeze %parallel_loop3A_1505 : memref<1x272xf32, #tpu.memory_space<vmem>> -> memref<272xf32, #tpu.memory_space<vmem>>
        %parallel_loop3A_1507 = tpu.vector_load_idx %parallel_loop3A_1506[%parallel_loop3A_1503] : memref<272xf32, #tpu.memory_space<vmem>>[vector<16xi32>], vector<16xf32>,
        %parallel_loop3A_1508 = arith.constant 0 : i32
        %parallel_loop3A_1509 = arith.addi %parallel_loop3A_1508, %parallel_loop3A_598 : i32
        %parallel_loop3A_1510 = arith.constant 8 : i32
        %parallel_loop3A_1511 = arith.divsi %parallel_loop3A_1500, %parallel_loop3A_1510 : i32
        %parallel_loop3A_1512 = arith.constant 0 : i32
        %parallel_loop3A_1513 = arith.cmpi sgt, %parallel_loop3A_1500, %parallel_loop3A_1512 : i32
        %parallel_loop3A_1514 = arith.extui %parallel_loop3A_1513 : i1 to i32
        %parallel_loop3A_1515 = arith.constant 0 : i32
        %parallel_loop3A_1516 = arith.cmpi slt, %parallel_loop3A_1500, %parallel_loop3A_1515 : i32
        %parallel_loop3A_1517 = arith.extui %parallel_loop3A_1516 : i1 to i32
        %parallel_loop3A_1518 = arith.subi %parallel_loop3A_1514, %parallel_loop3A_1517 : i32
        %parallel_loop3A_1519 = arith.constant 0 : i32
        %parallel_loop3A_1520 = arith.cmpi sgt, %parallel_loop3A_1510, %parallel_loop3A_1519 : i32
        %parallel_loop3A_1521 = arith.extui %parallel_loop3A_1520 : i1 to i32
        %parallel_loop3A_1522 = arith.constant 0 : i32
        %parallel_loop3A_1523 = arith.cmpi slt, %parallel_loop3A_1510, %parallel_loop3A_1522 : i32
        %parallel_loop3A_1524 = arith.extui %parallel_loop3A_1523 : i1 to i32
        %parallel_loop3A_1525 = arith.subi %parallel_loop3A_1521, %parallel_loop3A_1524 : i32
        %parallel_loop3A_1526 = arith.cmpi ne, %parallel_loop3A_1518, %parallel_loop3A_1525 : i32
        %parallel_loop3A_1527 = arith.remsi %parallel_loop3A_1500, %parallel_loop3A_1510 : i32
        %parallel_loop3A_1528 = arith.constant 0 : i32
        %parallel_loop3A_1529 = arith.cmpi ne, %parallel_loop3A_1527, %parallel_loop3A_1528 : i32
        %parallel_loop3A_1530 = arith.andi %parallel_loop3A_1526, %parallel_loop3A_1529 : i1
        %parallel_loop3A_1531 = arith.constant 1 : i32
        %parallel_loop3A_1532 = arith.subi %parallel_loop3A_1511, %parallel_loop3A_1531 : i32
        %parallel_loop3A_1533 = arith.select %parallel_loop3A_1530, %parallel_loop3A_1532, %parallel_loop3A_1511 : i32
        %parallel_loop3A_1534 = arith.constant 8 : i32
        %parallel_loop3A_1535 = arith.constant 0 : i32
        %parallel_loop3A_1536 = arith.cmpi eq, %parallel_loop3A_1534, %parallel_loop3A_1535 : i32
        %parallel_loop3A_1537 = arith.constant 1 : i32
        %parallel_loop3A_1538 = arith.select %parallel_loop3A_1536, %parallel_loop3A_1537, %parallel_loop3A_1534 : i32
        %parallel_loop3A_1539 = arith.remsi %parallel_loop3A_1500, %parallel_loop3A_1538 : i32
        %parallel_loop3A_1540 = arith.constant 0 : i32
        %parallel_loop3A_1541 = arith.cmpi ne, %parallel_loop3A_1539, %parallel_loop3A_1540 : i32
        %parallel_loop3A_1542 = arith.constant 0 : i32
        %parallel_loop3A_1543 = arith.cmpi slt, %parallel_loop3A_1539, %parallel_loop3A_1542 : i32
        %parallel_loop3A_1544 = arith.constant 0 : i32
        %parallel_loop3A_1545 = arith.cmpi slt, %parallel_loop3A_1538, %parallel_loop3A_1544 : i32
        %parallel_loop3A_1546 = arith.xori %parallel_loop3A_1543, %parallel_loop3A_1545 : i1
        %parallel_loop3A_1547 = arith.andi %parallel_loop3A_1546, %parallel_loop3A_1541 : i1
        %parallel_loop3A_1548 = arith.addi %parallel_loop3A_1539, %parallel_loop3A_1538 : i32
        %parallel_loop3A_1549 = arith.select %parallel_loop3A_1547, %parallel_loop3A_1548, %parallel_loop3A_1539 : i32
        %parallel_loop3A_1550 = arith.index_cast %parallel_loop3A_1509 : i32 to index
        %parallel_loop3A_1551 = arith.index_cast %parallel_loop3A_1533 : i32 to index
        %parallel_loop3A_1552 = arith.index_cast %parallel_loop3A_1549 : i32 to index
        %parallel_loop3A_1553 = arith.index_cast %parallel_loop3A_656 : i32 to index
        %parallel_loop3A_1554 = tpu.vector_load %arg9[%parallel_loop3A_1550, %parallel_loop3A_1551, %parallel_loop3A_1552, %parallel_loop3A_1553] {strides = array<i32>} : memref<4x8x8x128xf32, #tpu.memory_space<vmem>>, vector<16xf32>,
        tpu.vector_store %arg9[%parallel_loop3A_1550, %parallel_loop3A_1551, %parallel_loop3A_1552, %parallel_loop3A_1553], %parallel_loop3A_1507 {strides = array<i32>} : memref<4x8x8x128xf32, #tpu.memory_space<vmem>>, vector<16xf32>,
      } {sc.loop_unroll_factor = 1 : i64, sc.parallel_access}
      %add3A_298 = arith.constant 0 : i32
      %add3A_299 = arith.addi %add3A_179, %add3A_298 : i32
      %add3A_300 = arith.constant 4 : i32
      %add3A_301 = arith.addi %add3A_299, %add3A_300 : i32
      %lt3A_302 = arith.constant 200 : i32
      %lt3A_303 = arith.cmpi slt, %add3A_301, %lt3A_302 : i32
      %convert_element_type3A_304 = arith.extui %lt3A_303 : i1 to i32
      %cond3A_305 = arith.constant 0 : i32
      %cond3A_306 = arith.cmpi ne, %convert_element_type3A_304, %cond3A_305 : i32
      scf.if %cond3A_306 {
        %jit3A_574 = arith.constant 8 : i32
        %div3A_575 = arith.divsi %add3A_301, %jit3A_574 : i32
        %sign3A_576 = arith.constant 0 : i32
        %sign3A_577 = arith.cmpi sgt, %add3A_301, %sign3A_576 : i32
        %sign3A_578 = arith.extui %sign3A_577 : i1 to i32
        %sign3A_579 = arith.constant 0 : i32
        %sign3A_580 = arith.cmpi slt, %add3A_301, %sign3A_579 : i32
        %sign3A_581 = arith.extui %sign3A_580 : i1 to i32
        %sign3A_582 = arith.subi %sign3A_578, %sign3A_581 : i32
        %sign3A_583 = arith.constant 0 : i32
        %sign3A_584 = arith.cmpi sgt, %jit3A_574, %sign3A_583 : i32
        %sign3A_585 = arith.extui %sign3A_584 : i1 to i32
        %sign3A_586 = arith.constant 0 : i32
        %sign3A_587 = arith.cmpi slt, %jit3A_574, %sign3A_586 : i32
        %sign3A_588 = arith.extui %sign3A_587 : i1 to i32
        %sign3A_589 = arith.subi %sign3A_585, %sign3A_588 : i32
        %ne3A_590 = arith.cmpi ne, %sign3A_582, %sign3A_589 : i32
        %rem3A_591 = arith.remsi %add3A_301, %jit3A_574 : i32
        %ne3A_592 = arith.constant 0 : i32
        %ne3A_593 = arith.cmpi ne, %rem3A_591, %ne3A_592 : i32
        %and3A_594 = arith.andi %ne3A_590, %ne3A_593 : i1
        %sub3A_595 = arith.constant 1 : i32
        %sub3A_596 = arith.subi %div3A_575, %sub3A_595 : i32
        %select_n3A_597 = arith.select %and3A_594, %sub3A_596, %div3A_575 : i32
        %jit3A_598 = arith.constant 8 : i32
        %eq3A_599 = arith.constant 0 : i32
        %eq3A_600 = arith.cmpi eq, %jit3A_598, %eq3A_599 : i32
        %jit3A_601 = arith.constant 1 : i32
        %select_n3A_602 = arith.select %eq3A_600, %jit3A_601, %jit3A_598 : i32
        %rem3A_603 = arith.remsi %add3A_301, %select_n3A_602 : i32
        %ne3A_604 = arith.constant 0 : i32
        %ne3A_605 = arith.cmpi ne, %rem3A_603, %ne3A_604 : i32
        %lt3A_606 = arith.constant 0 : i32
        %lt3A_607 = arith.cmpi slt, %rem3A_603, %lt3A_606 : i32
        %lt3A_608 = arith.constant 0 : i32
        %lt3A_609 = arith.cmpi slt, %select_n3A_602, %lt3A_608 : i32
        %ne3A_610 = arith.xori %lt3A_607, %lt3A_609 : i1
        %and3A_611 = arith.andi %ne3A_610, %ne3A_605 : i1
        %add3A_612 = arith.addi %rem3A_603, %select_n3A_602 : i32
        %select_n3A_613 = arith.select %and3A_611, %add3A_612, %rem3A_603 : i32
        %dma_start3A_614 = arith.constant 0 : i32
        %dma_start3A_615 = arith.constant 0 : i32
        %dma_start3A_616 = arith.constant 0 : i32
        %dma_start3A_617 = arith.constant 0 : i32
        %dma_start3A_618 = tpu.memref_slice %arg8[%dma_start3A_614, %dma_start3A_616, %dma_start3A_617] : memref<4x128x64xf32, #tpu.memory_space<vmem>> -> memref<1x128x64xf32, #tpu.memory_space<vmem>>
        %dma_start3A_619 = tpu.memref_squeeze %dma_start3A_618 : memref<1x128x64xf32, #tpu.memory_space<vmem>> -> memref<128x64xf32, #tpu.memory_space<vmem>>
        %dma_start3A_620 = arith.constant 0 : i32
        %dma_start3A_621 = tpu.memref_slice %arg6[%select_n3A_597, %select_n3A_613, %dma_start3A_620] : memref<25x8x128xi32, #tpu.memory_space<vmem>> -> memref<1x1x128xi32, #tpu.memory_space<vmem>>
        %dma_start3A_622 = tpu.memref_squeeze %dma_start3A_621 : memref<1x1x128xi32, #tpu.memory_space<vmem>> -> memref<128xi32, #tpu.memory_space<vmem>>
        %dma_start3A_623 = arith.constant 0 : i32
        %dma_start3A_624 = arith.constant 0 : i32
        %dma_start3A_625 = tpu.memref_slice %arg3[%dma_start3A_623, %dma_start3A_624] : memref<100000x64xf32, #tpu.memory_space<hbm>> -> memref<100000x64xf32, #tpu.memory_space<hbm>>
        %dma_start3A_626 = tpu.memref_slice %arg11[%dma_start3A_615] : memref<4x!tpu.dma_semaphore, #tpu.memory_space<semaphore_mem>> -> memref<1x!tpu.dma_semaphore, #tpu.memory_space<semaphore_mem>>
        %dma_start3A_627 = tpu.memref_squeeze %dma_start3A_626 : memref<1x!tpu.dma_semaphore, #tpu.memory_space<semaphore_mem>> -> memref<!tpu.dma_semaphore, #tpu.memory_space<semaphore_mem>>
        tpu.enqueue_indirect_dma source(%dma_start3A_625 : memref<100000x64xf32, #tpu.memory_space<hbm>>) target(%dma_start3A_619 : memref<128x64xf32, #tpu.memory_space<vmem>>) offsets(%dma_start3A_622 : memref<128xi32, #tpu.memory_space<vmem>>) semaphore(%dma_start3A_627 : memref<!tpu.dma_semaphore, #tpu.memory_space<semaphore_mem>>)
      } else {
      }
      %add3A_307 = arith.constant 0 : i32
      %add3A_308 = arith.addi %add3A_179, %add3A_307 : i32
      %dma_start3A_309 = arith.constant 0 : i32
      %dma_start3A_310 = arith.constant 0 : i32
      %dma_start3A_311 = arith.constant 0 : i32
      %dma_start3A_312 = arith.constant 0 : i32
      %dma_start3A_313 = arith.constant 0 : i32
      %dma_start3A_314 = tpu.memref_slice %arg9[%dma_start3A_309, %dma_start3A_311, %dma_start3A_312, %dma_start3A_313] : memref<4x8x8x128xf32, #tpu.memory_space<vmem>> -> memref<1x8x8x128xf32, #tpu.memory_space<vmem>>
      %dma_start3A_315 = tpu.memref_squeeze %dma_start3A_314 : memref<1x8x8x128xf32, #tpu.memory_space<vmem>> -> memref<8x8x128xf32, #tpu.memory_space<vmem>>
      %dma_start3A_316 = arith.constant 0 : i32
      %dma_start3A_317 = arith.constant 0 : i32
      %dma_start3A_318 = arith.constant 0 : i32
      %dma_start3A_319 = tpu.memref_slice %arg5[%add3A_308, %dma_start3A_316, %add3A, %dma_start3A_317, %dma_start3A_318] : memref<200x8x32x8x128xf32, #tpu.memory_space<hbm>> -> memref<1x8x1x8x128xf32, #tpu.memory_space<hbm>>
      %dma_start3A_320 = tpu.memref_squeeze %dma_start3A_319 : memref<1x8x1x8x128xf32, #tpu.memory_space<hbm>> -> memref<8x8x128xf32, #tpu.memory_space<hbm>>
      %dma_start3A_321 = tpu.memref_slice %arg12[%dma_start3A_310] : memref<4x!tpu.dma_semaphore, #tpu.memory_space<semaphore_mem>> -> memref<1x!tpu.dma_semaphore, #tpu.memory_space<semaphore_mem>>
      %dma_start3A_322 = tpu.memref_squeeze %dma_start3A_321 : memref<1x!tpu.dma_semaphore, #tpu.memory_space<semaphore_mem>> -> memref<!tpu.dma_semaphore, #tpu.memory_space<semaphore_mem>>
      %dma_start3A_323 = arith.constant 0 : i32
      %dma_start3A_324 = arith.constant 0 : i32
      %dma_start3A_325 = arith.constant 0 : i32
      %dma_start3A_326 = tpu.memref_slice %arg5[%add3A_308, %dma_start3A_323, %add3A, %dma_start3A_324, %dma_start3A_325] : memref<200x8x32x8x128xf32, #tpu.memory_space<hbm>> -> memref<1x8x1x8x128xf32, #tpu.memory_space<hbm>>
      %dma_start3A_327 = tpu.memref_squeeze %dma_start3A_326 : memref<1x8x1x8x128xf32, #tpu.memory_space<hbm>> -> memref<8x8x128xf32, #tpu.memory_space<hbm>>
      %dma_start3A_328 = arith.constant 0 : i32
      %dma_start3A_329 = arith.constant 0 : i32
      %dma_start3A_330 = arith.constant 0 : i32
      %dma_start3A_331 = tpu.memref_slice %arg9[%dma_start3A_309, %dma_start3A_328, %dma_start3A_329, %dma_start3A_330] : memref<4x8x8x128xf32, #tpu.memory_space<vmem>> -> memref<1x8x8x128xf32, #tpu.memory_space<vmem>>
      %dma_start3A_332 = tpu.memref_squeeze %dma_start3A_331 : memref<1x8x8x128xf32, #tpu.memory_space<vmem>> -> memref<8x8x128xf32, #tpu.memory_space<vmem>>
      tpu.enqueue_dma source(%dma_start3A_332 : memref<8x8x128xf32, #tpu.memory_space<vmem>>) target(%dma_start3A_327 : memref<8x8x128xf32, #tpu.memory_space<hbm>>) target_semaphore(%dma_start3A_322 : memref<!tpu.dma_semaphore, #tpu.memory_space<semaphore_mem>>)
      %add3A_333 = arith.constant 1 : i32
      %add3A_334 = arith.addi %add3A_179, %add3A_333 : i32
      %add3A_335 = arith.constant 4 : i32
      %add3A_336 = arith.addi %add3A_334, %add3A_335 : i32
      %lt3A_337 = arith.constant 200 : i32
      %lt3A_338 = arith.cmpi slt, %add3A_336, %lt3A_337 : i32
      %convert_element_type3A_339 = arith.extui %lt3A_338 : i1 to i32
      %cond3A_340 = arith.constant 0 : i32
      %cond3A_341 = arith.cmpi ne, %convert_element_type3A_339, %cond3A_340 : i32
      scf.if %cond3A_341 {
        %jit3A_574 = arith.constant 8 : i32
        %div3A_575 = arith.divsi %add3A_336, %jit3A_574 : i32
        %sign3A_576 = arith.constant 0 : i32
        %sign3A_577 = arith.cmpi sgt, %add3A_336, %sign3A_576 : i32
        %sign3A_578 = arith.extui %sign3A_577 : i1 to i32
        %sign3A_579 = arith.constant 0 : i32
        %sign3A_580 = arith.cmpi slt, %add3A_336, %sign3A_579 : i32
        %sign3A_581 = arith.extui %sign3A_580 : i1 to i32
        %sign3A_582 = arith.subi %sign3A_578, %sign3A_581 : i32
        %sign3A_583 = arith.constant 0 : i32
        %sign3A_584 = arith.cmpi sgt, %jit3A_574, %sign3A_583 : i32
        %sign3A_585 = arith.extui %sign3A_584 : i1 to i32
        %sign3A_586 = arith.constant 0 : i32
        %sign3A_587 = arith.cmpi slt, %jit3A_574, %sign3A_586 : i32
        %sign3A_588 = arith.extui %sign3A_587 : i1 to i32
        %sign3A_589 = arith.subi %sign3A_585, %sign3A_588 : i32
        %ne3A_590 = arith.cmpi ne, %sign3A_582, %sign3A_589 : i32
        %rem3A_591 = arith.remsi %add3A_336, %jit3A_574 : i32
        %ne3A_592 = arith.constant 0 : i32
        %ne3A_593 = arith.cmpi ne, %rem3A_591, %ne3A_592 : i32
        %and3A_594 = arith.andi %ne3A_590, %ne3A_593 : i1
        %sub3A_595 = arith.constant 1 : i32
        %sub3A_596 = arith.subi %div3A_575, %sub3A_595 : i32
        %select_n3A_597 = arith.select %and3A_594, %sub3A_596, %div3A_575 : i32
        %jit3A_598 = arith.constant 8 : i32
        %eq3A_599 = arith.constant 0 : i32
        %eq3A_600 = arith.cmpi eq, %jit3A_598, %eq3A_599 : i32
        %jit3A_601 = arith.constant 1 : i32
        %select_n3A_602 = arith.select %eq3A_600, %jit3A_601, %jit3A_598 : i32
        %rem3A_603 = arith.remsi %add3A_336, %select_n3A_602 : i32
        %ne3A_604 = arith.constant 0 : i32
        %ne3A_605 = arith.cmpi ne, %rem3A_603, %ne3A_604 : i32
        %lt3A_606 = arith.constant 0 : i32
        %lt3A_607 = arith.cmpi slt, %rem3A_603, %lt3A_606 : i32
        %lt3A_608 = arith.constant 0 : i32
        %lt3A_609 = arith.cmpi slt, %select_n3A_602, %lt3A_608 : i32
        %ne3A_610 = arith.xori %lt3A_607, %lt3A_609 : i1
        %and3A_611 = arith.andi %ne3A_610, %ne3A_605 : i1
        %add3A_612 = arith.addi %rem3A_603, %select_n3A_602 : i32
        %select_n3A_613 = arith.select %and3A_611, %add3A_612, %rem3A_603 : i32
        %dma_start3A_614 = arith.constant 1 : i32
        %dma_start3A_615 = arith.constant 1 : i32
        %dma_start3A_616 = arith.constant 0 : i32
        %dma_start3A_617 = arith.constant 0 : i32
        %dma_start3A_618 = tpu.memref_slice %arg8[%dma_start3A_614, %dma_start3A_616, %dma_start3A_617] : memref<4x128x64xf32, #tpu.memory_space<vmem>> -> memref<1x128x64xf32, #tpu.memory_space<vmem>>
        %dma_start3A_619 = tpu.memref_squeeze %dma_start3A_618 : memref<1x128x64xf32, #tpu.memory_space<vmem>> -> memref<128x64xf32, #tpu.memory_space<vmem>>
        %dma_start3A_620 = arith.constant 0 : i32
        %dma_start3A_621 = tpu.memref_slice %arg6[%select_n3A_597, %select_n3A_613, %dma_start3A_620] : memref<25x8x128xi32, #tpu.memory_space<vmem>> -> memref<1x1x128xi32, #tpu.memory_space<vmem>>
        %dma_start3A_622 = tpu.memref_squeeze %dma_start3A_621 : memref<1x1x128xi32, #tpu.memory_space<vmem>> -> memref<128xi32, #tpu.memory_space<vmem>>
        %dma_start3A_623 = arith.constant 0 : i32
        %dma_start3A_624 = arith.constant 0 : i32
        %dma_start3A_625 = tpu.memref_slice %arg3[%dma_start3A_623, %dma_start3A_624] : memref<100000x64xf32, #tpu.memory_space<hbm>> -> memref<100000x64xf32, #tpu.memory_space<hbm>>
        %dma_start3A_626 = tpu.memref_slice %arg11[%dma_start3A_615] : memref<4x!tpu.dma_semaphore, #tpu.memory_space<semaphore_mem>> -> memref<1x!tpu.dma_semaphore, #tpu.memory_space<semaphore_mem>>
        %dma_start3A_627 = tpu.memref_squeeze %dma_start3A_626 : memref<1x!tpu.dma_semaphore, #tpu.memory_space<semaphore_mem>> -> memref<!tpu.dma_semaphore, #tpu.memory_space<semaphore_mem>>
        tpu.enqueue_indirect_dma source(%dma_start3A_625 : memref<100000x64xf32, #tpu.memory_space<hbm>>) target(%dma_start3A_619 : memref<128x64xf32, #tpu.memory_space<vmem>>) offsets(%dma_start3A_622 : memref<128xi32, #tpu.memory_space<vmem>>) semaphore(%dma_start3A_627 : memref<!tpu.dma_semaphore, #tpu.memory_space<semaphore_mem>>)
      } else {
      }
      %add3A_342 = arith.constant 1 : i32
      %add3A_343 = arith.addi %add3A_179, %add3A_342 : i32
      %dma_start3A_344 = arith.constant 1 : i32
      %dma_start3A_345 = arith.constant 1 : i32
      %dma_start3A_346 = arith.constant 0 : i32
      %dma_start3A_347 = arith.constant 0 : i32
      %dma_start3A_348 = arith.constant 0 : i32
      %dma_start3A_349 = tpu.memref_slice %arg9[%dma_start3A_344, %dma_start3A_346, %dma_start3A_347, %dma_start3A_348] : memref<4x8x8x128xf32, #tpu.memory_space<vmem>> -> memref<1x8x8x128xf32, #tpu.memory_space<vmem>>
      %dma_start3A_350 = tpu.memref_squeeze %dma_start3A_349 : memref<1x8x8x128xf32, #tpu.memory_space<vmem>> -> memref<8x8x128xf32, #tpu.memory_space<vmem>>
      %dma_start3A_351 = arith.constant 0 : i32
      %dma_start3A_352 = arith.constant 0 : i32
      %dma_start3A_353 = arith.constant 0 : i32
      %dma_start3A_354 = tpu.memref_slice %arg5[%add3A_343, %dma_start3A_351, %add3A, %dma_start3A_352, %dma_start3A_353] : memref<200x8x32x8x128xf32, #tpu.memory_space<hbm>> -> memref<1x8x1x8x128xf32, #tpu.memory_space<hbm>>
      %dma_start3A_355 = tpu.memref_squeeze %dma_start3A_354 : memref<1x8x1x8x128xf32, #tpu.memory_space<hbm>> -> memref<8x8x128xf32, #tpu.memory_space<hbm>>
      %dma_start3A_356 = tpu.memref_slice %arg12[%dma_start3A_345] : memref<4x!tpu.dma_semaphore, #tpu.memory_space<semaphore_mem>> -> memref<1x!tpu.dma_semaphore, #tpu.memory_space<semaphore_mem>>
      %dma_start3A_357 = tpu.memref_squeeze %dma_start3A_356 : memref<1x!tpu.dma_semaphore, #tpu.memory_space<semaphore_mem>> -> memref<!tpu.dma_semaphore, #tpu.memory_space<semaphore_mem>>
      %dma_start3A_358 = arith.constant 0 : i32
      %dma_start3A_359 = arith.constant 0 : i32
      %dma_start3A_360 = arith.constant 0 : i32
      %dma_start3A_361 = tpu.memref_slice %arg5[%add3A_343, %dma_start3A_358, %add3A, %dma_start3A_359, %dma_start3A_360] : memref<200x8x32x8x128xf32, #tpu.memory_space<hbm>> -> memref<1x8x1x8x128xf32, #tpu.memory_space<hbm>>
      %dma_start3A_362 = tpu.memref_squeeze %dma_start3A_361 : memref<1x8x1x8x128xf32, #tpu.memory_space<hbm>> -> memref<8x8x128xf32, #tpu.memory_space<hbm>>
      %dma_start3A_363 = arith.constant 0 : i32
      %dma_start3A_364 = arith.constant 0 : i32
      %dma_start3A_365 = arith.constant 0 : i32
      %dma_start3A_366 = tpu.memref_slice %arg9[%dma_start3A_344, %dma_start3A_363, %dma_start3A_364, %dma_start3A_365] : memref<4x8x8x128xf32, #tpu.memory_space<vmem>> -> memref<1x8x8x128xf32, #tpu.memory_space<vmem>>
      %dma_start3A_367 = tpu.memref_squeeze %dma_start3A_366 : memref<1x8x8x128xf32, #tpu.memory_space<vmem>> -> memref<8x8x128xf32, #tpu.memory_space<vmem>>
      tpu.enqueue_dma source(%dma_start3A_367 : memref<8x8x128xf32, #tpu.memory_space<vmem>>) target(%dma_start3A_362 : memref<8x8x128xf32, #tpu.memory_space<hbm>>) target_semaphore(%dma_start3A_357 : memref<!tpu.dma_semaphore, #tpu.memory_space<semaphore_mem>>)
      %mul3A_368 = arith.constant 4 : i32
      %mul3A_369 = arith.muli %scan3A_175, %mul3A_368 : i32
      %add3A_370 = arith.constant 2 : i32
      %add3A_371 = arith.addi %mul3A_369, %add3A_370 : i32
      %add3A_372 = arith.constant 0 : i32
      %add3A_373 = arith.addi %add3A_371, %add3A_372 : i32
      %jit3A_374 = arith.constant 8 : i32
      %div3A_375 = arith.divsi %add3A_373, %jit3A_374 : i32
      %sign3A_376 = arith.constant 0 : i32
      %sign3A_377 = arith.cmpi sgt, %add3A_373, %sign3A_376 : i32
      %sign3A_378 = arith.extui %sign3A_377 : i1 to i32
      %sign3A_379 = arith.constant 0 : i32
      %sign3A_380 = arith.cmpi slt, %add3A_373, %sign3A_379 : i32
      %sign3A_381 = arith.extui %sign3A_380 : i1 to i32
      %sign3A_382 = arith.subi %sign3A_378, %sign3A_381 : i32
      %sign3A_383 = arith.constant 0 : i32
      %sign3A_384 = arith.cmpi sgt, %jit3A_374, %sign3A_383 : i32
      %sign3A_385 = arith.extui %sign3A_384 : i1 to i32
      %sign3A_386 = arith.constant 0 : i32
      %sign3A_387 = arith.cmpi slt, %jit3A_374, %sign3A_386 : i32
      %sign3A_388 = arith.extui %sign3A_387 : i1 to i32
      %sign3A_389 = arith.subi %sign3A_385, %sign3A_388 : i32
      %ne3A_390 = arith.cmpi ne, %sign3A_382, %sign3A_389 : i32
      %rem3A_391 = arith.remsi %add3A_373, %jit3A_374 : i32
      %ne3A_392 = arith.constant 0 : i32
      %ne3A_393 = arith.cmpi ne, %rem3A_391, %ne3A_392 : i32
      %and3A_394 = arith.andi %ne3A_390, %ne3A_393 : i1
      %sub3A_395 = arith.constant 1 : i32
      %sub3A_396 = arith.subi %div3A_375, %sub3A_395 : i32
      %select_n3A_397 = arith.select %and3A_394, %sub3A_396, %div3A_375 : i32
      %add3A_398 = arith.constant 0 : i32
      %add3A_399 = arith.addi %add3A_371, %add3A_398 : i32
      %jit3A_400 = arith.constant 8 : i32
      %eq3A_401 = arith.constant 0 : i32
      %eq3A_402 = arith.cmpi eq, %jit3A_400, %eq3A_401 : i32
      %jit3A_403 = arith.constant 1 : i32
      %select_n3A_404 = arith.select %eq3A_402, %jit3A_403, %jit3A_400 : i32
      %rem3A_405 = arith.remsi %add3A_399, %select_n3A_404 : i32
      %ne3A_406 = arith.constant 0 : i32
      %ne3A_407 = arith.cmpi ne, %rem3A_405, %ne3A_406 : i32
      %lt3A_408 = arith.constant 0 : i32
      %lt3A_409 = arith.cmpi slt, %rem3A_405, %lt3A_408 : i32
      %lt3A_410 = arith.constant 0 : i32
      %lt3A_411 = arith.cmpi slt, %select_n3A_404, %lt3A_410 : i32
      %ne3A_412 = arith.xori %lt3A_409, %lt3A_411 : i1
      %and3A_413 = arith.andi %ne3A_412, %ne3A_407 : i1
      %add3A_414 = arith.addi %rem3A_405, %select_n3A_404 : i32
      %select_n3A_415 = arith.select %and3A_413, %add3A_414, %rem3A_405 : i32
      %dma_wait3A_416 = arith.constant 2 : i32
      %dma_wait3A_417 = arith.constant 2 : i32
      %dma_wait3A_418 = arith.constant 0 : i32
      %dma_wait3A_419 = arith.constant 0 : i32
      %dma_wait3A_420 = tpu.memref_slice %arg8[%dma_wait3A_416, %dma_wait3A_418, %dma_wait3A_419] : memref<4x128x64xf32, #tpu.memory_space<vmem>> -> memref<1x128x64xf32, #tpu.memory_space<vmem>>
      %dma_wait3A_421 = tpu.memref_squeeze %dma_wait3A_420 : memref<1x128x64xf32, #tpu.memory_space<vmem>> -> memref<128x64xf32, #tpu.memory_space<vmem>>
      %dma_wait3A_422 = arith.constant 0 : i32
      %dma_wait3A_423 = tpu.memref_slice %arg6[%select_n3A_397, %select_n3A_415, %dma_wait3A_422] : memref<25x8x128xi32, #tpu.memory_space<vmem>> -> memref<1x1x128xi32, #tpu.memory_space<vmem>>
      %dma_wait3A_424 = tpu.memref_squeeze %dma_wait3A_423 : memref<1x1x128xi32, #tpu.memory_space<vmem>> -> memref<128xi32, #tpu.memory_space<vmem>>
      %dma_wait3A_425 = arith.constant 0 : i32
      %dma_wait3A_426 = arith.constant 0 : i32
      %dma_wait3A_427 = tpu.memref_slice %arg3[%dma_wait3A_425, %dma_wait3A_426] : memref<100000x64xf32, #tpu.memory_space<hbm>> -> memref<100000x64xf32, #tpu.memory_space<hbm>>
      %dma_wait3A_428 = tpu.memref_slice %arg11[%dma_wait3A_417] : memref<4x!tpu.dma_semaphore, #tpu.memory_space<semaphore_mem>> -> memref<1x!tpu.dma_semaphore, #tpu.memory_space<semaphore_mem>>
      %dma_wait3A_429 = tpu.memref_squeeze %dma_wait3A_428 : memref<1x!tpu.dma_semaphore, #tpu.memory_space<semaphore_mem>> -> memref<!tpu.dma_semaphore, #tpu.memory_space<semaphore_mem>>
      tpu.wait_indirect_dma semaphore(%dma_wait3A_429 : memref<!tpu.dma_semaphore, #tpu.memory_space<semaphore_mem>>) src(%dma_wait3A_427 : memref<100000x64xf32, #tpu.memory_space<hbm>>) dst(%dma_wait3A_421 : memref<128x64xf32, #tpu.memory_space<vmem>>)
      %gt3A_430 = arith.constant 0 : i32
      %gt3A_431 = arith.cmpi sgt, %scan3A_175, %gt3A_430 : i32
      %convert_element_type3A_432 = arith.extui %gt3A_431 : i1 to i32
      %cond3A_433 = arith.constant 0 : i32
      %cond3A_434 = arith.cmpi ne, %convert_element_type3A_432, %cond3A_433 : i32
      scf.if %cond3A_434 {
        %dma_wait3A_574 = arith.constant 2 : i32
        %dma_wait3A_575 = arith.constant 0 : i32
        %dma_wait3A_576 = arith.constant 0 : i32
        %dma_wait3A_577 = arith.constant 2 : i32
        %dma_wait3A_578 = arith.constant 0 : i32
        %dma_wait3A_579 = arith.constant 0 : i32
        %dma_wait3A_580 = arith.constant 0 : i32
        %dma_wait3A_581 = tpu.memref_slice %arg9[%dma_wait3A_574, %dma_wait3A_578, %dma_wait3A_579, %dma_wait3A_580] : memref<4x8x8x128xf32, #tpu.memory_space<vmem>> -> memref<1x8x8x128xf32, #tpu.memory_space<vmem>>
        %dma_wait3A_582 = tpu.memref_squeeze %dma_wait3A_581 : memref<1x8x8x128xf32, #tpu.memory_space<vmem>> -> memref<8x8x128xf32, #tpu.memory_space<vmem>>
        %dma_wait3A_583 = arith.constant 0 : i32
        %dma_wait3A_584 = arith.constant 0 : i32
        %dma_wait3A_585 = arith.constant 0 : i32
        %dma_wait3A_586 = tpu.memref_slice %arg5[%dma_wait3A_575, %dma_wait3A_583, %dma_wait3A_576, %dma_wait3A_584, %dma_wait3A_585] : memref<200x8x32x8x128xf32, #tpu.memory_space<hbm>> -> memref<1x8x1x8x128xf32, #tpu.memory_space<hbm>>
        %dma_wait3A_587 = tpu.memref_squeeze %dma_wait3A_586 : memref<1x8x1x8x128xf32, #tpu.memory_space<hbm>> -> memref<8x8x128xf32, #tpu.memory_space<hbm>>
        %dma_wait3A_588 = tpu.memref_slice %arg12[%dma_wait3A_577] : memref<4x!tpu.dma_semaphore, #tpu.memory_space<semaphore_mem>> -> memref<1x!tpu.dma_semaphore, #tpu.memory_space<semaphore_mem>>
        %dma_wait3A_589 = tpu.memref_squeeze %dma_wait3A_588 : memref<1x!tpu.dma_semaphore, #tpu.memory_space<semaphore_mem>> -> memref<!tpu.dma_semaphore, #tpu.memory_space<semaphore_mem>>
        %dma_wait3A_590 = arith.constant 0 : i32
        %dma_wait3A_591 = arith.constant 0 : i32
        %dma_wait3A_592 = arith.constant 0 : i32
        %dma_wait3A_593 = tpu.memref_slice %arg5[%dma_wait3A_575, %dma_wait3A_590, %dma_wait3A_576, %dma_wait3A_591, %dma_wait3A_592] : memref<200x8x32x8x128xf32, #tpu.memory_space<hbm>> -> memref<1x8x1x8x128xf32, #tpu.memory_space<hbm>>
        %dma_wait3A_594 = tpu.memref_squeeze %dma_wait3A_593 : memref<1x8x1x8x128xf32, #tpu.memory_space<hbm>> -> memref<8x8x128xf32, #tpu.memory_space<hbm>>
        %dma_wait3A_595 = arith.constant 0 : i32
        %dma_wait3A_596 = arith.constant 0 : i32
        %dma_wait3A_597 = arith.constant 0 : i32
        %dma_wait3A_598 = tpu.memref_slice %arg9[%dma_wait3A_574, %dma_wait3A_595, %dma_wait3A_596, %dma_wait3A_597] : memref<4x8x8x128xf32, #tpu.memory_space<vmem>> -> memref<1x8x8x128xf32, #tpu.memory_space<vmem>>
        %dma_wait3A_599 = tpu.memref_squeeze %dma_wait3A_598 : memref<1x8x8x128xf32, #tpu.memory_space<vmem>> -> memref<8x8x128xf32, #tpu.memory_space<vmem>>
        tpu.wait_dma2 semaphore(%dma_wait3A_589 : memref<!tpu.dma_semaphore, #tpu.memory_space<semaphore_mem>>) src(%dma_wait3A_599 : memref<8x8x128xf32, #tpu.memory_space<vmem>>) dst(%dma_wait3A_594 : memref<8x8x128xf32, #tpu.memory_space<hbm>>)
      } else {
      }
      %add3A_435 = arith.constant 1 : i32
      %add3A_436 = arith.addi %add3A_371, %add3A_435 : i32
      %jit3A_437 = arith.constant 8 : i32
      %div3A_438 = arith.divsi %add3A_436, %jit3A_437 : i32
      %sign3A_439 = arith.constant 0 : i32
      %sign3A_440 = arith.cmpi sgt, %add3A_436, %sign3A_439 : i32
      %sign3A_441 = arith.extui %sign3A_440 : i1 to i32
      %sign3A_442 = arith.constant 0 : i32
      %sign3A_443 = arith.cmpi slt, %add3A_436, %sign3A_442 : i32
      %sign3A_444 = arith.extui %sign3A_443 : i1 to i32
      %sign3A_445 = arith.subi %sign3A_441, %sign3A_444 : i32
      %sign3A_446 = arith.constant 0 : i32
      %sign3A_447 = arith.cmpi sgt, %jit3A_437, %sign3A_446 : i32
      %sign3A_448 = arith.extui %sign3A_447 : i1 to i32
      %sign3A_449 = arith.constant 0 : i32
      %sign3A_450 = arith.cmpi slt, %jit3A_437, %sign3A_449 : i32
      %sign3A_451 = arith.extui %sign3A_450 : i1 to i32
      %sign3A_452 = arith.subi %sign3A_448, %sign3A_451 : i32
      %ne3A_453 = arith.cmpi ne, %sign3A_445, %sign3A_452 : i32
      %rem3A_454 = arith.remsi %add3A_436, %jit3A_437 : i32
      %ne3A_455 = arith.constant 0 : i32
      %ne3A_456 = arith.cmpi ne, %rem3A_454, %ne3A_455 : i32
      %and3A_457 = arith.andi %ne3A_453, %ne3A_456 : i1
      %sub3A_458 = arith.constant 1 : i32
      %sub3A_459 = arith.subi %div3A_438, %sub3A_458 : i32
      %select_n3A_460 = arith.select %and3A_457, %sub3A_459, %div3A_438 : i32
      %add3A_461 = arith.constant 1 : i32
      %add3A_462 = arith.addi %add3A_371, %add3A_461 : i32
      %jit3A_463 = arith.constant 8 : i32
      %eq3A_464 = arith.constant 0 : i32
      %eq3A_465 = arith.cmpi eq, %jit3A_463, %eq3A_464 : i32
      %jit3A_466 = arith.constant 1 : i32
      %select_n3A_467 = arith.select %eq3A_465, %jit3A_466, %jit3A_463 : i32
      %rem3A_468 = arith.remsi %add3A_462, %select_n3A_467 : i32
      %ne3A_469 = arith.constant 0 : i32
      %ne3A_470 = arith.cmpi ne, %rem3A_468, %ne3A_469 : i32
      %lt3A_471 = arith.constant 0 : i32
      %lt3A_472 = arith.cmpi slt, %rem3A_468, %lt3A_471 : i32
      %lt3A_473 = arith.constant 0 : i32
      %lt3A_474 = arith.cmpi slt, %select_n3A_467, %lt3A_473 : i32
      %ne3A_475 = arith.xori %lt3A_472, %lt3A_474 : i1
      %and3A_476 = arith.andi %ne3A_475, %ne3A_470 : i1
      %add3A_477 = arith.addi %rem3A_468, %select_n3A_467 : i32
      %select_n3A_478 = arith.select %and3A_476, %add3A_477, %rem3A_468 : i32
      %dma_wait3A_479 = arith.constant 3 : i32
      %dma_wait3A_480 = arith.constant 3 : i32
      %dma_wait3A_481 = arith.constant 0 : i32
      %dma_wait3A_482 = arith.constant 0 : i32
      %dma_wait3A_483 = tpu.memref_slice %arg8[%dma_wait3A_479, %dma_wait3A_481, %dma_wait3A_482] : memref<4x128x64xf32, #tpu.memory_space<vmem>> -> memref<1x128x64xf32, #tpu.memory_space<vmem>>
      %dma_wait3A_484 = tpu.memref_squeeze %dma_wait3A_483 : memref<1x128x64xf32, #tpu.memory_space<vmem>> -> memref<128x64xf32, #tpu.memory_space<vmem>>
      %dma_wait3A_485 = arith.constant 0 : i32
      %dma_wait3A_486 = tpu.memref_slice %arg6[%select_n3A_460, %select_n3A_478, %dma_wait3A_485] : memref<25x8x128xi32, #tpu.memory_space<vmem>> -> memref<1x1x128xi32, #tpu.memory_space<vmem>>
      %dma_wait3A_487 = tpu.memref_squeeze %dma_wait3A_486 : memref<1x1x128xi32, #tpu.memory_space<vmem>> -> memref<128xi32, #tpu.memory_space<vmem>>
      %dma_wait3A_488 = arith.constant 0 : i32
      %dma_wait3A_489 = arith.constant 0 : i32
      %dma_wait3A_490 = tpu.memref_slice %arg3[%dma_wait3A_488, %dma_wait3A_489] : memref<100000x64xf32, #tpu.memory_space<hbm>> -> memref<100000x64xf32, #tpu.memory_space<hbm>>
      %dma_wait3A_491 = tpu.memref_slice %arg11[%dma_wait3A_480] : memref<4x!tpu.dma_semaphore, #tpu.memory_space<semaphore_mem>> -> memref<1x!tpu.dma_semaphore, #tpu.memory_space<semaphore_mem>>
      %dma_wait3A_492 = tpu.memref_squeeze %dma_wait3A_491 : memref<1x!tpu.dma_semaphore, #tpu.memory_space<semaphore_mem>> -> memref<!tpu.dma_semaphore, #tpu.memory_space<semaphore_mem>>
      tpu.wait_indirect_dma semaphore(%dma_wait3A_492 : memref<!tpu.dma_semaphore, #tpu.memory_space<semaphore_mem>>) src(%dma_wait3A_490 : memref<100000x64xf32, #tpu.memory_space<hbm>>) dst(%dma_wait3A_484 : memref<128x64xf32, #tpu.memory_space<vmem>>)
      %gt3A_493 = arith.constant 0 : i32
      %gt3A_494 = arith.cmpi sgt, %scan3A_175, %gt3A_493 : i32
      %convert_element_type3A_495 = arith.extui %gt3A_494 : i1 to i32
      %cond3A_496 = arith.constant 0 : i32
      %cond3A_497 = arith.cmpi ne, %convert_element_type3A_495, %cond3A_496 : i32
      scf.if %cond3A_497 {
        %dma_wait3A_574 = arith.constant 3 : i32
        %dma_wait3A_575 = arith.constant 0 : i32
        %dma_wait3A_576 = arith.constant 0 : i32
        %dma_wait3A_577 = arith.constant 3 : i32
        %dma_wait3A_578 = arith.constant 0 : i32
        %dma_wait3A_579 = arith.constant 0 : i32
        %dma_wait3A_580 = arith.constant 0 : i32
        %dma_wait3A_581 = tpu.memref_slice %arg9[%dma_wait3A_574, %dma_wait3A_578, %dma_wait3A_579, %dma_wait3A_580] : memref<4x8x8x128xf32, #tpu.memory_space<vmem>> -> memref<1x8x8x128xf32, #tpu.memory_space<vmem>>
        %dma_wait3A_582 = tpu.memref_squeeze %dma_wait3A_581 : memref<1x8x8x128xf32, #tpu.memory_space<vmem>> -> memref<8x8x128xf32, #tpu.memory_space<vmem>>
        %dma_wait3A_583 = arith.constant 0 : i32
        %dma_wait3A_584 = arith.constant 0 : i32
        %dma_wait3A_585 = arith.constant 0 : i32
        %dma_wait3A_586 = tpu.memref_slice %arg5[%dma_wait3A_575, %dma_wait3A_583, %dma_wait3A_576, %dma_wait3A_584, %dma_wait3A_585] : memref<200x8x32x8x128xf32, #tpu.memory_space<hbm>> -> memref<1x8x1x8x128xf32, #tpu.memory_space<hbm>>
        %dma_wait3A_587 = tpu.memref_squeeze %dma_wait3A_586 : memref<1x8x1x8x128xf32, #tpu.memory_space<hbm>> -> memref<8x8x128xf32, #tpu.memory_space<hbm>>
        %dma_wait3A_588 = tpu.memref_slice %arg12[%dma_wait3A_577] : memref<4x!tpu.dma_semaphore, #tpu.memory_space<semaphore_mem>> -> memref<1x!tpu.dma_semaphore, #tpu.memory_space<semaphore_mem>>
        %dma_wait3A_589 = tpu.memref_squeeze %dma_wait3A_588 : memref<1x!tpu.dma_semaphore, #tpu.memory_space<semaphore_mem>> -> memref<!tpu.dma_semaphore, #tpu.memory_space<semaphore_mem>>
        %dma_wait3A_590 = arith.constant 0 : i32
        %dma_wait3A_591 = arith.constant 0 : i32
        %dma_wait3A_592 = arith.constant 0 : i32
        %dma_wait3A_593 = tpu.memref_slice %arg5[%dma_wait3A_575, %dma_wait3A_590, %dma_wait3A_576, %dma_wait3A_591, %dma_wait3A_592] : memref<200x8x32x8x128xf32, #tpu.memory_space<hbm>> -> memref<1x8x1x8x128xf32, #tpu.memory_space<hbm>>
        %dma_wait3A_594 = tpu.memref_squeeze %dma_wait3A_593 : memref<1x8x1x8x128xf32, #tpu.memory_space<hbm>> -> memref<8x8x128xf32, #tpu.memory_space<hbm>>
        %dma_wait3A_595 = arith.constant 0 : i32
        %dma_wait3A_596 = arith.constant 0 : i32
        %dma_wait3A_597 = arith.constant 0 : i32
        %dma_wait3A_598 = tpu.memref_slice %arg9[%dma_wait3A_574, %dma_wait3A_595, %dma_wait3A_596, %dma_wait3A_597] : memref<4x8x8x128xf32, #tpu.memory_space<vmem>> -> memref<1x8x8x128xf32, #tpu.memory_space<vmem>>
        %dma_wait3A_599 = tpu.memref_squeeze %dma_wait3A_598 : memref<1x8x8x128xf32, #tpu.memory_space<vmem>> -> memref<8x8x128xf32, #tpu.memory_space<vmem>>
        tpu.wait_dma2 semaphore(%dma_wait3A_589 : memref<!tpu.dma_semaphore, #tpu.memory_space<semaphore_mem>>) src(%dma_wait3A_599 : memref<8x8x128xf32, #tpu.memory_space<vmem>>) dst(%dma_wait3A_594 : memref<8x8x128xf32, #tpu.memory_space<hbm>>)
      } else {
      }
      %parallel_loop3A_498 = arith.constant 0 : i32
      %parallel_loop3A_499 = arith.constant 64 : i32
      %parallel_loop3A_500 = arith.constant 1 : i32
      scf.for %parallel_loop3A_574 = %parallel_loop3A_498 to %parallel_loop3A_499 step %parallel_loop3A_500  : i32 {
        %parallel_loop3A_575 = arith.constant 32 : i32
        %parallel_loop3A_576 = arith.divsi %parallel_loop3A_574, %parallel_loop3A_575 : i32
        %parallel_loop3A_577 = arith.constant 0 : i32
        %parallel_loop3A_578 = arith.cmpi sgt, %parallel_loop3A_574, %parallel_loop3A_577 : i32
        %parallel_loop3A_579 = arith.extui %parallel_loop3A_578 : i1 to i32
        %parallel_loop3A_580 = arith.constant 0 : i32
        %parallel_loop3A_581 = arith.cmpi slt, %parallel_loop3A_574, %parallel_loop3A_580 : i32
        %parallel_loop3A_582 = arith.extui %parallel_loop3A_581 : i1 to i32
        %parallel_loop3A_583 = arith.subi %parallel_loop3A_579, %parallel_loop3A_582 : i32
        %parallel_loop3A_584 = arith.constant 0 : i32
        %parallel_loop3A_585 = arith.cmpi sgt, %parallel_loop3A_575, %parallel_loop3A_584 : i32
        %parallel_loop3A_586 = arith.extui %parallel_loop3A_585 : i1 to i32
        %parallel_loop3A_587 = arith.constant 0 : i32
        %parallel_loop3A_588 = arith.cmpi slt, %parallel_loop3A_575, %parallel_loop3A_587 : i32
        %parallel_loop3A_589 = arith.extui %parallel_loop3A_588 : i1 to i32
        %parallel_loop3A_590 = arith.subi %parallel_loop3A_586, %parallel_loop3A_589 : i32
        %parallel_loop3A_591 = arith.cmpi ne, %parallel_loop3A_583, %parallel_loop3A_590 : i32
        %parallel_loop3A_592 = arith.remsi %parallel_loop3A_574, %parallel_loop3A_575 : i32
        %parallel_loop3A_593 = arith.constant 0 : i32
        %parallel_loop3A_594 = arith.cmpi ne, %parallel_loop3A_592, %parallel_loop3A_593 : i32
        %parallel_loop3A_595 = arith.andi %parallel_loop3A_591, %parallel_loop3A_594 : i1
        %parallel_loop3A_596 = arith.constant 1 : i32
        %parallel_loop3A_597 = arith.subi %parallel_loop3A_576, %parallel_loop3A_596 : i32
        %parallel_loop3A_598 = arith.select %parallel_loop3A_595, %parallel_loop3A_597, %parallel_loop3A_576 : i32
        %parallel_loop3A_599 = arith.constant 32 : i32
        %parallel_loop3A_600 = arith.constant 0 : i32
        %parallel_loop3A_601 = arith.cmpi eq, %parallel_loop3A_599, %parallel_loop3A_600 : i32
        %parallel_loop3A_602 = arith.constant 1 : i32
        %parallel_loop3A_603 = arith.select %parallel_loop3A_601, %parallel_loop3A_602, %parallel_loop3A_599 : i32
        %parallel_loop3A_604 = arith.remsi %parallel_loop3A_574, %parallel_loop3A_603 : i32
        %parallel_loop3A_605 = arith.constant 0 : i32
        %parallel_loop3A_606 = arith.cmpi ne, %parallel_loop3A_604, %parallel_loop3A_605 : i32
        %parallel_loop3A_607 = arith.constant 0 : i32
        %parallel_loop3A_608 = arith.cmpi slt, %parallel_loop3A_604, %parallel_loop3A_607 : i32
        %parallel_loop3A_609 = arith.constant 0 : i32
        %parallel_loop3A_610 = arith.cmpi slt, %parallel_loop3A_603, %parallel_loop3A_609 : i32
        %parallel_loop3A_611 = arith.xori %parallel_loop3A_608, %parallel_loop3A_610 : i1
        %parallel_loop3A_612 = arith.andi %parallel_loop3A_611, %parallel_loop3A_606 : i1
        %parallel_loop3A_613 = arith.addi %parallel_loop3A_604, %parallel_loop3A_603 : i32
        %parallel_loop3A_614 = arith.select %parallel_loop3A_612, %parallel_loop3A_613, %parallel_loop3A_604 : i32
        %parallel_loop3A_615 = arith.constant 4 : i32
        %parallel_loop3A_616 = arith.divsi %parallel_loop3A_614, %parallel_loop3A_615 : i32
        %parallel_loop3A_617 = arith.constant 0 : i32
        %parallel_loop3A_618 = arith.cmpi sgt, %parallel_loop3A_614, %parallel_loop3A_617 : i32
        %parallel_loop3A_619 = arith.extui %parallel_loop3A_618 : i1 to i32
        %parallel_loop3A_620 = arith.constant 0 : i32
        %parallel_loop3A_621 = arith.cmpi slt, %parallel_loop3A_614, %parallel_loop3A_620 : i32
        %parallel_loop3A_622 = arith.extui %parallel_loop3A_621 : i1 to i32
        %parallel_loop3A_623 = arith.subi %parallel_loop3A_619, %parallel_loop3A_622 : i32
        %parallel_loop3A_624 = arith.constant 0 : i32
        %parallel_loop3A_625 = arith.cmpi sgt, %parallel_loop3A_615, %parallel_loop3A_624 : i32
        %parallel_loop3A_626 = arith.extui %parallel_loop3A_625 : i1 to i32
        %parallel_loop3A_627 = arith.constant 0 : i32
        %parallel_loop3A_628 = arith.cmpi slt, %parallel_loop3A_615, %parallel_loop3A_627 : i32
        %parallel_loop3A_629 = arith.extui %parallel_loop3A_628 : i1 to i32
        %parallel_loop3A_630 = arith.subi %parallel_loop3A_626, %parallel_loop3A_629 : i32
        %parallel_loop3A_631 = arith.cmpi ne, %parallel_loop3A_623, %parallel_loop3A_630 : i32
        %parallel_loop3A_632 = arith.remsi %parallel_loop3A_614, %parallel_loop3A_615 : i32
        %parallel_loop3A_633 = arith.constant 0 : i32
        %parallel_loop3A_634 = arith.cmpi ne, %parallel_loop3A_632, %parallel_loop3A_633 : i32
        %parallel_loop3A_635 = arith.andi %parallel_loop3A_631, %parallel_loop3A_634 : i1
        %parallel_loop3A_636 = arith.constant 1 : i32
        %parallel_loop3A_637 = arith.subi %parallel_loop3A_616, %parallel_loop3A_636 : i32
        %parallel_loop3A_638 = arith.select %parallel_loop3A_635, %parallel_loop3A_637, %parallel_loop3A_616 : i32
        %parallel_loop3A_639 = arith.constant 4 : i32
        %parallel_loop3A_640 = arith.constant 0 : i32
        %parallel_loop3A_641 = arith.cmpi eq, %parallel_loop3A_639, %parallel_loop3A_640 : i32
        %parallel_loop3A_642 = arith.constant 1 : i32
        %parallel_loop3A_643 = arith.select %parallel_loop3A_641, %parallel_loop3A_642, %parallel_loop3A_639 : i32
        %parallel_loop3A_644 = arith.remsi %parallel_loop3A_614, %parallel_loop3A_643 : i32
        %parallel_loop3A_645 = arith.constant 0 : i32
        %parallel_loop3A_646 = arith.cmpi ne, %parallel_loop3A_644, %parallel_loop3A_645 : i32
        %parallel_loop3A_647 = arith.constant 0 : i32
        %parallel_loop3A_648 = arith.cmpi slt, %parallel_loop3A_644, %parallel_loop3A_647 : i32
        %parallel_loop3A_649 = arith.constant 0 : i32
        %parallel_loop3A_650 = arith.cmpi slt, %parallel_loop3A_643, %parallel_loop3A_649 : i32
        %parallel_loop3A_651 = arith.xori %parallel_loop3A_648, %parallel_loop3A_650 : i1
        %parallel_loop3A_652 = arith.andi %parallel_loop3A_651, %parallel_loop3A_646 : i1
        %parallel_loop3A_653 = arith.addi %parallel_loop3A_644, %parallel_loop3A_643 : i32
        %parallel_loop3A_654 = arith.select %parallel_loop3A_652, %parallel_loop3A_653, %parallel_loop3A_644 : i32
        %parallel_loop3A_655 = arith.constant 16 : i32
        %parallel_loop3A_656 = arith.muli %parallel_loop3A_638, %parallel_loop3A_655 : i32
        %parallel_loop3A_657 = arith.constant 16 : i32
        %parallel_loop3A_658 = arith.muli %parallel_loop3A_654, %parallel_loop3A_657 : i32
        %parallel_loop3A_659 = arith.addi %add3A_371, %parallel_loop3A_598 : i32
        %parallel_loop3A_660 = arith.index_cast %parallel_loop3A_659 : i32 to index
        %parallel_loop3A_661 = arith.index_cast %parallel_loop3A_658 : i32 to index
        %parallel_loop3A_662 = tpu.vector_load %arg7[%parallel_loop3A_660, %parallel_loop3A_661] {strides = array<i32>} : memref<200x64xf32, #tpu.memory_space<vmem>>, vector<16xf32>,
        %parallel_loop3A_663 = arith.constant 2 : i32
        %parallel_loop3A_664 = arith.addi %parallel_loop3A_663, %parallel_loop3A_598 : i32
        %parallel_loop3A_665 = arith.constant 0 : i32
        %parallel_loop3A_666 = arith.addi %parallel_loop3A_656, %parallel_loop3A_665 : i32
        %parallel_loop3A_667 = arith.index_cast %parallel_loop3A_664 : i32 to index
        %parallel_loop3A_668 = arith.index_cast %parallel_loop3A_666 : i32 to index
        %parallel_loop3A_669 = arith.index_cast %parallel_loop3A_658 : i32 to index
        %parallel_loop3A_670 = tpu.vector_load %arg8[%parallel_loop3A_667, %parallel_loop3A_668, %parallel_loop3A_669] {strides = array<i32>} : memref<4x128x64xf32, #tpu.memory_space<vmem>>, vector<16xf32>,
        %parallel_loop3A_671 = arith.constant 8.000000e+00 : f32
        %parallel_loop3A_672 = vector.broadcast %parallel_loop3A_671 : f32 to vector<16xf32>
        %parallel_loop3A_673 = arith.mulf %parallel_loop3A_670, %parallel_loop3A_672 : vector<16xf32>
        %parallel_loop3A_674 = arith.addf %parallel_loop3A_673, %parallel_loop3A_662 : vector<16xf32>
        %parallel_loop3A_675 = arith.constant 0 : i32
        %parallel_loop3A_676 = tpu.memref_slice %arg10[%parallel_loop3A_574, %parallel_loop3A_675] : memref<64x272xf32, #tpu.memory_space<vmem>> -> memref<1x272xf32, #tpu.memory_space<vmem>>
        %parallel_loop3A_677 = tpu.memref_squeeze %parallel_loop3A_676 : memref<1x272xf32, #tpu.memory_space<vmem>> -> memref<272xf32, #tpu.memory_space<vmem>>
        %parallel_loop3A_678 = arith.constant 0 : index
        %parallel_loop3A_679 = tpu.vector_load %parallel_loop3A_677[%parallel_loop3A_678] {strides = array<i32>} : memref<272xf32, #tpu.memory_space<vmem>>, vector<16xf32>,
        tpu.vector_store %parallel_loop3A_677[%parallel_loop3A_678], %parallel_loop3A_674 {strides = array<i32>} : memref<272xf32, #tpu.memory_space<vmem>>, vector<16xf32>,
        %parallel_loop3A_680 = arith.constant 2 : i32
        %parallel_loop3A_681 = arith.addi %parallel_loop3A_680, %parallel_loop3A_598 : i32
        %parallel_loop3A_682 = arith.constant 1 : i32
        %parallel_loop3A_683 = arith.addi %parallel_loop3A_656, %parallel_loop3A_682 : i32
        %parallel_loop3A_684 = arith.index_cast %parallel_loop3A_681 : i32 to index
        %parallel_loop3A_685 = arith.index_cast %parallel_loop3A_683 : i32 to index
        %parallel_loop3A_686 = arith.index_cast %parallel_loop3A_658 : i32 to index
        %parallel_loop3A_687 = tpu.vector_load %arg8[%parallel_loop3A_684, %parallel_loop3A_685, %parallel_loop3A_686] {strides = array<i32>} : memref<4x128x64xf32, #tpu.memory_space<vmem>>, vector<16xf32>,
        %parallel_loop3A_688 = arith.constant 8.000000e+00 : f32
        %parallel_loop3A_689 = vector.broadcast %parallel_loop3A_688 : f32 to vector<16xf32>
        %parallel_loop3A_690 = arith.mulf %parallel_loop3A_687, %parallel_loop3A_689 : vector<16xf32>
        %parallel_loop3A_691 = arith.addf %parallel_loop3A_690, %parallel_loop3A_662 : vector<16xf32>
        %parallel_loop3A_692 = arith.constant 0 : i32
        %parallel_loop3A_693 = tpu.memref_slice %arg10[%parallel_loop3A_574, %parallel_loop3A_692] : memref<64x272xf32, #tpu.memory_space<vmem>> -> memref<1x272xf32, #tpu.memory_space<vmem>>
        %parallel_loop3A_694 = tpu.memref_squeeze %parallel_loop3A_693 : memref<1x272xf32, #tpu.memory_space<vmem>> -> memref<272xf32, #tpu.memory_space<vmem>>
        %parallel_loop3A_695 = arith.constant 17 : index
        %parallel_loop3A_696 = tpu.vector_load %parallel_loop3A_694[%parallel_loop3A_695] {strides = array<i32>} : memref<272xf32, #tpu.memory_space<vmem>>, vector<16xf32>,
        tpu.vector_store %parallel_loop3A_694[%parallel_loop3A_695], %parallel_loop3A_691 {strides = array<i32>} : memref<272xf32, #tpu.memory_space<vmem>>, vector<16xf32>,
        %parallel_loop3A_697 = arith.constant 2 : i32
        %parallel_loop3A_698 = arith.addi %parallel_loop3A_697, %parallel_loop3A_598 : i32
        %parallel_loop3A_699 = arith.constant 2 : i32
        %parallel_loop3A_700 = arith.addi %parallel_loop3A_656, %parallel_loop3A_699 : i32
        %parallel_loop3A_701 = arith.index_cast %parallel_loop3A_698 : i32 to index
        %parallel_loop3A_702 = arith.index_cast %parallel_loop3A_700 : i32 to index
        %parallel_loop3A_703 = arith.index_cast %parallel_loop3A_658 : i32 to index
        %parallel_loop3A_704 = tpu.vector_load %arg8[%parallel_loop3A_701, %parallel_loop3A_702, %parallel_loop3A_703] {strides = array<i32>} : memref<4x128x64xf32, #tpu.memory_space<vmem>>, vector<16xf32>,
        %parallel_loop3A_705 = arith.constant 8.000000e+00 : f32
        %parallel_loop3A_706 = vector.broadcast %parallel_loop3A_705 : f32 to vector<16xf32>
        %parallel_loop3A_707 = arith.mulf %parallel_loop3A_704, %parallel_loop3A_706 : vector<16xf32>
        %parallel_loop3A_708 = arith.addf %parallel_loop3A_707, %parallel_loop3A_662 : vector<16xf32>
        %parallel_loop3A_709 = arith.constant 0 : i32
        %parallel_loop3A_710 = tpu.memref_slice %arg10[%parallel_loop3A_574, %parallel_loop3A_709] : memref<64x272xf32, #tpu.memory_space<vmem>> -> memref<1x272xf32, #tpu.memory_space<vmem>>
        %parallel_loop3A_711 = tpu.memref_squeeze %parallel_loop3A_710 : memref<1x272xf32, #tpu.memory_space<vmem>> -> memref<272xf32, #tpu.memory_space<vmem>>
        %parallel_loop3A_712 = arith.constant 34 : index
        %parallel_loop3A_713 = tpu.vector_load %parallel_loop3A_711[%parallel_loop3A_712] {strides = array<i32>} : memref<272xf32, #tpu.memory_space<vmem>>, vector<16xf32>,
        tpu.vector_store %parallel_loop3A_711[%parallel_loop3A_712], %parallel_loop3A_708 {strides = array<i32>} : memref<272xf32, #tpu.memory_space<vmem>>, vector<16xf32>,
        %parallel_loop3A_714 = arith.constant 2 : i32
        %parallel_loop3A_715 = arith.addi %parallel_loop3A_714, %parallel_loop3A_598 : i32
        %parallel_loop3A_716 = arith.constant 3 : i32
        %parallel_loop3A_717 = arith.addi %parallel_loop3A_656, %parallel_loop3A_716 : i32
        %parallel_loop3A_718 = arith.index_cast %parallel_loop3A_715 : i32 to index
        %parallel_loop3A_719 = arith.index_cast %parallel_loop3A_717 : i32 to index
        %parallel_loop3A_720 = arith.index_cast %parallel_loop3A_658 : i32 to index
        %parallel_loop3A_721 = tpu.vector_load %arg8[%parallel_loop3A_718, %parallel_loop3A_719, %parallel_loop3A_720] {strides = array<i32>} : memref<4x128x64xf32, #tpu.memory_space<vmem>>, vector<16xf32>,
        %parallel_loop3A_722 = arith.constant 8.000000e+00 : f32
        %parallel_loop3A_723 = vector.broadcast %parallel_loop3A_722 : f32 to vector<16xf32>
        %parallel_loop3A_724 = arith.mulf %parallel_loop3A_721, %parallel_loop3A_723 : vector<16xf32>
        %parallel_loop3A_725 = arith.addf %parallel_loop3A_724, %parallel_loop3A_662 : vector<16xf32>
        %parallel_loop3A_726 = arith.constant 0 : i32
        %parallel_loop3A_727 = tpu.memref_slice %arg10[%parallel_loop3A_574, %parallel_loop3A_726] : memref<64x272xf32, #tpu.memory_space<vmem>> -> memref<1x272xf32, #tpu.memory_space<vmem>>
        %parallel_loop3A_728 = tpu.memref_squeeze %parallel_loop3A_727 : memref<1x272xf32, #tpu.memory_space<vmem>> -> memref<272xf32, #tpu.memory_space<vmem>>
        %parallel_loop3A_729 = arith.constant 51 : index
        %parallel_loop3A_730 = tpu.vector_load %parallel_loop3A_728[%parallel_loop3A_729] {strides = array<i32>} : memref<272xf32, #tpu.memory_space<vmem>>, vector<16xf32>,
        tpu.vector_store %parallel_loop3A_728[%parallel_loop3A_729], %parallel_loop3A_725 {strides = array<i32>} : memref<272xf32, #tpu.memory_space<vmem>>, vector<16xf32>,
        %parallel_loop3A_731 = arith.constant 2 : i32
        %parallel_loop3A_732 = arith.addi %parallel_loop3A_731, %parallel_loop3A_598 : i32
        %parallel_loop3A_733 = arith.constant 4 : i32
        %parallel_loop3A_734 = arith.addi %parallel_loop3A_656, %parallel_loop3A_733 : i32
        %parallel_loop3A_735 = arith.index_cast %parallel_loop3A_732 : i32 to index
        %parallel_loop3A_736 = arith.index_cast %parallel_loop3A_734 : i32 to index
        %parallel_loop3A_737 = arith.index_cast %parallel_loop3A_658 : i32 to index
        %parallel_loop3A_738 = tpu.vector_load %arg8[%parallel_loop3A_735, %parallel_loop3A_736, %parallel_loop3A_737] {strides = array<i32>} : memref<4x128x64xf32, #tpu.memory_space<vmem>>, vector<16xf32>,
        %parallel_loop3A_739 = arith.constant 8.000000e+00 : f32
        %parallel_loop3A_740 = vector.broadcast %parallel_loop3A_739 : f32 to vector<16xf32>
        %parallel_loop3A_741 = arith.mulf %parallel_loop3A_738, %parallel_loop3A_740 : vector<16xf32>
        %parallel_loop3A_742 = arith.addf %parallel_loop3A_741, %parallel_loop3A_662 : vector<16xf32>
        %parallel_loop3A_743 = arith.constant 0 : i32
        %parallel_loop3A_744 = tpu.memref_slice %arg10[%parallel_loop3A_574, %parallel_loop3A_743] : memref<64x272xf32, #tpu.memory_space<vmem>> -> memref<1x272xf32, #tpu.memory_space<vmem>>
        %parallel_loop3A_745 = tpu.memref_squeeze %parallel_loop3A_744 : memref<1x272xf32, #tpu.memory_space<vmem>> -> memref<272xf32, #tpu.memory_space<vmem>>
        %parallel_loop3A_746 = arith.constant 68 : index
        %parallel_loop3A_747 = tpu.vector_load %parallel_loop3A_745[%parallel_loop3A_746] {strides = array<i32>} : memref<272xf32, #tpu.memory_space<vmem>>, vector<16xf32>,
        tpu.vector_store %parallel_loop3A_745[%parallel_loop3A_746], %parallel_loop3A_742 {strides = array<i32>} : memref<272xf32, #tpu.memory_space<vmem>>, vector<16xf32>,
        %parallel_loop3A_748 = arith.constant 2 : i32
        %parallel_loop3A_749 = arith.addi %parallel_loop3A_748, %parallel_loop3A_598 : i32
        %parallel_loop3A_750 = arith.constant 5 : i32
        %parallel_loop3A_751 = arith.addi %parallel_loop3A_656, %parallel_loop3A_750 : i32
        %parallel_loop3A_752 = arith.index_cast %parallel_loop3A_749 : i32 to index
        %parallel_loop3A_753 = arith.index_cast %parallel_loop3A_751 : i32 to index
        %parallel_loop3A_754 = arith.index_cast %parallel_loop3A_658 : i32 to index
        %parallel_loop3A_755 = tpu.vector_load %arg8[%parallel_loop3A_752, %parallel_loop3A_753, %parallel_loop3A_754] {strides = array<i32>} : memref<4x128x64xf32, #tpu.memory_space<vmem>>, vector<16xf32>,
        %parallel_loop3A_756 = arith.constant 8.000000e+00 : f32
        %parallel_loop3A_757 = vector.broadcast %parallel_loop3A_756 : f32 to vector<16xf32>
        %parallel_loop3A_758 = arith.mulf %parallel_loop3A_755, %parallel_loop3A_757 : vector<16xf32>
        %parallel_loop3A_759 = arith.addf %parallel_loop3A_758, %parallel_loop3A_662 : vector<16xf32>
        %parallel_loop3A_760 = arith.constant 0 : i32
        %parallel_loop3A_761 = tpu.memref_slice %arg10[%parallel_loop3A_574, %parallel_loop3A_760] : memref<64x272xf32, #tpu.memory_space<vmem>> -> memref<1x272xf32, #tpu.memory_space<vmem>>
        %parallel_loop3A_762 = tpu.memref_squeeze %parallel_loop3A_761 : memref<1x272xf32, #tpu.memory_space<vmem>> -> memref<272xf32, #tpu.memory_space<vmem>>
        %parallel_loop3A_763 = arith.constant 85 : index
        %parallel_loop3A_764 = tpu.vector_load %parallel_loop3A_762[%parallel_loop3A_763] {strides = array<i32>} : memref<272xf32, #tpu.memory_space<vmem>>, vector<16xf32>,
        tpu.vector_store %parallel_loop3A_762[%parallel_loop3A_763], %parallel_loop3A_759 {strides = array<i32>} : memref<272xf32, #tpu.memory_space<vmem>>, vector<16xf32>,
        %parallel_loop3A_765 = arith.constant 2 : i32
        %parallel_loop3A_766 = arith.addi %parallel_loop3A_765, %parallel_loop3A_598 : i32
        %parallel_loop3A_767 = arith.constant 6 : i32
        %parallel_loop3A_768 = arith.addi %parallel_loop3A_656, %parallel_loop3A_767 : i32
        %parallel_loop3A_769 = arith.index_cast %parallel_loop3A_766 : i32 to index
        %parallel_loop3A_770 = arith.index_cast %parallel_loop3A_768 : i32 to index
        %parallel_loop3A_771 = arith.index_cast %parallel_loop3A_658 : i32 to index
        %parallel_loop3A_772 = tpu.vector_load %arg8[%parallel_loop3A_769, %parallel_loop3A_770, %parallel_loop3A_771] {strides = array<i32>} : memref<4x128x64xf32, #tpu.memory_space<vmem>>, vector<16xf32>,
        %parallel_loop3A_773 = arith.constant 8.000000e+00 : f32
        %parallel_loop3A_774 = vector.broadcast %parallel_loop3A_773 : f32 to vector<16xf32>
        %parallel_loop3A_775 = arith.mulf %parallel_loop3A_772, %parallel_loop3A_774 : vector<16xf32>
        %parallel_loop3A_776 = arith.addf %parallel_loop3A_775, %parallel_loop3A_662 : vector<16xf32>
        %parallel_loop3A_777 = arith.constant 0 : i32
        %parallel_loop3A_778 = tpu.memref_slice %arg10[%parallel_loop3A_574, %parallel_loop3A_777] : memref<64x272xf32, #tpu.memory_space<vmem>> -> memref<1x272xf32, #tpu.memory_space<vmem>>
        %parallel_loop3A_779 = tpu.memref_squeeze %parallel_loop3A_778 : memref<1x272xf32, #tpu.memory_space<vmem>> -> memref<272xf32, #tpu.memory_space<vmem>>
        %parallel_loop3A_780 = arith.constant 102 : index
        %parallel_loop3A_781 = tpu.vector_load %parallel_loop3A_779[%parallel_loop3A_780] {strides = array<i32>} : memref<272xf32, #tpu.memory_space<vmem>>, vector<16xf32>,
        tpu.vector_store %parallel_loop3A_779[%parallel_loop3A_780], %parallel_loop3A_776 {strides = array<i32>} : memref<272xf32, #tpu.memory_space<vmem>>, vector<16xf32>,
        %parallel_loop3A_782 = arith.constant 2 : i32
        %parallel_loop3A_783 = arith.addi %parallel_loop3A_782, %parallel_loop3A_598 : i32
        %parallel_loop3A_784 = arith.constant 7 : i32
        %parallel_loop3A_785 = arith.addi %parallel_loop3A_656, %parallel_loop3A_784 : i32
        %parallel_loop3A_786 = arith.index_cast %parallel_loop3A_783 : i32 to index
        %parallel_loop3A_787 = arith.index_cast %parallel_loop3A_785 : i32 to index
        %parallel_loop3A_788 = arith.index_cast %parallel_loop3A_658 : i32 to index
        %parallel_loop3A_789 = tpu.vector_load %arg8[%parallel_loop3A_786, %parallel_loop3A_787, %parallel_loop3A_788] {strides = array<i32>} : memref<4x128x64xf32, #tpu.memory_space<vmem>>, vector<16xf32>,
        %parallel_loop3A_790 = arith.constant 8.000000e+00 : f32
        %parallel_loop3A_791 = vector.broadcast %parallel_loop3A_790 : f32 to vector<16xf32>
        %parallel_loop3A_792 = arith.mulf %parallel_loop3A_789, %parallel_loop3A_791 : vector<16xf32>
        %parallel_loop3A_793 = arith.addf %parallel_loop3A_792, %parallel_loop3A_662 : vector<16xf32>
        %parallel_loop3A_794 = arith.constant 0 : i32
        %parallel_loop3A_795 = tpu.memref_slice %arg10[%parallel_loop3A_574, %parallel_loop3A_794] : memref<64x272xf32, #tpu.memory_space<vmem>> -> memref<1x272xf32, #tpu.memory_space<vmem>>
        %parallel_loop3A_796 = tpu.memref_squeeze %parallel_loop3A_795 : memref<1x272xf32, #tpu.memory_space<vmem>> -> memref<272xf32, #tpu.memory_space<vmem>>
        %parallel_loop3A_797 = arith.constant 119 : index
        %parallel_loop3A_798 = tpu.vector_load %parallel_loop3A_796[%parallel_loop3A_797] {strides = array<i32>} : memref<272xf32, #tpu.memory_space<vmem>>, vector<16xf32>,
        tpu.vector_store %parallel_loop3A_796[%parallel_loop3A_797], %parallel_loop3A_793 {strides = array<i32>} : memref<272xf32, #tpu.memory_space<vmem>>, vector<16xf32>,
        %parallel_loop3A_799 = arith.constant 2 : i32
        %parallel_loop3A_800 = arith.addi %parallel_loop3A_799, %parallel_loop3A_598 : i32
        %parallel_loop3A_801 = arith.constant 8 : i32
        %parallel_loop3A_802 = arith.addi %parallel_loop3A_656, %parallel_loop3A_801 : i32
        %parallel_loop3A_803 = arith.index_cast %parallel_loop3A_800 : i32 to index
        %parallel_loop3A_804 = arith.index_cast %parallel_loop3A_802 : i32 to index
        %parallel_loop3A_805 = arith.index_cast %parallel_loop3A_658 : i32 to index
        %parallel_loop3A_806 = tpu.vector_load %arg8[%parallel_loop3A_803, %parallel_loop3A_804, %parallel_loop3A_805] {strides = array<i32>} : memref<4x128x64xf32, #tpu.memory_space<vmem>>, vector<16xf32>,
        %parallel_loop3A_807 = arith.constant 8.000000e+00 : f32
        %parallel_loop3A_808 = vector.broadcast %parallel_loop3A_807 : f32 to vector<16xf32>
        %parallel_loop3A_809 = arith.mulf %parallel_loop3A_806, %parallel_loop3A_808 : vector<16xf32>
        %parallel_loop3A_810 = arith.addf %parallel_loop3A_809, %parallel_loop3A_662 : vector<16xf32>
        %parallel_loop3A_811 = arith.constant 0 : i32
        %parallel_loop3A_812 = tpu.memref_slice %arg10[%parallel_loop3A_574, %parallel_loop3A_811] : memref<64x272xf32, #tpu.memory_space<vmem>> -> memref<1x272xf32, #tpu.memory_space<vmem>>
        %parallel_loop3A_813 = tpu.memref_squeeze %parallel_loop3A_812 : memref<1x272xf32, #tpu.memory_space<vmem>> -> memref<272xf32, #tpu.memory_space<vmem>>
        %parallel_loop3A_814 = arith.constant 136 : index
        %parallel_loop3A_815 = tpu.vector_load %parallel_loop3A_813[%parallel_loop3A_814] {strides = array<i32>} : memref<272xf32, #tpu.memory_space<vmem>>, vector<16xf32>,
        tpu.vector_store %parallel_loop3A_813[%parallel_loop3A_814], %parallel_loop3A_810 {strides = array<i32>} : memref<272xf32, #tpu.memory_space<vmem>>, vector<16xf32>,
        %parallel_loop3A_816 = arith.constant 2 : i32
        %parallel_loop3A_817 = arith.addi %parallel_loop3A_816, %parallel_loop3A_598 : i32
        %parallel_loop3A_818 = arith.constant 9 : i32
        %parallel_loop3A_819 = arith.addi %parallel_loop3A_656, %parallel_loop3A_818 : i32
        %parallel_loop3A_820 = arith.index_cast %parallel_loop3A_817 : i32 to index
        %parallel_loop3A_821 = arith.index_cast %parallel_loop3A_819 : i32 to index
        %parallel_loop3A_822 = arith.index_cast %parallel_loop3A_658 : i32 to index
        %parallel_loop3A_823 = tpu.vector_load %arg8[%parallel_loop3A_820, %parallel_loop3A_821, %parallel_loop3A_822] {strides = array<i32>} : memref<4x128x64xf32, #tpu.memory_space<vmem>>, vector<16xf32>,
        %parallel_loop3A_824 = arith.constant 8.000000e+00 : f32
        %parallel_loop3A_825 = vector.broadcast %parallel_loop3A_824 : f32 to vector<16xf32>
        %parallel_loop3A_826 = arith.mulf %parallel_loop3A_823, %parallel_loop3A_825 : vector<16xf32>
        %parallel_loop3A_827 = arith.addf %parallel_loop3A_826, %parallel_loop3A_662 : vector<16xf32>
        %parallel_loop3A_828 = arith.constant 0 : i32
        %parallel_loop3A_829 = tpu.memref_slice %arg10[%parallel_loop3A_574, %parallel_loop3A_828] : memref<64x272xf32, #tpu.memory_space<vmem>> -> memref<1x272xf32, #tpu.memory_space<vmem>>
        %parallel_loop3A_830 = tpu.memref_squeeze %parallel_loop3A_829 : memref<1x272xf32, #tpu.memory_space<vmem>> -> memref<272xf32, #tpu.memory_space<vmem>>
        %parallel_loop3A_831 = arith.constant 153 : index
        %parallel_loop3A_832 = tpu.vector_load %parallel_loop3A_830[%parallel_loop3A_831] {strides = array<i32>} : memref<272xf32, #tpu.memory_space<vmem>>, vector<16xf32>,
        tpu.vector_store %parallel_loop3A_830[%parallel_loop3A_831], %parallel_loop3A_827 {strides = array<i32>} : memref<272xf32, #tpu.memory_space<vmem>>, vector<16xf32>,
        %parallel_loop3A_833 = arith.constant 2 : i32
        %parallel_loop3A_834 = arith.addi %parallel_loop3A_833, %parallel_loop3A_598 : i32
        %parallel_loop3A_835 = arith.constant 10 : i32
        %parallel_loop3A_836 = arith.addi %parallel_loop3A_656, %parallel_loop3A_835 : i32
        %parallel_loop3A_837 = arith.index_cast %parallel_loop3A_834 : i32 to index
        %parallel_loop3A_838 = arith.index_cast %parallel_loop3A_836 : i32 to index
        %parallel_loop3A_839 = arith.index_cast %parallel_loop3A_658 : i32 to index
        %parallel_loop3A_840 = tpu.vector_load %arg8[%parallel_loop3A_837, %parallel_loop3A_838, %parallel_loop3A_839] {strides = array<i32>} : memref<4x128x64xf32, #tpu.memory_space<vmem>>, vector<16xf32>,
        %parallel_loop3A_841 = arith.constant 8.000000e+00 : f32
        %parallel_loop3A_842 = vector.broadcast %parallel_loop3A_841 : f32 to vector<16xf32>
        %parallel_loop3A_843 = arith.mulf %parallel_loop3A_840, %parallel_loop3A_842 : vector<16xf32>
        %parallel_loop3A_844 = arith.addf %parallel_loop3A_843, %parallel_loop3A_662 : vector<16xf32>
        %parallel_loop3A_845 = arith.constant 0 : i32
        %parallel_loop3A_846 = tpu.memref_slice %arg10[%parallel_loop3A_574, %parallel_loop3A_845] : memref<64x272xf32, #tpu.memory_space<vmem>> -> memref<1x272xf32, #tpu.memory_space<vmem>>
        %parallel_loop3A_847 = tpu.memref_squeeze %parallel_loop3A_846 : memref<1x272xf32, #tpu.memory_space<vmem>> -> memref<272xf32, #tpu.memory_space<vmem>>
        %parallel_loop3A_848 = arith.constant 170 : index
        %parallel_loop3A_849 = tpu.vector_load %parallel_loop3A_847[%parallel_loop3A_848] {strides = array<i32>} : memref<272xf32, #tpu.memory_space<vmem>>, vector<16xf32>,
        tpu.vector_store %parallel_loop3A_847[%parallel_loop3A_848], %parallel_loop3A_844 {strides = array<i32>} : memref<272xf32, #tpu.memory_space<vmem>>, vector<16xf32>,
        %parallel_loop3A_850 = arith.constant 2 : i32
        %parallel_loop3A_851 = arith.addi %parallel_loop3A_850, %parallel_loop3A_598 : i32
        %parallel_loop3A_852 = arith.constant 11 : i32
        %parallel_loop3A_853 = arith.addi %parallel_loop3A_656, %parallel_loop3A_852 : i32
        %parallel_loop3A_854 = arith.index_cast %parallel_loop3A_851 : i32 to index
        %parallel_loop3A_855 = arith.index_cast %parallel_loop3A_853 : i32 to index
        %parallel_loop3A_856 = arith.index_cast %parallel_loop3A_658 : i32 to index
        %parallel_loop3A_857 = tpu.vector_load %arg8[%parallel_loop3A_854, %parallel_loop3A_855, %parallel_loop3A_856] {strides = array<i32>} : memref<4x128x64xf32, #tpu.memory_space<vmem>>, vector<16xf32>,
        %parallel_loop3A_858 = arith.constant 8.000000e+00 : f32
        %parallel_loop3A_859 = vector.broadcast %parallel_loop3A_858 : f32 to vector<16xf32>
        %parallel_loop3A_860 = arith.mulf %parallel_loop3A_857, %parallel_loop3A_859 : vector<16xf32>
        %parallel_loop3A_861 = arith.addf %parallel_loop3A_860, %parallel_loop3A_662 : vector<16xf32>
        %parallel_loop3A_862 = arith.constant 0 : i32
        %parallel_loop3A_863 = tpu.memref_slice %arg10[%parallel_loop3A_574, %parallel_loop3A_862] : memref<64x272xf32, #tpu.memory_space<vmem>> -> memref<1x272xf32, #tpu.memory_space<vmem>>
        %parallel_loop3A_864 = tpu.memref_squeeze %parallel_loop3A_863 : memref<1x272xf32, #tpu.memory_space<vmem>> -> memref<272xf32, #tpu.memory_space<vmem>>
        %parallel_loop3A_865 = arith.constant 187 : index
        %parallel_loop3A_866 = tpu.vector_load %parallel_loop3A_864[%parallel_loop3A_865] {strides = array<i32>} : memref<272xf32, #tpu.memory_space<vmem>>, vector<16xf32>,
        tpu.vector_store %parallel_loop3A_864[%parallel_loop3A_865], %parallel_loop3A_861 {strides = array<i32>} : memref<272xf32, #tpu.memory_space<vmem>>, vector<16xf32>,
        %parallel_loop3A_867 = arith.constant 2 : i32
        %parallel_loop3A_868 = arith.addi %parallel_loop3A_867, %parallel_loop3A_598 : i32
        %parallel_loop3A_869 = arith.constant 12 : i32
        %parallel_loop3A_870 = arith.addi %parallel_loop3A_656, %parallel_loop3A_869 : i32
        %parallel_loop3A_871 = arith.index_cast %parallel_loop3A_868 : i32 to index
        %parallel_loop3A_872 = arith.index_cast %parallel_loop3A_870 : i32 to index
        %parallel_loop3A_873 = arith.index_cast %parallel_loop3A_658 : i32 to index
        %parallel_loop3A_874 = tpu.vector_load %arg8[%parallel_loop3A_871, %parallel_loop3A_872, %parallel_loop3A_873] {strides = array<i32>} : memref<4x128x64xf32, #tpu.memory_space<vmem>>, vector<16xf32>,
        %parallel_loop3A_875 = arith.constant 8.000000e+00 : f32
        %parallel_loop3A_876 = vector.broadcast %parallel_loop3A_875 : f32 to vector<16xf32>
        %parallel_loop3A_877 = arith.mulf %parallel_loop3A_874, %parallel_loop3A_876 : vector<16xf32>
        %parallel_loop3A_878 = arith.addf %parallel_loop3A_877, %parallel_loop3A_662 : vector<16xf32>
        %parallel_loop3A_879 = arith.constant 0 : i32
        %parallel_loop3A_880 = tpu.memref_slice %arg10[%parallel_loop3A_574, %parallel_loop3A_879] : memref<64x272xf32, #tpu.memory_space<vmem>> -> memref<1x272xf32, #tpu.memory_space<vmem>>
        %parallel_loop3A_881 = tpu.memref_squeeze %parallel_loop3A_880 : memref<1x272xf32, #tpu.memory_space<vmem>> -> memref<272xf32, #tpu.memory_space<vmem>>
        %parallel_loop3A_882 = arith.constant 204 : index
        %parallel_loop3A_883 = tpu.vector_load %parallel_loop3A_881[%parallel_loop3A_882] {strides = array<i32>} : memref<272xf32, #tpu.memory_space<vmem>>, vector<16xf32>,
        tpu.vector_store %parallel_loop3A_881[%parallel_loop3A_882], %parallel_loop3A_878 {strides = array<i32>} : memref<272xf32, #tpu.memory_space<vmem>>, vector<16xf32>,
        %parallel_loop3A_884 = arith.constant 2 : i32
        %parallel_loop3A_885 = arith.addi %parallel_loop3A_884, %parallel_loop3A_598 : i32
        %parallel_loop3A_886 = arith.constant 13 : i32
        %parallel_loop3A_887 = arith.addi %parallel_loop3A_656, %parallel_loop3A_886 : i32
        %parallel_loop3A_888 = arith.index_cast %parallel_loop3A_885 : i32 to index
        %parallel_loop3A_889 = arith.index_cast %parallel_loop3A_887 : i32 to index
        %parallel_loop3A_890 = arith.index_cast %parallel_loop3A_658 : i32 to index
        %parallel_loop3A_891 = tpu.vector_load %arg8[%parallel_loop3A_888, %parallel_loop3A_889, %parallel_loop3A_890] {strides = array<i32>} : memref<4x128x64xf32, #tpu.memory_space<vmem>>, vector<16xf32>,
        %parallel_loop3A_892 = arith.constant 8.000000e+00 : f32
        %parallel_loop3A_893 = vector.broadcast %parallel_loop3A_892 : f32 to vector<16xf32>
        %parallel_loop3A_894 = arith.mulf %parallel_loop3A_891, %parallel_loop3A_893 : vector<16xf32>
        %parallel_loop3A_895 = arith.addf %parallel_loop3A_894, %parallel_loop3A_662 : vector<16xf32>
        %parallel_loop3A_896 = arith.constant 0 : i32
        %parallel_loop3A_897 = tpu.memref_slice %arg10[%parallel_loop3A_574, %parallel_loop3A_896] : memref<64x272xf32, #tpu.memory_space<vmem>> -> memref<1x272xf32, #tpu.memory_space<vmem>>
        %parallel_loop3A_898 = tpu.memref_squeeze %parallel_loop3A_897 : memref<1x272xf32, #tpu.memory_space<vmem>> -> memref<272xf32, #tpu.memory_space<vmem>>
        %parallel_loop3A_899 = arith.constant 221 : index
        %parallel_loop3A_900 = tpu.vector_load %parallel_loop3A_898[%parallel_loop3A_899] {strides = array<i32>} : memref<272xf32, #tpu.memory_space<vmem>>, vector<16xf32>,
        tpu.vector_store %parallel_loop3A_898[%parallel_loop3A_899], %parallel_loop3A_895 {strides = array<i32>} : memref<272xf32, #tpu.memory_space<vmem>>, vector<16xf32>,
        %parallel_loop3A_901 = arith.constant 2 : i32
        %parallel_loop3A_902 = arith.addi %parallel_loop3A_901, %parallel_loop3A_598 : i32
        %parallel_loop3A_903 = arith.constant 14 : i32
        %parallel_loop3A_904 = arith.addi %parallel_loop3A_656, %parallel_loop3A_903 : i32
        %parallel_loop3A_905 = arith.index_cast %parallel_loop3A_902 : i32 to index
        %parallel_loop3A_906 = arith.index_cast %parallel_loop3A_904 : i32 to index
        %parallel_loop3A_907 = arith.index_cast %parallel_loop3A_658 : i32 to index
        %parallel_loop3A_908 = tpu.vector_load %arg8[%parallel_loop3A_905, %parallel_loop3A_906, %parallel_loop3A_907] {strides = array<i32>} : memref<4x128x64xf32, #tpu.memory_space<vmem>>, vector<16xf32>,
        %parallel_loop3A_909 = arith.constant 8.000000e+00 : f32
        %parallel_loop3A_910 = vector.broadcast %parallel_loop3A_909 : f32 to vector<16xf32>
        %parallel_loop3A_911 = arith.mulf %parallel_loop3A_908, %parallel_loop3A_910 : vector<16xf32>
        %parallel_loop3A_912 = arith.addf %parallel_loop3A_911, %parallel_loop3A_662 : vector<16xf32>
        %parallel_loop3A_913 = arith.constant 0 : i32
        %parallel_loop3A_914 = tpu.memref_slice %arg10[%parallel_loop3A_574, %parallel_loop3A_913] : memref<64x272xf32, #tpu.memory_space<vmem>> -> memref<1x272xf32, #tpu.memory_space<vmem>>
        %parallel_loop3A_915 = tpu.memref_squeeze %parallel_loop3A_914 : memref<1x272xf32, #tpu.memory_space<vmem>> -> memref<272xf32, #tpu.memory_space<vmem>>
        %parallel_loop3A_916 = arith.constant 238 : index
        %parallel_loop3A_917 = tpu.vector_load %parallel_loop3A_915[%parallel_loop3A_916] {strides = array<i32>} : memref<272xf32, #tpu.memory_space<vmem>>, vector<16xf32>,
        tpu.vector_store %parallel_loop3A_915[%parallel_loop3A_916], %parallel_loop3A_912 {strides = array<i32>} : memref<272xf32, #tpu.memory_space<vmem>>, vector<16xf32>,
        %parallel_loop3A_918 = arith.constant 2 : i32
        %parallel_loop3A_919 = arith.addi %parallel_loop3A_918, %parallel_loop3A_598 : i32
        %parallel_loop3A_920 = arith.constant 15 : i32
        %parallel_loop3A_921 = arith.addi %parallel_loop3A_656, %parallel_loop3A_920 : i32
        %parallel_loop3A_922 = arith.index_cast %parallel_loop3A_919 : i32 to index
        %parallel_loop3A_923 = arith.index_cast %parallel_loop3A_921 : i32 to index
        %parallel_loop3A_924 = arith.index_cast %parallel_loop3A_658 : i32 to index
        %parallel_loop3A_925 = tpu.vector_load %arg8[%parallel_loop3A_922, %parallel_loop3A_923, %parallel_loop3A_924] {strides = array<i32>} : memref<4x128x64xf32, #tpu.memory_space<vmem>>, vector<16xf32>,
        %parallel_loop3A_926 = arith.constant 8.000000e+00 : f32
        %parallel_loop3A_927 = vector.broadcast %parallel_loop3A_926 : f32 to vector<16xf32>
        %parallel_loop3A_928 = arith.mulf %parallel_loop3A_925, %parallel_loop3A_927 : vector<16xf32>
        %parallel_loop3A_929 = arith.addf %parallel_loop3A_928, %parallel_loop3A_662 : vector<16xf32>
        %parallel_loop3A_930 = arith.constant 0 : i32
        %parallel_loop3A_931 = tpu.memref_slice %arg10[%parallel_loop3A_574, %parallel_loop3A_930] : memref<64x272xf32, #tpu.memory_space<vmem>> -> memref<1x272xf32, #tpu.memory_space<vmem>>
        %parallel_loop3A_932 = tpu.memref_squeeze %parallel_loop3A_931 : memref<1x272xf32, #tpu.memory_space<vmem>> -> memref<272xf32, #tpu.memory_space<vmem>>
        %parallel_loop3A_933 = arith.constant 255 : index
        %parallel_loop3A_934 = tpu.vector_load %parallel_loop3A_932[%parallel_loop3A_933] {strides = array<i32>} : memref<272xf32, #tpu.memory_space<vmem>>, vector<16xf32>,
        tpu.vector_store %parallel_loop3A_932[%parallel_loop3A_933], %parallel_loop3A_929 {strides = array<i32>} : memref<272xf32, #tpu.memory_space<vmem>>, vector<16xf32>,
      } {sc.loop_unroll_factor = 1 : i64, sc.parallel_access}
      %parallel_loop3A_501 = arith.constant 0 : i32
      %parallel_loop3A_502 = arith.constant 64 : i32
      %parallel_loop3A_503 = arith.constant 1 : i32
      scf.for %parallel_loop3A_574 = %parallel_loop3A_501 to %parallel_loop3A_502 step %parallel_loop3A_503  : i32 {
        %parallel_loop3A_575 = arith.constant 32 : i32
        %parallel_loop3A_576 = arith.divsi %parallel_loop3A_574, %parallel_loop3A_575 : i32
        %parallel_loop3A_577 = arith.constant 0 : i32
        %parallel_loop3A_578 = arith.cmpi sgt, %parallel_loop3A_574, %parallel_loop3A_577 : i32
        %parallel_loop3A_579 = arith.extui %parallel_loop3A_578 : i1 to i32
        %parallel_loop3A_580 = arith.constant 0 : i32
        %parallel_loop3A_581 = arith.cmpi slt, %parallel_loop3A_574, %parallel_loop3A_580 : i32
        %parallel_loop3A_582 = arith.extui %parallel_loop3A_581 : i1 to i32
        %parallel_loop3A_583 = arith.subi %parallel_loop3A_579, %parallel_loop3A_582 : i32
        %parallel_loop3A_584 = arith.constant 0 : i32
        %parallel_loop3A_585 = arith.cmpi sgt, %parallel_loop3A_575, %parallel_loop3A_584 : i32
        %parallel_loop3A_586 = arith.extui %parallel_loop3A_585 : i1 to i32
        %parallel_loop3A_587 = arith.constant 0 : i32
        %parallel_loop3A_588 = arith.cmpi slt, %parallel_loop3A_575, %parallel_loop3A_587 : i32
        %parallel_loop3A_589 = arith.extui %parallel_loop3A_588 : i1 to i32
        %parallel_loop3A_590 = arith.subi %parallel_loop3A_586, %parallel_loop3A_589 : i32
        %parallel_loop3A_591 = arith.cmpi ne, %parallel_loop3A_583, %parallel_loop3A_590 : i32
        %parallel_loop3A_592 = arith.remsi %parallel_loop3A_574, %parallel_loop3A_575 : i32
        %parallel_loop3A_593 = arith.constant 0 : i32
        %parallel_loop3A_594 = arith.cmpi ne, %parallel_loop3A_592, %parallel_loop3A_593 : i32
        %parallel_loop3A_595 = arith.andi %parallel_loop3A_591, %parallel_loop3A_594 : i1
        %parallel_loop3A_596 = arith.constant 1 : i32
        %parallel_loop3A_597 = arith.subi %parallel_loop3A_576, %parallel_loop3A_596 : i32
        %parallel_loop3A_598 = arith.select %parallel_loop3A_595, %parallel_loop3A_597, %parallel_loop3A_576 : i32
        %parallel_loop3A_599 = arith.constant 32 : i32
        %parallel_loop3A_600 = arith.constant 0 : i32
        %parallel_loop3A_601 = arith.cmpi eq, %parallel_loop3A_599, %parallel_loop3A_600 : i32
        %parallel_loop3A_602 = arith.constant 1 : i32
        %parallel_loop3A_603 = arith.select %parallel_loop3A_601, %parallel_loop3A_602, %parallel_loop3A_599 : i32
        %parallel_loop3A_604 = arith.remsi %parallel_loop3A_574, %parallel_loop3A_603 : i32
        %parallel_loop3A_605 = arith.constant 0 : i32
        %parallel_loop3A_606 = arith.cmpi ne, %parallel_loop3A_604, %parallel_loop3A_605 : i32
        %parallel_loop3A_607 = arith.constant 0 : i32
        %parallel_loop3A_608 = arith.cmpi slt, %parallel_loop3A_604, %parallel_loop3A_607 : i32
        %parallel_loop3A_609 = arith.constant 0 : i32
        %parallel_loop3A_610 = arith.cmpi slt, %parallel_loop3A_603, %parallel_loop3A_609 : i32
        %parallel_loop3A_611 = arith.xori %parallel_loop3A_608, %parallel_loop3A_610 : i1
        %parallel_loop3A_612 = arith.andi %parallel_loop3A_611, %parallel_loop3A_606 : i1
        %parallel_loop3A_613 = arith.addi %parallel_loop3A_604, %parallel_loop3A_603 : i32
        %parallel_loop3A_614 = arith.select %parallel_loop3A_612, %parallel_loop3A_613, %parallel_loop3A_604 : i32
        %parallel_loop3A_615 = arith.constant 4 : i32
        %parallel_loop3A_616 = arith.divsi %parallel_loop3A_614, %parallel_loop3A_615 : i32
        %parallel_loop3A_617 = arith.constant 0 : i32
        %parallel_loop3A_618 = arith.cmpi sgt, %parallel_loop3A_614, %parallel_loop3A_617 : i32
        %parallel_loop3A_619 = arith.extui %parallel_loop3A_618 : i1 to i32
        %parallel_loop3A_620 = arith.constant 0 : i32
        %parallel_loop3A_621 = arith.cmpi slt, %parallel_loop3A_614, %parallel_loop3A_620 : i32
        %parallel_loop3A_622 = arith.extui %parallel_loop3A_621 : i1 to i32
        %parallel_loop3A_623 = arith.subi %parallel_loop3A_619, %parallel_loop3A_622 : i32
        %parallel_loop3A_624 = arith.constant 0 : i32
        %parallel_loop3A_625 = arith.cmpi sgt, %parallel_loop3A_615, %parallel_loop3A_624 : i32
        %parallel_loop3A_626 = arith.extui %parallel_loop3A_625 : i1 to i32
        %parallel_loop3A_627 = arith.constant 0 : i32
        %parallel_loop3A_628 = arith.cmpi slt, %parallel_loop3A_615, %parallel_loop3A_627 : i32
        %parallel_loop3A_629 = arith.extui %parallel_loop3A_628 : i1 to i32
        %parallel_loop3A_630 = arith.subi %parallel_loop3A_626, %parallel_loop3A_629 : i32
        %parallel_loop3A_631 = arith.cmpi ne, %parallel_loop3A_623, %parallel_loop3A_630 : i32
        %parallel_loop3A_632 = arith.remsi %parallel_loop3A_614, %parallel_loop3A_615 : i32
        %parallel_loop3A_633 = arith.constant 0 : i32
        %parallel_loop3A_634 = arith.cmpi ne, %parallel_loop3A_632, %parallel_loop3A_633 : i32
        %parallel_loop3A_635 = arith.andi %parallel_loop3A_631, %parallel_loop3A_634 : i1
        %parallel_loop3A_636 = arith.constant 1 : i32
        %parallel_loop3A_637 = arith.subi %parallel_loop3A_616, %parallel_loop3A_636 : i32
        %parallel_loop3A_638 = arith.select %parallel_loop3A_635, %parallel_loop3A_637, %parallel_loop3A_616 : i32
        %parallel_loop3A_639 = arith.constant 4 : i32
        %parallel_loop3A_640 = arith.constant 0 : i32
        %parallel_loop3A_641 = arith.cmpi eq, %parallel_loop3A_639, %parallel_loop3A_640 : i32
        %parallel_loop3A_642 = arith.constant 1 : i32
        %parallel_loop3A_643 = arith.select %parallel_loop3A_641, %parallel_loop3A_642, %parallel_loop3A_639 : i32
        %parallel_loop3A_644 = arith.remsi %parallel_loop3A_614, %parallel_loop3A_643 : i32
        %parallel_loop3A_645 = arith.constant 0 : i32
        %parallel_loop3A_646 = arith.cmpi ne, %parallel_loop3A_644, %parallel_loop3A_645 : i32
        %parallel_loop3A_647 = arith.constant 0 : i32
        %parallel_loop3A_648 = arith.cmpi slt, %parallel_loop3A_644, %parallel_loop3A_647 : i32
        %parallel_loop3A_649 = arith.constant 0 : i32
        %parallel_loop3A_650 = arith.cmpi slt, %parallel_loop3A_643, %parallel_loop3A_649 : i32
        %parallel_loop3A_651 = arith.xori %parallel_loop3A_648, %parallel_loop3A_650 : i1
        %parallel_loop3A_652 = arith.andi %parallel_loop3A_651, %parallel_loop3A_646 : i1
        %parallel_loop3A_653 = arith.addi %parallel_loop3A_644, %parallel_loop3A_643 : i32
        %parallel_loop3A_654 = arith.select %parallel_loop3A_652, %parallel_loop3A_653, %parallel_loop3A_644 : i32
        %parallel_loop3A_655 = arith.constant 16 : i32
        %parallel_loop3A_656 = arith.muli %parallel_loop3A_638, %parallel_loop3A_655 : i32
        %parallel_loop3A_657 = arith.constant 16 : i32
        %parallel_loop3A_658 = arith.muli %parallel_loop3A_654, %parallel_loop3A_657 : i32
        %parallel_loop3A_659 = arith.constant 0 : i32
        %parallel_loop3A_660 = arith.addi %parallel_loop3A_658, %parallel_loop3A_659 : i32
        %parallel_loop3A_661 = arith.constant 0 : i32
        %parallel_loop3A_662 = vector.broadcast %parallel_loop3A_661 : i32 to vector<16xi32>
        %parallel_loop3A_663 = arith.addi %mul3A_3, %parallel_loop3A_662 : vector<16xi32>
        %parallel_loop3A_664 = arith.constant 0 : i32
        %parallel_loop3A_665 = tpu.memref_slice %arg10[%parallel_loop3A_574, %parallel_loop3A_664] : memref<64x272xf32, #tpu.memory_space<vmem>> -> memref<1x272xf32, #tpu.memory_space<vmem>>
        %parallel_loop3A_666 = tpu.memref_squeeze %parallel_loop3A_665 : memref<1x272xf32, #tpu.memory_space<vmem>> -> memref<272xf32, #tpu.memory_space<vmem>>
        %parallel_loop3A_667 = tpu.vector_load_idx %parallel_loop3A_666[%parallel_loop3A_663] : memref<272xf32, #tpu.memory_space<vmem>>[vector<16xi32>], vector<16xf32>,
        %parallel_loop3A_668 = arith.constant 2 : i32
        %parallel_loop3A_669 = arith.addi %parallel_loop3A_668, %parallel_loop3A_598 : i32
        %parallel_loop3A_670 = arith.constant 8 : i32
        %parallel_loop3A_671 = arith.divsi %parallel_loop3A_660, %parallel_loop3A_670 : i32
        %parallel_loop3A_672 = arith.constant 0 : i32
        %parallel_loop3A_673 = arith.cmpi sgt, %parallel_loop3A_660, %parallel_loop3A_672 : i32
        %parallel_loop3A_674 = arith.extui %parallel_loop3A_673 : i1 to i32
        %parallel_loop3A_675 = arith.constant 0 : i32
        %parallel_loop3A_676 = arith.cmpi slt, %parallel_loop3A_660, %parallel_loop3A_675 : i32
        %parallel_loop3A_677 = arith.extui %parallel_loop3A_676 : i1 to i32
        %parallel_loop3A_678 = arith.subi %parallel_loop3A_674, %parallel_loop3A_677 : i32
        %parallel_loop3A_679 = arith.constant 0 : i32
        %parallel_loop3A_680 = arith.cmpi sgt, %parallel_loop3A_670, %parallel_loop3A_679 : i32
        %parallel_loop3A_681 = arith.extui %parallel_loop3A_680 : i1 to i32
        %parallel_loop3A_682 = arith.constant 0 : i32
        %parallel_loop3A_683 = arith.cmpi slt, %parallel_loop3A_670, %parallel_loop3A_682 : i32
        %parallel_loop3A_684 = arith.extui %parallel_loop3A_683 : i1 to i32
        %parallel_loop3A_685 = arith.subi %parallel_loop3A_681, %parallel_loop3A_684 : i32
        %parallel_loop3A_686 = arith.cmpi ne, %parallel_loop3A_678, %parallel_loop3A_685 : i32
        %parallel_loop3A_687 = arith.remsi %parallel_loop3A_660, %parallel_loop3A_670 : i32
        %parallel_loop3A_688 = arith.constant 0 : i32
        %parallel_loop3A_689 = arith.cmpi ne, %parallel_loop3A_687, %parallel_loop3A_688 : i32
        %parallel_loop3A_690 = arith.andi %parallel_loop3A_686, %parallel_loop3A_689 : i1
        %parallel_loop3A_691 = arith.constant 1 : i32
        %parallel_loop3A_692 = arith.subi %parallel_loop3A_671, %parallel_loop3A_691 : i32
        %parallel_loop3A_693 = arith.select %parallel_loop3A_690, %parallel_loop3A_692, %parallel_loop3A_671 : i32
        %parallel_loop3A_694 = arith.constant 8 : i32
        %parallel_loop3A_695 = arith.constant 0 : i32
        %parallel_loop3A_696 = arith.cmpi eq, %parallel_loop3A_694, %parallel_loop3A_695 : i32
        %parallel_loop3A_697 = arith.constant 1 : i32
        %parallel_loop3A_698 = arith.select %parallel_loop3A_696, %parallel_loop3A_697, %parallel_loop3A_694 : i32
        %parallel_loop3A_699 = arith.remsi %parallel_loop3A_660, %parallel_loop3A_698 : i32
        %parallel_loop3A_700 = arith.constant 0 : i32
        %parallel_loop3A_701 = arith.cmpi ne, %parallel_loop3A_699, %parallel_loop3A_700 : i32
        %parallel_loop3A_702 = arith.constant 0 : i32
        %parallel_loop3A_703 = arith.cmpi slt, %parallel_loop3A_699, %parallel_loop3A_702 : i32
        %parallel_loop3A_704 = arith.constant 0 : i32
        %parallel_loop3A_705 = arith.cmpi slt, %parallel_loop3A_698, %parallel_loop3A_704 : i32
        %parallel_loop3A_706 = arith.xori %parallel_loop3A_703, %parallel_loop3A_705 : i1
        %parallel_loop3A_707 = arith.andi %parallel_loop3A_706, %parallel_loop3A_701 : i1
        %parallel_loop3A_708 = arith.addi %parallel_loop3A_699, %parallel_loop3A_698 : i32
        %parallel_loop3A_709 = arith.select %parallel_loop3A_707, %parallel_loop3A_708, %parallel_loop3A_699 : i32
        %parallel_loop3A_710 = arith.index_cast %parallel_loop3A_669 : i32 to index
        %parallel_loop3A_711 = arith.index_cast %parallel_loop3A_693 : i32 to index
        %parallel_loop3A_712 = arith.index_cast %parallel_loop3A_709 : i32 to index
        %parallel_loop3A_713 = arith.index_cast %parallel_loop3A_656 : i32 to index
        %parallel_loop3A_714 = tpu.vector_load %arg9[%parallel_loop3A_710, %parallel_loop3A_711, %parallel_loop3A_712, %parallel_loop3A_713] {strides = array<i32>} : memref<4x8x8x128xf32, #tpu.memory_space<vmem>>, vector<16xf32>,
        tpu.vector_store %arg9[%parallel_loop3A_710, %parallel_loop3A_711, %parallel_loop3A_712, %parallel_loop3A_713], %parallel_loop3A_667 {strides = array<i32>} : memref<4x8x8x128xf32, #tpu.memory_space<vmem>>, vector<16xf32>,
        %parallel_loop3A_715 = arith.constant 1 : i32
        %parallel_loop3A_716 = arith.addi %parallel_loop3A_658, %parallel_loop3A_715 : i32
        %parallel_loop3A_717 = arith.constant 1 : i32
        %parallel_loop3A_718 = vector.broadcast %parallel_loop3A_717 : i32 to vector<16xi32>
        %parallel_loop3A_719 = arith.addi %mul3A_3, %parallel_loop3A_718 : vector<16xi32>
        %parallel_loop3A_720 = arith.constant 0 : i32
        %parallel_loop3A_721 = tpu.memref_slice %arg10[%parallel_loop3A_574, %parallel_loop3A_720] : memref<64x272xf32, #tpu.memory_space<vmem>> -> memref<1x272xf32, #tpu.memory_space<vmem>>
        %parallel_loop3A_722 = tpu.memref_squeeze %parallel_loop3A_721 : memref<1x272xf32, #tpu.memory_space<vmem>> -> memref<272xf32, #tpu.memory_space<vmem>>
        %parallel_loop3A_723 = tpu.vector_load_idx %parallel_loop3A_722[%parallel_loop3A_719] : memref<272xf32, #tpu.memory_space<vmem>>[vector<16xi32>], vector<16xf32>,
        %parallel_loop3A_724 = arith.constant 2 : i32
        %parallel_loop3A_725 = arith.addi %parallel_loop3A_724, %parallel_loop3A_598 : i32
        %parallel_loop3A_726 = arith.constant 8 : i32
        %parallel_loop3A_727 = arith.divsi %parallel_loop3A_716, %parallel_loop3A_726 : i32
        %parallel_loop3A_728 = arith.constant 0 : i32
        %parallel_loop3A_729 = arith.cmpi sgt, %parallel_loop3A_716, %parallel_loop3A_728 : i32
        %parallel_loop3A_730 = arith.extui %parallel_loop3A_729 : i1 to i32
        %parallel_loop3A_731 = arith.constant 0 : i32
        %parallel_loop3A_732 = arith.cmpi slt, %parallel_loop3A_716, %parallel_loop3A_731 : i32
        %parallel_loop3A_733 = arith.extui %parallel_loop3A_732 : i1 to i32
        %parallel_loop3A_734 = arith.subi %parallel_loop3A_730, %parallel_loop3A_733 : i32
        %parallel_loop3A_735 = arith.constant 0 : i32
        %parallel_loop3A_736 = arith.cmpi sgt, %parallel_loop3A_726, %parallel_loop3A_735 : i32
        %parallel_loop3A_737 = arith.extui %parallel_loop3A_736 : i1 to i32
        %parallel_loop3A_738 = arith.constant 0 : i32
        %parallel_loop3A_739 = arith.cmpi slt, %parallel_loop3A_726, %parallel_loop3A_738 : i32
        %parallel_loop3A_740 = arith.extui %parallel_loop3A_739 : i1 to i32
        %parallel_loop3A_741 = arith.subi %parallel_loop3A_737, %parallel_loop3A_740 : i32
        %parallel_loop3A_742 = arith.cmpi ne, %parallel_loop3A_734, %parallel_loop3A_741 : i32
        %parallel_loop3A_743 = arith.remsi %parallel_loop3A_716, %parallel_loop3A_726 : i32
        %parallel_loop3A_744 = arith.constant 0 : i32
        %parallel_loop3A_745 = arith.cmpi ne, %parallel_loop3A_743, %parallel_loop3A_744 : i32
        %parallel_loop3A_746 = arith.andi %parallel_loop3A_742, %parallel_loop3A_745 : i1
        %parallel_loop3A_747 = arith.constant 1 : i32
        %parallel_loop3A_748 = arith.subi %parallel_loop3A_727, %parallel_loop3A_747 : i32
        %parallel_loop3A_749 = arith.select %parallel_loop3A_746, %parallel_loop3A_748, %parallel_loop3A_727 : i32
        %parallel_loop3A_750 = arith.constant 8 : i32
        %parallel_loop3A_751 = arith.constant 0 : i32
        %parallel_loop3A_752 = arith.cmpi eq, %parallel_loop3A_750, %parallel_loop3A_751 : i32
        %parallel_loop3A_753 = arith.constant 1 : i32
        %parallel_loop3A_754 = arith.select %parallel_loop3A_752, %parallel_loop3A_753, %parallel_loop3A_750 : i32
        %parallel_loop3A_755 = arith.remsi %parallel_loop3A_716, %parallel_loop3A_754 : i32
        %parallel_loop3A_756 = arith.constant 0 : i32
        %parallel_loop3A_757 = arith.cmpi ne, %parallel_loop3A_755, %parallel_loop3A_756 : i32
        %parallel_loop3A_758 = arith.constant 0 : i32
        %parallel_loop3A_759 = arith.cmpi slt, %parallel_loop3A_755, %parallel_loop3A_758 : i32
        %parallel_loop3A_760 = arith.constant 0 : i32
        %parallel_loop3A_761 = arith.cmpi slt, %parallel_loop3A_754, %parallel_loop3A_760 : i32
        %parallel_loop3A_762 = arith.xori %parallel_loop3A_759, %parallel_loop3A_761 : i1
        %parallel_loop3A_763 = arith.andi %parallel_loop3A_762, %parallel_loop3A_757 : i1
        %parallel_loop3A_764 = arith.addi %parallel_loop3A_755, %parallel_loop3A_754 : i32
        %parallel_loop3A_765 = arith.select %parallel_loop3A_763, %parallel_loop3A_764, %parallel_loop3A_755 : i32
        %parallel_loop3A_766 = arith.index_cast %parallel_loop3A_725 : i32 to index
        %parallel_loop3A_767 = arith.index_cast %parallel_loop3A_749 : i32 to index
        %parallel_loop3A_768 = arith.index_cast %parallel_loop3A_765 : i32 to index
        %parallel_loop3A_769 = arith.index_cast %parallel_loop3A_656 : i32 to index
        %parallel_loop3A_770 = tpu.vector_load %arg9[%parallel_loop3A_766, %parallel_loop3A_767, %parallel_loop3A_768, %parallel_loop3A_769] {strides = array<i32>} : memref<4x8x8x128xf32, #tpu.memory_space<vmem>>, vector<16xf32>,
        tpu.vector_store %arg9[%parallel_loop3A_766, %parallel_loop3A_767, %parallel_loop3A_768, %parallel_loop3A_769], %parallel_loop3A_723 {strides = array<i32>} : memref<4x8x8x128xf32, #tpu.memory_space<vmem>>, vector<16xf32>,
        %parallel_loop3A_771 = arith.constant 2 : i32
        %parallel_loop3A_772 = arith.addi %parallel_loop3A_658, %parallel_loop3A_771 : i32
        %parallel_loop3A_773 = arith.constant 2 : i32
        %parallel_loop3A_774 = vector.broadcast %parallel_loop3A_773 : i32 to vector<16xi32>
        %parallel_loop3A_775 = arith.addi %mul3A_3, %parallel_loop3A_774 : vector<16xi32>
        %parallel_loop3A_776 = arith.constant 0 : i32
        %parallel_loop3A_777 = tpu.memref_slice %arg10[%parallel_loop3A_574, %parallel_loop3A_776] : memref<64x272xf32, #tpu.memory_space<vmem>> -> memref<1x272xf32, #tpu.memory_space<vmem>>
        %parallel_loop3A_778 = tpu.memref_squeeze %parallel_loop3A_777 : memref<1x272xf32, #tpu.memory_space<vmem>> -> memref<272xf32, #tpu.memory_space<vmem>>
        %parallel_loop3A_779 = tpu.vector_load_idx %parallel_loop3A_778[%parallel_loop3A_775] : memref<272xf32, #tpu.memory_space<vmem>>[vector<16xi32>], vector<16xf32>,
        %parallel_loop3A_780 = arith.constant 2 : i32
        %parallel_loop3A_781 = arith.addi %parallel_loop3A_780, %parallel_loop3A_598 : i32
        %parallel_loop3A_782 = arith.constant 8 : i32
        %parallel_loop3A_783 = arith.divsi %parallel_loop3A_772, %parallel_loop3A_782 : i32
        %parallel_loop3A_784 = arith.constant 0 : i32
        %parallel_loop3A_785 = arith.cmpi sgt, %parallel_loop3A_772, %parallel_loop3A_784 : i32
        %parallel_loop3A_786 = arith.extui %parallel_loop3A_785 : i1 to i32
        %parallel_loop3A_787 = arith.constant 0 : i32
        %parallel_loop3A_788 = arith.cmpi slt, %parallel_loop3A_772, %parallel_loop3A_787 : i32
        %parallel_loop3A_789 = arith.extui %parallel_loop3A_788 : i1 to i32
        %parallel_loop3A_790 = arith.subi %parallel_loop3A_786, %parallel_loop3A_789 : i32
        %parallel_loop3A_791 = arith.constant 0 : i32
        %parallel_loop3A_792 = arith.cmpi sgt, %parallel_loop3A_782, %parallel_loop3A_791 : i32
        %parallel_loop3A_793 = arith.extui %parallel_loop3A_792 : i1 to i32
        %parallel_loop3A_794 = arith.constant 0 : i32
        %parallel_loop3A_795 = arith.cmpi slt, %parallel_loop3A_782, %parallel_loop3A_794 : i32
        %parallel_loop3A_796 = arith.extui %parallel_loop3A_795 : i1 to i32
        %parallel_loop3A_797 = arith.subi %parallel_loop3A_793, %parallel_loop3A_796 : i32
        %parallel_loop3A_798 = arith.cmpi ne, %parallel_loop3A_790, %parallel_loop3A_797 : i32
        %parallel_loop3A_799 = arith.remsi %parallel_loop3A_772, %parallel_loop3A_782 : i32
        %parallel_loop3A_800 = arith.constant 0 : i32
        %parallel_loop3A_801 = arith.cmpi ne, %parallel_loop3A_799, %parallel_loop3A_800 : i32
        %parallel_loop3A_802 = arith.andi %parallel_loop3A_798, %parallel_loop3A_801 : i1
        %parallel_loop3A_803 = arith.constant 1 : i32
        %parallel_loop3A_804 = arith.subi %parallel_loop3A_783, %parallel_loop3A_803 : i32
        %parallel_loop3A_805 = arith.select %parallel_loop3A_802, %parallel_loop3A_804, %parallel_loop3A_783 : i32
        %parallel_loop3A_806 = arith.constant 8 : i32
        %parallel_loop3A_807 = arith.constant 0 : i32
        %parallel_loop3A_808 = arith.cmpi eq, %parallel_loop3A_806, %parallel_loop3A_807 : i32
        %parallel_loop3A_809 = arith.constant 1 : i32
        %parallel_loop3A_810 = arith.select %parallel_loop3A_808, %parallel_loop3A_809, %parallel_loop3A_806 : i32
        %parallel_loop3A_811 = arith.remsi %parallel_loop3A_772, %parallel_loop3A_810 : i32
        %parallel_loop3A_812 = arith.constant 0 : i32
        %parallel_loop3A_813 = arith.cmpi ne, %parallel_loop3A_811, %parallel_loop3A_812 : i32
        %parallel_loop3A_814 = arith.constant 0 : i32
        %parallel_loop3A_815 = arith.cmpi slt, %parallel_loop3A_811, %parallel_loop3A_814 : i32
        %parallel_loop3A_816 = arith.constant 0 : i32
        %parallel_loop3A_817 = arith.cmpi slt, %parallel_loop3A_810, %parallel_loop3A_816 : i32
        %parallel_loop3A_818 = arith.xori %parallel_loop3A_815, %parallel_loop3A_817 : i1
        %parallel_loop3A_819 = arith.andi %parallel_loop3A_818, %parallel_loop3A_813 : i1
        %parallel_loop3A_820 = arith.addi %parallel_loop3A_811, %parallel_loop3A_810 : i32
        %parallel_loop3A_821 = arith.select %parallel_loop3A_819, %parallel_loop3A_820, %parallel_loop3A_811 : i32
        %parallel_loop3A_822 = arith.index_cast %parallel_loop3A_781 : i32 to index
        %parallel_loop3A_823 = arith.index_cast %parallel_loop3A_805 : i32 to index
        %parallel_loop3A_824 = arith.index_cast %parallel_loop3A_821 : i32 to index
        %parallel_loop3A_825 = arith.index_cast %parallel_loop3A_656 : i32 to index
        %parallel_loop3A_826 = tpu.vector_load %arg9[%parallel_loop3A_822, %parallel_loop3A_823, %parallel_loop3A_824, %parallel_loop3A_825] {strides = array<i32>} : memref<4x8x8x128xf32, #tpu.memory_space<vmem>>, vector<16xf32>,
        tpu.vector_store %arg9[%parallel_loop3A_822, %parallel_loop3A_823, %parallel_loop3A_824, %parallel_loop3A_825], %parallel_loop3A_779 {strides = array<i32>} : memref<4x8x8x128xf32, #tpu.memory_space<vmem>>, vector<16xf32>,
        %parallel_loop3A_827 = arith.constant 3 : i32
        %parallel_loop3A_828 = arith.addi %parallel_loop3A_658, %parallel_loop3A_827 : i32
        %parallel_loop3A_829 = arith.constant 3 : i32
        %parallel_loop3A_830 = vector.broadcast %parallel_loop3A_829 : i32 to vector<16xi32>
        %parallel_loop3A_831 = arith.addi %mul3A_3, %parallel_loop3A_830 : vector<16xi32>
        %parallel_loop3A_832 = arith.constant 0 : i32
        %parallel_loop3A_833 = tpu.memref_slice %arg10[%parallel_loop3A_574, %parallel_loop3A_832] : memref<64x272xf32, #tpu.memory_space<vmem>> -> memref<1x272xf32, #tpu.memory_space<vmem>>
        %parallel_loop3A_834 = tpu.memref_squeeze %parallel_loop3A_833 : memref<1x272xf32, #tpu.memory_space<vmem>> -> memref<272xf32, #tpu.memory_space<vmem>>
        %parallel_loop3A_835 = tpu.vector_load_idx %parallel_loop3A_834[%parallel_loop3A_831] : memref<272xf32, #tpu.memory_space<vmem>>[vector<16xi32>], vector<16xf32>,
        %parallel_loop3A_836 = arith.constant 2 : i32
        %parallel_loop3A_837 = arith.addi %parallel_loop3A_836, %parallel_loop3A_598 : i32
        %parallel_loop3A_838 = arith.constant 8 : i32
        %parallel_loop3A_839 = arith.divsi %parallel_loop3A_828, %parallel_loop3A_838 : i32
        %parallel_loop3A_840 = arith.constant 0 : i32
        %parallel_loop3A_841 = arith.cmpi sgt, %parallel_loop3A_828, %parallel_loop3A_840 : i32
        %parallel_loop3A_842 = arith.extui %parallel_loop3A_841 : i1 to i32
        %parallel_loop3A_843 = arith.constant 0 : i32
        %parallel_loop3A_844 = arith.cmpi slt, %parallel_loop3A_828, %parallel_loop3A_843 : i32
        %parallel_loop3A_845 = arith.extui %parallel_loop3A_844 : i1 to i32
        %parallel_loop3A_846 = arith.subi %parallel_loop3A_842, %parallel_loop3A_845 : i32
        %parallel_loop3A_847 = arith.constant 0 : i32
        %parallel_loop3A_848 = arith.cmpi sgt, %parallel_loop3A_838, %parallel_loop3A_847 : i32
        %parallel_loop3A_849 = arith.extui %parallel_loop3A_848 : i1 to i32
        %parallel_loop3A_850 = arith.constant 0 : i32
        %parallel_loop3A_851 = arith.cmpi slt, %parallel_loop3A_838, %parallel_loop3A_850 : i32
        %parallel_loop3A_852 = arith.extui %parallel_loop3A_851 : i1 to i32
        %parallel_loop3A_853 = arith.subi %parallel_loop3A_849, %parallel_loop3A_852 : i32
        %parallel_loop3A_854 = arith.cmpi ne, %parallel_loop3A_846, %parallel_loop3A_853 : i32
        %parallel_loop3A_855 = arith.remsi %parallel_loop3A_828, %parallel_loop3A_838 : i32
        %parallel_loop3A_856 = arith.constant 0 : i32
        %parallel_loop3A_857 = arith.cmpi ne, %parallel_loop3A_855, %parallel_loop3A_856 : i32
        %parallel_loop3A_858 = arith.andi %parallel_loop3A_854, %parallel_loop3A_857 : i1
        %parallel_loop3A_859 = arith.constant 1 : i32
        %parallel_loop3A_860 = arith.subi %parallel_loop3A_839, %parallel_loop3A_859 : i32
        %parallel_loop3A_861 = arith.select %parallel_loop3A_858, %parallel_loop3A_860, %parallel_loop3A_839 : i32
        %parallel_loop3A_862 = arith.constant 8 : i32
        %parallel_loop3A_863 = arith.constant 0 : i32
        %parallel_loop3A_864 = arith.cmpi eq, %parallel_loop3A_862, %parallel_loop3A_863 : i32
        %parallel_loop3A_865 = arith.constant 1 : i32
        %parallel_loop3A_866 = arith.select %parallel_loop3A_864, %parallel_loop3A_865, %parallel_loop3A_862 : i32
        %parallel_loop3A_867 = arith.remsi %parallel_loop3A_828, %parallel_loop3A_866 : i32
        %parallel_loop3A_868 = arith.constant 0 : i32
        %parallel_loop3A_869 = arith.cmpi ne, %parallel_loop3A_867, %parallel_loop3A_868 : i32
        %parallel_loop3A_870 = arith.constant 0 : i32
        %parallel_loop3A_871 = arith.cmpi slt, %parallel_loop3A_867, %parallel_loop3A_870 : i32
        %parallel_loop3A_872 = arith.constant 0 : i32
        %parallel_loop3A_873 = arith.cmpi slt, %parallel_loop3A_866, %parallel_loop3A_872 : i32
        %parallel_loop3A_874 = arith.xori %parallel_loop3A_871, %parallel_loop3A_873 : i1
        %parallel_loop3A_875 = arith.andi %parallel_loop3A_874, %parallel_loop3A_869 : i1
        %parallel_loop3A_876 = arith.addi %parallel_loop3A_867, %parallel_loop3A_866 : i32
        %parallel_loop3A_877 = arith.select %parallel_loop3A_875, %parallel_loop3A_876, %parallel_loop3A_867 : i32
        %parallel_loop3A_878 = arith.index_cast %parallel_loop3A_837 : i32 to index
        %parallel_loop3A_879 = arith.index_cast %parallel_loop3A_861 : i32 to index
        %parallel_loop3A_880 = arith.index_cast %parallel_loop3A_877 : i32 to index
        %parallel_loop3A_881 = arith.index_cast %parallel_loop3A_656 : i32 to index
        %parallel_loop3A_882 = tpu.vector_load %arg9[%parallel_loop3A_878, %parallel_loop3A_879, %parallel_loop3A_880, %parallel_loop3A_881] {strides = array<i32>} : memref<4x8x8x128xf32, #tpu.memory_space<vmem>>, vector<16xf32>,
        tpu.vector_store %arg9[%parallel_loop3A_878, %parallel_loop3A_879, %parallel_loop3A_880, %parallel_loop3A_881], %parallel_loop3A_835 {strides = array<i32>} : memref<4x8x8x128xf32, #tpu.memory_space<vmem>>, vector<16xf32>,
        %parallel_loop3A_883 = arith.constant 4 : i32
        %parallel_loop3A_884 = arith.addi %parallel_loop3A_658, %parallel_loop3A_883 : i32
        %parallel_loop3A_885 = arith.constant 4 : i32
        %parallel_loop3A_886 = vector.broadcast %parallel_loop3A_885 : i32 to vector<16xi32>
        %parallel_loop3A_887 = arith.addi %mul3A_3, %parallel_loop3A_886 : vector<16xi32>
        %parallel_loop3A_888 = arith.constant 0 : i32
        %parallel_loop3A_889 = tpu.memref_slice %arg10[%parallel_loop3A_574, %parallel_loop3A_888] : memref<64x272xf32, #tpu.memory_space<vmem>> -> memref<1x272xf32, #tpu.memory_space<vmem>>
        %parallel_loop3A_890 = tpu.memref_squeeze %parallel_loop3A_889 : memref<1x272xf32, #tpu.memory_space<vmem>> -> memref<272xf32, #tpu.memory_space<vmem>>
        %parallel_loop3A_891 = tpu.vector_load_idx %parallel_loop3A_890[%parallel_loop3A_887] : memref<272xf32, #tpu.memory_space<vmem>>[vector<16xi32>], vector<16xf32>,
        %parallel_loop3A_892 = arith.constant 2 : i32
        %parallel_loop3A_893 = arith.addi %parallel_loop3A_892, %parallel_loop3A_598 : i32
        %parallel_loop3A_894 = arith.constant 8 : i32
        %parallel_loop3A_895 = arith.divsi %parallel_loop3A_884, %parallel_loop3A_894 : i32
        %parallel_loop3A_896 = arith.constant 0 : i32
        %parallel_loop3A_897 = arith.cmpi sgt, %parallel_loop3A_884, %parallel_loop3A_896 : i32
        %parallel_loop3A_898 = arith.extui %parallel_loop3A_897 : i1 to i32
        %parallel_loop3A_899 = arith.constant 0 : i32
        %parallel_loop3A_900 = arith.cmpi slt, %parallel_loop3A_884, %parallel_loop3A_899 : i32
        %parallel_loop3A_901 = arith.extui %parallel_loop3A_900 : i1 to i32
        %parallel_loop3A_902 = arith.subi %parallel_loop3A_898, %parallel_loop3A_901 : i32
        %parallel_loop3A_903 = arith.constant 0 : i32
        %parallel_loop3A_904 = arith.cmpi sgt, %parallel_loop3A_894, %parallel_loop3A_903 : i32
        %parallel_loop3A_905 = arith.extui %parallel_loop3A_904 : i1 to i32
        %parallel_loop3A_906 = arith.constant 0 : i32
        %parallel_loop3A_907 = arith.cmpi slt, %parallel_loop3A_894, %parallel_loop3A_906 : i32
        %parallel_loop3A_908 = arith.extui %parallel_loop3A_907 : i1 to i32
        %parallel_loop3A_909 = arith.subi %parallel_loop3A_905, %parallel_loop3A_908 : i32
        %parallel_loop3A_910 = arith.cmpi ne, %parallel_loop3A_902, %parallel_loop3A_909 : i32
        %parallel_loop3A_911 = arith.remsi %parallel_loop3A_884, %parallel_loop3A_894 : i32
        %parallel_loop3A_912 = arith.constant 0 : i32
        %parallel_loop3A_913 = arith.cmpi ne, %parallel_loop3A_911, %parallel_loop3A_912 : i32
        %parallel_loop3A_914 = arith.andi %parallel_loop3A_910, %parallel_loop3A_913 : i1
        %parallel_loop3A_915 = arith.constant 1 : i32
        %parallel_loop3A_916 = arith.subi %parallel_loop3A_895, %parallel_loop3A_915 : i32
        %parallel_loop3A_917 = arith.select %parallel_loop3A_914, %parallel_loop3A_916, %parallel_loop3A_895 : i32
        %parallel_loop3A_918 = arith.constant 8 : i32
        %parallel_loop3A_919 = arith.constant 0 : i32
        %parallel_loop3A_920 = arith.cmpi eq, %parallel_loop3A_918, %parallel_loop3A_919 : i32
        %parallel_loop3A_921 = arith.constant 1 : i32
        %parallel_loop3A_922 = arith.select %parallel_loop3A_920, %parallel_loop3A_921, %parallel_loop3A_918 : i32
        %parallel_loop3A_923 = arith.remsi %parallel_loop3A_884, %parallel_loop3A_922 : i32
        %parallel_loop3A_924 = arith.constant 0 : i32
        %parallel_loop3A_925 = arith.cmpi ne, %parallel_loop3A_923, %parallel_loop3A_924 : i32
        %parallel_loop3A_926 = arith.constant 0 : i32
        %parallel_loop3A_927 = arith.cmpi slt, %parallel_loop3A_923, %parallel_loop3A_926 : i32
        %parallel_loop3A_928 = arith.constant 0 : i32
        %parallel_loop3A_929 = arith.cmpi slt, %parallel_loop3A_922, %parallel_loop3A_928 : i32
        %parallel_loop3A_930 = arith.xori %parallel_loop3A_927, %parallel_loop3A_929 : i1
        %parallel_loop3A_931 = arith.andi %parallel_loop3A_930, %parallel_loop3A_925 : i1
        %parallel_loop3A_932 = arith.addi %parallel_loop3A_923, %parallel_loop3A_922 : i32
        %parallel_loop3A_933 = arith.select %parallel_loop3A_931, %parallel_loop3A_932, %parallel_loop3A_923 : i32
        %parallel_loop3A_934 = arith.index_cast %parallel_loop3A_893 : i32 to index
        %parallel_loop3A_935 = arith.index_cast %parallel_loop3A_917 : i32 to index
        %parallel_loop3A_936 = arith.index_cast %parallel_loop3A_933 : i32 to index
        %parallel_loop3A_937 = arith.index_cast %parallel_loop3A_656 : i32 to index
        %parallel_loop3A_938 = tpu.vector_load %arg9[%parallel_loop3A_934, %parallel_loop3A_935, %parallel_loop3A_936, %parallel_loop3A_937] {strides = array<i32>} : memref<4x8x8x128xf32, #tpu.memory_space<vmem>>, vector<16xf32>,
        tpu.vector_store %arg9[%parallel_loop3A_934, %parallel_loop3A_935, %parallel_loop3A_936, %parallel_loop3A_937], %parallel_loop3A_891 {strides = array<i32>} : memref<4x8x8x128xf32, #tpu.memory_space<vmem>>, vector<16xf32>,
        %parallel_loop3A_939 = arith.constant 5 : i32
        %parallel_loop3A_940 = arith.addi %parallel_loop3A_658, %parallel_loop3A_939 : i32
        %parallel_loop3A_941 = arith.constant 5 : i32
        %parallel_loop3A_942 = vector.broadcast %parallel_loop3A_941 : i32 to vector<16xi32>
        %parallel_loop3A_943 = arith.addi %mul3A_3, %parallel_loop3A_942 : vector<16xi32>
        %parallel_loop3A_944 = arith.constant 0 : i32
        %parallel_loop3A_945 = tpu.memref_slice %arg10[%parallel_loop3A_574, %parallel_loop3A_944] : memref<64x272xf32, #tpu.memory_space<vmem>> -> memref<1x272xf32, #tpu.memory_space<vmem>>
        %parallel_loop3A_946 = tpu.memref_squeeze %parallel_loop3A_945 : memref<1x272xf32, #tpu.memory_space<vmem>> -> memref<272xf32, #tpu.memory_space<vmem>>
        %parallel_loop3A_947 = tpu.vector_load_idx %parallel_loop3A_946[%parallel_loop3A_943] : memref<272xf32, #tpu.memory_space<vmem>>[vector<16xi32>], vector<16xf32>,
        %parallel_loop3A_948 = arith.constant 2 : i32
        %parallel_loop3A_949 = arith.addi %parallel_loop3A_948, %parallel_loop3A_598 : i32
        %parallel_loop3A_950 = arith.constant 8 : i32
        %parallel_loop3A_951 = arith.divsi %parallel_loop3A_940, %parallel_loop3A_950 : i32
        %parallel_loop3A_952 = arith.constant 0 : i32
        %parallel_loop3A_953 = arith.cmpi sgt, %parallel_loop3A_940, %parallel_loop3A_952 : i32
        %parallel_loop3A_954 = arith.extui %parallel_loop3A_953 : i1 to i32
        %parallel_loop3A_955 = arith.constant 0 : i32
        %parallel_loop3A_956 = arith.cmpi slt, %parallel_loop3A_940, %parallel_loop3A_955 : i32
        %parallel_loop3A_957 = arith.extui %parallel_loop3A_956 : i1 to i32
        %parallel_loop3A_958 = arith.subi %parallel_loop3A_954, %parallel_loop3A_957 : i32
        %parallel_loop3A_959 = arith.constant 0 : i32
        %parallel_loop3A_960 = arith.cmpi sgt, %parallel_loop3A_950, %parallel_loop3A_959 : i32
        %parallel_loop3A_961 = arith.extui %parallel_loop3A_960 : i1 to i32
        %parallel_loop3A_962 = arith.constant 0 : i32
        %parallel_loop3A_963 = arith.cmpi slt, %parallel_loop3A_950, %parallel_loop3A_962 : i32
        %parallel_loop3A_964 = arith.extui %parallel_loop3A_963 : i1 to i32
        %parallel_loop3A_965 = arith.subi %parallel_loop3A_961, %parallel_loop3A_964 : i32
        %parallel_loop3A_966 = arith.cmpi ne, %parallel_loop3A_958, %parallel_loop3A_965 : i32
        %parallel_loop3A_967 = arith.remsi %parallel_loop3A_940, %parallel_loop3A_950 : i32
        %parallel_loop3A_968 = arith.constant 0 : i32
        %parallel_loop3A_969 = arith.cmpi ne, %parallel_loop3A_967, %parallel_loop3A_968 : i32
        %parallel_loop3A_970 = arith.andi %parallel_loop3A_966, %parallel_loop3A_969 : i1
        %parallel_loop3A_971 = arith.constant 1 : i32
        %parallel_loop3A_972 = arith.subi %parallel_loop3A_951, %parallel_loop3A_971 : i32
        %parallel_loop3A_973 = arith.select %parallel_loop3A_970, %parallel_loop3A_972, %parallel_loop3A_951 : i32
        %parallel_loop3A_974 = arith.constant 8 : i32
        %parallel_loop3A_975 = arith.constant 0 : i32
        %parallel_loop3A_976 = arith.cmpi eq, %parallel_loop3A_974, %parallel_loop3A_975 : i32
        %parallel_loop3A_977 = arith.constant 1 : i32
        %parallel_loop3A_978 = arith.select %parallel_loop3A_976, %parallel_loop3A_977, %parallel_loop3A_974 : i32
        %parallel_loop3A_979 = arith.remsi %parallel_loop3A_940, %parallel_loop3A_978 : i32
        %parallel_loop3A_980 = arith.constant 0 : i32
        %parallel_loop3A_981 = arith.cmpi ne, %parallel_loop3A_979, %parallel_loop3A_980 : i32
        %parallel_loop3A_982 = arith.constant 0 : i32
        %parallel_loop3A_983 = arith.cmpi slt, %parallel_loop3A_979, %parallel_loop3A_982 : i32
        %parallel_loop3A_984 = arith.constant 0 : i32
        %parallel_loop3A_985 = arith.cmpi slt, %parallel_loop3A_978, %parallel_loop3A_984 : i32
        %parallel_loop3A_986 = arith.xori %parallel_loop3A_983, %parallel_loop3A_985 : i1
        %parallel_loop3A_987 = arith.andi %parallel_loop3A_986, %parallel_loop3A_981 : i1
        %parallel_loop3A_988 = arith.addi %parallel_loop3A_979, %parallel_loop3A_978 : i32
        %parallel_loop3A_989 = arith.select %parallel_loop3A_987, %parallel_loop3A_988, %parallel_loop3A_979 : i32
        %parallel_loop3A_990 = arith.index_cast %parallel_loop3A_949 : i32 to index
        %parallel_loop3A_991 = arith.index_cast %parallel_loop3A_973 : i32 to index
        %parallel_loop3A_992 = arith.index_cast %parallel_loop3A_989 : i32 to index
        %parallel_loop3A_993 = arith.index_cast %parallel_loop3A_656 : i32 to index
        %parallel_loop3A_994 = tpu.vector_load %arg9[%parallel_loop3A_990, %parallel_loop3A_991, %parallel_loop3A_992, %parallel_loop3A_993] {strides = array<i32>} : memref<4x8x8x128xf32, #tpu.memory_space<vmem>>, vector<16xf32>,
        tpu.vector_store %arg9[%parallel_loop3A_990, %parallel_loop3A_991, %parallel_loop3A_992, %parallel_loop3A_993], %parallel_loop3A_947 {strides = array<i32>} : memref<4x8x8x128xf32, #tpu.memory_space<vmem>>, vector<16xf32>,
        %parallel_loop3A_995 = arith.constant 6 : i32
        %parallel_loop3A_996 = arith.addi %parallel_loop3A_658, %parallel_loop3A_995 : i32
        %parallel_loop3A_997 = arith.constant 6 : i32
        %parallel_loop3A_998 = vector.broadcast %parallel_loop3A_997 : i32 to vector<16xi32>
        %parallel_loop3A_999 = arith.addi %mul3A_3, %parallel_loop3A_998 : vector<16xi32>
        %parallel_loop3A_1000 = arith.constant 0 : i32
        %parallel_loop3A_1001 = tpu.memref_slice %arg10[%parallel_loop3A_574, %parallel_loop3A_1000] : memref<64x272xf32, #tpu.memory_space<vmem>> -> memref<1x272xf32, #tpu.memory_space<vmem>>
        %parallel_loop3A_1002 = tpu.memref_squeeze %parallel_loop3A_1001 : memref<1x272xf32, #tpu.memory_space<vmem>> -> memref<272xf32, #tpu.memory_space<vmem>>
        %parallel_loop3A_1003 = tpu.vector_load_idx %parallel_loop3A_1002[%parallel_loop3A_999] : memref<272xf32, #tpu.memory_space<vmem>>[vector<16xi32>], vector<16xf32>,
        %parallel_loop3A_1004 = arith.constant 2 : i32
        %parallel_loop3A_1005 = arith.addi %parallel_loop3A_1004, %parallel_loop3A_598 : i32
        %parallel_loop3A_1006 = arith.constant 8 : i32
        %parallel_loop3A_1007 = arith.divsi %parallel_loop3A_996, %parallel_loop3A_1006 : i32
        %parallel_loop3A_1008 = arith.constant 0 : i32
        %parallel_loop3A_1009 = arith.cmpi sgt, %parallel_loop3A_996, %parallel_loop3A_1008 : i32
        %parallel_loop3A_1010 = arith.extui %parallel_loop3A_1009 : i1 to i32
        %parallel_loop3A_1011 = arith.constant 0 : i32
        %parallel_loop3A_1012 = arith.cmpi slt, %parallel_loop3A_996, %parallel_loop3A_1011 : i32
        %parallel_loop3A_1013 = arith.extui %parallel_loop3A_1012 : i1 to i32
        %parallel_loop3A_1014 = arith.subi %parallel_loop3A_1010, %parallel_loop3A_1013 : i32
        %parallel_loop3A_1015 = arith.constant 0 : i32
        %parallel_loop3A_1016 = arith.cmpi sgt, %parallel_loop3A_1006, %parallel_loop3A_1015 : i32
        %parallel_loop3A_1017 = arith.extui %parallel_loop3A_1016 : i1 to i32
        %parallel_loop3A_1018 = arith.constant 0 : i32
        %parallel_loop3A_1019 = arith.cmpi slt, %parallel_loop3A_1006, %parallel_loop3A_1018 : i32
        %parallel_loop3A_1020 = arith.extui %parallel_loop3A_1019 : i1 to i32
        %parallel_loop3A_1021 = arith.subi %parallel_loop3A_1017, %parallel_loop3A_1020 : i32
        %parallel_loop3A_1022 = arith.cmpi ne, %parallel_loop3A_1014, %parallel_loop3A_1021 : i32
        %parallel_loop3A_1023 = arith.remsi %parallel_loop3A_996, %parallel_loop3A_1006 : i32
        %parallel_loop3A_1024 = arith.constant 0 : i32
        %parallel_loop3A_1025 = arith.cmpi ne, %parallel_loop3A_1023, %parallel_loop3A_1024 : i32
        %parallel_loop3A_1026 = arith.andi %parallel_loop3A_1022, %parallel_loop3A_1025 : i1
        %parallel_loop3A_1027 = arith.constant 1 : i32
        %parallel_loop3A_1028 = arith.subi %parallel_loop3A_1007, %parallel_loop3A_1027 : i32
        %parallel_loop3A_1029 = arith.select %parallel_loop3A_1026, %parallel_loop3A_1028, %parallel_loop3A_1007 : i32
        %parallel_loop3A_1030 = arith.constant 8 : i32
        %parallel_loop3A_1031 = arith.constant 0 : i32
        %parallel_loop3A_1032 = arith.cmpi eq, %parallel_loop3A_1030, %parallel_loop3A_1031 : i32
        %parallel_loop3A_1033 = arith.constant 1 : i32
        %parallel_loop3A_1034 = arith.select %parallel_loop3A_1032, %parallel_loop3A_1033, %parallel_loop3A_1030 : i32
        %parallel_loop3A_1035 = arith.remsi %parallel_loop3A_996, %parallel_loop3A_1034 : i32
        %parallel_loop3A_1036 = arith.constant 0 : i32
        %parallel_loop3A_1037 = arith.cmpi ne, %parallel_loop3A_1035, %parallel_loop3A_1036 : i32
        %parallel_loop3A_1038 = arith.constant 0 : i32
        %parallel_loop3A_1039 = arith.cmpi slt, %parallel_loop3A_1035, %parallel_loop3A_1038 : i32
        %parallel_loop3A_1040 = arith.constant 0 : i32
        %parallel_loop3A_1041 = arith.cmpi slt, %parallel_loop3A_1034, %parallel_loop3A_1040 : i32
        %parallel_loop3A_1042 = arith.xori %parallel_loop3A_1039, %parallel_loop3A_1041 : i1
        %parallel_loop3A_1043 = arith.andi %parallel_loop3A_1042, %parallel_loop3A_1037 : i1
        %parallel_loop3A_1044 = arith.addi %parallel_loop3A_1035, %parallel_loop3A_1034 : i32
        %parallel_loop3A_1045 = arith.select %parallel_loop3A_1043, %parallel_loop3A_1044, %parallel_loop3A_1035 : i32
        %parallel_loop3A_1046 = arith.index_cast %parallel_loop3A_1005 : i32 to index
        %parallel_loop3A_1047 = arith.index_cast %parallel_loop3A_1029 : i32 to index
        %parallel_loop3A_1048 = arith.index_cast %parallel_loop3A_1045 : i32 to index
        %parallel_loop3A_1049 = arith.index_cast %parallel_loop3A_656 : i32 to index
        %parallel_loop3A_1050 = tpu.vector_load %arg9[%parallel_loop3A_1046, %parallel_loop3A_1047, %parallel_loop3A_1048, %parallel_loop3A_1049] {strides = array<i32>} : memref<4x8x8x128xf32, #tpu.memory_space<vmem>>, vector<16xf32>,
        tpu.vector_store %arg9[%parallel_loop3A_1046, %parallel_loop3A_1047, %parallel_loop3A_1048, %parallel_loop3A_1049], %parallel_loop3A_1003 {strides = array<i32>} : memref<4x8x8x128xf32, #tpu.memory_space<vmem>>, vector<16xf32>,
        %parallel_loop3A_1051 = arith.constant 7 : i32
        %parallel_loop3A_1052 = arith.addi %parallel_loop3A_658, %parallel_loop3A_1051 : i32
        %parallel_loop3A_1053 = arith.constant 7 : i32
        %parallel_loop3A_1054 = vector.broadcast %parallel_loop3A_1053 : i32 to vector<16xi32>
        %parallel_loop3A_1055 = arith.addi %mul3A_3, %parallel_loop3A_1054 : vector<16xi32>
        %parallel_loop3A_1056 = arith.constant 0 : i32
        %parallel_loop3A_1057 = tpu.memref_slice %arg10[%parallel_loop3A_574, %parallel_loop3A_1056] : memref<64x272xf32, #tpu.memory_space<vmem>> -> memref<1x272xf32, #tpu.memory_space<vmem>>
        %parallel_loop3A_1058 = tpu.memref_squeeze %parallel_loop3A_1057 : memref<1x272xf32, #tpu.memory_space<vmem>> -> memref<272xf32, #tpu.memory_space<vmem>>
        %parallel_loop3A_1059 = tpu.vector_load_idx %parallel_loop3A_1058[%parallel_loop3A_1055] : memref<272xf32, #tpu.memory_space<vmem>>[vector<16xi32>], vector<16xf32>,
        %parallel_loop3A_1060 = arith.constant 2 : i32
        %parallel_loop3A_1061 = arith.addi %parallel_loop3A_1060, %parallel_loop3A_598 : i32
        %parallel_loop3A_1062 = arith.constant 8 : i32
        %parallel_loop3A_1063 = arith.divsi %parallel_loop3A_1052, %parallel_loop3A_1062 : i32
        %parallel_loop3A_1064 = arith.constant 0 : i32
        %parallel_loop3A_1065 = arith.cmpi sgt, %parallel_loop3A_1052, %parallel_loop3A_1064 : i32
        %parallel_loop3A_1066 = arith.extui %parallel_loop3A_1065 : i1 to i32
        %parallel_loop3A_1067 = arith.constant 0 : i32
        %parallel_loop3A_1068 = arith.cmpi slt, %parallel_loop3A_1052, %parallel_loop3A_1067 : i32
        %parallel_loop3A_1069 = arith.extui %parallel_loop3A_1068 : i1 to i32
        %parallel_loop3A_1070 = arith.subi %parallel_loop3A_1066, %parallel_loop3A_1069 : i32
        %parallel_loop3A_1071 = arith.constant 0 : i32
        %parallel_loop3A_1072 = arith.cmpi sgt, %parallel_loop3A_1062, %parallel_loop3A_1071 : i32
        %parallel_loop3A_1073 = arith.extui %parallel_loop3A_1072 : i1 to i32
        %parallel_loop3A_1074 = arith.constant 0 : i32
        %parallel_loop3A_1075 = arith.cmpi slt, %parallel_loop3A_1062, %parallel_loop3A_1074 : i32
        %parallel_loop3A_1076 = arith.extui %parallel_loop3A_1075 : i1 to i32
        %parallel_loop3A_1077 = arith.subi %parallel_loop3A_1073, %parallel_loop3A_1076 : i32
        %parallel_loop3A_1078 = arith.cmpi ne, %parallel_loop3A_1070, %parallel_loop3A_1077 : i32
        %parallel_loop3A_1079 = arith.remsi %parallel_loop3A_1052, %parallel_loop3A_1062 : i32
        %parallel_loop3A_1080 = arith.constant 0 : i32
        %parallel_loop3A_1081 = arith.cmpi ne, %parallel_loop3A_1079, %parallel_loop3A_1080 : i32
        %parallel_loop3A_1082 = arith.andi %parallel_loop3A_1078, %parallel_loop3A_1081 : i1
        %parallel_loop3A_1083 = arith.constant 1 : i32
        %parallel_loop3A_1084 = arith.subi %parallel_loop3A_1063, %parallel_loop3A_1083 : i32
        %parallel_loop3A_1085 = arith.select %parallel_loop3A_1082, %parallel_loop3A_1084, %parallel_loop3A_1063 : i32
        %parallel_loop3A_1086 = arith.constant 8 : i32
        %parallel_loop3A_1087 = arith.constant 0 : i32
        %parallel_loop3A_1088 = arith.cmpi eq, %parallel_loop3A_1086, %parallel_loop3A_1087 : i32
        %parallel_loop3A_1089 = arith.constant 1 : i32
        %parallel_loop3A_1090 = arith.select %parallel_loop3A_1088, %parallel_loop3A_1089, %parallel_loop3A_1086 : i32
        %parallel_loop3A_1091 = arith.remsi %parallel_loop3A_1052, %parallel_loop3A_1090 : i32
        %parallel_loop3A_1092 = arith.constant 0 : i32
        %parallel_loop3A_1093 = arith.cmpi ne, %parallel_loop3A_1091, %parallel_loop3A_1092 : i32
        %parallel_loop3A_1094 = arith.constant 0 : i32
        %parallel_loop3A_1095 = arith.cmpi slt, %parallel_loop3A_1091, %parallel_loop3A_1094 : i32
        %parallel_loop3A_1096 = arith.constant 0 : i32
        %parallel_loop3A_1097 = arith.cmpi slt, %parallel_loop3A_1090, %parallel_loop3A_1096 : i32
        %parallel_loop3A_1098 = arith.xori %parallel_loop3A_1095, %parallel_loop3A_1097 : i1
        %parallel_loop3A_1099 = arith.andi %parallel_loop3A_1098, %parallel_loop3A_1093 : i1
        %parallel_loop3A_1100 = arith.addi %parallel_loop3A_1091, %parallel_loop3A_1090 : i32
        %parallel_loop3A_1101 = arith.select %parallel_loop3A_1099, %parallel_loop3A_1100, %parallel_loop3A_1091 : i32
        %parallel_loop3A_1102 = arith.index_cast %parallel_loop3A_1061 : i32 to index
        %parallel_loop3A_1103 = arith.index_cast %parallel_loop3A_1085 : i32 to index
        %parallel_loop3A_1104 = arith.index_cast %parallel_loop3A_1101 : i32 to index
        %parallel_loop3A_1105 = arith.index_cast %parallel_loop3A_656 : i32 to index
        %parallel_loop3A_1106 = tpu.vector_load %arg9[%parallel_loop3A_1102, %parallel_loop3A_1103, %parallel_loop3A_1104, %parallel_loop3A_1105] {strides = array<i32>} : memref<4x8x8x128xf32, #tpu.memory_space<vmem>>, vector<16xf32>,
        tpu.vector_store %arg9[%parallel_loop3A_1102, %parallel_loop3A_1103, %parallel_loop3A_1104, %parallel_loop3A_1105], %parallel_loop3A_1059 {strides = array<i32>} : memref<4x8x8x128xf32, #tpu.memory_space<vmem>>, vector<16xf32>,
        %parallel_loop3A_1107 = arith.constant 8 : i32
        %parallel_loop3A_1108 = arith.addi %parallel_loop3A_658, %parallel_loop3A_1107 : i32
        %parallel_loop3A_1109 = arith.constant 8 : i32
        %parallel_loop3A_1110 = vector.broadcast %parallel_loop3A_1109 : i32 to vector<16xi32>
        %parallel_loop3A_1111 = arith.addi %mul3A_3, %parallel_loop3A_1110 : vector<16xi32>
        %parallel_loop3A_1112 = arith.constant 0 : i32
        %parallel_loop3A_1113 = tpu.memref_slice %arg10[%parallel_loop3A_574, %parallel_loop3A_1112] : memref<64x272xf32, #tpu.memory_space<vmem>> -> memref<1x272xf32, #tpu.memory_space<vmem>>
        %parallel_loop3A_1114 = tpu.memref_squeeze %parallel_loop3A_1113 : memref<1x272xf32, #tpu.memory_space<vmem>> -> memref<272xf32, #tpu.memory_space<vmem>>
        %parallel_loop3A_1115 = tpu.vector_load_idx %parallel_loop3A_1114[%parallel_loop3A_1111] : memref<272xf32, #tpu.memory_space<vmem>>[vector<16xi32>], vector<16xf32>,
        %parallel_loop3A_1116 = arith.constant 2 : i32
        %parallel_loop3A_1117 = arith.addi %parallel_loop3A_1116, %parallel_loop3A_598 : i32
        %parallel_loop3A_1118 = arith.constant 8 : i32
        %parallel_loop3A_1119 = arith.divsi %parallel_loop3A_1108, %parallel_loop3A_1118 : i32
        %parallel_loop3A_1120 = arith.constant 0 : i32
        %parallel_loop3A_1121 = arith.cmpi sgt, %parallel_loop3A_1108, %parallel_loop3A_1120 : i32
        %parallel_loop3A_1122 = arith.extui %parallel_loop3A_1121 : i1 to i32
        %parallel_loop3A_1123 = arith.constant 0 : i32
        %parallel_loop3A_1124 = arith.cmpi slt, %parallel_loop3A_1108, %parallel_loop3A_1123 : i32
        %parallel_loop3A_1125 = arith.extui %parallel_loop3A_1124 : i1 to i32
        %parallel_loop3A_1126 = arith.subi %parallel_loop3A_1122, %parallel_loop3A_1125 : i32
        %parallel_loop3A_1127 = arith.constant 0 : i32
        %parallel_loop3A_1128 = arith.cmpi sgt, %parallel_loop3A_1118, %parallel_loop3A_1127 : i32
        %parallel_loop3A_1129 = arith.extui %parallel_loop3A_1128 : i1 to i32
        %parallel_loop3A_1130 = arith.constant 0 : i32
        %parallel_loop3A_1131 = arith.cmpi slt, %parallel_loop3A_1118, %parallel_loop3A_1130 : i32
        %parallel_loop3A_1132 = arith.extui %parallel_loop3A_1131 : i1 to i32
        %parallel_loop3A_1133 = arith.subi %parallel_loop3A_1129, %parallel_loop3A_1132 : i32
        %parallel_loop3A_1134 = arith.cmpi ne, %parallel_loop3A_1126, %parallel_loop3A_1133 : i32
        %parallel_loop3A_1135 = arith.remsi %parallel_loop3A_1108, %parallel_loop3A_1118 : i32
        %parallel_loop3A_1136 = arith.constant 0 : i32
        %parallel_loop3A_1137 = arith.cmpi ne, %parallel_loop3A_1135, %parallel_loop3A_1136 : i32
        %parallel_loop3A_1138 = arith.andi %parallel_loop3A_1134, %parallel_loop3A_1137 : i1
        %parallel_loop3A_1139 = arith.constant 1 : i32
        %parallel_loop3A_1140 = arith.subi %parallel_loop3A_1119, %parallel_loop3A_1139 : i32
        %parallel_loop3A_1141 = arith.select %parallel_loop3A_1138, %parallel_loop3A_1140, %parallel_loop3A_1119 : i32
        %parallel_loop3A_1142 = arith.constant 8 : i32
        %parallel_loop3A_1143 = arith.constant 0 : i32
        %parallel_loop3A_1144 = arith.cmpi eq, %parallel_loop3A_1142, %parallel_loop3A_1143 : i32
        %parallel_loop3A_1145 = arith.constant 1 : i32
        %parallel_loop3A_1146 = arith.select %parallel_loop3A_1144, %parallel_loop3A_1145, %parallel_loop3A_1142 : i32
        %parallel_loop3A_1147 = arith.remsi %parallel_loop3A_1108, %parallel_loop3A_1146 : i32
        %parallel_loop3A_1148 = arith.constant 0 : i32
        %parallel_loop3A_1149 = arith.cmpi ne, %parallel_loop3A_1147, %parallel_loop3A_1148 : i32
        %parallel_loop3A_1150 = arith.constant 0 : i32
        %parallel_loop3A_1151 = arith.cmpi slt, %parallel_loop3A_1147, %parallel_loop3A_1150 : i32
        %parallel_loop3A_1152 = arith.constant 0 : i32
        %parallel_loop3A_1153 = arith.cmpi slt, %parallel_loop3A_1146, %parallel_loop3A_1152 : i32
        %parallel_loop3A_1154 = arith.xori %parallel_loop3A_1151, %parallel_loop3A_1153 : i1
        %parallel_loop3A_1155 = arith.andi %parallel_loop3A_1154, %parallel_loop3A_1149 : i1
        %parallel_loop3A_1156 = arith.addi %parallel_loop3A_1147, %parallel_loop3A_1146 : i32
        %parallel_loop3A_1157 = arith.select %parallel_loop3A_1155, %parallel_loop3A_1156, %parallel_loop3A_1147 : i32
        %parallel_loop3A_1158 = arith.index_cast %parallel_loop3A_1117 : i32 to index
        %parallel_loop3A_1159 = arith.index_cast %parallel_loop3A_1141 : i32 to index
        %parallel_loop3A_1160 = arith.index_cast %parallel_loop3A_1157 : i32 to index
        %parallel_loop3A_1161 = arith.index_cast %parallel_loop3A_656 : i32 to index
        %parallel_loop3A_1162 = tpu.vector_load %arg9[%parallel_loop3A_1158, %parallel_loop3A_1159, %parallel_loop3A_1160, %parallel_loop3A_1161] {strides = array<i32>} : memref<4x8x8x128xf32, #tpu.memory_space<vmem>>, vector<16xf32>,
        tpu.vector_store %arg9[%parallel_loop3A_1158, %parallel_loop3A_1159, %parallel_loop3A_1160, %parallel_loop3A_1161], %parallel_loop3A_1115 {strides = array<i32>} : memref<4x8x8x128xf32, #tpu.memory_space<vmem>>, vector<16xf32>,
        %parallel_loop3A_1163 = arith.constant 9 : i32
        %parallel_loop3A_1164 = arith.addi %parallel_loop3A_658, %parallel_loop3A_1163 : i32
        %parallel_loop3A_1165 = arith.constant 9 : i32
        %parallel_loop3A_1166 = vector.broadcast %parallel_loop3A_1165 : i32 to vector<16xi32>
        %parallel_loop3A_1167 = arith.addi %mul3A_3, %parallel_loop3A_1166 : vector<16xi32>
        %parallel_loop3A_1168 = arith.constant 0 : i32
        %parallel_loop3A_1169 = tpu.memref_slice %arg10[%parallel_loop3A_574, %parallel_loop3A_1168] : memref<64x272xf32, #tpu.memory_space<vmem>> -> memref<1x272xf32, #tpu.memory_space<vmem>>
        %parallel_loop3A_1170 = tpu.memref_squeeze %parallel_loop3A_1169 : memref<1x272xf32, #tpu.memory_space<vmem>> -> memref<272xf32, #tpu.memory_space<vmem>>
        %parallel_loop3A_1171 = tpu.vector_load_idx %parallel_loop3A_1170[%parallel_loop3A_1167] : memref<272xf32, #tpu.memory_space<vmem>>[vector<16xi32>], vector<16xf32>,
        %parallel_loop3A_1172 = arith.constant 2 : i32
        %parallel_loop3A_1173 = arith.addi %parallel_loop3A_1172, %parallel_loop3A_598 : i32
        %parallel_loop3A_1174 = arith.constant 8 : i32
        %parallel_loop3A_1175 = arith.divsi %parallel_loop3A_1164, %parallel_loop3A_1174 : i32
        %parallel_loop3A_1176 = arith.constant 0 : i32
        %parallel_loop3A_1177 = arith.cmpi sgt, %parallel_loop3A_1164, %parallel_loop3A_1176 : i32
        %parallel_loop3A_1178 = arith.extui %parallel_loop3A_1177 : i1 to i32
        %parallel_loop3A_1179 = arith.constant 0 : i32
        %parallel_loop3A_1180 = arith.cmpi slt, %parallel_loop3A_1164, %parallel_loop3A_1179 : i32
        %parallel_loop3A_1181 = arith.extui %parallel_loop3A_1180 : i1 to i32
        %parallel_loop3A_1182 = arith.subi %parallel_loop3A_1178, %parallel_loop3A_1181 : i32
        %parallel_loop3A_1183 = arith.constant 0 : i32
        %parallel_loop3A_1184 = arith.cmpi sgt, %parallel_loop3A_1174, %parallel_loop3A_1183 : i32
        %parallel_loop3A_1185 = arith.extui %parallel_loop3A_1184 : i1 to i32
        %parallel_loop3A_1186 = arith.constant 0 : i32
        %parallel_loop3A_1187 = arith.cmpi slt, %parallel_loop3A_1174, %parallel_loop3A_1186 : i32
        %parallel_loop3A_1188 = arith.extui %parallel_loop3A_1187 : i1 to i32
        %parallel_loop3A_1189 = arith.subi %parallel_loop3A_1185, %parallel_loop3A_1188 : i32
        %parallel_loop3A_1190 = arith.cmpi ne, %parallel_loop3A_1182, %parallel_loop3A_1189 : i32
        %parallel_loop3A_1191 = arith.remsi %parallel_loop3A_1164, %parallel_loop3A_1174 : i32
        %parallel_loop3A_1192 = arith.constant 0 : i32
        %parallel_loop3A_1193 = arith.cmpi ne, %parallel_loop3A_1191, %parallel_loop3A_1192 : i32
        %parallel_loop3A_1194 = arith.andi %parallel_loop3A_1190, %parallel_loop3A_1193 : i1
        %parallel_loop3A_1195 = arith.constant 1 : i32
        %parallel_loop3A_1196 = arith.subi %parallel_loop3A_1175, %parallel_loop3A_1195 : i32
        %parallel_loop3A_1197 = arith.select %parallel_loop3A_1194, %parallel_loop3A_1196, %parallel_loop3A_1175 : i32
        %parallel_loop3A_1198 = arith.constant 8 : i32
        %parallel_loop3A_1199 = arith.constant 0 : i32
        %parallel_loop3A_1200 = arith.cmpi eq, %parallel_loop3A_1198, %parallel_loop3A_1199 : i32
        %parallel_loop3A_1201 = arith.constant 1 : i32
        %parallel_loop3A_1202 = arith.select %parallel_loop3A_1200, %parallel_loop3A_1201, %parallel_loop3A_1198 : i32
        %parallel_loop3A_1203 = arith.remsi %parallel_loop3A_1164, %parallel_loop3A_1202 : i32
        %parallel_loop3A_1204 = arith.constant 0 : i32
        %parallel_loop3A_1205 = arith.cmpi ne, %parallel_loop3A_1203, %parallel_loop3A_1204 : i32
        %parallel_loop3A_1206 = arith.constant 0 : i32
        %parallel_loop3A_1207 = arith.cmpi slt, %parallel_loop3A_1203, %parallel_loop3A_1206 : i32
        %parallel_loop3A_1208 = arith.constant 0 : i32
        %parallel_loop3A_1209 = arith.cmpi slt, %parallel_loop3A_1202, %parallel_loop3A_1208 : i32
        %parallel_loop3A_1210 = arith.xori %parallel_loop3A_1207, %parallel_loop3A_1209 : i1
        %parallel_loop3A_1211 = arith.andi %parallel_loop3A_1210, %parallel_loop3A_1205 : i1
        %parallel_loop3A_1212 = arith.addi %parallel_loop3A_1203, %parallel_loop3A_1202 : i32
        %parallel_loop3A_1213 = arith.select %parallel_loop3A_1211, %parallel_loop3A_1212, %parallel_loop3A_1203 : i32
        %parallel_loop3A_1214 = arith.index_cast %parallel_loop3A_1173 : i32 to index
        %parallel_loop3A_1215 = arith.index_cast %parallel_loop3A_1197 : i32 to index
        %parallel_loop3A_1216 = arith.index_cast %parallel_loop3A_1213 : i32 to index
        %parallel_loop3A_1217 = arith.index_cast %parallel_loop3A_656 : i32 to index
        %parallel_loop3A_1218 = tpu.vector_load %arg9[%parallel_loop3A_1214, %parallel_loop3A_1215, %parallel_loop3A_1216, %parallel_loop3A_1217] {strides = array<i32>} : memref<4x8x8x128xf32, #tpu.memory_space<vmem>>, vector<16xf32>,
        tpu.vector_store %arg9[%parallel_loop3A_1214, %parallel_loop3A_1215, %parallel_loop3A_1216, %parallel_loop3A_1217], %parallel_loop3A_1171 {strides = array<i32>} : memref<4x8x8x128xf32, #tpu.memory_space<vmem>>, vector<16xf32>,
        %parallel_loop3A_1219 = arith.constant 10 : i32
        %parallel_loop3A_1220 = arith.addi %parallel_loop3A_658, %parallel_loop3A_1219 : i32
        %parallel_loop3A_1221 = arith.constant 10 : i32
        %parallel_loop3A_1222 = vector.broadcast %parallel_loop3A_1221 : i32 to vector<16xi32>
        %parallel_loop3A_1223 = arith.addi %mul3A_3, %parallel_loop3A_1222 : vector<16xi32>
        %parallel_loop3A_1224 = arith.constant 0 : i32
        %parallel_loop3A_1225 = tpu.memref_slice %arg10[%parallel_loop3A_574, %parallel_loop3A_1224] : memref<64x272xf32, #tpu.memory_space<vmem>> -> memref<1x272xf32, #tpu.memory_space<vmem>>
        %parallel_loop3A_1226 = tpu.memref_squeeze %parallel_loop3A_1225 : memref<1x272xf32, #tpu.memory_space<vmem>> -> memref<272xf32, #tpu.memory_space<vmem>>
        %parallel_loop3A_1227 = tpu.vector_load_idx %parallel_loop3A_1226[%parallel_loop3A_1223] : memref<272xf32, #tpu.memory_space<vmem>>[vector<16xi32>], vector<16xf32>,
        %parallel_loop3A_1228 = arith.constant 2 : i32
        %parallel_loop3A_1229 = arith.addi %parallel_loop3A_1228, %parallel_loop3A_598 : i32
        %parallel_loop3A_1230 = arith.constant 8 : i32
        %parallel_loop3A_1231 = arith.divsi %parallel_loop3A_1220, %parallel_loop3A_1230 : i32
        %parallel_loop3A_1232 = arith.constant 0 : i32
        %parallel_loop3A_1233 = arith.cmpi sgt, %parallel_loop3A_1220, %parallel_loop3A_1232 : i32
        %parallel_loop3A_1234 = arith.extui %parallel_loop3A_1233 : i1 to i32
        %parallel_loop3A_1235 = arith.constant 0 : i32
        %parallel_loop3A_1236 = arith.cmpi slt, %parallel_loop3A_1220, %parallel_loop3A_1235 : i32
        %parallel_loop3A_1237 = arith.extui %parallel_loop3A_1236 : i1 to i32
        %parallel_loop3A_1238 = arith.subi %parallel_loop3A_1234, %parallel_loop3A_1237 : i32
        %parallel_loop3A_1239 = arith.constant 0 : i32
        %parallel_loop3A_1240 = arith.cmpi sgt, %parallel_loop3A_1230, %parallel_loop3A_1239 : i32
        %parallel_loop3A_1241 = arith.extui %parallel_loop3A_1240 : i1 to i32
        %parallel_loop3A_1242 = arith.constant 0 : i32
        %parallel_loop3A_1243 = arith.cmpi slt, %parallel_loop3A_1230, %parallel_loop3A_1242 : i32
        %parallel_loop3A_1244 = arith.extui %parallel_loop3A_1243 : i1 to i32
        %parallel_loop3A_1245 = arith.subi %parallel_loop3A_1241, %parallel_loop3A_1244 : i32
        %parallel_loop3A_1246 = arith.cmpi ne, %parallel_loop3A_1238, %parallel_loop3A_1245 : i32
        %parallel_loop3A_1247 = arith.remsi %parallel_loop3A_1220, %parallel_loop3A_1230 : i32
        %parallel_loop3A_1248 = arith.constant 0 : i32
        %parallel_loop3A_1249 = arith.cmpi ne, %parallel_loop3A_1247, %parallel_loop3A_1248 : i32
        %parallel_loop3A_1250 = arith.andi %parallel_loop3A_1246, %parallel_loop3A_1249 : i1
        %parallel_loop3A_1251 = arith.constant 1 : i32
        %parallel_loop3A_1252 = arith.subi %parallel_loop3A_1231, %parallel_loop3A_1251 : i32
        %parallel_loop3A_1253 = arith.select %parallel_loop3A_1250, %parallel_loop3A_1252, %parallel_loop3A_1231 : i32
        %parallel_loop3A_1254 = arith.constant 8 : i32
        %parallel_loop3A_1255 = arith.constant 0 : i32
        %parallel_loop3A_1256 = arith.cmpi eq, %parallel_loop3A_1254, %parallel_loop3A_1255 : i32
        %parallel_loop3A_1257 = arith.constant 1 : i32
        %parallel_loop3A_1258 = arith.select %parallel_loop3A_1256, %parallel_loop3A_1257, %parallel_loop3A_1254 : i32
        %parallel_loop3A_1259 = arith.remsi %parallel_loop3A_1220, %parallel_loop3A_1258 : i32
        %parallel_loop3A_1260 = arith.constant 0 : i32
        %parallel_loop3A_1261 = arith.cmpi ne, %parallel_loop3A_1259, %parallel_loop3A_1260 : i32
        %parallel_loop3A_1262 = arith.constant 0 : i32
        %parallel_loop3A_1263 = arith.cmpi slt, %parallel_loop3A_1259, %parallel_loop3A_1262 : i32
        %parallel_loop3A_1264 = arith.constant 0 : i32
        %parallel_loop3A_1265 = arith.cmpi slt, %parallel_loop3A_1258, %parallel_loop3A_1264 : i32
        %parallel_loop3A_1266 = arith.xori %parallel_loop3A_1263, %parallel_loop3A_1265 : i1
        %parallel_loop3A_1267 = arith.andi %parallel_loop3A_1266, %parallel_loop3A_1261 : i1
        %parallel_loop3A_1268 = arith.addi %parallel_loop3A_1259, %parallel_loop3A_1258 : i32
        %parallel_loop3A_1269 = arith.select %parallel_loop3A_1267, %parallel_loop3A_1268, %parallel_loop3A_1259 : i32
        %parallel_loop3A_1270 = arith.index_cast %parallel_loop3A_1229 : i32 to index
        %parallel_loop3A_1271 = arith.index_cast %parallel_loop3A_1253 : i32 to index
        %parallel_loop3A_1272 = arith.index_cast %parallel_loop3A_1269 : i32 to index
        %parallel_loop3A_1273 = arith.index_cast %parallel_loop3A_656 : i32 to index
        %parallel_loop3A_1274 = tpu.vector_load %arg9[%parallel_loop3A_1270, %parallel_loop3A_1271, %parallel_loop3A_1272, %parallel_loop3A_1273] {strides = array<i32>} : memref<4x8x8x128xf32, #tpu.memory_space<vmem>>, vector<16xf32>,
        tpu.vector_store %arg9[%parallel_loop3A_1270, %parallel_loop3A_1271, %parallel_loop3A_1272, %parallel_loop3A_1273], %parallel_loop3A_1227 {strides = array<i32>} : memref<4x8x8x128xf32, #tpu.memory_space<vmem>>, vector<16xf32>,
        %parallel_loop3A_1275 = arith.constant 11 : i32
        %parallel_loop3A_1276 = arith.addi %parallel_loop3A_658, %parallel_loop3A_1275 : i32
        %parallel_loop3A_1277 = arith.constant 11 : i32
        %parallel_loop3A_1278 = vector.broadcast %parallel_loop3A_1277 : i32 to vector<16xi32>
        %parallel_loop3A_1279 = arith.addi %mul3A_3, %parallel_loop3A_1278 : vector<16xi32>
        %parallel_loop3A_1280 = arith.constant 0 : i32
        %parallel_loop3A_1281 = tpu.memref_slice %arg10[%parallel_loop3A_574, %parallel_loop3A_1280] : memref<64x272xf32, #tpu.memory_space<vmem>> -> memref<1x272xf32, #tpu.memory_space<vmem>>
        %parallel_loop3A_1282 = tpu.memref_squeeze %parallel_loop3A_1281 : memref<1x272xf32, #tpu.memory_space<vmem>> -> memref<272xf32, #tpu.memory_space<vmem>>
        %parallel_loop3A_1283 = tpu.vector_load_idx %parallel_loop3A_1282[%parallel_loop3A_1279] : memref<272xf32, #tpu.memory_space<vmem>>[vector<16xi32>], vector<16xf32>,
        %parallel_loop3A_1284 = arith.constant 2 : i32
        %parallel_loop3A_1285 = arith.addi %parallel_loop3A_1284, %parallel_loop3A_598 : i32
        %parallel_loop3A_1286 = arith.constant 8 : i32
        %parallel_loop3A_1287 = arith.divsi %parallel_loop3A_1276, %parallel_loop3A_1286 : i32
        %parallel_loop3A_1288 = arith.constant 0 : i32
        %parallel_loop3A_1289 = arith.cmpi sgt, %parallel_loop3A_1276, %parallel_loop3A_1288 : i32
        %parallel_loop3A_1290 = arith.extui %parallel_loop3A_1289 : i1 to i32
        %parallel_loop3A_1291 = arith.constant 0 : i32
        %parallel_loop3A_1292 = arith.cmpi slt, %parallel_loop3A_1276, %parallel_loop3A_1291 : i32
        %parallel_loop3A_1293 = arith.extui %parallel_loop3A_1292 : i1 to i32
        %parallel_loop3A_1294 = arith.subi %parallel_loop3A_1290, %parallel_loop3A_1293 : i32
        %parallel_loop3A_1295 = arith.constant 0 : i32
        %parallel_loop3A_1296 = arith.cmpi sgt, %parallel_loop3A_1286, %parallel_loop3A_1295 : i32
        %parallel_loop3A_1297 = arith.extui %parallel_loop3A_1296 : i1 to i32
        %parallel_loop3A_1298 = arith.constant 0 : i32
        %parallel_loop3A_1299 = arith.cmpi slt, %parallel_loop3A_1286, %parallel_loop3A_1298 : i32
        %parallel_loop3A_1300 = arith.extui %parallel_loop3A_1299 : i1 to i32
        %parallel_loop3A_1301 = arith.subi %parallel_loop3A_1297, %parallel_loop3A_1300 : i32
        %parallel_loop3A_1302 = arith.cmpi ne, %parallel_loop3A_1294, %parallel_loop3A_1301 : i32
        %parallel_loop3A_1303 = arith.remsi %parallel_loop3A_1276, %parallel_loop3A_1286 : i32
        %parallel_loop3A_1304 = arith.constant 0 : i32
        %parallel_loop3A_1305 = arith.cmpi ne, %parallel_loop3A_1303, %parallel_loop3A_1304 : i32
        %parallel_loop3A_1306 = arith.andi %parallel_loop3A_1302, %parallel_loop3A_1305 : i1
        %parallel_loop3A_1307 = arith.constant 1 : i32
        %parallel_loop3A_1308 = arith.subi %parallel_loop3A_1287, %parallel_loop3A_1307 : i32
        %parallel_loop3A_1309 = arith.select %parallel_loop3A_1306, %parallel_loop3A_1308, %parallel_loop3A_1287 : i32
        %parallel_loop3A_1310 = arith.constant 8 : i32
        %parallel_loop3A_1311 = arith.constant 0 : i32
        %parallel_loop3A_1312 = arith.cmpi eq, %parallel_loop3A_1310, %parallel_loop3A_1311 : i32
        %parallel_loop3A_1313 = arith.constant 1 : i32
        %parallel_loop3A_1314 = arith.select %parallel_loop3A_1312, %parallel_loop3A_1313, %parallel_loop3A_1310 : i32
        %parallel_loop3A_1315 = arith.remsi %parallel_loop3A_1276, %parallel_loop3A_1314 : i32
        %parallel_loop3A_1316 = arith.constant 0 : i32
        %parallel_loop3A_1317 = arith.cmpi ne, %parallel_loop3A_1315, %parallel_loop3A_1316 : i32
        %parallel_loop3A_1318 = arith.constant 0 : i32
        %parallel_loop3A_1319 = arith.cmpi slt, %parallel_loop3A_1315, %parallel_loop3A_1318 : i32
        %parallel_loop3A_1320 = arith.constant 0 : i32
        %parallel_loop3A_1321 = arith.cmpi slt, %parallel_loop3A_1314, %parallel_loop3A_1320 : i32
        %parallel_loop3A_1322 = arith.xori %parallel_loop3A_1319, %parallel_loop3A_1321 : i1
        %parallel_loop3A_1323 = arith.andi %parallel_loop3A_1322, %parallel_loop3A_1317 : i1
        %parallel_loop3A_1324 = arith.addi %parallel_loop3A_1315, %parallel_loop3A_1314 : i32
        %parallel_loop3A_1325 = arith.select %parallel_loop3A_1323, %parallel_loop3A_1324, %parallel_loop3A_1315 : i32
        %parallel_loop3A_1326 = arith.index_cast %parallel_loop3A_1285 : i32 to index
        %parallel_loop3A_1327 = arith.index_cast %parallel_loop3A_1309 : i32 to index
        %parallel_loop3A_1328 = arith.index_cast %parallel_loop3A_1325 : i32 to index
        %parallel_loop3A_1329 = arith.index_cast %parallel_loop3A_656 : i32 to index
        %parallel_loop3A_1330 = tpu.vector_load %arg9[%parallel_loop3A_1326, %parallel_loop3A_1327, %parallel_loop3A_1328, %parallel_loop3A_1329] {strides = array<i32>} : memref<4x8x8x128xf32, #tpu.memory_space<vmem>>, vector<16xf32>,
        tpu.vector_store %arg9[%parallel_loop3A_1326, %parallel_loop3A_1327, %parallel_loop3A_1328, %parallel_loop3A_1329], %parallel_loop3A_1283 {strides = array<i32>} : memref<4x8x8x128xf32, #tpu.memory_space<vmem>>, vector<16xf32>,
        %parallel_loop3A_1331 = arith.constant 12 : i32
        %parallel_loop3A_1332 = arith.addi %parallel_loop3A_658, %parallel_loop3A_1331 : i32
        %parallel_loop3A_1333 = arith.constant 12 : i32
        %parallel_loop3A_1334 = vector.broadcast %parallel_loop3A_1333 : i32 to vector<16xi32>
        %parallel_loop3A_1335 = arith.addi %mul3A_3, %parallel_loop3A_1334 : vector<16xi32>
        %parallel_loop3A_1336 = arith.constant 0 : i32
        %parallel_loop3A_1337 = tpu.memref_slice %arg10[%parallel_loop3A_574, %parallel_loop3A_1336] : memref<64x272xf32, #tpu.memory_space<vmem>> -> memref<1x272xf32, #tpu.memory_space<vmem>>
        %parallel_loop3A_1338 = tpu.memref_squeeze %parallel_loop3A_1337 : memref<1x272xf32, #tpu.memory_space<vmem>> -> memref<272xf32, #tpu.memory_space<vmem>>
        %parallel_loop3A_1339 = tpu.vector_load_idx %parallel_loop3A_1338[%parallel_loop3A_1335] : memref<272xf32, #tpu.memory_space<vmem>>[vector<16xi32>], vector<16xf32>,
        %parallel_loop3A_1340 = arith.constant 2 : i32
        %parallel_loop3A_1341 = arith.addi %parallel_loop3A_1340, %parallel_loop3A_598 : i32
        %parallel_loop3A_1342 = arith.constant 8 : i32
        %parallel_loop3A_1343 = arith.divsi %parallel_loop3A_1332, %parallel_loop3A_1342 : i32
        %parallel_loop3A_1344 = arith.constant 0 : i32
        %parallel_loop3A_1345 = arith.cmpi sgt, %parallel_loop3A_1332, %parallel_loop3A_1344 : i32
        %parallel_loop3A_1346 = arith.extui %parallel_loop3A_1345 : i1 to i32
        %parallel_loop3A_1347 = arith.constant 0 : i32
        %parallel_loop3A_1348 = arith.cmpi slt, %parallel_loop3A_1332, %parallel_loop3A_1347 : i32
        %parallel_loop3A_1349 = arith.extui %parallel_loop3A_1348 : i1 to i32
        %parallel_loop3A_1350 = arith.subi %parallel_loop3A_1346, %parallel_loop3A_1349 : i32
        %parallel_loop3A_1351 = arith.constant 0 : i32
        %parallel_loop3A_1352 = arith.cmpi sgt, %parallel_loop3A_1342, %parallel_loop3A_1351 : i32
        %parallel_loop3A_1353 = arith.extui %parallel_loop3A_1352 : i1 to i32
        %parallel_loop3A_1354 = arith.constant 0 : i32
        %parallel_loop3A_1355 = arith.cmpi slt, %parallel_loop3A_1342, %parallel_loop3A_1354 : i32
        %parallel_loop3A_1356 = arith.extui %parallel_loop3A_1355 : i1 to i32
        %parallel_loop3A_1357 = arith.subi %parallel_loop3A_1353, %parallel_loop3A_1356 : i32
        %parallel_loop3A_1358 = arith.cmpi ne, %parallel_loop3A_1350, %parallel_loop3A_1357 : i32
        %parallel_loop3A_1359 = arith.remsi %parallel_loop3A_1332, %parallel_loop3A_1342 : i32
        %parallel_loop3A_1360 = arith.constant 0 : i32
        %parallel_loop3A_1361 = arith.cmpi ne, %parallel_loop3A_1359, %parallel_loop3A_1360 : i32
        %parallel_loop3A_1362 = arith.andi %parallel_loop3A_1358, %parallel_loop3A_1361 : i1
        %parallel_loop3A_1363 = arith.constant 1 : i32
        %parallel_loop3A_1364 = arith.subi %parallel_loop3A_1343, %parallel_loop3A_1363 : i32
        %parallel_loop3A_1365 = arith.select %parallel_loop3A_1362, %parallel_loop3A_1364, %parallel_loop3A_1343 : i32
        %parallel_loop3A_1366 = arith.constant 8 : i32
        %parallel_loop3A_1367 = arith.constant 0 : i32
        %parallel_loop3A_1368 = arith.cmpi eq, %parallel_loop3A_1366, %parallel_loop3A_1367 : i32
        %parallel_loop3A_1369 = arith.constant 1 : i32
        %parallel_loop3A_1370 = arith.select %parallel_loop3A_1368, %parallel_loop3A_1369, %parallel_loop3A_1366 : i32
        %parallel_loop3A_1371 = arith.remsi %parallel_loop3A_1332, %parallel_loop3A_1370 : i32
        %parallel_loop3A_1372 = arith.constant 0 : i32
        %parallel_loop3A_1373 = arith.cmpi ne, %parallel_loop3A_1371, %parallel_loop3A_1372 : i32
        %parallel_loop3A_1374 = arith.constant 0 : i32
        %parallel_loop3A_1375 = arith.cmpi slt, %parallel_loop3A_1371, %parallel_loop3A_1374 : i32
        %parallel_loop3A_1376 = arith.constant 0 : i32
        %parallel_loop3A_1377 = arith.cmpi slt, %parallel_loop3A_1370, %parallel_loop3A_1376 : i32
        %parallel_loop3A_1378 = arith.xori %parallel_loop3A_1375, %parallel_loop3A_1377 : i1
        %parallel_loop3A_1379 = arith.andi %parallel_loop3A_1378, %parallel_loop3A_1373 : i1
        %parallel_loop3A_1380 = arith.addi %parallel_loop3A_1371, %parallel_loop3A_1370 : i32
        %parallel_loop3A_1381 = arith.select %parallel_loop3A_1379, %parallel_loop3A_1380, %parallel_loop3A_1371 : i32
        %parallel_loop3A_1382 = arith.index_cast %parallel_loop3A_1341 : i32 to index
        %parallel_loop3A_1383 = arith.index_cast %parallel_loop3A_1365 : i32 to index
        %parallel_loop3A_1384 = arith.index_cast %parallel_loop3A_1381 : i32 to index
        %parallel_loop3A_1385 = arith.index_cast %parallel_loop3A_656 : i32 to index
        %parallel_loop3A_1386 = tpu.vector_load %arg9[%parallel_loop3A_1382, %parallel_loop3A_1383, %parallel_loop3A_1384, %parallel_loop3A_1385] {strides = array<i32>} : memref<4x8x8x128xf32, #tpu.memory_space<vmem>>, vector<16xf32>,
        tpu.vector_store %arg9[%parallel_loop3A_1382, %parallel_loop3A_1383, %parallel_loop3A_1384, %parallel_loop3A_1385], %parallel_loop3A_1339 {strides = array<i32>} : memref<4x8x8x128xf32, #tpu.memory_space<vmem>>, vector<16xf32>,
        %parallel_loop3A_1387 = arith.constant 13 : i32
        %parallel_loop3A_1388 = arith.addi %parallel_loop3A_658, %parallel_loop3A_1387 : i32
        %parallel_loop3A_1389 = arith.constant 13 : i32
        %parallel_loop3A_1390 = vector.broadcast %parallel_loop3A_1389 : i32 to vector<16xi32>
        %parallel_loop3A_1391 = arith.addi %mul3A_3, %parallel_loop3A_1390 : vector<16xi32>
        %parallel_loop3A_1392 = arith.constant 0 : i32
        %parallel_loop3A_1393 = tpu.memref_slice %arg10[%parallel_loop3A_574, %parallel_loop3A_1392] : memref<64x272xf32, #tpu.memory_space<vmem>> -> memref<1x272xf32, #tpu.memory_space<vmem>>
        %parallel_loop3A_1394 = tpu.memref_squeeze %parallel_loop3A_1393 : memref<1x272xf32, #tpu.memory_space<vmem>> -> memref<272xf32, #tpu.memory_space<vmem>>
        %parallel_loop3A_1395 = tpu.vector_load_idx %parallel_loop3A_1394[%parallel_loop3A_1391] : memref<272xf32, #tpu.memory_space<vmem>>[vector<16xi32>], vector<16xf32>,
        %parallel_loop3A_1396 = arith.constant 2 : i32
        %parallel_loop3A_1397 = arith.addi %parallel_loop3A_1396, %parallel_loop3A_598 : i32
        %parallel_loop3A_1398 = arith.constant 8 : i32
        %parallel_loop3A_1399 = arith.divsi %parallel_loop3A_1388, %parallel_loop3A_1398 : i32
        %parallel_loop3A_1400 = arith.constant 0 : i32
        %parallel_loop3A_1401 = arith.cmpi sgt, %parallel_loop3A_1388, %parallel_loop3A_1400 : i32
        %parallel_loop3A_1402 = arith.extui %parallel_loop3A_1401 : i1 to i32
        %parallel_loop3A_1403 = arith.constant 0 : i32
        %parallel_loop3A_1404 = arith.cmpi slt, %parallel_loop3A_1388, %parallel_loop3A_1403 : i32
        %parallel_loop3A_1405 = arith.extui %parallel_loop3A_1404 : i1 to i32
        %parallel_loop3A_1406 = arith.subi %parallel_loop3A_1402, %parallel_loop3A_1405 : i32
        %parallel_loop3A_1407 = arith.constant 0 : i32
        %parallel_loop3A_1408 = arith.cmpi sgt, %parallel_loop3A_1398, %parallel_loop3A_1407 : i32
        %parallel_loop3A_1409 = arith.extui %parallel_loop3A_1408 : i1 to i32
        %parallel_loop3A_1410 = arith.constant 0 : i32
        %parallel_loop3A_1411 = arith.cmpi slt, %parallel_loop3A_1398, %parallel_loop3A_1410 : i32
        %parallel_loop3A_1412 = arith.extui %parallel_loop3A_1411 : i1 to i32
        %parallel_loop3A_1413 = arith.subi %parallel_loop3A_1409, %parallel_loop3A_1412 : i32
        %parallel_loop3A_1414 = arith.cmpi ne, %parallel_loop3A_1406, %parallel_loop3A_1413 : i32
        %parallel_loop3A_1415 = arith.remsi %parallel_loop3A_1388, %parallel_loop3A_1398 : i32
        %parallel_loop3A_1416 = arith.constant 0 : i32
        %parallel_loop3A_1417 = arith.cmpi ne, %parallel_loop3A_1415, %parallel_loop3A_1416 : i32
        %parallel_loop3A_1418 = arith.andi %parallel_loop3A_1414, %parallel_loop3A_1417 : i1
        %parallel_loop3A_1419 = arith.constant 1 : i32
        %parallel_loop3A_1420 = arith.subi %parallel_loop3A_1399, %parallel_loop3A_1419 : i32
        %parallel_loop3A_1421 = arith.select %parallel_loop3A_1418, %parallel_loop3A_1420, %parallel_loop3A_1399 : i32
        %parallel_loop3A_1422 = arith.constant 8 : i32
        %parallel_loop3A_1423 = arith.constant 0 : i32
        %parallel_loop3A_1424 = arith.cmpi eq, %parallel_loop3A_1422, %parallel_loop3A_1423 : i32
        %parallel_loop3A_1425 = arith.constant 1 : i32
        %parallel_loop3A_1426 = arith.select %parallel_loop3A_1424, %parallel_loop3A_1425, %parallel_loop3A_1422 : i32
        %parallel_loop3A_1427 = arith.remsi %parallel_loop3A_1388, %parallel_loop3A_1426 : i32
        %parallel_loop3A_1428 = arith.constant 0 : i32
        %parallel_loop3A_1429 = arith.cmpi ne, %parallel_loop3A_1427, %parallel_loop3A_1428 : i32
        %parallel_loop3A_1430 = arith.constant 0 : i32
        %parallel_loop3A_1431 = arith.cmpi slt, %parallel_loop3A_1427, %parallel_loop3A_1430 : i32
        %parallel_loop3A_1432 = arith.constant 0 : i32
        %parallel_loop3A_1433 = arith.cmpi slt, %parallel_loop3A_1426, %parallel_loop3A_1432 : i32
        %parallel_loop3A_1434 = arith.xori %parallel_loop3A_1431, %parallel_loop3A_1433 : i1
        %parallel_loop3A_1435 = arith.andi %parallel_loop3A_1434, %parallel_loop3A_1429 : i1
        %parallel_loop3A_1436 = arith.addi %parallel_loop3A_1427, %parallel_loop3A_1426 : i32
        %parallel_loop3A_1437 = arith.select %parallel_loop3A_1435, %parallel_loop3A_1436, %parallel_loop3A_1427 : i32
        %parallel_loop3A_1438 = arith.index_cast %parallel_loop3A_1397 : i32 to index
        %parallel_loop3A_1439 = arith.index_cast %parallel_loop3A_1421 : i32 to index
        %parallel_loop3A_1440 = arith.index_cast %parallel_loop3A_1437 : i32 to index
        %parallel_loop3A_1441 = arith.index_cast %parallel_loop3A_656 : i32 to index
        %parallel_loop3A_1442 = tpu.vector_load %arg9[%parallel_loop3A_1438, %parallel_loop3A_1439, %parallel_loop3A_1440, %parallel_loop3A_1441] {strides = array<i32>} : memref<4x8x8x128xf32, #tpu.memory_space<vmem>>, vector<16xf32>,
        tpu.vector_store %arg9[%parallel_loop3A_1438, %parallel_loop3A_1439, %parallel_loop3A_1440, %parallel_loop3A_1441], %parallel_loop3A_1395 {strides = array<i32>} : memref<4x8x8x128xf32, #tpu.memory_space<vmem>>, vector<16xf32>,
        %parallel_loop3A_1443 = arith.constant 14 : i32
        %parallel_loop3A_1444 = arith.addi %parallel_loop3A_658, %parallel_loop3A_1443 : i32
        %parallel_loop3A_1445 = arith.constant 14 : i32
        %parallel_loop3A_1446 = vector.broadcast %parallel_loop3A_1445 : i32 to vector<16xi32>
        %parallel_loop3A_1447 = arith.addi %mul3A_3, %parallel_loop3A_1446 : vector<16xi32>
        %parallel_loop3A_1448 = arith.constant 0 : i32
        %parallel_loop3A_1449 = tpu.memref_slice %arg10[%parallel_loop3A_574, %parallel_loop3A_1448] : memref<64x272xf32, #tpu.memory_space<vmem>> -> memref<1x272xf32, #tpu.memory_space<vmem>>
        %parallel_loop3A_1450 = tpu.memref_squeeze %parallel_loop3A_1449 : memref<1x272xf32, #tpu.memory_space<vmem>> -> memref<272xf32, #tpu.memory_space<vmem>>
        %parallel_loop3A_1451 = tpu.vector_load_idx %parallel_loop3A_1450[%parallel_loop3A_1447] : memref<272xf32, #tpu.memory_space<vmem>>[vector<16xi32>], vector<16xf32>,
        %parallel_loop3A_1452 = arith.constant 2 : i32
        %parallel_loop3A_1453 = arith.addi %parallel_loop3A_1452, %parallel_loop3A_598 : i32
        %parallel_loop3A_1454 = arith.constant 8 : i32
        %parallel_loop3A_1455 = arith.divsi %parallel_loop3A_1444, %parallel_loop3A_1454 : i32
        %parallel_loop3A_1456 = arith.constant 0 : i32
        %parallel_loop3A_1457 = arith.cmpi sgt, %parallel_loop3A_1444, %parallel_loop3A_1456 : i32
        %parallel_loop3A_1458 = arith.extui %parallel_loop3A_1457 : i1 to i32
        %parallel_loop3A_1459 = arith.constant 0 : i32
        %parallel_loop3A_1460 = arith.cmpi slt, %parallel_loop3A_1444, %parallel_loop3A_1459 : i32
        %parallel_loop3A_1461 = arith.extui %parallel_loop3A_1460 : i1 to i32
        %parallel_loop3A_1462 = arith.subi %parallel_loop3A_1458, %parallel_loop3A_1461 : i32
        %parallel_loop3A_1463 = arith.constant 0 : i32
        %parallel_loop3A_1464 = arith.cmpi sgt, %parallel_loop3A_1454, %parallel_loop3A_1463 : i32
        %parallel_loop3A_1465 = arith.extui %parallel_loop3A_1464 : i1 to i32
        %parallel_loop3A_1466 = arith.constant 0 : i32
        %parallel_loop3A_1467 = arith.cmpi slt, %parallel_loop3A_1454, %parallel_loop3A_1466 : i32
        %parallel_loop3A_1468 = arith.extui %parallel_loop3A_1467 : i1 to i32
        %parallel_loop3A_1469 = arith.subi %parallel_loop3A_1465, %parallel_loop3A_1468 : i32
        %parallel_loop3A_1470 = arith.cmpi ne, %parallel_loop3A_1462, %parallel_loop3A_1469 : i32
        %parallel_loop3A_1471 = arith.remsi %parallel_loop3A_1444, %parallel_loop3A_1454 : i32
        %parallel_loop3A_1472 = arith.constant 0 : i32
        %parallel_loop3A_1473 = arith.cmpi ne, %parallel_loop3A_1471, %parallel_loop3A_1472 : i32
        %parallel_loop3A_1474 = arith.andi %parallel_loop3A_1470, %parallel_loop3A_1473 : i1
        %parallel_loop3A_1475 = arith.constant 1 : i32
        %parallel_loop3A_1476 = arith.subi %parallel_loop3A_1455, %parallel_loop3A_1475 : i32
        %parallel_loop3A_1477 = arith.select %parallel_loop3A_1474, %parallel_loop3A_1476, %parallel_loop3A_1455 : i32
        %parallel_loop3A_1478 = arith.constant 8 : i32
        %parallel_loop3A_1479 = arith.constant 0 : i32
        %parallel_loop3A_1480 = arith.cmpi eq, %parallel_loop3A_1478, %parallel_loop3A_1479 : i32
        %parallel_loop3A_1481 = arith.constant 1 : i32
        %parallel_loop3A_1482 = arith.select %parallel_loop3A_1480, %parallel_loop3A_1481, %parallel_loop3A_1478 : i32
        %parallel_loop3A_1483 = arith.remsi %parallel_loop3A_1444, %parallel_loop3A_1482 : i32
        %parallel_loop3A_1484 = arith.constant 0 : i32
        %parallel_loop3A_1485 = arith.cmpi ne, %parallel_loop3A_1483, %parallel_loop3A_1484 : i32
        %parallel_loop3A_1486 = arith.constant 0 : i32
        %parallel_loop3A_1487 = arith.cmpi slt, %parallel_loop3A_1483, %parallel_loop3A_1486 : i32
        %parallel_loop3A_1488 = arith.constant 0 : i32
        %parallel_loop3A_1489 = arith.cmpi slt, %parallel_loop3A_1482, %parallel_loop3A_1488 : i32
        %parallel_loop3A_1490 = arith.xori %parallel_loop3A_1487, %parallel_loop3A_1489 : i1
        %parallel_loop3A_1491 = arith.andi %parallel_loop3A_1490, %parallel_loop3A_1485 : i1
        %parallel_loop3A_1492 = arith.addi %parallel_loop3A_1483, %parallel_loop3A_1482 : i32
        %parallel_loop3A_1493 = arith.select %parallel_loop3A_1491, %parallel_loop3A_1492, %parallel_loop3A_1483 : i32
        %parallel_loop3A_1494 = arith.index_cast %parallel_loop3A_1453 : i32 to index
        %parallel_loop3A_1495 = arith.index_cast %parallel_loop3A_1477 : i32 to index
        %parallel_loop3A_1496 = arith.index_cast %parallel_loop3A_1493 : i32 to index
        %parallel_loop3A_1497 = arith.index_cast %parallel_loop3A_656 : i32 to index
        %parallel_loop3A_1498 = tpu.vector_load %arg9[%parallel_loop3A_1494, %parallel_loop3A_1495, %parallel_loop3A_1496, %parallel_loop3A_1497] {strides = array<i32>} : memref<4x8x8x128xf32, #tpu.memory_space<vmem>>, vector<16xf32>,
        tpu.vector_store %arg9[%parallel_loop3A_1494, %parallel_loop3A_1495, %parallel_loop3A_1496, %parallel_loop3A_1497], %parallel_loop3A_1451 {strides = array<i32>} : memref<4x8x8x128xf32, #tpu.memory_space<vmem>>, vector<16xf32>,
        %parallel_loop3A_1499 = arith.constant 15 : i32
        %parallel_loop3A_1500 = arith.addi %parallel_loop3A_658, %parallel_loop3A_1499 : i32
        %parallel_loop3A_1501 = arith.constant 15 : i32
        %parallel_loop3A_1502 = vector.broadcast %parallel_loop3A_1501 : i32 to vector<16xi32>
        %parallel_loop3A_1503 = arith.addi %mul3A_3, %parallel_loop3A_1502 : vector<16xi32>
        %parallel_loop3A_1504 = arith.constant 0 : i32
        %parallel_loop3A_1505 = tpu.memref_slice %arg10[%parallel_loop3A_574, %parallel_loop3A_1504] : memref<64x272xf32, #tpu.memory_space<vmem>> -> memref<1x272xf32, #tpu.memory_space<vmem>>
        %parallel_loop3A_1506 = tpu.memref_squeeze %parallel_loop3A_1505 : memref<1x272xf32, #tpu.memory_space<vmem>> -> memref<272xf32, #tpu.memory_space<vmem>>
        %parallel_loop3A_1507 = tpu.vector_load_idx %parallel_loop3A_1506[%parallel_loop3A_1503] : memref<272xf32, #tpu.memory_space<vmem>>[vector<16xi32>], vector<16xf32>,
        %parallel_loop3A_1508 = arith.constant 2 : i32
        %parallel_loop3A_1509 = arith.addi %parallel_loop3A_1508, %parallel_loop3A_598 : i32
        %parallel_loop3A_1510 = arith.constant 8 : i32
        %parallel_loop3A_1511 = arith.divsi %parallel_loop3A_1500, %parallel_loop3A_1510 : i32
        %parallel_loop3A_1512 = arith.constant 0 : i32
        %parallel_loop3A_1513 = arith.cmpi sgt, %parallel_loop3A_1500, %parallel_loop3A_1512 : i32
        %parallel_loop3A_1514 = arith.extui %parallel_loop3A_1513 : i1 to i32
        %parallel_loop3A_1515 = arith.constant 0 : i32
        %parallel_loop3A_1516 = arith.cmpi slt, %parallel_loop3A_1500, %parallel_loop3A_1515 : i32
        %parallel_loop3A_1517 = arith.extui %parallel_loop3A_1516 : i1 to i32
        %parallel_loop3A_1518 = arith.subi %parallel_loop3A_1514, %parallel_loop3A_1517 : i32
        %parallel_loop3A_1519 = arith.constant 0 : i32
        %parallel_loop3A_1520 = arith.cmpi sgt, %parallel_loop3A_1510, %parallel_loop3A_1519 : i32
        %parallel_loop3A_1521 = arith.extui %parallel_loop3A_1520 : i1 to i32
        %parallel_loop3A_1522 = arith.constant 0 : i32
        %parallel_loop3A_1523 = arith.cmpi slt, %parallel_loop3A_1510, %parallel_loop3A_1522 : i32
        %parallel_loop3A_1524 = arith.extui %parallel_loop3A_1523 : i1 to i32
        %parallel_loop3A_1525 = arith.subi %parallel_loop3A_1521, %parallel_loop3A_1524 : i32
        %parallel_loop3A_1526 = arith.cmpi ne, %parallel_loop3A_1518, %parallel_loop3A_1525 : i32
        %parallel_loop3A_1527 = arith.remsi %parallel_loop3A_1500, %parallel_loop3A_1510 : i32
        %parallel_loop3A_1528 = arith.constant 0 : i32
        %parallel_loop3A_1529 = arith.cmpi ne, %parallel_loop3A_1527, %parallel_loop3A_1528 : i32
        %parallel_loop3A_1530 = arith.andi %parallel_loop3A_1526, %parallel_loop3A_1529 : i1
        %parallel_loop3A_1531 = arith.constant 1 : i32
        %parallel_loop3A_1532 = arith.subi %parallel_loop3A_1511, %parallel_loop3A_1531 : i32
        %parallel_loop3A_1533 = arith.select %parallel_loop3A_1530, %parallel_loop3A_1532, %parallel_loop3A_1511 : i32
        %parallel_loop3A_1534 = arith.constant 8 : i32
        %parallel_loop3A_1535 = arith.constant 0 : i32
        %parallel_loop3A_1536 = arith.cmpi eq, %parallel_loop3A_1534, %parallel_loop3A_1535 : i32
        %parallel_loop3A_1537 = arith.constant 1 : i32
        %parallel_loop3A_1538 = arith.select %parallel_loop3A_1536, %parallel_loop3A_1537, %parallel_loop3A_1534 : i32
        %parallel_loop3A_1539 = arith.remsi %parallel_loop3A_1500, %parallel_loop3A_1538 : i32
        %parallel_loop3A_1540 = arith.constant 0 : i32
        %parallel_loop3A_1541 = arith.cmpi ne, %parallel_loop3A_1539, %parallel_loop3A_1540 : i32
        %parallel_loop3A_1542 = arith.constant 0 : i32
        %parallel_loop3A_1543 = arith.cmpi slt, %parallel_loop3A_1539, %parallel_loop3A_1542 : i32
        %parallel_loop3A_1544 = arith.constant 0 : i32
        %parallel_loop3A_1545 = arith.cmpi slt, %parallel_loop3A_1538, %parallel_loop3A_1544 : i32
        %parallel_loop3A_1546 = arith.xori %parallel_loop3A_1543, %parallel_loop3A_1545 : i1
        %parallel_loop3A_1547 = arith.andi %parallel_loop3A_1546, %parallel_loop3A_1541 : i1
        %parallel_loop3A_1548 = arith.addi %parallel_loop3A_1539, %parallel_loop3A_1538 : i32
        %parallel_loop3A_1549 = arith.select %parallel_loop3A_1547, %parallel_loop3A_1548, %parallel_loop3A_1539 : i32
        %parallel_loop3A_1550 = arith.index_cast %parallel_loop3A_1509 : i32 to index
        %parallel_loop3A_1551 = arith.index_cast %parallel_loop3A_1533 : i32 to index
        %parallel_loop3A_1552 = arith.index_cast %parallel_loop3A_1549 : i32 to index
        %parallel_loop3A_1553 = arith.index_cast %parallel_loop3A_656 : i32 to index
        %parallel_loop3A_1554 = tpu.vector_load %arg9[%parallel_loop3A_1550, %parallel_loop3A_1551, %parallel_loop3A_1552, %parallel_loop3A_1553] {strides = array<i32>} : memref<4x8x8x128xf32, #tpu.memory_space<vmem>>, vector<16xf32>,
        tpu.vector_store %arg9[%parallel_loop3A_1550, %parallel_loop3A_1551, %parallel_loop3A_1552, %parallel_loop3A_1553], %parallel_loop3A_1507 {strides = array<i32>} : memref<4x8x8x128xf32, #tpu.memory_space<vmem>>, vector<16xf32>,
      } {sc.loop_unroll_factor = 1 : i64, sc.parallel_access}
      %add3A_504 = arith.constant 0 : i32
      %add3A_505 = arith.addi %add3A_371, %add3A_504 : i32
      %add3A_506 = arith.constant 4 : i32
      %add3A_507 = arith.addi %add3A_505, %add3A_506 : i32
      %lt3A_508 = arith.constant 200 : i32
      %lt3A_509 = arith.cmpi slt, %add3A_507, %lt3A_508 : i32
      %convert_element_type3A_510 = arith.extui %lt3A_509 : i1 to i32
      %cond3A_511 = arith.constant 0 : i32
      %cond3A_512 = arith.cmpi ne, %convert_element_type3A_510, %cond3A_511 : i32
      scf.if %cond3A_512 {
        %jit3A_574 = arith.constant 8 : i32
        %div3A_575 = arith.divsi %add3A_507, %jit3A_574 : i32
        %sign3A_576 = arith.constant 0 : i32
        %sign3A_577 = arith.cmpi sgt, %add3A_507, %sign3A_576 : i32
        %sign3A_578 = arith.extui %sign3A_577 : i1 to i32
        %sign3A_579 = arith.constant 0 : i32
        %sign3A_580 = arith.cmpi slt, %add3A_507, %sign3A_579 : i32
        %sign3A_581 = arith.extui %sign3A_580 : i1 to i32
        %sign3A_582 = arith.subi %sign3A_578, %sign3A_581 : i32
        %sign3A_583 = arith.constant 0 : i32
        %sign3A_584 = arith.cmpi sgt, %jit3A_574, %sign3A_583 : i32
        %sign3A_585 = arith.extui %sign3A_584 : i1 to i32
        %sign3A_586 = arith.constant 0 : i32
        %sign3A_587 = arith.cmpi slt, %jit3A_574, %sign3A_586 : i32
        %sign3A_588 = arith.extui %sign3A_587 : i1 to i32
        %sign3A_589 = arith.subi %sign3A_585, %sign3A_588 : i32
        %ne3A_590 = arith.cmpi ne, %sign3A_582, %sign3A_589 : i32
        %rem3A_591 = arith.remsi %add3A_507, %jit3A_574 : i32
        %ne3A_592 = arith.constant 0 : i32
        %ne3A_593 = arith.cmpi ne, %rem3A_591, %ne3A_592 : i32
        %and3A_594 = arith.andi %ne3A_590, %ne3A_593 : i1
        %sub3A_595 = arith.constant 1 : i32
        %sub3A_596 = arith.subi %div3A_575, %sub3A_595 : i32
        %select_n3A_597 = arith.select %and3A_594, %sub3A_596, %div3A_575 : i32
        %jit3A_598 = arith.constant 8 : i32
        %eq3A_599 = arith.constant 0 : i32
        %eq3A_600 = arith.cmpi eq, %jit3A_598, %eq3A_599 : i32
        %jit3A_601 = arith.constant 1 : i32
        %select_n3A_602 = arith.select %eq3A_600, %jit3A_601, %jit3A_598 : i32
        %rem3A_603 = arith.remsi %add3A_507, %select_n3A_602 : i32
        %ne3A_604 = arith.constant 0 : i32
        %ne3A_605 = arith.cmpi ne, %rem3A_603, %ne3A_604 : i32
        %lt3A_606 = arith.constant 0 : i32
        %lt3A_607 = arith.cmpi slt, %rem3A_603, %lt3A_606 : i32
        %lt3A_608 = arith.constant 0 : i32
        %lt3A_609 = arith.cmpi slt, %select_n3A_602, %lt3A_608 : i32
        %ne3A_610 = arith.xori %lt3A_607, %lt3A_609 : i1
        %and3A_611 = arith.andi %ne3A_610, %ne3A_605 : i1
        %add3A_612 = arith.addi %rem3A_603, %select_n3A_602 : i32
        %select_n3A_613 = arith.select %and3A_611, %add3A_612, %rem3A_603 : i32
        %dma_start3A_614 = arith.constant 2 : i32
        %dma_start3A_615 = arith.constant 2 : i32
        %dma_start3A_616 = arith.constant 0 : i32
        %dma_start3A_617 = arith.constant 0 : i32
        %dma_start3A_618 = tpu.memref_slice %arg8[%dma_start3A_614, %dma_start3A_616, %dma_start3A_617] : memref<4x128x64xf32, #tpu.memory_space<vmem>> -> memref<1x128x64xf32, #tpu.memory_space<vmem>>
        %dma_start3A_619 = tpu.memref_squeeze %dma_start3A_618 : memref<1x128x64xf32, #tpu.memory_space<vmem>> -> memref<128x64xf32, #tpu.memory_space<vmem>>
        %dma_start3A_620 = arith.constant 0 : i32
        %dma_start3A_621 = tpu.memref_slice %arg6[%select_n3A_597, %select_n3A_613, %dma_start3A_620] : memref<25x8x128xi32, #tpu.memory_space<vmem>> -> memref<1x1x128xi32, #tpu.memory_space<vmem>>
        %dma_start3A_622 = tpu.memref_squeeze %dma_start3A_621 : memref<1x1x128xi32, #tpu.memory_space<vmem>> -> memref<128xi32, #tpu.memory_space<vmem>>
        %dma_start3A_623 = arith.constant 0 : i32
        %dma_start3A_624 = arith.constant 0 : i32
        %dma_start3A_625 = tpu.memref_slice %arg3[%dma_start3A_623, %dma_start3A_624] : memref<100000x64xf32, #tpu.memory_space<hbm>> -> memref<100000x64xf32, #tpu.memory_space<hbm>>
        %dma_start3A_626 = tpu.memref_slice %arg11[%dma_start3A_615] : memref<4x!tpu.dma_semaphore, #tpu.memory_space<semaphore_mem>> -> memref<1x!tpu.dma_semaphore, #tpu.memory_space<semaphore_mem>>
        %dma_start3A_627 = tpu.memref_squeeze %dma_start3A_626 : memref<1x!tpu.dma_semaphore, #tpu.memory_space<semaphore_mem>> -> memref<!tpu.dma_semaphore, #tpu.memory_space<semaphore_mem>>
        tpu.enqueue_indirect_dma source(%dma_start3A_625 : memref<100000x64xf32, #tpu.memory_space<hbm>>) target(%dma_start3A_619 : memref<128x64xf32, #tpu.memory_space<vmem>>) offsets(%dma_start3A_622 : memref<128xi32, #tpu.memory_space<vmem>>) semaphore(%dma_start3A_627 : memref<!tpu.dma_semaphore, #tpu.memory_space<semaphore_mem>>)
      } else {
      }
      %add3A_513 = arith.constant 0 : i32
      %add3A_514 = arith.addi %add3A_371, %add3A_513 : i32
      %dma_start3A_515 = arith.constant 2 : i32
      %dma_start3A_516 = arith.constant 2 : i32
      %dma_start3A_517 = arith.constant 0 : i32
      %dma_start3A_518 = arith.constant 0 : i32
      %dma_start3A_519 = arith.constant 0 : i32
      %dma_start3A_520 = tpu.memref_slice %arg9[%dma_start3A_515, %dma_start3A_517, %dma_start3A_518, %dma_start3A_519] : memref<4x8x8x128xf32, #tpu.memory_space<vmem>> -> memref<1x8x8x128xf32, #tpu.memory_space<vmem>>
      %dma_start3A_521 = tpu.memref_squeeze %dma_start3A_520 : memref<1x8x8x128xf32, #tpu.memory_space<vmem>> -> memref<8x8x128xf32, #tpu.memory_space<vmem>>
      %dma_start3A_522 = arith.constant 0 : i32
      %dma_start3A_523 = arith.constant 0 : i32
      %dma_start3A_524 = arith.constant 0 : i32
      %dma_start3A_525 = tpu.memref_slice %arg5[%add3A_514, %dma_start3A_522, %add3A, %dma_start3A_523, %dma_start3A_524] : memref<200x8x32x8x128xf32, #tpu.memory_space<hbm>> -> memref<1x8x1x8x128xf32, #tpu.memory_space<hbm>>
      %dma_start3A_526 = tpu.memref_squeeze %dma_start3A_525 : memref<1x8x1x8x128xf32, #tpu.memory_space<hbm>> -> memref<8x8x128xf32, #tpu.memory_space<hbm>>
      %dma_start3A_527 = tpu.memref_slice %arg12[%dma_start3A_516] : memref<4x!tpu.dma_semaphore, #tpu.memory_space<semaphore_mem>> -> memref<1x!tpu.dma_semaphore, #tpu.memory_space<semaphore_mem>>
      %dma_start3A_528 = tpu.memref_squeeze %dma_start3A_527 : memref<1x!tpu.dma_semaphore, #tpu.memory_space<semaphore_mem>> -> memref<!tpu.dma_semaphore, #tpu.memory_space<semaphore_mem>>
      %dma_start3A_529 = arith.constant 0 : i32
      %dma_start3A_530 = arith.constant 0 : i32
      %dma_start3A_531 = arith.constant 0 : i32
      %dma_start3A_532 = tpu.memref_slice %arg5[%add3A_514, %dma_start3A_529, %add3A, %dma_start3A_530, %dma_start3A_531] : memref<200x8x32x8x128xf32, #tpu.memory_space<hbm>> -> memref<1x8x1x8x128xf32, #tpu.memory_space<hbm>>
      %dma_start3A_533 = tpu.memref_squeeze %dma_start3A_532 : memref<1x8x1x8x128xf32, #tpu.memory_space<hbm>> -> memref<8x8x128xf32, #tpu.memory_space<hbm>>
      %dma_start3A_534 = arith.constant 0 : i32
      %dma_start3A_535 = arith.constant 0 : i32
      %dma_start3A_536 = arith.constant 0 : i32
      %dma_start3A_537 = tpu.memref_slice %arg9[%dma_start3A_515, %dma_start3A_534, %dma_start3A_535, %dma_start3A_536] : memref<4x8x8x128xf32, #tpu.memory_space<vmem>> -> memref<1x8x8x128xf32, #tpu.memory_space<vmem>>
      %dma_start3A_538 = tpu.memref_squeeze %dma_start3A_537 : memref<1x8x8x128xf32, #tpu.memory_space<vmem>> -> memref<8x8x128xf32, #tpu.memory_space<vmem>>
      tpu.enqueue_dma source(%dma_start3A_538 : memref<8x8x128xf32, #tpu.memory_space<vmem>>) target(%dma_start3A_533 : memref<8x8x128xf32, #tpu.memory_space<hbm>>) target_semaphore(%dma_start3A_528 : memref<!tpu.dma_semaphore, #tpu.memory_space<semaphore_mem>>)
      %add3A_539 = arith.constant 1 : i32
      %add3A_540 = arith.addi %add3A_371, %add3A_539 : i32
      %add3A_541 = arith.constant 4 : i32
      %add3A_542 = arith.addi %add3A_540, %add3A_541 : i32
      %lt3A_543 = arith.constant 200 : i32
      %lt3A_544 = arith.cmpi slt, %add3A_542, %lt3A_543 : i32
      %convert_element_type3A_545 = arith.extui %lt3A_544 : i1 to i32
      %cond3A_546 = arith.constant 0 : i32
      %cond3A_547 = arith.cmpi ne, %convert_element_type3A_545, %cond3A_546 : i32
      scf.if %cond3A_547 {
        %jit3A_574 = arith.constant 8 : i32
        %div3A_575 = arith.divsi %add3A_542, %jit3A_574 : i32
        %sign3A_576 = arith.constant 0 : i32
        %sign3A_577 = arith.cmpi sgt, %add3A_542, %sign3A_576 : i32
        %sign3A_578 = arith.extui %sign3A_577 : i1 to i32
        %sign3A_579 = arith.constant 0 : i32
        %sign3A_580 = arith.cmpi slt, %add3A_542, %sign3A_579 : i32
        %sign3A_581 = arith.extui %sign3A_580 : i1 to i32
        %sign3A_582 = arith.subi %sign3A_578, %sign3A_581 : i32
        %sign3A_583 = arith.constant 0 : i32
        %sign3A_584 = arith.cmpi sgt, %jit3A_574, %sign3A_583 : i32
        %sign3A_585 = arith.extui %sign3A_584 : i1 to i32
        %sign3A_586 = arith.constant 0 : i32
        %sign3A_587 = arith.cmpi slt, %jit3A_574, %sign3A_586 : i32
        %sign3A_588 = arith.extui %sign3A_587 : i1 to i32
        %sign3A_589 = arith.subi %sign3A_585, %sign3A_588 : i32
        %ne3A_590 = arith.cmpi ne, %sign3A_582, %sign3A_589 : i32
        %rem3A_591 = arith.remsi %add3A_542, %jit3A_574 : i32
        %ne3A_592 = arith.constant 0 : i32
        %ne3A_593 = arith.cmpi ne, %rem3A_591, %ne3A_592 : i32
        %and3A_594 = arith.andi %ne3A_590, %ne3A_593 : i1
        %sub3A_595 = arith.constant 1 : i32
        %sub3A_596 = arith.subi %div3A_575, %sub3A_595 : i32
        %select_n3A_597 = arith.select %and3A_594, %sub3A_596, %div3A_575 : i32
        %jit3A_598 = arith.constant 8 : i32
        %eq3A_599 = arith.constant 0 : i32
        %eq3A_600 = arith.cmpi eq, %jit3A_598, %eq3A_599 : i32
        %jit3A_601 = arith.constant 1 : i32
        %select_n3A_602 = arith.select %eq3A_600, %jit3A_601, %jit3A_598 : i32
        %rem3A_603 = arith.remsi %add3A_542, %select_n3A_602 : i32
        %ne3A_604 = arith.constant 0 : i32
        %ne3A_605 = arith.cmpi ne, %rem3A_603, %ne3A_604 : i32
        %lt3A_606 = arith.constant 0 : i32
        %lt3A_607 = arith.cmpi slt, %rem3A_603, %lt3A_606 : i32
        %lt3A_608 = arith.constant 0 : i32
        %lt3A_609 = arith.cmpi slt, %select_n3A_602, %lt3A_608 : i32
        %ne3A_610 = arith.xori %lt3A_607, %lt3A_609 : i1
        %and3A_611 = arith.andi %ne3A_610, %ne3A_605 : i1
        %add3A_612 = arith.addi %rem3A_603, %select_n3A_602 : i32
        %select_n3A_613 = arith.select %and3A_611, %add3A_612, %rem3A_603 : i32
        %dma_start3A_614 = arith.constant 3 : i32
        %dma_start3A_615 = arith.constant 3 : i32
        %dma_start3A_616 = arith.constant 0 : i32
        %dma_start3A_617 = arith.constant 0 : i32
        %dma_start3A_618 = tpu.memref_slice %arg8[%dma_start3A_614, %dma_start3A_616, %dma_start3A_617] : memref<4x128x64xf32, #tpu.memory_space<vmem>> -> memref<1x128x64xf32, #tpu.memory_space<vmem>>
        %dma_start3A_619 = tpu.memref_squeeze %dma_start3A_618 : memref<1x128x64xf32, #tpu.memory_space<vmem>> -> memref<128x64xf32, #tpu.memory_space<vmem>>
        %dma_start3A_620 = arith.constant 0 : i32
        %dma_start3A_621 = tpu.memref_slice %arg6[%select_n3A_597, %select_n3A_613, %dma_start3A_620] : memref<25x8x128xi32, #tpu.memory_space<vmem>> -> memref<1x1x128xi32, #tpu.memory_space<vmem>>
        %dma_start3A_622 = tpu.memref_squeeze %dma_start3A_621 : memref<1x1x128xi32, #tpu.memory_space<vmem>> -> memref<128xi32, #tpu.memory_space<vmem>>
        %dma_start3A_623 = arith.constant 0 : i32
        %dma_start3A_624 = arith.constant 0 : i32
        %dma_start3A_625 = tpu.memref_slice %arg3[%dma_start3A_623, %dma_start3A_624] : memref<100000x64xf32, #tpu.memory_space<hbm>> -> memref<100000x64xf32, #tpu.memory_space<hbm>>
        %dma_start3A_626 = tpu.memref_slice %arg11[%dma_start3A_615] : memref<4x!tpu.dma_semaphore, #tpu.memory_space<semaphore_mem>> -> memref<1x!tpu.dma_semaphore, #tpu.memory_space<semaphore_mem>>
        %dma_start3A_627 = tpu.memref_squeeze %dma_start3A_626 : memref<1x!tpu.dma_semaphore, #tpu.memory_space<semaphore_mem>> -> memref<!tpu.dma_semaphore, #tpu.memory_space<semaphore_mem>>
        tpu.enqueue_indirect_dma source(%dma_start3A_625 : memref<100000x64xf32, #tpu.memory_space<hbm>>) target(%dma_start3A_619 : memref<128x64xf32, #tpu.memory_space<vmem>>) offsets(%dma_start3A_622 : memref<128xi32, #tpu.memory_space<vmem>>) semaphore(%dma_start3A_627 : memref<!tpu.dma_semaphore, #tpu.memory_space<semaphore_mem>>)
      } else {
      }
      %add3A_548 = arith.constant 1 : i32
      %add3A_549 = arith.addi %add3A_371, %add3A_548 : i32
      %dma_start3A_550 = arith.constant 3 : i32
      %dma_start3A_551 = arith.constant 3 : i32
      %dma_start3A_552 = arith.constant 0 : i32
      %dma_start3A_553 = arith.constant 0 : i32
      %dma_start3A_554 = arith.constant 0 : i32
      %dma_start3A_555 = tpu.memref_slice %arg9[%dma_start3A_550, %dma_start3A_552, %dma_start3A_553, %dma_start3A_554] : memref<4x8x8x128xf32, #tpu.memory_space<vmem>> -> memref<1x8x8x128xf32, #tpu.memory_space<vmem>>
      %dma_start3A_556 = tpu.memref_squeeze %dma_start3A_555 : memref<1x8x8x128xf32, #tpu.memory_space<vmem>> -> memref<8x8x128xf32, #tpu.memory_space<vmem>>
      %dma_start3A_557 = arith.constant 0 : i32
      %dma_start3A_558 = arith.constant 0 : i32
      %dma_start3A_559 = arith.constant 0 : i32
      %dma_start3A_560 = tpu.memref_slice %arg5[%add3A_549, %dma_start3A_557, %add3A, %dma_start3A_558, %dma_start3A_559] : memref<200x8x32x8x128xf32, #tpu.memory_space<hbm>> -> memref<1x8x1x8x128xf32, #tpu.memory_space<hbm>>
      %dma_start3A_561 = tpu.memref_squeeze %dma_start3A_560 : memref<1x8x1x8x128xf32, #tpu.memory_space<hbm>> -> memref<8x8x128xf32, #tpu.memory_space<hbm>>
      %dma_start3A_562 = tpu.memref_slice %arg12[%dma_start3A_551] : memref<4x!tpu.dma_semaphore, #tpu.memory_space<semaphore_mem>> -> memref<1x!tpu.dma_semaphore, #tpu.memory_space<semaphore_mem>>
      %dma_start3A_563 = tpu.memref_squeeze %dma_start3A_562 : memref<1x!tpu.dma_semaphore, #tpu.memory_space<semaphore_mem>> -> memref<!tpu.dma_semaphore, #tpu.memory_space<semaphore_mem>>
      %dma_start3A_564 = arith.constant 0 : i32
      %dma_start3A_565 = arith.constant 0 : i32
      %dma_start3A_566 = arith.constant 0 : i32
      %dma_start3A_567 = tpu.memref_slice %arg5[%add3A_549, %dma_start3A_564, %add3A, %dma_start3A_565, %dma_start3A_566] : memref<200x8x32x8x128xf32, #tpu.memory_space<hbm>> -> memref<1x8x1x8x128xf32, #tpu.memory_space<hbm>>
      %dma_start3A_568 = tpu.memref_squeeze %dma_start3A_567 : memref<1x8x1x8x128xf32, #tpu.memory_space<hbm>> -> memref<8x8x128xf32, #tpu.memory_space<hbm>>
      %dma_start3A_569 = arith.constant 0 : i32
      %dma_start3A_570 = arith.constant 0 : i32
      %dma_start3A_571 = arith.constant 0 : i32
      %dma_start3A_572 = tpu.memref_slice %arg9[%dma_start3A_550, %dma_start3A_569, %dma_start3A_570, %dma_start3A_571] : memref<4x8x8x128xf32, #tpu.memory_space<vmem>> -> memref<1x8x8x128xf32, #tpu.memory_space<vmem>>
      %dma_start3A_573 = tpu.memref_squeeze %dma_start3A_572 : memref<1x8x8x128xf32, #tpu.memory_space<vmem>> -> memref<8x8x128xf32, #tpu.memory_space<vmem>>
      tpu.enqueue_dma source(%dma_start3A_573 : memref<8x8x128xf32, #tpu.memory_space<vmem>>) target(%dma_start3A_568 : memref<8x8x128xf32, #tpu.memory_space<hbm>>) target_semaphore(%dma_start3A_563 : memref<!tpu.dma_semaphore, #tpu.memory_space<semaphore_mem>>)
    }
    %scan3A_71 = arith.constant 50 : i32
    %dma_wait3A = arith.constant 0 : i32
    %dma_wait3A_72 = arith.constant 0 : i32
    %dma_wait3A_73 = arith.constant 0 : i32
    %dma_wait3A_74 = arith.constant 0 : i32
    %dma_wait3A_75 = arith.constant 0 : i32
    %dma_wait3A_76 = arith.constant 0 : i32
    %dma_wait3A_77 = arith.constant 0 : i32
    %dma_wait3A_78 = tpu.memref_slice %arg9[%dma_wait3A, %dma_wait3A_75, %dma_wait3A_76, %dma_wait3A_77] : memref<4x8x8x128xf32, #tpu.memory_space<vmem>> -> memref<1x8x8x128xf32, #tpu.memory_space<vmem>>
    %dma_wait3A_79 = tpu.memref_squeeze %dma_wait3A_78 : memref<1x8x8x128xf32, #tpu.memory_space<vmem>> -> memref<8x8x128xf32, #tpu.memory_space<vmem>>
    %dma_wait3A_80 = arith.constant 0 : i32
    %dma_wait3A_81 = arith.constant 0 : i32
    %dma_wait3A_82 = arith.constant 0 : i32
    %dma_wait3A_83 = tpu.memref_slice %arg5[%dma_wait3A_72, %dma_wait3A_80, %dma_wait3A_73, %dma_wait3A_81, %dma_wait3A_82] : memref<200x8x32x8x128xf32, #tpu.memory_space<hbm>> -> memref<1x8x1x8x128xf32, #tpu.memory_space<hbm>>
    %dma_wait3A_84 = tpu.memref_squeeze %dma_wait3A_83 : memref<1x8x1x8x128xf32, #tpu.memory_space<hbm>> -> memref<8x8x128xf32, #tpu.memory_space<hbm>>
    %dma_wait3A_85 = tpu.memref_slice %arg12[%dma_wait3A_74] : memref<4x!tpu.dma_semaphore, #tpu.memory_space<semaphore_mem>> -> memref<1x!tpu.dma_semaphore, #tpu.memory_space<semaphore_mem>>
    %dma_wait3A_86 = tpu.memref_squeeze %dma_wait3A_85 : memref<1x!tpu.dma_semaphore, #tpu.memory_space<semaphore_mem>> -> memref<!tpu.dma_semaphore, #tpu.memory_space<semaphore_mem>>
    %dma_wait3A_87 = arith.constant 0 : i32
    %dma_wait3A_88 = arith.constant 0 : i32
    %dma_wait3A_89 = arith.constant 0 : i32
    %dma_wait3A_90 = tpu.memref_slice %arg5[%dma_wait3A_72, %dma_wait3A_87, %dma_wait3A_73, %dma_wait3A_88, %dma_wait3A_89] : memref<200x8x32x8x128xf32, #tpu.memory_space<hbm>> -> memref<1x8x1x8x128xf32, #tpu.memory_space<hbm>>
    %dma_wait3A_91 = tpu.memref_squeeze %dma_wait3A_90 : memref<1x8x1x8x128xf32, #tpu.memory_space<hbm>> -> memref<8x8x128xf32, #tpu.memory_space<hbm>>
    %dma_wait3A_92 = arith.constant 0 : i32
    %dma_wait3A_93 = arith.constant 0 : i32
    %dma_wait3A_94 = arith.constant 0 : i32
    %dma_wait3A_95 = tpu.memref_slice %arg9[%dma_wait3A, %dma_wait3A_92, %dma_wait3A_93, %dma_wait3A_94] : memref<4x8x8x128xf32, #tpu.memory_space<vmem>> -> memref<1x8x8x128xf32, #tpu.memory_space<vmem>>
    %dma_wait3A_96 = tpu.memref_squeeze %dma_wait3A_95 : memref<1x8x8x128xf32, #tpu.memory_space<vmem>> -> memref<8x8x128xf32, #tpu.memory_space<vmem>>
    tpu.wait_dma2 semaphore(%dma_wait3A_86 : memref<!tpu.dma_semaphore, #tpu.memory_space<semaphore_mem>>) src(%dma_wait3A_96 : memref<8x8x128xf32, #tpu.memory_space<vmem>>) dst(%dma_wait3A_91 : memref<8x8x128xf32, #tpu.memory_space<hbm>>)
    %dma_wait3A_97 = arith.constant 1 : i32
    %dma_wait3A_98 = arith.constant 0 : i32
    %dma_wait3A_99 = arith.constant 0 : i32
    %dma_wait3A_100 = arith.constant 1 : i32
    %dma_wait3A_101 = arith.constant 0 : i32
    %dma_wait3A_102 = arith.constant 0 : i32
    %dma_wait3A_103 = arith.constant 0 : i32
    %dma_wait3A_104 = tpu.memref_slice %arg9[%dma_wait3A_97, %dma_wait3A_101, %dma_wait3A_102, %dma_wait3A_103] : memref<4x8x8x128xf32, #tpu.memory_space<vmem>> -> memref<1x8x8x128xf32, #tpu.memory_space<vmem>>
    %dma_wait3A_105 = tpu.memref_squeeze %dma_wait3A_104 : memref<1x8x8x128xf32, #tpu.memory_space<vmem>> -> memref<8x8x128xf32, #tpu.memory_space<vmem>>
    %dma_wait3A_106 = arith.constant 0 : i32
    %dma_wait3A_107 = arith.constant 0 : i32
    %dma_wait3A_108 = arith.constant 0 : i32
    %dma_wait3A_109 = tpu.memref_slice %arg5[%dma_wait3A_98, %dma_wait3A_106, %dma_wait3A_99, %dma_wait3A_107, %dma_wait3A_108] : memref<200x8x32x8x128xf32, #tpu.memory_space<hbm>> -> memref<1x8x1x8x128xf32, #tpu.memory_space<hbm>>
    %dma_wait3A_110 = tpu.memref_squeeze %dma_wait3A_109 : memref<1x8x1x8x128xf32, #tpu.memory_space<hbm>> -> memref<8x8x128xf32, #tpu.memory_space<hbm>>
    %dma_wait3A_111 = tpu.memref_slice %arg12[%dma_wait3A_100] : memref<4x!tpu.dma_semaphore, #tpu.memory_space<semaphore_mem>> -> memref<1x!tpu.dma_semaphore, #tpu.memory_space<semaphore_mem>>
    %dma_wait3A_112 = tpu.memref_squeeze %dma_wait3A_111 : memref<1x!tpu.dma_semaphore, #tpu.memory_space<semaphore_mem>> -> memref<!tpu.dma_semaphore, #tpu.memory_space<semaphore_mem>>
    %dma_wait3A_113 = arith.constant 0 : i32
    %dma_wait3A_114 = arith.constant 0 : i32
    %dma_wait3A_115 = arith.constant 0 : i32
    %dma_wait3A_116 = tpu.memref_slice %arg5[%dma_wait3A_98, %dma_wait3A_113, %dma_wait3A_99, %dma_wait3A_114, %dma_wait3A_115] : memref<200x8x32x8x128xf32, #tpu.memory_space<hbm>> -> memref<1x8x1x8x128xf32, #tpu.memory_space<hbm>>
    %dma_wait3A_117 = tpu.memref_squeeze %dma_wait3A_116 : memref<1x8x1x8x128xf32, #tpu.memory_space<hbm>> -> memref<8x8x128xf32, #tpu.memory_space<hbm>>
    %dma_wait3A_118 = arith.constant 0 : i32
    %dma_wait3A_119 = arith.constant 0 : i32
    %dma_wait3A_120 = arith.constant 0 : i32
    %dma_wait3A_121 = tpu.memref_slice %arg9[%dma_wait3A_97, %dma_wait3A_118, %dma_wait3A_119, %dma_wait3A_120] : memref<4x8x8x128xf32, #tpu.memory_space<vmem>> -> memref<1x8x8x128xf32, #tpu.memory_space<vmem>>
    %dma_wait3A_122 = tpu.memref_squeeze %dma_wait3A_121 : memref<1x8x8x128xf32, #tpu.memory_space<vmem>> -> memref<8x8x128xf32, #tpu.memory_space<vmem>>
    tpu.wait_dma2 semaphore(%dma_wait3A_112 : memref<!tpu.dma_semaphore, #tpu.memory_space<semaphore_mem>>) src(%dma_wait3A_122 : memref<8x8x128xf32, #tpu.memory_space<vmem>>) dst(%dma_wait3A_117 : memref<8x8x128xf32, #tpu.memory_space<hbm>>)
    %dma_wait3A_123 = arith.constant 2 : i32
    %dma_wait3A_124 = arith.constant 0 : i32
    %dma_wait3A_125 = arith.constant 0 : i32
    %dma_wait3A_126 = arith.constant 2 : i32
    %dma_wait3A_127 = arith.constant 0 : i32
    %dma_wait3A_128 = arith.constant 0 : i32
    %dma_wait3A_129 = arith.constant 0 : i32
    %dma_wait3A_130 = tpu.memref_slice %arg9[%dma_wait3A_123, %dma_wait3A_127, %dma_wait3A_128, %dma_wait3A_129] : memref<4x8x8x128xf32, #tpu.memory_space<vmem>> -> memref<1x8x8x128xf32, #tpu.memory_space<vmem>>
    %dma_wait3A_131 = tpu.memref_squeeze %dma_wait3A_130 : memref<1x8x8x128xf32, #tpu.memory_space<vmem>> -> memref<8x8x128xf32, #tpu.memory_space<vmem>>
    %dma_wait3A_132 = arith.constant 0 : i32
    %dma_wait3A_133 = arith.constant 0 : i32
    %dma_wait3A_134 = arith.constant 0 : i32
    %dma_wait3A_135 = tpu.memref_slice %arg5[%dma_wait3A_124, %dma_wait3A_132, %dma_wait3A_125, %dma_wait3A_133, %dma_wait3A_134] : memref<200x8x32x8x128xf32, #tpu.memory_space<hbm>> -> memref<1x8x1x8x128xf32, #tpu.memory_space<hbm>>
    %dma_wait3A_136 = tpu.memref_squeeze %dma_wait3A_135 : memref<1x8x1x8x128xf32, #tpu.memory_space<hbm>> -> memref<8x8x128xf32, #tpu.memory_space<hbm>>
    %dma_wait3A_137 = tpu.memref_slice %arg12[%dma_wait3A_126] : memref<4x!tpu.dma_semaphore, #tpu.memory_space<semaphore_mem>> -> memref<1x!tpu.dma_semaphore, #tpu.memory_space<semaphore_mem>>
    %dma_wait3A_138 = tpu.memref_squeeze %dma_wait3A_137 : memref<1x!tpu.dma_semaphore, #tpu.memory_space<semaphore_mem>> -> memref<!tpu.dma_semaphore, #tpu.memory_space<semaphore_mem>>
    %dma_wait3A_139 = arith.constant 0 : i32
    %dma_wait3A_140 = arith.constant 0 : i32
    %dma_wait3A_141 = arith.constant 0 : i32
    %dma_wait3A_142 = tpu.memref_slice %arg5[%dma_wait3A_124, %dma_wait3A_139, %dma_wait3A_125, %dma_wait3A_140, %dma_wait3A_141] : memref<200x8x32x8x128xf32, #tpu.memory_space<hbm>> -> memref<1x8x1x8x128xf32, #tpu.memory_space<hbm>>
    %dma_wait3A_143 = tpu.memref_squeeze %dma_wait3A_142 : memref<1x8x1x8x128xf32, #tpu.memory_space<hbm>> -> memref<8x8x128xf32, #tpu.memory_space<hbm>>
    %dma_wait3A_144 = arith.constant 0 : i32
    %dma_wait3A_145 = arith.constant 0 : i32
    %dma_wait3A_146 = arith.constant 0 : i32
    %dma_wait3A_147 = tpu.memref_slice %arg9[%dma_wait3A_123, %dma_wait3A_144, %dma_wait3A_145, %dma_wait3A_146] : memref<4x8x8x128xf32, #tpu.memory_space<vmem>> -> memref<1x8x8x128xf32, #tpu.memory_space<vmem>>
    %dma_wait3A_148 = tpu.memref_squeeze %dma_wait3A_147 : memref<1x8x8x128xf32, #tpu.memory_space<vmem>> -> memref<8x8x128xf32, #tpu.memory_space<vmem>>
    tpu.wait_dma2 semaphore(%dma_wait3A_138 : memref<!tpu.dma_semaphore, #tpu.memory_space<semaphore_mem>>) src(%dma_wait3A_148 : memref<8x8x128xf32, #tpu.memory_space<vmem>>) dst(%dma_wait3A_143 : memref<8x8x128xf32, #tpu.memory_space<hbm>>)
    %dma_wait3A_149 = arith.constant 3 : i32
    %dma_wait3A_150 = arith.constant 0 : i32
    %dma_wait3A_151 = arith.constant 0 : i32
    %dma_wait3A_152 = arith.constant 3 : i32
    %dma_wait3A_153 = arith.constant 0 : i32
    %dma_wait3A_154 = arith.constant 0 : i32
    %dma_wait3A_155 = arith.constant 0 : i32
    %dma_wait3A_156 = tpu.memref_slice %arg9[%dma_wait3A_149, %dma_wait3A_153, %dma_wait3A_154, %dma_wait3A_155] : memref<4x8x8x128xf32, #tpu.memory_space<vmem>> -> memref<1x8x8x128xf32, #tpu.memory_space<vmem>>
    %dma_wait3A_157 = tpu.memref_squeeze %dma_wait3A_156 : memref<1x8x8x128xf32, #tpu.memory_space<vmem>> -> memref<8x8x128xf32, #tpu.memory_space<vmem>>
    %dma_wait3A_158 = arith.constant 0 : i32
    %dma_wait3A_159 = arith.constant 0 : i32
    %dma_wait3A_160 = arith.constant 0 : i32
    %dma_wait3A_161 = tpu.memref_slice %arg5[%dma_wait3A_150, %dma_wait3A_158, %dma_wait3A_151, %dma_wait3A_159, %dma_wait3A_160] : memref<200x8x32x8x128xf32, #tpu.memory_space<hbm>> -> memref<1x8x1x8x128xf32, #tpu.memory_space<hbm>>
    %dma_wait3A_162 = tpu.memref_squeeze %dma_wait3A_161 : memref<1x8x1x8x128xf32, #tpu.memory_space<hbm>> -> memref<8x8x128xf32, #tpu.memory_space<hbm>>
    %dma_wait3A_163 = tpu.memref_slice %arg12[%dma_wait3A_152] : memref<4x!tpu.dma_semaphore, #tpu.memory_space<semaphore_mem>> -> memref<1x!tpu.dma_semaphore, #tpu.memory_space<semaphore_mem>>
    %dma_wait3A_164 = tpu.memref_squeeze %dma_wait3A_163 : memref<1x!tpu.dma_semaphore, #tpu.memory_space<semaphore_mem>> -> memref<!tpu.dma_semaphore, #tpu.memory_space<semaphore_mem>>
    %dma_wait3A_165 = arith.constant 0 : i32
    %dma_wait3A_166 = arith.constant 0 : i32
    %dma_wait3A_167 = arith.constant 0 : i32
    %dma_wait3A_168 = tpu.memref_slice %arg5[%dma_wait3A_150, %dma_wait3A_165, %dma_wait3A_151, %dma_wait3A_166, %dma_wait3A_167] : memref<200x8x32x8x128xf32, #tpu.memory_space<hbm>> -> memref<1x8x1x8x128xf32, #tpu.memory_space<hbm>>
    %dma_wait3A_169 = tpu.memref_squeeze %dma_wait3A_168 : memref<1x8x1x8x128xf32, #tpu.memory_space<hbm>> -> memref<8x8x128xf32, #tpu.memory_space<hbm>>
    %dma_wait3A_170 = arith.constant 0 : i32
    %dma_wait3A_171 = arith.constant 0 : i32
    %dma_wait3A_172 = arith.constant 0 : i32
    %dma_wait3A_173 = tpu.memref_slice %arg9[%dma_wait3A_149, %dma_wait3A_170, %dma_wait3A_171, %dma_wait3A_172] : memref<4x8x8x128xf32, #tpu.memory_space<vmem>> -> memref<1x8x8x128xf32, #tpu.memory_space<vmem>>
    %dma_wait3A_174 = tpu.memref_squeeze %dma_wait3A_173 : memref<1x8x8x128xf32, #tpu.memory_space<vmem>> -> memref<8x8x128xf32, #tpu.memory_space<vmem>>
    tpu.wait_dma2 semaphore(%dma_wait3A_164 : memref<!tpu.dma_semaphore, #tpu.memory_space<semaphore_mem>>) src(%dma_wait3A_174 : memref<8x8x128xf32, #tpu.memory_space<vmem>>) dst(%dma_wait3A_169 : memref<8x8x128xf32, #tpu.memory_space<hbm>>)
    return
  }
}

</mosaic_0001>

<sc_bundles>
// kernel: _emb_kernel.3.cloned.1.call-start
scs
__scs_entry_jumppad:
0x0: {  	(pc) =	sbr.rel $0x88, $3  }
0x1: {  	(tag) =	ssettag $0x0;
	lr =	simm.s32 $0x1  }
0x2: {  	[smem:$0x3F9E] =	sst lr;
	_ =	strace $0xD0000000  }
0x3: {  	_ = 	snop  }
0x4: {  	_ = 	snop  }
0x5: {  	_ = 	snop  }
0x6: {  	_ = 	snop  }
0x7: {  	_ = 	snop  }
__scs_overlays_trampoline_lowered:
0x8: {  	[smem:$0x3FAD] =	sst s0  }
0x9: {  	[smem:$0x3FAE] =	sst s1  }
0xa: {  	[smem:$0x3FAF] =	sst s2  }
0xb: {  	[smem:$0x3FB0] =	sst s3  }
0xc: {  	[smem:$0x3FB1] =	sst s4  }
0xd: {  	[smem:$0x3FB2] =	sst s5  }
0xe: {  	[smem:$0x3FB3] =	sst s6  }
0xf: {  	[smem:$0x3FB4] =	sst s7  }
0x10: {  	[smem:$0x3FB5] =	sst s8  }
0x11: {  	[smem:$0x3FB6] =	sst s9;
	s0 =	simm.s32 @!p0 $0x0  }
0x12: {  	s1 =	sld [smem:$0x3F9C];
	s0 =	simm.s32 @p0 $0x1  }
0x13: {  	[smem:$0x3FB7] =	sst s0;
	s0 =	simm.s32 @!p1 $0x0  }
0x14: {  	s2 =	sld [smem:$0x3F9B];
	s0 =	simm.s32 @p1 $0x1  }
0x15: {  	[smem:$0x3FB8] =	sst s0;
	s0 =	simm.s32 @!p2 $0x0  }
0x16: {  	s3 =	sld [smem:$0x3FDB];
	s0 =	simm.s32 @p2 $0x1  }
0x17: {  	s4 =	simm.s32 $0x1BF5;
	[smem:$0x3FBA] =	sst s0  }
0x18: {  	s0 =	sld [smem:$0x3F9D];
	_ =	swait.ge [sflag:s4], $0x0  }
0x19: {  	s7 =	sld [smem:$0x3F9E]  }
0x1a: {  	s8 =	sadd.s32 $0xFFFFE003, lr  }
0x1b: {  	s9 =	sadd.s32 $0xFFFFFEF7, lr;
	s5 =	simm.s32 $0xFFFFFFFF;
	p2 =	slt.u32 s8, $0xFFFFF086  }
0x1c: {  	p1 =	slt.u32 s9, $0xF7A;
	s5 =	simm.s32 @!p2 $0x0  }
0x1d: {  	s5 =	simm.s32 @p1 $0x1;
	p0 =	seq.s32 s7, s2  }
0x1e: {  	s7 =	smul.u32 @!p0 $0xF7A, s2;
	p2 =	seq.s32 @!p0 s5, $0x0  }
0x1f: {  	s9 =	smul.u32 $0xF7A, s1;
	s8 =	simm.s32 @!p0 $0x1BF5;
	p2 =	por !p2, p0  }
0x20: {  	[sflag:s8] =	ssyncset.s32 @!p0 $0xFFFFF086;
	s6 =	sadd.s32 @!p0 s3, s7;
	s7 =	simm.s32 @!p0 $0x108  }
0x21: {  	s3 =	sadd.s32 s3, s9;
	s6 =	sadd.s32 @!p0 $0x88, s6;
	s7 =	simm.s32 @p2 $0x1082  }
0x22: {  	[simem:s7], [sflag:s8] =	dma.local @!p0 [hbm:s6], $0xF7A  }
0x23: {  	s9 =	sor.u32 $0xD0000000, s2;
	s6 =	simm.s32 $0x108;
	_ =	swait.ge @!p0 [sflag:s8], $0x0  }
0x24: {  	s3 =	sadd.s32 $0x88, s3;
	s6 =	simm.s32 @!p1 $0x1082;
	[sflag:s4] =	ssyncset.s32 $0xFFFFF086  }
0x25: {  	[simem:s6], [sflag:s4] =	dma.local [hbm:s3], $0xF7A  }
0x26: {  	[smem:$0x3F9E] =	sst s1;
	(tag) =	ssettag s2;
	_ =	strace s9  }
0x27: {  	s1 =	sld [smem:$0x3FAE]  }
0x28: {  	s2 =	sld [smem:$0x3FAF]  }
0x29: {  	s4 =	sld [smem:$0x3FB1]  }
0x2a: {  	p0 =	seq.s32 s5, $0x0;
	s5 =	sld [smem:$0x3FB2]  }
0x2b: {  	s6 =	sld [smem:$0x3FB3]  }
0x2c: {  	s7 =	sld [smem:$0x3FB4]  }
0x2d: {  	s3 =	simm.s32 $0x108;
	s8 =	sld [smem:$0x3FB5]  }
0x2e: {  	s3 =	simm.s32 @!p0 $0x1082;
	s9 =	sld [smem:$0x3FB6]  }
0x2f: {  	lr =	sadd.s32 s0, s3;
	s0 =	sld [smem:$0x3FAD]  }
0x30: {  	s3 =	sld [smem:$0x3FB0]  }
0x31: {  	[smem:$0x3FB9] =	sst s10  }
0x32: {  	s10 =	sld [smem:$0x3FB7];
	_ =	sdelay $0x3  }
0x33: {  	p0 =	seq.s32 s10, $0x1;
	s10 =	sld [smem:$0x3FB9];
	_ =	sdelay $0x3  }
0x34: {  	[smem:$0x3FB9] =	sst s10  }
0x35: {  	s10 =	sld [smem:$0x3FB8];
	_ =	sdelay $0x3  }
0x36: {  	p1 =	seq.s32 s10, $0x1;
	s10 =	sld [smem:$0x3FB9];
	_ =	sdelay $0x3  }
0x37: {  	[smem:$0x3FB9] =	sst s10  }
0x38: {  	s10 =	sld [smem:$0x3FBA]  }
0x39: {  	_ = 	snop;
	(pc) =	sbr.ind lr, $3  }
0x3a: {  	_ = 	snop  }
0x3b: {  	_ = 	snop  }
0x3c: {  	p2 =	seq.s32 s10, $0x1;
	s10 =	sld [smem:$0x3FB9]  }
0x3d: {  	_ =	shalt  }
0x3e: {  	_ =	shalt  }
0x3f: {  	_ =	shalt  }
0x40: {  	_ =	shalt  }
0x41: {  	_ =	shalt  }
0x42: {  	_ =	shalt  }
0x43: {  	_ =	shalt  }
0x44: {  	_ =	shalt  }
0x45: {  	_ =	shalt  }
0x46: {  	_ =	shalt  }
0x47: {  	_ =	shalt  }
0x48: {  	_ =	shalt  }
0x49: {  	_ =	shalt  }
0x4a: {  	_ =	shalt  }
0x4b: {  	_ =	shalt  }
0x4c: {  	_ =	shalt  }
0x4d: {  	_ =	shalt  }
0x4e: {  	_ =	shalt  }
0x4f: {  	_ =	shalt  }
0x50: {  	_ =	shalt  }
0x51: {  	_ =	shalt  }
0x52: {  	_ =	shalt  }
0x53: {  	_ =	shalt  }
0x54: {  	_ =	shalt  }
0x55: {  	_ =	shalt  }
0x56: {  	_ =	shalt  }
0x57: {  	_ =	shalt  }
0x58: {  	_ =	shalt  }
0x59: {  	_ =	shalt  }
0x5a: {  	_ =	shalt  }
0x5b: {  	_ =	shalt  }
0x5c: {  	_ =	shalt  }
0x5d: {  	_ =	shalt  }
0x5e: {  	_ =	shalt  }
0x5f: {  	_ =	shalt  }
0x60: {  	_ =	shalt  }
0x61: {  	_ =	shalt  }
0x62: {  	_ =	shalt  }
0x63: {  	_ =	shalt  }
0x64: {  	_ =	shalt  }
0x65: {  	_ =	shalt  }
0x66: {  	_ =	shalt  }
0x67: {  	_ =	shalt  }
0x68: {  	_ =	shalt  }
0x69: {  	_ =	shalt  }
0x6a: {  	_ =	shalt  }
0x6b: {  	_ =	shalt  }
0x6c: {  	_ =	shalt  }
0x6d: {  	_ =	shalt  }
0x6e: {  	_ =	shalt  }
0x6f: {  	_ =	shalt  }
0x70: {  	_ =	shalt  }
0x71: {  	_ =	shalt  }
0x72: {  	_ =	shalt  }
0x73: {  	_ =	shalt  }
0x74: {  	_ =	shalt  }
0x75: {  	_ =	shalt  }
0x76: {  	_ =	shalt  }
0x77: {  	_ =	shalt  }
0x78: {  	_ =	shalt  }
0x79: {  	_ =	shalt  }
0x7a: {  	_ =	shalt  }
0x7b: {  	_ =	shalt  }
0x7c: {  	_ =	shalt  }
0x7d: {  	_ =	shalt  }
0x7e: {  	_ =	shalt  }
0x7f: {  	_ =	shalt  }
0x80: {  	_ =	shalt  }
0x81: {  	_ =	shalt  }
0x82: {  	_ =	shalt  }
0x83: {  	_ =	shalt  }
0x84: {  	_ =	shalt  }
0x85: {  	_ =	shalt  }
0x86: {  	_ =	shalt  }
0x87: {  	_ =	shalt  }
.Lfunc_end0:
.L_simem_size_0:
called_computation_lowered:
.L_overlay_start_0:
0x88: {  	s2 =	sld [smem:$0x3FD9]  }
0x89: {  	s3 =	sld [smem:$0x3FFE];
	_ =	sdelay $0x1  }
0x8a: {  	s1 =	srdreg.scid  }
0x8b: {  	s0 =	sand.u32 $0x1, s1  }
0x8c: {  	s17 =	sshll.u32 s0, $0xA;
	s2 =	sadd.s32 s3, s2  }
0x8d: {  	s2 =	sadd.s32 s2, s17  }
0x8e: {  	[smem:$0x3FC5] =	sst s2  }
0x8f: {  	_ = 	snop  }
0x90: {  	s2 =	sld [smem:$0x3FC9]  }
0x91: {  	s18 =	sld [smem:$0x3FD0];
	(tm) =	ssettm $0x1  }
0x92: {  	s4 =	sld [smem:$0x3FFB];
	_ =	sdelay $0x3  }
0x93: {  	_ =	strace s4  }
0x94: {  	s4 =	sld [smem:$0x3FFC];
	_ =	sdelay $0x3  }
0x95: {  	_ =	strace s4  }
0x96: {  	s4 =	sld [smem:$0x3FFD];
	_ =	sdelay $0x3  }
0x97: {  	_ =	strace s4  }
0x98: {  	_ =	strace $0x8FFFFFFF  }
0x99: {  	s19 =	sld [smem:$0x3FDB];
	_ =	sdelay $0x1  }
0x9a: {  	s5 =	simm.s32 $_scs_section_size  }
0x9b: {  	s6 =	simm.s32 $_size__tile_overlayer_lowered;
	s7 =	simm.s32 $_tile_overlayer_lowered  }
0x9c: {  	s22 =	simm.s32 $0x1BFF;
	s21 =	sshll.u32 s7, $0x1;
	s4 =	sadd.s32 s5, s19  }
0x9d: {  	s8 =	simm.s32 $0x0;
	s20 =	sshll.u32 s6, $0x1;
	s6 =	sadd.s32 s21, s4  }
0x9e: {  	[timem:s8], [sflag:s22] =	dma.local [hbm:s6], s20  }
0x9f: {  	_ =	swait.ge [sflag:s22], s20  }
0xa0: {  	s5 =	ssub.s32 $0x0, s20;
	[sflag:s22] =	ssyncset.done $0x0  }
0xa1: {  	[sflag:s22] =	ssyncadd.s32 s5;
	_ =	sdelay $0x1  }
0xa2: {  	s23 =	simm.s32 $0x1B8B  }
0xa3: {  	_ =	swait.ge [sflag:s23], $0x1  }
0xa4: {  	[sflag:s23] =	ssyncset.done $0x0  }
0xa5: {  	s25 =	simm.s32 $0x1B8E;
	s24 =	sld [smem:$0x3FFE];
	[sflag:s23] =	ssyncadd.s32 $0xFFFFFFFF  }
0xa6: {  	s26 =	simm.s32 $execute0_lowered;
	[smem:$0x3FD2] =	sst s25  }
0xa7: {  	s6 =	sshll.u32 s26, $0x1;
	_ =	strace $0x80000046;
	[dreg:$0x1] =	wrdreg $0xFFFFFFFF  }
0xa8: {  	s28 =	simm.s32 $_size_execute0_lowered;
	s4 =	sadd.s32 s4, s6;
	[dreg:$0x0] =	wrdreg $0x0  }
0xa9: {  	s6 =	sshll.u32 s28, $0x1;
	[dreg:$0x2] =	wrdreg s4  }
0xaa: {  	[dreg:$0x3] =	wrdreg s6  }
0xab: {  	[dreg:$0x4] =	wrdreg $0xC0  }
0xac: {  	_ =	task [dreg:s8], $0x5FFFF  }
0xad: {  	[dreg:$0x1] =	wrdreg $0xFFFFFFFF  }
0xae: {  	[dreg:$0x0] =	wrdreg $0x60  }
0xaf: {  	[dreg:$0x2] =	wrdreg s2  }
0xb0: {  	[dreg:$0x3] =	wrdreg s24  }
0xb1: {  	[dreg:$0x4] =	wrdreg s18  }
0xb2: {  	[dreg:$0x5] =	wrdreg $0x9  }
0xb3: {  	_ =	task.clear_ibuf [dreg:s8], $0x6FFFF;
	_ =	strace $0x90000046  }
0xb4: {  	s29 =	simm.s32 $0x9;
	_ =	strace $0x80000048  }
0xb5: {  	_ =	swait.ge [sflag:s29], $0x1  }
0xb6: {  	[sflag:s29] =	ssyncadd.s32 $0xFFFFFFFF  }
0xb7: {  	_ =	strace $0x90000048  }
0xb8: {  	_ =	sfence  }
0xb9: {  	s30 =	sld [smem:$0x0];
	_ =	sdelay $0x2  }
0xba: {  	s31 =	sshll.u32 s1, $0xD;
	s1 =	sshrl.u32 s1, $0x2  }
0xbb: {  	s3 =	sand.u32 $0x4000, s31;
	s1 =	sadd.s32 s1, s30  }
0xbc: {  	s0 =	sor.u32 s3, s0;
	s1 =	sshll.u32 s1, $0x11  }
0xbd: {  	s0 =	sor.u32 s1, s0  }
0xbe: {  	s0 =	sadd.s32 $0x8F2B, s0  }
0xbf: {  	[sflag:s0] =	ssyncadd.remote.s32 $0x1  }
0xc0: {  	_ =	sfence.sel $0xFFFF  }
0xc1: {  	[dreg:$0x0] =	wrdreg $0xFFFFFFFF;
	(pc) =	sbr.abs _section_cstart, $3  }
0xc2: {  	[dreg:$0x1] =	wrdreg $0xFFFFFFFF  }
0xc3: {  	_ =	task.clear_ibuf [dreg:s8], $0x2FFFF;
	_ =	strace $0x9FFFFFFF  }
0xc4: {  	(tm) =	ssettm $0x7FFFFFFF  }
0xc5: {  	_ =	shalt  }
tec
execute0_lowered:
.L_overlay_start_1:
0x0: {  	(tag) =	ssettag $0x1  }
0x1: {  	s0 =	rddreg [dreg:$0x0]  }
0x2: {  	s1 =	rddreg [dreg:$0x1]  }
0x3: {  	s26 =	rddreg [dreg:$0x2];
	s2 =	simm.s32 $0x0;
	s23 =	srdreg.scid  }
0x4: {  	s4 =	stileid.u32;
	[smem:$0x7FF] =	sst s2;
	s2 =	sand.u32 $0x1, s23  }
0x5: {  	s5 =	sshll.u32 s4, $0xB;
	s24 =	sadd.s32 $0xC00, s1;
	s1 =	sadd.s32 $0x400, s1  }
0x6: {  	v0 =	vlaneseq.u32;
	s28 =	sadd.s32 $0x8000, s26;
	_ =	strace $0x80000047;
	[dreg:$0x4] =	wrdreg s24  }
0x7: {  	v0 =	vmul.u32 $0x11, v0;
	s3 =	ssub.s32 $0x2, s2;
	s2 =	sshll.u32 s2, $0xA;
	[dreg:$0x6] =	wrdreg s1  }
0x8: {  	s30 =	sadd.s32 $0x18000, s26;
	[dreg:$0x8] =	wrdreg s28;
	s2 =	sor.u32 s2, s5  }
0x9: {  	s6 =	sshrl.u32 s3, $0x1;
	v1 =	vadd.s32 $0x1, v0;
	v2 =	vadd.s32 $0x2, v0;
	v7 =	vadd.s32 $0x7, v0;
	[dreg:$0x5] =	wrdreg s2;
	s2 =	sshrl.u32 s2, $0x3  }
0xa: {  	[dreg:$0xa] =	wrdreg s30;
	v3 =	vadd.s32 $0x3, v0;
	v4 =	vadd.s32 $0x4, v0;
	v14 =	vadd.s32 $0xE, v0;
	s25 =	ssub.s32 s3, s6;
	s0 =	sadd.s32 s0, s2  }
0xb: {  	v5 =	vadd.s32 $0x5, v0;
	v6 =	vadd.s32 $0x6, v0;
	v8 =	vadd.s32 $0x8, v0;
	s29 =	sadd.s32 s2, s26;
	s31 =	smax.u32 s25, $0x1;
	[dreg:$0x7] =	wrdreg s0  }
0xc: {  	v9 =	vadd.s32 $0x9, v0;
	v10 =	vadd.s32 $0xA, v0;
	v12 =	vadd.s32 $0xC, v0;
	s0 =	sadd.s32 $0x630000, s29;
	[dreg:$0xb] =	wrdreg s31  }
0xd: {  	v11 =	vadd.s32 $0xB, v0;
	v13 =	vadd.s32 $0xD, v0;
	v15 =	vadd.s32 $0xF, v0;
	s2 =	simm.s32 $0x0;
	[dreg:$0x9] =	wrdreg s0  }
.LBB2_1:
0xe: {  	[dreg:$0xc] =	wrdreg s2  }
0xf: {  	s0 =	simm.s32 $0x0;
	s1 =	rddreg [dreg:$0x7]  }
0x10: {  	s18 =	simm.s32 $0x400;
	s3 =	simm.s32 $0x8000;
	s19 =	simm.s32 $0x9  }
0x11: {  	[tilespmem:s0], [sflag:$0x9] =	stream.strided.gather [hbm4b:s1+s18], $0x6400, s3, s18, $0x38;
	[tilespmem:$0x1DA00] =	vst v63  }
0x12: {  	_ =	swait.ge [sflag:s19], $0x6400  }
0x13: {  	[sflag:s19] =	ssyncset.done $0x0  }
0x14: {  	s21 =	simm.s32 $0x6400;
	s20 =	rddreg [dreg:$0x6];
	[sflag:s19] =	ssyncadd.s32 $0xFFFF9C00  }
0x15: {  	[tilespmem:s21], [sflag:$0x9] =	stream.linear.gather [hbm4b:s20+s0], $0x3200, $0x38;
	[tilespmem:$0x1DA00] =	vst v63  }
0x16: {  	_ =	swait.ge [sflag:s19], $0x3200  }
0x17: {  	s23 =	simm.s32 $0x80;
	[sflag:s19] =	ssyncset.done $0x0  }
0x18: {  	s24 =	simm.s32 $0x9600;
	s22 =	rddreg [dreg:$0x4];
	[sflag:s19] =	ssyncadd.s32 $0xFFFFCE00  }
0x19: {  	[tilespmem:s24], [sflag:$0x1] =	stream.indirect.gather [hbm4b:s22+s23], $0x40, s0, s23, $0xb8;
	[tilespmem:$0x1DA00] =	vst v63  }
0x1a: {  	s25 =	simm.s32 $0xB600  }
0x1b: {  	[tilespmem:s25], [sflag:$0x2] =	stream.indirect.gather [hbm4b:s22+s23], $0x40, s23, s23, $0xb8;
	[tilespmem:$0x1DA00] =	vst v63  }
0x1c: {  	s28 =	simm.s32 $0x100;
	s29 =	simm.s32 $0xD600  }
0x1d: {  	[tilespmem:s29], [sflag:$0x3] =	stream.indirect.gather [hbm4b:s22+s23], $0x40, s28, s23, $0xb8;
	[tilespmem:$0x1DA00] =	vst v63  }
0x1e: {  	s30 =	simm.s32 $0x180;
	s31 =	simm.s32 $0xF600;
	s15 =	simm.s32 $0x0  }
0x1f: {  	[tilespmem:s31], [sflag:$0x4] =	stream.indirect.gather [hbm4b:s22+s23], $0x40, s30, s23, $0xb8;
	[tilespmem:$0x1DA00] =	vst v63  }
.LBB2_2:
0x20: {  	s0 =	simm.s32 $0x1  }
0x21: {  	_ =	swait.ge [sflag:s0], $0x2000  }
0x22: {  	p1 =	seq.s32 s15, $0x0;
	[sflag:s0] =	ssyncset.done $0x0  }
0x23: {  	[sflag:s0] =	ssyncadd.s32 $0xFFFFE000;
	s0 =	simm.s32 @!p1 $0x5  }
0x24: {  	_ =	swait.ge @!p1 [sflag:s0], $0x2000  }
0x25: {  	[sflag:s0] =	ssyncset.done @!p1 $0x0  }
0x26: {  	s19 =	sshll.u32 s15, $0x2;
	[sflag:s0] =	ssyncadd.s32 @!p1 $0xFFFFE000;
	s0 =	simm.s32 @!p1 $0x2  }
0x27: {  	s17 =	simm.s32 $0x0;
	s2 =	simm.s32 $0x0;
	_ =	swait.ge @!p1 [sflag:s0], $0x2000  }
0x28: {  	s1 =	simm.s32 @!p1 $0x6;
	s12 =	sand.u32 $0x7000, s17;
	[sflag:s0] =	ssyncset.done @!p1 $0x0  }
0x29: {  	s2 =	sand.u32 $0x3FFFE000, s2;
	s1 =	simm.s32 @p1 $0x2;
	[sflag:s0] =	ssyncadd.s32 @!p1 $0xFFFFE000  }
0x2a: {  	s3 =	sadd.s32 $0x0, s19;
	s0 =	sshrl.u32 s12, $0x2;
	_ =	swait.ge [sflag:s1], $0x2000  }
0x2b: {  	s5 =	sand.u32 $0x30, s17;
	s0 =	sor.u32 s0, s2;
	[sflag:s1] =	ssyncset.done $0x0  }
0x2c: {  	s13 =	sshll.u32 s3, $0x6;
	s21 =	sor.u32 s5, s0;
	[sflag:s1] =	ssyncadd.s32 $0xFFFFE000  }
0x2d: {  	s14 =	sand.u32 $0x3FFFFFC0, s13;
	v17 =	vld [tilespmem:s21+$0x9600]  }
0x2e: {  	s0 =	sor.u32 s5, s14  }
0x2f: {  	v16 =	vld [tilespmem:s0+$0x6400];
	_ =	sdelay $0x2  }
0x30: {  	v17 =	vmul.f32 $8.000000000e+00, v17;
	_ =	sdelay $0x1  }
0x31: {  	v17 =	vadd.f32 v17, v16  }
0x32: {  	s18 =	simm.s32 $0x19688  }
0x33: {  	[tilespmem:s18+$0xFFFFFF78] =	vst v17  }
0x34: {  	v17 =	vld [tilespmem:s21+$0x9640];
	_ =	sdelay $0x1  }
0x35: {  	s16 =	simm.s32 $0x400  }
0x36: {  	s20 =	simm.s32 $0x100;
	s0 =	sand.u32 $0x7000, s16  }
0x37: {  	s22 =	simm.s32 $0x10;
	s1 =	sand.u32 $0x3FFFE000, s20;
	s0 =	sshrl.u32 s0, $0x2  }
0x38: {  	s23 =	sadd.s32 $0x0, s19;
	s2 =	sand.u32 $0x30, s22;
	s0 =	sor.u32 s0, s1;
	v17 =	vmul.f32 $8.000000000e+00, v17  }
0x39: {  	s24 =	sshll.u32 s23, $0x6;
	s6 =	sor.u32 s2, s0  }
0x3a: {  	s25 =	sand.u32 $0x3FFFFFC0, s24;
	v18 =	vld [tilespmem:s6+$0x9600];
	v19 =	vadd.f32 v17, v16  }
0x3b: {  	s0 =	sor.u32 s2, s25  }
0x3c: {  	v17 =	vld [tilespmem:s0+$0x6400];
	[tilespmem:s18+$0xFFFFFF89] =	vst v19  }
0x3d: {  	v19 =	vld [tilespmem:s21+$0x9680];
	_ =	sdelay $0x1  }
0x3e: {  	v18 =	vmul.f32 $8.000000000e+00, v18;
	_ =	sdelay $0x1  }
0x3f: {  	v18 =	vadd.f32 v18, v17  }
0x40: {  	s20 =	simm.s32 $0x19798;
	v19 =	vmul.f32 $8.000000000e+00, v19  }
0x41: {  	[tilespmem:s20+$0xFFFFFF78] =	vst v18  }
0x42: {  	v18 =	vld [tilespmem:s6+$0x9640];
	v19 =	vadd.f32 v19, v16  }
0x43: {  	s1 =	simm.s32 $0x800  }
0x44: {  	s2 =	simm.s32 $0x200;
	s0 =	sand.u32 $0x7000, s1;
	[tilespmem:s18+$0xFFFFFF9A] =	vst v19  }
0x45: {  	s3 =	simm.s32 $0x20;
	s1 =	sand.u32 $0x3FFFE000, s2;
	s0 =	sshrl.u32 s0, $0x2;
	v19 =	vld [tilespmem:s21+$0x96C0]  }
0x46: {  	s4 =	sadd.s32 $0x0, s19;
	s2 =	sand.u32 $0x30, s3;
	s0 =	sor.u32 s0, s1  }
0x47: {  	s5 =	sshll.u32 s4, $0x6;
	s11 =	sor.u32 s2, s0;
	v18 =	vmul.f32 $8.000000000e+00, v18  }
0x48: {  	s7 =	sand.u32 $0x3FFFFFC0, s5;
	v20 =	vld [tilespmem:s11+$0x9600]  }
0x49: {  	s0 =	sor.u32 s2, s7;
	v21 =	vadd.f32 v18, v17  }
0x4a: {  	v18 =	vld [tilespmem:s0+$0x6400];
	v19 =	vmul.f32 $8.000000000e+00, v19  }
0x4b: {  	[tilespmem:s20+$0xFFFFFF89] =	vst v21  }
0x4c: {  	v21 =	vld [tilespmem:s6+$0x9680];
	v19 =	vadd.f32 v19, v16  }
0x4d: {  	v20 =	vmul.f32 $8.000000000e+00, v20  }
0x4e: {  	[tilespmem:s18+$0xFFFFFFAB] =	vst v19  }
0x4f: {  	v20 =	vadd.f32 v20, v18;
	v19 =	vld [tilespmem:s21+$0x9700]  }
0x50: {  	s7 =	simm.s32 $0x198A8  }
0x51: {  	[tilespmem:s7+$0xFFFFFF78] =	vst v20;
	v21 =	vmul.f32 $8.000000000e+00, v21  }
0x52: {  	v20 =	vld [tilespmem:s11+$0x9640]  }
0x53: {  	v21 =	vadd.f32 v21, v17  }
0x54: {  	v19 =	vmul.f32 $8.000000000e+00, v19  }
0x55: {  	s8 =	simm.s32 $0xC00;
	[tilespmem:s20+$0xFFFFFF9A] =	vst v21  }
0x56: {  	s9 =	simm.s32 $0x300;
	s10 =	simm.s32 $0x30;
	s0 =	sand.u32 $0x7000, s8;
	v21 =	vld [tilespmem:s6+$0x96C0];
	v19 =	vadd.f32 v19, v16  }
0x57: {  	s12 =	sadd.s32 $0x0, s19;
	s1 =	sand.u32 $0x3FFFE000, s9;
	s0 =	sshrl.u32 s0, $0x2;
	v20 =	vmul.f32 $8.000000000e+00, v20  }
0x58: {  	s13 =	sshll.u32 s12, $0x6;
	s2 =	sand.u32 $0x30, s10;
	s0 =	sor.u32 s0, s1;
	[tilespmem:s18+$0xFFFFFFBC] =	vst v19  }
0x59: {  	s14 =	sand.u32 $0x3FFFFFC0, s13;
	s22 =	sor.u32 s2, s0;
	v20 =	vadd.f32 v20, v18;
	v22 =	vld [tilespmem:s21+$0x9740]  }
0x5a: {  	s0 =	sor.u32 s2, s14;
	v23 =	vld [tilespmem:s22+$0x9600]  }
0x5b: {  	v19 =	vld [tilespmem:s0+$0x6400];
	[tilespmem:s7+$0xFFFFFF89] =	vst v20;
	v21 =	vmul.f32 $8.000000000e+00, v21  }
0x5c: {  	v20 =	vld [tilespmem:s11+$0x9680]  }
0x5d: {  	v21 =	vadd.f32 v21, v17  }
0x5e: {  	v22 =	vmul.f32 $8.000000000e+00, v22  }
0x5f: {  	v23 =	vmul.f32 $8.000000000e+00, v23;
	[tilespmem:s20+$0xFFFFFFAB] =	vst v21  }
0x60: {  	v21 =	vld [tilespmem:s6+$0x9700];
	v22 =	vadd.f32 v22, v16  }
0x61: {  	v23 =	vadd.f32 v23, v19;
	v20 =	vmul.f32 $8.000000000e+00, v20  }
0x62: {  	s3 =	simm.s32 $0x199B8;
	[tilespmem:s18+$0xFFFFFFCD] =	vst v22  }
0x63: {  	[tilespmem:s3+$0xFFFFFF78] =	vst v23;
	v20 =	vadd.f32 v20, v18;
	v22 =	vld [tilespmem:s21+$0x9780]  }
0x64: {  	v23 =	vld [tilespmem:s22+$0x9640]  }
0x65: {  	[tilespmem:s7+$0xFFFFFF9A] =	vst v20;
	v21 =	vmul.f32 $8.000000000e+00, v21  }
0x66: {  	s16 =	simm.s32 $0x1000;
	v24 =	vld [tilespmem:s11+$0x96C0]  }
0x67: {  	s23 =	sadd.s32 $0x0, s19;
	s24 =	simm.s32 $0x400;
	s0 =	sand.u32 $0x7000, s16;
	v20 =	vadd.f32 v21, v17  }
0x68: {  	s25 =	simm.s32 $0x40;
	s2 =	sand.u32 $0x3FFFE000, s24;
	s0 =	sshrl.u32 s0, $0x2;
	v21 =	vmul.f32 $8.000000000e+00, v22  }
0x69: {  	s5 =	sand.u32 $0x30, s25;
	s1 =	sshll.u32 s23, $0x6;
	s0 =	sor.u32 s0, s2;
	[tilespmem:s20+$0xFFFFFFBC] =	vst v20;
	v22 =	vmul.f32 $8.000000000e+00, v23  }
0x6a: {  	s1 =	sand.u32 $0x3FFFFFC0, s1;
	s30 =	sor.u32 s5, s0;
	v23 =	vld [tilespmem:s6+$0x9740];
	v21 =	vadd.f32 v21, v16  }
0x6b: {  	s2 =	sor.u32 s5, s1;
	v25 =	vld [tilespmem:s30+$0x9600];
	v24 =	vmul.f32 $8.000000000e+00, v24;
	v22 =	vadd.f32 v22, v19  }
0x6c: {  	v20 =	vld [tilespmem:s2+$0x6400];
	[tilespmem:s18+$0xFFFFFFDE] =	vst v21  }
0x6d: {  	v24 =	vadd.f32 v24, v18;
	[tilespmem:s3+$0xFFFFFF89] =	vst v22;
	v21 =	vld [tilespmem:s21+$0x97C0]  }
0x6e: {  	v22 =	vld [tilespmem:s22+$0x9680]  }
0x6f: {  	[tilespmem:s7+$0xFFFFFFAB] =	vst v24;
	v23 =	vmul.f32 $8.000000000e+00, v23  }
0x70: {  	v25 =	vmul.f32 $8.000000000e+00, v25;
	v24 =	vld [tilespmem:s11+$0x9700]  }
0x71: {  	v23 =	vadd.f32 v23, v17  }
0x72: {  	v25 =	vadd.f32 v25, v20;
	v21 =	vmul.f32 $8.000000000e+00, v21  }
0x73: {  	s29 =	simm.s32 $0x19AC8;
	[tilespmem:s20+$0xFFFFFFCD] =	vst v23;
	v22 =	vmul.f32 $8.000000000e+00, v22  }
0x74: {  	[tilespmem:s29+$0xFFFFFF78] =	vst v25;
	v23 =	vld [tilespmem:s6+$0x9780];
	v21 =	vadd.f32 v21, v16  }
0x75: {  	v25 =	vld [tilespmem:s30+$0x9640];
	v24 =	vmul.f32 $8.000000000e+00, v24;
	v22 =	vadd.f32 v22, v19  }
0x76: {  	[tilespmem:s18+$0xFFFFFFEF] =	vst v21  }
0x77: {  	s4 =	simm.s32 $0x1400;
	v24 =	vadd.f32 v24, v18;
	[tilespmem:s3+$0xFFFFFF9A] =	vst v22;
	v21 =	vld [tilespmem:s21+$0x9800]  }
0x78: {  	s9 =	simm.s32 $0x50;
	s8 =	simm.s32 $0x500;
	s0 =	sand.u32 $0x7000, s4;
	v22 =	vld [tilespmem:s22+$0x96C0]  }
0x79: {  	s5 =	sadd.s32 $0x0, s19;
	s0 =	sshrl.u32 s0, $0x2;
	s2 =	sand.u32 $0x3FFFE000, s8;
	[tilespmem:s7+$0xFFFFFFBC] =	vst v24;
	v23 =	vmul.f32 $8.000000000e+00, v23  }
0x7a: {  	s1 =	sshll.u32 s5, $0x6;
	s5 =	sand.u32 $0x30, s9;
	s0 =	sor.u32 s0, s2;
	v25 =	vmul.f32 $8.000000000e+00, v25;
	v24 =	vld [tilespmem:s11+$0x9740]  }
0x7b: {  	s1 =	sand.u32 $0x3FFFFFC0, s1;
	s0 =	sor.u32 s5, s0;
	v23 =	vadd.f32 v23, v17  }
0x7c: {  	s1 =	sor.u32 s5, s1;
	v26 =	vld [tilespmem:s0+$0x9600];
	v25 =	vadd.f32 v25, v20;
	v27 =	vmul.f32 $8.000000000e+00, v21  }
0x7d: {  	[tilespmem:s20+$0xFFFFFFDE] =	vst v23;
	v21 =	vld [tilespmem:s1+$0x6400];
	v22 =	vmul.f32 $8.000000000e+00, v22  }
0x7e: {  	[tilespmem:s29+$0xFFFFFF89] =	vst v25;
	v23 =	vld [tilespmem:s6+$0x97C0];
	v25 =	vadd.f32 v27, v16  }
0x7f: {  	v24 =	vmul.f32 $8.000000000e+00, v24;
	v27 =	vld [tilespmem:s30+$0x9680];
	v22 =	vadd.f32 v22, v19  }
0x80: {  	[tilespmem:s18+$0x0] =	vst v25  }
0x81: {  	v24 =	vadd.f32 v24, v18;
	v25 =	vmul.f32 $8.000000000e+00, v26;
	[tilespmem:s3+$0xFFFFFFAB] =	vst v22;
	v22 =	vld [tilespmem:s21+$0x9840]  }
0x82: {  	v26 =	vld [tilespmem:s22+$0x9700]  }
0x83: {  	[tilespmem:s7+$0xFFFFFFCD] =	vst v24;
	v23 =	vmul.f32 $8.000000000e+00, v23;
	v25 =	vadd.f32 v25, v21  }
0x84: {  	s31 =	simm.s32 $0x19BD8;
	v24 =	vld [tilespmem:s11+$0x9780];
	v27 =	vmul.f32 $8.000000000e+00, v27  }
0x85: {  	v23 =	vadd.f32 v23, v17;
	[tilespmem:s31+$0xFFFFFF78] =	vst v25  }
0x86: {  	v25 =	vld [tilespmem:s0+$0x9640];
	v27 =	vadd.f32 v27, v20;
	v22 =	vmul.f32 $8.000000000e+00, v22  }
0x87: {  	[tilespmem:s20+$0xFFFFFFEF] =	vst v23;
	v26 =	vmul.f32 $8.000000000e+00, v26  }
0x88: {  	s10 =	simm.s32 $0x1800;
	v23 =	vld [tilespmem:s6+$0x9800];
	[tilespmem:s29+$0xFFFFFF9A] =	vst v27;
	v22 =	vadd.f32 v22, v16  }
0x89: {  	s12 =	sadd.s32 $0x0, s19;
	s13 =	simm.s32 $0x600;
	s1 =	sand.u32 $0x7000, s10;
	v24 =	vmul.f32 $8.000000000e+00, v24;
	v27 =	vld [tilespmem:s30+$0x96C0];
	v26 =	vadd.f32 v26, v19  }
0x8a: {  	s8 =	simm.s32 $0x60;
	s5 =	sand.u32 $0x3FFFE000, s13;
	s1 =	sshrl.u32 s1, $0x2;
	[tilespmem:s18+$0x11] =	vst v22  }
0x8b: {  	s2 =	sshll.u32 s12, $0x6;
	s8 =	sand.u32 $0x30, s8;
	s1 =	sor.u32 s1, s5;
	v24 =	vadd.f32 v24, v18;
	v22 =	vmul.f32 $8.000000000e+00, v25;
	[tilespmem:s3+$0xFFFFFFBC] =	vst v26;
	v25 =	vld [tilespmem:s21+$0x9880]  }
0x8c: {  	s14 =	sand.u32 $0x3FFFFFC0, s2;
	s2 =	sor.u32 s8, s1;
	v26 =	vld [tilespmem:s22+$0x9740]  }
0x8d: {  	v28 =	vld [tilespmem:s2+$0x9600];
	[tilespmem:s7+$0xFFFFFFDE] =	vst v24;
	v23 =	vmul.f32 $8.000000000e+00, v23;
	v29 =	vadd.f32 v22, v21  }
0x8e: {  	s16 =	sor.u32 s8, s14;
	v24 =	vld [tilespmem:s11+$0x97C0];
	v27 =	vmul.f32 $8.000000000e+00, v27  }
0x8f: {  	v22 =	vld [tilespmem:s16+$0x6400];
	v23 =	vadd.f32 v23, v17;
	[tilespmem:s31+$0xFFFFFF89] =	vst v29  }
0x90: {  	v29 =	vld [tilespmem:s0+$0x9680];
	v27 =	vadd.f32 v27, v20;
	v25 =	vmul.f32 $8.000000000e+00, v25  }
0x91: {  	[tilespmem:s20+$0x0] =	vst v23;
	v26 =	vmul.f32 $8.000000000e+00, v26  }
0x92: {  	v23 =	vmul.f32 $8.000000000e+00, v28;
	[tilespmem:s29+$0xFFFFFFAB] =	vst v27;
	v27 =	vld [tilespmem:s6+$0x9840];
	v25 =	vadd.f32 v25, v16  }
0x93: {  	v28 =	vld [tilespmem:s30+$0x9700];
	v26 =	vadd.f32 v26, v19  }
0x94: {  	v24 =	vmul.f32 $8.000000000e+00, v24;
	v23 =	vadd.f32 v23, v22;
	[tilespmem:s18+$0x22] =	vst v25  }
0x95: {  	s14 =	simm.s32 $0x19CE8;
	v25 =	vmul.f32 $8.000000000e+00, v29;
	[tilespmem:s3+$0xFFFFFFCD] =	vst v26;
	v26 =	vld [tilespmem:s21+$0x98C0]  }
0x96: {  	[tilespmem:s14+$0xFFFFFF78] =	vst v23;
	v23 =	vadd.f32 v24, v18;
	v29 =	vld [tilespmem:s22+$0x9780]  }
0x97: {  	s23 =	sadd.s32 $0x0, s19;
	v24 =	vld [tilespmem:s2+$0x9640];
	v25 =	vadd.f32 v25, v21;
	v27 =	vmul.f32 $8.000000000e+00, v27  }
0x98: {  	s24 =	simm.s32 $0x70;
	s1 =	sshll.u32 s23, $0x6;
	[tilespmem:s7+$0xFFFFFFEF] =	vst v23;
	v28 =	vmul.f32 $8.000000000e+00, v28  }
0x99: {  	s25 =	simm.s32 $0x1C00;
	s5 =	sand.u32 $0x30, s24;
	s1 =	sand.u32 $0x3FFFFFC0, s1;
	[tilespmem:s31+$0xFFFFFF9A] =	vst v25;
	v25 =	vld [tilespmem:s11+$0x9800];
	v27 =	vadd.f32 v27, v17  }
0x9a: {  	s9 =	simm.s32 $0x700;
	s8 =	sand.u32 $0x7000, s25;
	s1 =	sor.u32 s5, s1;
	v30 =	vld [tilespmem:s0+$0x96C0];
	v28 =	vadd.f32 v28, v20;
	v26 =	vmul.f32 $8.000000000e+00, v26  }
0x9b: {  	s4 =	sand.u32 $0x3FFFE000, s9;
	s8 =	sshrl.u32 s8, $0x2;
	v23 =	vld [tilespmem:s1+$0x6400];
	v29 =	vmul.f32 $8.000000000e+00, v29;
	[tilespmem:s20+$0x11] =	vst v27  }
0x9c: {  	s1 =	sor.u32 s8, s4;
	v24 =	vmul.f32 $8.000000000e+00, v24;
	[tilespmem:s29+$0xFFFFFFBC] =	vst v28;
	v27 =	vld [tilespmem:s6+$0x9880];
	v26 =	vadd.f32 v26, v16  }
0x9d: {  	s16 =	sor.u32 s5, s1;
	v28 =	vld [tilespmem:s30+$0x9740];
	v29 =	vadd.f32 v29, v19  }
0x9e: {  	v31 =	vld [tilespmem:s16+$0x9600];
	v24 =	vadd.f32 v24, v22;
	v25 =	vmul.f32 $8.000000000e+00, v25;
	[tilespmem:s18+$0x33] =	vst v26  }
0x9f: {  	v26 =	vmul.f32 $8.000000000e+00, v30;
	[tilespmem:s3+$0xFFFFFFDE] =	vst v29;
	v29 =	vld [tilespmem:s21+$0x9900]  }
0xa0: {  	[tilespmem:s14+$0xFFFFFF89] =	vst v24;
	v24 =	vld [tilespmem:s22+$0x97C0];
	v25 =	vadd.f32 v25, v18  }
0xa1: {  	v30 =	vld [tilespmem:s2+$0x9680];
	v26 =	vadd.f32 v26, v21;
	v27 =	vmul.f32 $8.000000000e+00, v27  }
0xa2: {  	v28 =	vmul.f32 $8.000000000e+00, v28;
	[tilespmem:s7+$0x0] =	vst v25  }
0xa3: {  	v25 =	vmul.f32 $8.000000000e+00, v31;
	[tilespmem:s31+$0xFFFFFFAB] =	vst v26;
	v26 =	vld [tilespmem:s11+$0x9840];
	v27 =	vadd.f32 v27, v17  }
0xa4: {  	v31 =	vld [tilespmem:s0+$0x9700];
	v28 =	vadd.f32 v28, v20;
	v29 =	vmul.f32 $8.000000000e+00, v29  }
0xa5: {  	v25 =	vadd.f32 v25, v23;
	v24 =	vmul.f32 $8.000000000e+00, v24;
	[tilespmem:s20+$0x22] =	vst v27  }
0xa6: {  	s24 =	simm.s32 $0x19DF8;
	v27 =	vmul.f32 $8.000000000e+00, v30;
	[tilespmem:s29+$0xFFFFFFCD] =	vst v28;
	v28 =	vld [tilespmem:s6+$0x98C0];
	v29 =	vadd.f32 v29, v16  }
0xa7: {  	[tilespmem:s24+$0xFFFFFF78] =	vst v25;
	v25 =	vld [tilespmem:s30+$0x9780];
	v24 =	vadd.f32 v24, v19  }
0xa8: {  	s8 =	sadd.s32 $0x0, s19;
	v30 =	vld [tilespmem:s16+$0x9640];
	v27 =	vadd.f32 v27, v22;
	v26 =	vmul.f32 $8.000000000e+00, v26;
	[tilespmem:s18+$0x44] =	vst v29  }
0xa9: {  	s9 =	simm.s32 $0x80;
	s1 =	sshll.u32 s8, $0x6;
	v29 =	vmul.f32 $8.000000000e+00, v31;
	[tilespmem:s3+$0xFFFFFFEF] =	vst v24;
	v31 =	vld [tilespmem:s21+$0x9940]  }
0xaa: {  	s10 =	simm.s32 $0x2000;
	s5 =	sand.u32 $0x30, s9;
	s1 =	sand.u32 $0x3FFFFFC0, s1;
	[tilespmem:s14+$0xFFFFFF9A] =	vst v27;
	v27 =	vld [tilespmem:s22+$0x9800];
	v26 =	vadd.f32 v26, v18  }
0xab: {  	s12 =	simm.s32 $0x800;
	s8 =	sand.u32 $0x7000, s10;
	s1 =	sor.u32 s5, s1;
	v32 =	vld [tilespmem:s2+$0x96C0];
	v29 =	vadd.f32 v29, v21;
	v28 =	vmul.f32 $8.000000000e+00, v28  }
0xac: {  	s13 =	sand.u32 $0x3FFFE000, s12;
	s8 =	sshrl.u32 s8, $0x2;
	v24 =	vld [tilespmem:s1+$0x6400];
	v25 =	vmul.f32 $8.000000000e+00, v25;
	[tilespmem:s7+$0x11] =	vst v26  }
0xad: {  	s1 =	sor.u32 s8, s13;
	v26 =	vmul.f32 $8.000000000e+00, v30;
	[tilespmem:s31+$0xFFFFFFBC] =	vst v29;
	v29 =	vld [tilespmem:s11+$0x9880];
	v28 =	vadd.f32 v28, v17  }
0xae: {  	s25 =	sor.u32 s5, s1;
	v30 =	vld [tilespmem:s0+$0x9740];
	v25 =	vadd.f32 v25, v20;
	v31 =	vmul.f32 $8.000000000e+00, v31  }
0xaf: {  	v33 =	vld [tilespmem:s25+$0x9600];
	v26 =	vadd.f32 v26, v23;
	v27 =	vmul.f32 $8.000000000e+00, v27;
	[tilespmem:s20+$0x33] =	vst v28  }
0xb0: {  	v28 =	vmul.f32 $8.000000000e+00, v32;
	[tilespmem:s29+$0xFFFFFFDE] =	vst v25;
	v25 =	vld [tilespmem:s6+$0x9900];
	v31 =	vadd.f32 v31, v16  }
0xb1: {  	[tilespmem:s24+$0xFFFFFF89] =	vst v26;
	v26 =	vld [tilespmem:s30+$0x97C0];
	v27 =	vadd.f32 v27, v19  }
0xb2: {  	s23 =	sadd.s32 $0x0, s19;
	v61 =	vld [tilespmem:s16+$0x9680];
	v28 =	vadd.f32 v28, v22;
	v29 =	vmul.f32 $8.000000000e+00, v29;
	[tilespmem:s18+$0x55] =	vst v31  }
0xb3: {  	s8 =	simm.s32 $0x90;
	s1 =	sshll.u32 s23, $0x6;
	v30 =	vmul.f32 $8.000000000e+00, v30;
	[tilespmem:s3+$0x0] =	vst v27;
	v27 =	vld [tilespmem:s21+$0x9980]  }
0xb4: {  	s28 =	sand.u32 $0x30, s8;
	s1 =	sand.u32 $0x3FFFFFC0, s1;
	v31 =	vmul.f32 $8.000000000e+00, v33;
	[tilespmem:s14+$0xFFFFFFAB] =	vst v28;
	v28 =	vld [tilespmem:s22+$0x9840];
	v29 =	vadd.f32 v29, v18  }
0xb5: {  	s1 =	sor.u32 s28, s1;
	v62 =	vld [tilespmem:s2+$0x9700];
	v30 =	vadd.f32 v30, v21;
	v34 =	vmul.f32 $8.000000000e+00, v25  }
0xb6: {  	v25 =	vld [tilespmem:s1+$0x6400];
	v31 =	vadd.f32 v31, v24;
	v26 =	vmul.f32 $8.000000000e+00, v26;
	[tilespmem:s7+$0x22] =	vst v29  }
0xb7: {  	s10 =	simm.s32 $0x19F08;
	v29 =	vmul.f32 $8.000000000e+00, v61;
	[tilespmem:s31+$0xFFFFFFCD] =	vst v30;
	v35 =	vld [tilespmem:s11+$0x98C0];
	v34 =	vadd.f32 v34, v17  }
0xb8: {  	[tilespmem:s10+$0xFFFFFF78] =	vst v31;
	v30 =	vld [tilespmem:s0+$0x9780];
	v26 =	vadd.f32 v26, v20;
	v27 =	vmul.f32 $8.000000000e+00, v27  }
0xb9: {  	v32 =	vld [tilespmem:s25+$0x9640];
	v29 =	vadd.f32 v29, v23;
	[tilespmem:s20+$0x44] =	vst v34;
	v28 =	vmul.f32 $8.000000000e+00, v28  }
0xba: {  	s9 =	simm.s32 $0x2400;
	v33 =	vmul.f32 $8.000000000e+00, v62;
	[tilespmem:s29+$0xFFFFFFEF] =	vst v26;
	v26 =	vld [tilespmem:s6+$0x9940];
	v63 =	vadd.f32 v27, v16  }
0xbb: {  	s12 =	sand.u32 $0x7000, s9;
	[tilespmem:s24+$0xFFFFFF9A] =	vst v29;
	v29 =	vld [tilespmem:s30+$0x9800];
	v28 =	vadd.f32 v28, v19  }
0xbc: {  	s13 =	simm.s32 $0x900;
	s23 =	simm.s32 $0xA;
	s1 =	simm.s32 $0x19F08;
	v31 =	vld [tilespmem:s16+$0x96C0];
	v33 =	vadd.f32 v33, v22;
	v27 =	vmul.f32 $8.000000000e+00, v35;
	[tilespmem:s18+$0x66] =	vst v63  }
.LBB2_3:
0xbd: {  	p0 =	sne.s32 s23, $0x3F;
	s5 =	sand.u32 $0x3FFFE000, s13;
	s12 =	sshrl.u32 s12, $0x2;
	v30 =	vmul.f32 $8.000000000e+00, v30;
	[tilespmem:s3+$0x11] =	vst v28;
	v28 =	vld [tilespmem:s21+$0x99C0]  }
0xbe: {  	s21 =	smov.u32 s6;
	s6 =	smov.u32 s11;
	s5 =	sor.u32 s12, s5;
	v32 =	vmul.f32 $8.000000000e+00, v32;
	[tilespmem:s14+$0xFFFFFFBC] =	vst v33;
	v33 =	vld [tilespmem:s22+$0x9880];
	v27 =	vadd.f32 v27, v18  }
0xbf: {  	s11 =	smov.u32 s22;
	s22 =	smov.u32 s30;
	s5 =	sor.u32 s28, s5;
	v34 =	vld [tilespmem:s2+$0x9740];
	v30 =	vadd.f32 v30, v21;
	v26 =	vmul.f32 $8.000000000e+00, v26  }
0xc0: {  	s30 =	smov.u32 s0;
	s0 =	smov.u32 s2;
	s2 =	smov.u32 s16;
	v35 =	vld [tilespmem:s5+$0x9600];
	v32 =	vadd.f32 v32, v24;
	v29 =	vmul.f32 $8.000000000e+00, v29;
	[tilespmem:s7+$0x33] =	vst v27  }
0xc1: {  	s16 =	smov.u32 s25;
	s25 =	smov.u32 s5;
	v27 =	vmul.f32 $8.000000000e+00, v31;
	[tilespmem:s31+$0xFFFFFFDE] =	vst v30;
	v30 =	vld [tilespmem:s6+$0x9900];
	v26 =	vadd.f32 v26, v17  }
0xc2: {  	s5 =	sshrl.u32 s23, $0x5;
	[tilespmem:s10+$0xFFFFFF89] =	vst v32;
	v31 =	vld [tilespmem:s30+$0x97C0];
	v29 =	vadd.f32 v29, v20;
	v28 =	vmul.f32 $8.000000000e+00, v28  }
0xc3: {  	s5 =	sadd.s32 s19, s5;
	v32 =	vld [tilespmem:s16+$0x9680];
	v27 =	vadd.f32 v27, v23;
	v33 =	vmul.f32 $8.000000000e+00, v33;
	[tilespmem:s20+$0x55] =	vst v26  }
0xc4: {  	s8 =	sadd.s32 $0x10, s8;
	s5 =	sshll.u32 s5, $0x6;
	v26 =	vmul.f32 $8.000000000e+00, v34;
	[tilespmem:s29+$0x0] =	vst v29;
	v29 =	vld [tilespmem:s21+$0x9980];
	v28 =	vadd.f32 v28, v16;
	v16 =	vmovc v17;
	v17 =	vmovc v18;
	v18 =	vmov v19  }
0xc5: {  	s28 =	sand.u32 $0x30, s8;
	s5 =	sand.u32 $0x3FFFFFC0, s5;
	v19 =	vmovc v20;
	v20 =	vmovc v21;
	v21 =	vmov v22;
	v34 =	vmul.f32 $8.000000000e+00, v35;
	[tilespmem:s24+$0xFFFFFFAB] =	vst v27;
	v27 =	vld [tilespmem:s22+$0x9840];
	v33 =	vadd.f32 v33, v18  }
0xc6: {  	s5 =	sor.u32 s28, s5;
	v22 =	vmovc v23;
	v23 =	vmovc v24;
	v24 =	vmov v25;
	v35 =	vld [tilespmem:s2+$0x9700];
	v26 =	vadd.f32 v26, v21;
	v30 =	vmul.f32 $8.000000000e+00, v30;
	[tilespmem:s18+$0x77] =	vst v28;
	s18 =	smov.u32 s20;
	s20 =	smov.u32 s7  }
0xc7: {  	s7 =	smov.u32 s3;
	v25 =	vld [tilespmem:s5+$0x6400];
	v28 =	vadd.f32 v34, v24;
	v31 =	vmul.f32 $8.000000000e+00, v31;
	[tilespmem:s3+$0x22] =	vst v33;
	s3 =	smov.u32 s29;
	s29 =	smov.u32 s31  }
0xc8: {  	s10 =	sadd.s32 $0x110, s10;
	s31 =	smov.u32 s14;
	v33 =	vmul.f32 $8.000000000e+00, v32;
	[tilespmem:s14+$0xFFFFFFCD] =	vst v26;
	v34 =	vld [tilespmem:s11+$0x98C0];
	v26 =	vadd.f32 v30, v17;
	s14 =	smov.u32 s24  }
.Ltmp0:
0xc9: {  	s24 =	smov.u32 s1;
	s1 =	smov.u32 s10;
	[tilespmem:s10+$0xFFFFFF78] =	vst v28;
	v30 =	vld [tilespmem:s0+$0x9780];
	v28 =	vadd.f32 v31, v20;
	v29 =	vmul.f32 $8.000000000e+00, v29;
	(pc) =	sbr.rel @p0 .LBB2_3-.Ltmp0, $4  }
0xca: {  	v32 =	vld [tilespmem:s25+$0x9640];
	v31 =	vadd.f32 v33, v23;
	v27 =	vmul.f32 $8.000000000e+00, v27;
	[tilespmem:s20+$0x44] =	vst v26  }
0xcb: {  	v33 =	vmul.f32 $8.000000000e+00, v35;
	[tilespmem:s29+$0xFFFFFFEF] =	vst v28;
	v26 =	vld [tilespmem:s6+$0x9940];
	v35 =	vadd.f32 v29, v16  }
0xcc: {  	s9 =	sadd.s32 $0x400, s9;
	[tilespmem:s24+$0xFFFFFF9A] =	vst v31;
	v29 =	vld [tilespmem:s30+$0x9800];
	v28 =	vadd.f32 v27, v19  }
0xcd: {  	s13 =	sshll.u32 s23, $0x8;
	s12 =	sand.u32 $0x7000, s9;
	s23 =	sadd.s32 $0x1, s23;
	v31 =	vld [tilespmem:s16+$0x96C0];
	v33 =	vadd.f32 v33, v22;
	v27 =	vmul.f32 $8.000000000e+00, v34;
	[tilespmem:s18+$0x66] =	vst v35  }
0xce: {  	s5 =	sand.u32 $0x3FFFE000, s13;
	s8 =	sshrl.u32 s12, $0x2  }
0xcf: {  	s5 =	sor.u32 s8, s5  }
0xd0: {  	s9 =	sor.u32 s28, s5  }
0xd1: {  	v34 =	vld [tilespmem:s9+$0x9600];
	_ =	sdelay $0x4  }
0xd2: {  	v34 =	vmul.f32 $8.000000000e+00, v34;
	_ =	sdelay $0x1  }
0xd3: {  	v34 =	vadd.f32 v34, v25  }
0xd4: {  	s5 =	sadd.s32 $0x110, s10  }
0xd5: {  	[tilespmem:s5+$0xFFFFFF78] =	vst v34  }
0xd6: {  	v34 =	vld [tilespmem:s9+$0x9640];
	_ =	sdelay $0x3  }
0xd7: {  	v32 =	vmul.f32 $8.000000000e+00, v32  }
0xd8: {  	v34 =	vmul.f32 $8.000000000e+00, v34  }
0xd9: {  	v32 =	vadd.f32 v32, v24  }
0xda: {  	v34 =	vadd.f32 v34, v25  }
0xdb: {  	[tilespmem:s10+$0xFFFFFF89] =	vst v32  }
0xdc: {  	v32 =	vld [tilespmem:s25+$0x9680];
	[tilespmem:s5+$0xFFFFFF89] =	vst v34  }
0xdd: {  	v34 =	vld [tilespmem:s9+$0x9680];
	_ =	sdelay $0x3  }
0xde: {  	v32 =	vmul.f32 $8.000000000e+00, v32  }
0xdf: {  	v34 =	vmul.f32 $8.000000000e+00, v34  }
0xe0: {  	v32 =	vadd.f32 v32, v24  }
0xe1: {  	v34 =	vadd.f32 v34, v25  }
0xe2: {  	[tilespmem:s1+$0xFFFFFF9A] =	vst v32  }
0xe3: {  	v32 =	vld [tilespmem:s25+$0x96C0];
	[tilespmem:s5+$0xFFFFFF9A] =	vst v34  }
0xe4: {  	v34 =	vld [tilespmem:s9+$0x96C0];
	_ =	sdelay $0x2  }
0xe5: {  	v31 =	vmul.f32 $8.000000000e+00, v31  }
0xe6: {  	v32 =	vmul.f32 $8.000000000e+00, v32  }
0xe7: {  	v31 =	vadd.f32 v31, v23;
	v34 =	vmul.f32 $8.000000000e+00, v34  }
0xe8: {  	v32 =	vadd.f32 v32, v24  }
0xe9: {  	[tilespmem:s24+$0xFFFFFFAB] =	vst v31;
	v46 =	vadd.f32 v34, v25  }
0xea: {  	v47 =	vld [tilespmem:s16+$0x9700];
	[tilespmem:s1+$0xFFFFFFAB] =	vst v32  }
0xeb: {  	v32 =	vld [tilespmem:s25+$0x9700];
	[tilespmem:s5+$0xFFFFFFAB] =	vst v46  }
0xec: {  	v31 =	vld [tilespmem:s9+$0x9700];
	_ =	sdelay $0x2  }
0xed: {  	v34 =	vmul.f32 $8.000000000e+00, v47  }
0xee: {  	v32 =	vmul.f32 $8.000000000e+00, v32  }
0xef: {  	v34 =	vadd.f32 v34, v23;
	v31 =	vmul.f32 $8.000000000e+00, v31  }
0xf0: {  	[tilespmem:s14+$0xFFFFFFBC] =	vst v33;
	v32 =	vadd.f32 v32, v24  }
0xf1: {  	v33 =	vld [tilespmem:s2+$0x9740];
	[tilespmem:s24+$0xFFFFFFBC] =	vst v34;
	v31 =	vadd.f32 v31, v25  }
0xf2: {  	[tilespmem:s1+$0xFFFFFFBC] =	vst v32;
	v34 =	vld [tilespmem:s16+$0x9740]  }
0xf3: {  	v32 =	vld [tilespmem:s25+$0x9740];
	[tilespmem:s5+$0xFFFFFFBC] =	vst v31  }
0xf4: {  	v31 =	vld [tilespmem:s9+$0x9740];
	_ =	sdelay $0x1  }
0xf5: {  	v33 =	vmul.f32 $8.000000000e+00, v33  }
0xf6: {  	v34 =	vmul.f32 $8.000000000e+00, v34  }
0xf7: {  	v33 =	vadd.f32 v33, v22;
	v32 =	vmul.f32 $8.000000000e+00, v32  }
0xf8: {  	v34 =	vadd.f32 v34, v23;
	v31 =	vmul.f32 $8.000000000e+00, v31  }
0xf9: {  	[tilespmem:s14+$0xFFFFFFCD] =	vst v33;
	v32 =	vadd.f32 v32, v24  }
0xfa: {  	v33 =	vld [tilespmem:s2+$0x9780];
	[tilespmem:s24+$0xFFFFFFCD] =	vst v34;
	v31 =	vadd.f32 v31, v25  }
0xfb: {  	[tilespmem:s1+$0xFFFFFFCD] =	vst v32;
	v34 =	vld [tilespmem:s16+$0x9780]  }
0xfc: {  	v32 =	vld [tilespmem:s25+$0x9780];
	[tilespmem:s5+$0xFFFFFFCD] =	vst v31  }
0xfd: {  	v31 =	vld [tilespmem:s9+$0x9780]  }
0xfe: {  	v30 =	vmul.f32 $8.000000000e+00, v30  }
0xff: {  	v33 =	vmul.f32 $8.000000000e+00, v33  }
0x100: {  	v30 =	vadd.f32 v30, v21;
	v34 =	vmul.f32 $8.000000000e+00, v34  }
0x101: {  	v33 =	vadd.f32 v33, v22;
	v32 =	vmul.f32 $8.000000000e+00, v32  }
0x102: {  	[tilespmem:s31+$0xFFFFFFDE] =	vst v30;
	v48 =	vadd.f32 v34, v23;
	v31 =	vmul.f32 $8.000000000e+00, v31  }
0x103: {  	v49 =	vld [tilespmem:s0+$0x97C0];
	[tilespmem:s14+$0xFFFFFFDE] =	vst v33;
	v32 =	vadd.f32 v32, v24  }
0x104: {  	v33 =	vld [tilespmem:s2+$0x97C0];
	[tilespmem:s24+$0xFFFFFFDE] =	vst v48;
	v50 =	vadd.f32 v31, v25  }
0x105: {  	[tilespmem:s1+$0xFFFFFFDE] =	vst v32;
	v51 =	vld [tilespmem:s16+$0x97C0]  }
0x106: {  	v32 =	vld [tilespmem:s25+$0x97C0];
	[tilespmem:s5+$0xFFFFFFDE] =	vst v50  }
0x107: {  	v30 =	vld [tilespmem:s9+$0x97C0]  }
0x108: {  	v34 =	vmul.f32 $8.000000000e+00, v49  }
0x109: {  	v33 =	vmul.f32 $8.000000000e+00, v33  }
0x10a: {  	v34 =	vadd.f32 v34, v21;
	v31 =	vmul.f32 $8.000000000e+00, v51  }
0x10b: {  	v33 =	vadd.f32 v33, v22;
	v32 =	vmul.f32 $8.000000000e+00, v32  }
0x10c: {  	[tilespmem:s31+$0xFFFFFFEF] =	vst v34;
	v31 =	vadd.f32 v31, v23;
	v30 =	vmul.f32 $8.000000000e+00, v30  }
0x10d: {  	[tilespmem:s14+$0xFFFFFFEF] =	vst v33;
	v32 =	vadd.f32 v32, v24;
	v34 =	vld [tilespmem:s0+$0x9800]  }
0x10e: {  	v33 =	vld [tilespmem:s2+$0x9800];
	[tilespmem:s24+$0xFFFFFFEF] =	vst v31;
	v30 =	vadd.f32 v30, v25  }
0x10f: {  	[tilespmem:s1+$0xFFFFFFEF] =	vst v32;
	v31 =	vld [tilespmem:s16+$0x9800]  }
0x110: {  	v32 =	vld [tilespmem:s25+$0x9800];
	[tilespmem:s5+$0xFFFFFFEF] =	vst v30  }
0x111: {  	v29 =	vmul.f32 $8.000000000e+00, v29;
	v30 =	vld [tilespmem:s9+$0x9800]  }
0x112: {  	v34 =	vmul.f32 $8.000000000e+00, v34  }
0x113: {  	v29 =	vadd.f32 v29, v20;
	v33 =	vmul.f32 $8.000000000e+00, v33  }
0x114: {  	v34 =	vadd.f32 v34, v21;
	v31 =	vmul.f32 $8.000000000e+00, v31  }
0x115: {  	[tilespmem:s29+$0x0] =	vst v29;
	v52 =	vadd.f32 v33, v22;
	v32 =	vmul.f32 $8.000000000e+00, v32  }
0x116: {  	v53 =	vld [tilespmem:s30+$0x9840];
	[tilespmem:s31+$0x0] =	vst v34;
	v31 =	vadd.f32 v31, v23;
	v30 =	vmul.f32 $8.000000000e+00, v30  }
0x117: {  	[tilespmem:s14+$0x0] =	vst v52;
	v54 =	vadd.f32 v32, v24;
	v34 =	vld [tilespmem:s0+$0x9840]  }
0x118: {  	v55 =	vld [tilespmem:s2+$0x9840];
	[tilespmem:s24+$0x0] =	vst v31;
	v30 =	vadd.f32 v30, v25  }
0x119: {  	[tilespmem:s1+$0x0] =	vst v54;
	v31 =	vld [tilespmem:s16+$0x9840]  }
0x11a: {  	v29 =	vld [tilespmem:s25+$0x9840];
	[tilespmem:s5+$0x0] =	vst v30  }
0x11b: {  	v56 =	vmul.f32 $8.000000000e+00, v53;
	v57 =	vld [tilespmem:s9+$0x9840]  }
0x11c: {  	v34 =	vmul.f32 $8.000000000e+00, v34  }
0x11d: {  	v32 =	vmul.f32 $8.000000000e+00, v55;
	v30 =	vadd.f32 v56, v20  }
0x11e: {  	[tilespmem:s3+$0x11] =	vst v28;
	v58 =	vadd.f32 v34, v21;
	v31 =	vmul.f32 $8.000000000e+00, v31  }
0x11f: {  	v59 =	vld [tilespmem:s22+$0x9880];
	v60 =	vadd.f32 v32, v22;
	v29 =	vmul.f32 $8.000000000e+00, v29;
	[tilespmem:s29+$0x11] =	vst v30  }
0x120: {  	[tilespmem:s31+$0x11] =	vst v58;
	v62 =	vadd.f32 v31, v23;
	v61 =	vld [tilespmem:s30+$0x9880];
	v63 =	vmul.f32 $8.000000000e+00, v57  }
0x121: {  	[tilespmem:s14+$0x11] =	vst v60;
	v29 =	vadd.f32 v29, v24;
	v36 =	vld [tilespmem:s0+$0x9880]  }
0x122: {  	v30 =	vld [tilespmem:s2+$0x9880];
	[tilespmem:s24+$0x11] =	vst v62;
	v37 =	vadd.f32 v63, v25  }
0x123: {  	[tilespmem:s1+$0x11] =	vst v29;
	v38 =	vld [tilespmem:s16+$0x9880]  }
0x124: {  	v39 =	vmul.f32 $8.000000000e+00, v59;
	v40 =	vld [tilespmem:s25+$0x9880];
	[tilespmem:s5+$0x11] =	vst v37  }
0x125: {  	v41 =	vmul.f32 $8.000000000e+00, v61;
	v42 =	vld [tilespmem:s9+$0x9880]  }
0x126: {  	v29 =	vadd.f32 v39, v19;
	v33 =	vmul.f32 $8.000000000e+00, v36  }
0x127: {  	v30 =	vmul.f32 $8.000000000e+00, v30;
	v28 =	vadd.f32 v41, v20  }
0x128: {  	[tilespmem:s3+$0x22] =	vst v29;
	v43 =	vadd.f32 v33, v21;
	v31 =	vmul.f32 $8.000000000e+00, v38  }
0x129: {  	v44 =	vld [tilespmem:s22+$0x98C0];
	v46 =	vmul.f32 $8.000000000e+00, v40;
	v45 =	vadd.f32 v30, v22;
	[tilespmem:s29+$0x22] =	vst v28  }
0x12a: {  	[tilespmem:s31+$0x22] =	vst v43;
	v48 =	vadd.f32 v31, v23;
	v47 =	vld [tilespmem:s30+$0x98C0];
	v49 =	vmul.f32 $8.000000000e+00, v42  }
0x12b: {  	v51 =	vadd.f32 v46, v24;
	v50 =	vld [tilespmem:s0+$0x98C0];
	[tilespmem:s14+$0x22] =	vst v45  }
0x12c: {  	v52 =	vld [tilespmem:s2+$0x98C0];
	[tilespmem:s24+$0x22] =	vst v48;
	v53 =	vadd.f32 v49, v25  }
0x12d: {  	[tilespmem:s1+$0x22] =	vst v51;
	v54 =	vld [tilespmem:s16+$0x98C0]  }
0x12e: {  	v55 =	vmul.f32 $8.000000000e+00, v44;
	v56 =	vld [tilespmem:s25+$0x98C0];
	[tilespmem:s5+$0x22] =	vst v53  }
0x12f: {  	v27 =	vadd.f32 v27, v18;
	v57 =	vmul.f32 $8.000000000e+00, v47;
	v58 =	vld [tilespmem:s9+$0x98C0]  }
0x130: {  	v32 =	vmul.f32 $8.000000000e+00, v50;
	v28 =	vadd.f32 v55, v19  }
0x131: {  	[tilespmem:s7+$0x33] =	vst v27;
	v60 =	vmul.f32 $8.000000000e+00, v52;
	v59 =	vadd.f32 v57, v20  }
0x132: {  	v61 =	vld [tilespmem:s11+$0x9900];
	v62 =	vadd.f32 v32, v21;
	[tilespmem:s3+$0x33] =	vst v28;
	v31 =	vmul.f32 $8.000000000e+00, v54  }
0x133: {  	v37 =	vmul.f32 $8.000000000e+00, v56;
	v63 =	vld [tilespmem:s22+$0x9900];
	v36 =	vadd.f32 v60, v22;
	[tilespmem:s29+$0x33] =	vst v59  }
0x134: {  	[tilespmem:s31+$0x33] =	vst v62;
	v39 =	vadd.f32 v31, v23;
	v38 =	vld [tilespmem:s30+$0x9900];
	v40 =	vmul.f32 $8.000000000e+00, v58  }
0x135: {  	v41 =	vld [tilespmem:s0+$0x9900];
	v42 =	vadd.f32 v37, v24;
	[tilespmem:s14+$0x33] =	vst v36  }
0x136: {  	v43 =	vld [tilespmem:s2+$0x9900];
	[tilespmem:s24+$0x33] =	vst v39;
	v44 =	vadd.f32 v40, v25  }
0x137: {  	v30 =	vmul.f32 $8.000000000e+00, v61;
	[tilespmem:s1+$0x33] =	vst v42;
	v45 =	vld [tilespmem:s16+$0x9900]  }
0x138: {  	v47 =	vld [tilespmem:s25+$0x9900];
	v46 =	vmul.f32 $8.000000000e+00, v63;
	[tilespmem:s5+$0x33] =	vst v44  }
0x139: {  	v48 =	vadd.f32 v30, v18;
	v49 =	vmul.f32 $8.000000000e+00, v38;
	v50 =	vld [tilespmem:s9+$0x9900]  }
0x13a: {  	v34 =	vmul.f32 $8.000000000e+00, v41;
	v27 =	vadd.f32 v46, v19  }
0x13b: {  	[tilespmem:s7+$0x44] =	vst v48;
	v29 =	vmul.f32 $8.000000000e+00, v43;
	v51 =	vadd.f32 v49, v20  }
0x13c: {  	v52 =	vld [tilespmem:s11+$0x9940];
	v53 =	vadd.f32 v34, v21;
	[tilespmem:s3+$0x44] =	vst v27;
	v31 =	vmul.f32 $8.000000000e+00, v45  }
0x13d: {  	v56 =	vmul.f32 $8.000000000e+00, v47;
	v54 =	vld [tilespmem:s22+$0x9940];
	v55 =	vadd.f32 v29, v22;
	[tilespmem:s29+$0x44] =	vst v51  }
0x13e: {  	[tilespmem:s31+$0x44] =	vst v53;
	v58 =	vadd.f32 v31, v23;
	v57 =	vld [tilespmem:s30+$0x9940];
	v59 =	vmul.f32 $8.000000000e+00, v50  }
0x13f: {  	v60 =	vld [tilespmem:s0+$0x9940];
	v61 =	vadd.f32 v56, v24;
	[tilespmem:s14+$0x44] =	vst v55  }
0x140: {  	v26 =	vmul.f32 $8.000000000e+00, v26;
	v62 =	vld [tilespmem:s2+$0x9940];
	[tilespmem:s24+$0x44] =	vst v58;
	v63 =	vadd.f32 v59, v25  }
0x141: {  	v30 =	vmul.f32 $8.000000000e+00, v52;
	[tilespmem:s1+$0x44] =	vst v61;
	v36 =	vld [tilespmem:s16+$0x9940]  }
0x142: {  	v26 =	vadd.f32 v26, v17;
	v38 =	vld [tilespmem:s25+$0x9940];
	v37 =	vmul.f32 $8.000000000e+00, v54;
	[tilespmem:s5+$0x44] =	vst v63  }
0x143: {  	v39 =	vadd.f32 v30, v18;
	v40 =	vmul.f32 $8.000000000e+00, v57;
	v41 =	vld [tilespmem:s9+$0x9940]  }
0x144: {  	[tilespmem:s20+$0x55] =	vst v26;
	v43 =	vmul.f32 $8.000000000e+00, v60;
	v42 =	vadd.f32 v37, v19  }
0x145: {  	[tilespmem:s7+$0x55] =	vst v39;
	v44 =	vld [tilespmem:s6+$0x9980];
	v29 =	vmul.f32 $8.000000000e+00, v62;
	v45 =	vadd.f32 v40, v20  }
0x146: {  	v46 =	vld [tilespmem:s11+$0x9980];
	v47 =	vadd.f32 v43, v21;
	[tilespmem:s3+$0x55] =	vst v42;
	v48 =	vmul.f32 $8.000000000e+00, v36  }
0x147: {  	v51 =	vmul.f32 $8.000000000e+00, v38;
	v49 =	vld [tilespmem:s22+$0x9980];
	v50 =	vadd.f32 v29, v22;
	[tilespmem:s29+$0x55] =	vst v45  }
0x148: {  	[tilespmem:s31+$0x55] =	vst v47;
	v53 =	vadd.f32 v48, v23;
	v52 =	vld [tilespmem:s30+$0x9980];
	v54 =	vmul.f32 $8.000000000e+00, v41  }
0x149: {  	v55 =	vld [tilespmem:s0+$0x9980];
	v56 =	vadd.f32 v51, v24;
	[tilespmem:s14+$0x55] =	vst v50  }
0x14a: {  	v57 =	vmul.f32 $8.000000000e+00, v44;
	v58 =	vld [tilespmem:s2+$0x9980];
	[tilespmem:s24+$0x55] =	vst v53;
	v59 =	vadd.f32 v54, v25  }
0x14b: {  	v60 =	vmul.f32 $8.000000000e+00, v46;
	[tilespmem:s1+$0x55] =	vst v56;
	v61 =	vld [tilespmem:s16+$0x9980]  }
0x14c: {  	v36 =	vld [tilespmem:s25+$0x9980];
	v62 =	vadd.f32 v57, v17;
	v63 =	vmul.f32 $8.000000000e+00, v49;
	[tilespmem:s5+$0x55] =	vst v59  }
0x14d: {  	v37 =	vadd.f32 v60, v18;
	v38 =	vmul.f32 $8.000000000e+00, v52;
	v39 =	vld [tilespmem:s9+$0x9980]  }
0x14e: {  	v35 =	vld [tilespmem:s21+$0x99C0];
	[tilespmem:s20+$0x66] =	vst v62;
	v40 =	vadd.f32 v63, v19;
	v41 =	vmul.f32 $8.000000000e+00, v55  }
0x14f: {  	[tilespmem:s7+$0x66] =	vst v37;
	v42 =	vld [tilespmem:s6+$0x99C0];
	v44 =	vmul.f32 $8.000000000e+00, v58;
	v43 =	vadd.f32 v38, v20  }
0x150: {  	v45 =	vld [tilespmem:s11+$0x99C0];
	[tilespmem:s3+$0x66] =	vst v40;
	v46 =	vadd.f32 v41, v21;
	v47 =	vmul.f32 $8.000000000e+00, v61  }
0x151: {  	v50 =	vmul.f32 $8.000000000e+00, v36;
	v48 =	vld [tilespmem:s22+$0x99C0];
	v49 =	vadd.f32 v44, v22;
	[tilespmem:s29+$0x66] =	vst v43  }
0x152: {  	[tilespmem:s31+$0x66] =	vst v46;
	v52 =	vadd.f32 v47, v23;
	v51 =	vld [tilespmem:s30+$0x99C0];
	v53 =	vmul.f32 $8.000000000e+00, v39  }
0x153: {  	v56 =	vadd.f32 v50, v24;
	v54 =	vmul.f32 $8.000000000e+00, v35;
	v55 =	vld [tilespmem:s0+$0x99C0];
	[tilespmem:s14+$0x66] =	vst v49  }
0x154: {  	v57 =	vmul.f32 $8.000000000e+00, v42;
	v58 =	vld [tilespmem:s2+$0x99C0];
	[tilespmem:s24+$0x66] =	vst v52;
	v59 =	vadd.f32 v53, v25  }
0x155: {  	v60 =	vmul.f32 $8.000000000e+00, v45;
	[tilespmem:s1+$0x66] =	vst v56;
	v16 =	vadd.f32 v54, v16;
	v61 =	vld [tilespmem:s16+$0x99C0]  }
0x156: {  	v63 =	vld [tilespmem:s25+$0x99C0];
	v17 =	vadd.f32 v57, v17;
	v62 =	vmul.f32 $8.000000000e+00, v48;
	[tilespmem:s5+$0x66] =	vst v59  }
0x157: {  	[tilespmem:s18+$0x77] =	vst v16;
	v16 =	vadd.f32 v60, v18;
	v18 =	vmul.f32 $8.000000000e+00, v51;
	v27 =	vld [tilespmem:s9+$0x99C0]  }
0x158: {  	[tilespmem:s20+$0x77] =	vst v17;
	v17 =	vadd.f32 v62, v19;
	v19 =	vmul.f32 $8.000000000e+00, v55  }
0x159: {  	[tilespmem:s7+$0x77] =	vst v16;
	v16 =	vadd.f32 v18, v20;
	v18 =	vmul.f32 $8.000000000e+00, v58  }
0x15a: {  	[tilespmem:s3+$0x77] =	vst v17;
	v17 =	vadd.f32 v19, v21;
	v19 =	vmul.f32 $8.000000000e+00, v61  }
0x15b: {  	[tilespmem:s29+$0x77] =	vst v16;
	v16 =	vadd.f32 v18, v22;
	v18 =	vmul.f32 $8.000000000e+00, v63  }
0x15c: {  	[tilespmem:s31+$0x77] =	vst v17;
	v17 =	vadd.f32 v19, v23;
	v19 =	vmul.f32 $8.000000000e+00, v27  }
0x15d: {  	[tilespmem:s14+$0x77] =	vst v16;
	v16 =	vadd.f32 v18, v24  }
0x15e: {  	[tilespmem:s24+$0x77] =	vst v17;
	v17 =	vadd.f32 v19, v25  }
0x15f: {  	[tilespmem:s1+$0x77] =	vst v16  }
0x160: {  	s6 =	simm.s32 $0x19600;
	[tilespmem:s5+$0x77] =	vst v17  }
0x161: {  	v16 =	vld.idx.msk [tilespmem:v0+s6+$0x0], $0xffff  }
0x162: {  	s10 =	sand.u32 $0x6000, s17  }
0x163: {  	s11 =	sand.u32 $0x2000, s17;
	s0 =	sshrl.u32 s10, $0x2  }
0x164: {  	s12 =	sand.u32 $0x70, s17;
	s0 =	sor.u32 s0, s11  }
0x165: {  	s0 =	sor.u32 s12, s0  }
0x166: {  	[tilespmem:s0+$0x11600] =	vst v16  }
0x167: {  	v16 =	vld.idx.msk [tilespmem:v1+s6+$0x0], $0xffff;
	_ =	sdelay $0x3  }
0x168: {  	s3 =	sadd.s32 $0x11600, s0  }
0x169: {  	[tilespmem:s3+$0x80] =	vst v16  }
0x16a: {  	v16 =	vld.idx.msk [tilespmem:v2+s6+$0x0], $0xffff  }
0x16b: {  	s0 =	simm.s32 $0x19710  }
0x16c: {  	s13 =	simm.s32 $0x2000;
	v17 =	vld.idx.msk [tilespmem:v0+s0+$0x0], $0xffff  }
0x16d: {  	s14 =	simm.s32 $0x100;
	s1 =	sand.u32 $0x6000, s13  }
0x16e: {  	s16 =	simm.s32 $0x4;
	s2 =	sand.u32 $0x2000, s14;
	s1 =	sshrl.u32 s1, $0x2  }
0x16f: {  	s1 =	sor.u32 s1, s2;
	s5 =	sand.u32 $0x70, s16;
	[tilespmem:s3+$0x100] =	vst v16  }
0x170: {  	s1 =	sor.u32 s5, s1;
	v16 =	vld.idx.msk [tilespmem:v3+s6+$0x0], $0xffff  }
0x171: {  	[tilespmem:s1+$0x11600] =	vst v17  }
0x172: {  	v17 =	vld.idx.msk [tilespmem:v1+s0+$0x0], $0xffff;
	_ =	sdelay $0x2  }
0x173: {  	[tilespmem:s3+$0x180] =	vst v16  }
0x174: {  	s1 =	sadd.s32 $0x11600, s1;
	v16 =	vld.idx.msk [tilespmem:v4+s6+$0x0], $0xffff  }
0x175: {  	[tilespmem:s1+$0x80] =	vst v17  }
0x176: {  	v17 =	vld.idx.msk [tilespmem:v2+s0+$0x0], $0xffff  }
0x177: {  	s2 =	simm.s32 $0x19820  }
0x178: {  	s17 =	simm.s32 $0x4000;
	v18 =	vld.idx.msk [tilespmem:v0+s2+$0x0], $0xffff  }
0x179: {  	s18 =	simm.s32 $0x200;
	s5 =	sand.u32 $0x6000, s17;
	[tilespmem:s3+$0x200] =	vst v16  }
0x17a: {  	s20 =	simm.s32 $0x8;
	s7 =	sand.u32 $0x2000, s18;
	s5 =	sshrl.u32 s5, $0x2;
	v16 =	vld.idx.msk [tilespmem:v5+s6+$0x0], $0xffff  }
0x17b: {  	s8 =	sand.u32 $0x70, s20;
	s5 =	sor.u32 s5, s7;
	[tilespmem:s1+$0x100] =	vst v17  }
0x17c: {  	s5 =	sor.u32 s8, s5;
	v17 =	vld.idx.msk [tilespmem:v3+s0+$0x0], $0xffff  }
0x17d: {  	[tilespmem:s5+$0x11600] =	vst v18  }
0x17e: {  	v18 =	vld.idx.msk [tilespmem:v1+s2+$0x0], $0xffff  }
0x17f: {  	[tilespmem:s3+$0x280] =	vst v16  }
0x180: {  	v16 =	vld.idx.msk [tilespmem:v6+s6+$0x0], $0xffff  }
0x181: {  	[tilespmem:s1+$0x180] =	vst v17  }
0x182: {  	s7 =	sadd.s32 $0x11600, s5;
	v17 =	vld.idx.msk [tilespmem:v4+s0+$0x0], $0xffff  }
0x183: {  	[tilespmem:s7+$0x80] =	vst v18  }
0x184: {  	s8 =	simm.s32 $0x19930;
	v18 =	vld.idx.msk [tilespmem:v2+s2+$0x0], $0xffff  }
0x185: {  	s21 =	simm.s32 $0x6000;
	v19 =	vld.idx.msk [tilespmem:v0+s8+$0x0], $0xffff;
	[tilespmem:s3+$0x300] =	vst v16  }
0x186: {  	s22 =	simm.s32 $0x300;
	s5 =	sand.u32 $0x6000, s21;
	v16 =	vld.idx.msk [tilespmem:v7+s6+$0x0], $0xffff  }
0x187: {  	s23 =	simm.s32 $0xC;
	s9 =	sand.u32 $0x2000, s22;
	s5 =	sshrl.u32 s5, $0x2;
	[tilespmem:s1+$0x200] =	vst v17  }
0x188: {  	s10 =	sand.u32 $0x70, s23;
	s5 =	sor.u32 s5, s9;
	v17 =	vld.idx.msk [tilespmem:v5+s0+$0x0], $0xffff  }
0x189: {  	s5 =	sor.u32 s10, s5;
	[tilespmem:s7+$0x100] =	vst v18  }
0x18a: {  	[tilespmem:s5+$0x11600] =	vst v19;
	v18 =	vld.idx.msk [tilespmem:v3+s2+$0x0], $0xffff  }
0x18b: {  	v19 =	vld.idx.msk [tilespmem:v1+s8+$0x0], $0xffff;
	[tilespmem:s3+$0x380] =	vst v16  }
0x18c: {  	v16 =	vld.idx.msk [tilespmem:v8+s6+$0x0], $0xffff  }
0x18d: {  	[tilespmem:s1+$0x280] =	vst v17  }
0x18e: {  	v17 =	vld.idx.msk [tilespmem:v6+s0+$0x0], $0xffff  }
0x18f: {  	s9 =	sadd.s32 $0x11600, s5;
	[tilespmem:s7+$0x180] =	vst v18  }
0x190: {  	[tilespmem:s9+$0x80] =	vst v19;
	v18 =	vld.idx.msk [tilespmem:v4+s2+$0x0], $0xffff  }
0x191: {  	v19 =	vld.idx.msk [tilespmem:v2+s8+$0x0], $0xffff;
	[tilespmem:s3+$0x400] =	vst v16  }
0x192: {  	s10 =	simm.s32 $0x19A40;
	v16 =	vld.idx.msk [tilespmem:v9+s6+$0x0], $0xffff  }
0x193: {  	s24 =	simm.s32 $0x8000;
	v20 =	vld.idx.msk [tilespmem:v0+s10+$0x0], $0xffff;
	[tilespmem:s1+$0x300] =	vst v17  }
0x194: {  	s25 =	simm.s32 $0x400;
	s5 =	sand.u32 $0x6000, s24;
	v17 =	vld.idx.msk [tilespmem:v7+s0+$0x0], $0xffff  }
0x195: {  	s28 =	simm.s32 $0x10;
	s11 =	sand.u32 $0x2000, s25;
	s5 =	sshrl.u32 s5, $0x2;
	[tilespmem:s7+$0x200] =	vst v18  }
0x196: {  	s12 =	sand.u32 $0x70, s28;
	s5 =	sor.u32 s5, s11;
	[tilespmem:s9+$0x100] =	vst v19;
	v18 =	vld.idx.msk [tilespmem:v5+s2+$0x0], $0xffff  }
0x197: {  	s5 =	sor.u32 s12, s5;
	v19 =	vld.idx.msk [tilespmem:v3+s8+$0x0], $0xffff;
	[tilespmem:s3+$0x480] =	vst v16  }
0x198: {  	[tilespmem:s5+$0x11600] =	vst v20;
	v16 =	vld.idx.msk [tilespmem:v10+s6+$0x0], $0xffff  }
0x199: {  	v20 =	vld.idx.msk [tilespmem:v1+s10+$0x0], $0xffff;
	[tilespmem:s1+$0x380] =	vst v17  }
0x19a: {  	s14 =	simm.s32 $0x19B50;
	v17 =	vld.idx.msk [tilespmem:v8+s0+$0x0], $0xffff  }
0x19b: {  	v21 =	vld.idx.msk [tilespmem:v0+s14+$0x0], $0xffff;
	s12 =	simm.s32 $0xA000;
	[tilespmem:s7+$0x280] =	vst v18  }
0x19c: {  	s30 =	simm.s32 $0x14;
	s17 =	simm.s32 $0x500;
	s29 =	sand.u32 $0x6000, s12;
	[tilespmem:s9+$0x180] =	vst v19;
	v18 =	vld.idx.msk [tilespmem:v6+s2+$0x0], $0xffff  }
0x19d: {  	s31 =	sand.u32 $0x2000, s17;
	s11 =	sadd.s32 $0x11600, s5;
	s5 =	sshrl.u32 s29, $0x2;
	v19 =	vld.idx.msk [tilespmem:v4+s8+$0x0], $0xffff;
	[tilespmem:s3+$0x500] =	vst v16  }
0x19e: {  	s13 =	sand.u32 $0x70, s30;
	s5 =	sor.u32 s5, s31;
	[tilespmem:s11+$0x80] =	vst v20;
	v16 =	vld.idx.msk [tilespmem:v11+s6+$0x0], $0xffff  }
0x19f: {  	s5 =	sor.u32 s13, s5;
	v20 =	vld.idx.msk [tilespmem:v2+s10+$0x0], $0xffff;
	[tilespmem:s1+$0x400] =	vst v17  }
0x1a0: {  	[tilespmem:s5+$0x11600] =	vst v21;
	v17 =	vld.idx.msk [tilespmem:v9+s0+$0x0], $0xffff  }
0x1a1: {  	v21 =	vld.idx.msk [tilespmem:v1+s14+$0x0], $0xffff;
	[tilespmem:s7+$0x300] =	vst v18  }
0x1a2: {  	[tilespmem:s9+$0x200] =	vst v19;
	v18 =	vld.idx.msk [tilespmem:v7+s2+$0x0], $0xffff  }
0x1a3: {  	v19 =	vld.idx.msk [tilespmem:v5+s8+$0x0], $0xffff;
	[tilespmem:s3+$0x580] =	vst v16  }
0x1a4: {  	[tilespmem:s11+$0x100] =	vst v20;
	v16 =	vld.idx.msk [tilespmem:v12+s6+$0x0], $0xffff  }
0x1a5: {  	s18 =	sadd.s32 $0x11600, s5;
	v20 =	vld.idx.msk [tilespmem:v3+s10+$0x0], $0xffff;
	[tilespmem:s1+$0x480] =	vst v17  }
0x1a6: {  	s16 =	simm.s32 $0x19C60;
	[tilespmem:s18+$0x80] =	vst v21;
	v17 =	vld.idx.msk [tilespmem:v10+s0+$0x0], $0xffff  }
0x1a7: {  	v21 =	vld.idx.msk [tilespmem:v0+s16+$0x0], $0xffff;
	[tilespmem:s7+$0x380] =	vst v18  }
0x1a8: {  	[tilespmem:s9+$0x280] =	vst v19;
	v22 =	vld.idx.msk [tilespmem:v8+s2+$0x0], $0xffff  }
0x1a9: {  	v23 =	vld.idx.msk [tilespmem:v6+s8+$0x0], $0xffff;
	[tilespmem:s3+$0x600] =	vst v16  }
0x1aa: {  	[tilespmem:s11+$0x180] =	vst v20;
	v18 =	vld.idx.msk [tilespmem:v13+s6+$0x0], $0xffff  }
0x1ab: {  	v19 =	vld.idx.msk [tilespmem:v4+s10+$0x0], $0xffff;
	[tilespmem:s1+$0x500] =	vst v17  }
0x1ac: {  	v17 =	vld.idx.msk [tilespmem:v11+s0+$0x0], $0xffff  }
0x1ad: {  	v20 =	vld.idx.msk [tilespmem:v2+s14+$0x0], $0xffff;
	[tilespmem:s7+$0x400] =	vst v22  }
0x1ae: {  	s20 =	simm.s32 $0x18;
	s21 =	simm.s32 $0x1C;
	[tilespmem:s9+$0x300] =	vst v23;
	v16 =	vld.idx.msk [tilespmem:v9+s2+$0x0], $0xffff  }
.LBB2_5:
0x1af: {  	p0 =	sne.s32 s21, $0xFC;
	s12 =	sadd.s32 $0x2000, s12;
	v22 =	vld.idx.msk [tilespmem:v7+s8+$0x0], $0xffff;
	[tilespmem:s3+$0x680] =	vst v18;
	s22 =	smov.u32 s11  }
0x1b0: {  	s17 =	sadd.s32 $0x100, s17;
	s11 =	smov.u32 s18;
	s5 =	sand.u32 $0x6000, s12;
	[tilespmem:s22+$0x200] =	vst v19;
	v18 =	vld.idx.msk [tilespmem:v14+s6+$0x0], $0xffff  }
0x1b1: {  	s13 =	sand.u32 $0x2000, s17;
	s5 =	sshrl.u32 s5, $0x2;
	v19 =	vld.idx.msk [tilespmem:v5+s10+$0x0], $0xffff;
	[tilespmem:s1+$0x580] =	vst v17  }
0x1b2: {  	s18 =	sand.u32 $0x70, s20;
	s20 =	smov.u32 s21;
	s5 =	sor.u32 s5, s13;
	[tilespmem:s11+$0x100] =	vst v20;
	v17 =	vld.idx.msk [tilespmem:v12+s0+$0x0], $0xffff  }
0x1b3: {  	s5 =	sor.u32 s18, s5;
	v20 =	vld.idx.msk [tilespmem:v3+s14+$0x0], $0xffff;
	[tilespmem:s7+$0x480] =	vst v16  }
0x1b4: {  	[tilespmem:s5+$0x11600] =	vst v21;
	v16 =	vld.idx.msk [tilespmem:v10+s2+$0x0], $0xffff  }
0x1b5: {  	v21 =	vld.idx.msk [tilespmem:v1+s16+$0x0], $0xffff;
	[tilespmem:s9+$0x380] =	vst v22  }
0x1b6: {  	v22 =	vld.idx.msk [tilespmem:v8+s8+$0x0], $0xffff;
	[tilespmem:s3+$0x700] =	vst v18  }
0x1b7: {  	[tilespmem:s22+$0x280] =	vst v19;
	v23 =	vld.idx.msk [tilespmem:v15+s6+$0x0], $0xffff;
	s6 =	smov.u32 s0;
	s0 =	smov.u32 s2;
	s2 =	smov.u32 s8  }
0x1b8: {  	s8 =	smov.u32 s10;
	v24 =	vld.idx.msk [tilespmem:v6+s10+$0x0], $0xffff;
	[tilespmem:s1+$0x600] =	vst v17;
	s10 =	smov.u32 s14;
	s14 =	smov.u32 s16  }
0x1b9: {  	[tilespmem:s11+$0x180] =	vst v20;
	v18 =	vld.idx.msk [tilespmem:v13+s6+$0x0], $0xffff  }
.Ltmp1:
0x1ba: {  	s18 =	sadd.s32 $0x11600, s5;
	v19 =	vld.idx.msk [tilespmem:v4+s10+$0x0], $0xffff;
	[tilespmem:s7+$0x500] =	vst v16;
	(pc) =	sbr.rel @p0 .LBB2_5-.Ltmp1, $4  }
0x1bb: {  	[tilespmem:s18+$0x80] =	vst v21;
	v17 =	vld.idx.msk [tilespmem:v11+s0+$0x0], $0xffff  }
0x1bc: {  	v20 =	vld.idx.msk [tilespmem:v2+s16+$0x0], $0xffff;
	[tilespmem:s9+$0x400] =	vst v22  }
0x1bd: {  	s16 =	sadd.s32 $0x110, s16;
	v16 =	vld.idx.msk [tilespmem:v9+s2+$0x0], $0xffff;
	[tilespmem:s3+$0x780] =	vst v23;
	s3 =	smov.u32 s1;
	s1 =	smov.u32 s7  }
0x1be: {  	s21 =	sadd.s32 $0x4, s21;
	s7 =	smov.u32 s9;
	s9 =	smov.u32 s22;
	v21 =	vld.idx.msk [tilespmem:v0+s16+$0x0], $0xffff;
	[tilespmem:s22+$0x300] =	vst v24  }
0x1bf: {  	s5 =	sadd.s32 $0x2000, s12  }
0x1c0: {  	s24 =	sadd.s32 $0x100, s17;
	s5 =	sand.u32 $0x6000, s5  }
0x1c1: {  	s12 =	sand.u32 $0x2000, s24;
	s5 =	sshrl.u32 s5, $0x2  }
0x1c2: {  	s13 =	sand.u32 $0x70, s20;
	s5 =	sor.u32 s5, s12  }
0x1c3: {  	s5 =	sor.u32 s13, s5  }
0x1c4: {  	[tilespmem:s5+$0x11600] =	vst v21  }
0x1c5: {  	v21 =	vld.idx.msk [tilespmem:v1+s16+$0x0], $0xffff;
	_ =	sdelay $0x3  }
0x1c6: {  	s25 =	sadd.s32 $0x11600, s5  }
0x1c7: {  	[tilespmem:s25+$0x80] =	vst v21  }
0x1c8: {  	v21 =	vld.idx.msk [tilespmem:v2+s16+$0x0], $0xffff;
	_ =	sdelay $0x2  }
0x1c9: {  	[tilespmem:s18+$0x100] =	vst v20  }
0x1ca: {  	v20 =	vld.idx.msk [tilespmem:v3+s14+$0x0], $0xffff  }
0x1cb: {  	[tilespmem:s25+$0x100] =	vst v21  }
0x1cc: {  	v21 =	vld.idx.msk [tilespmem:v3+s16+$0x0], $0xffff;
	_ =	sdelay $0x2  }
0x1cd: {  	[tilespmem:s18+$0x180] =	vst v20  }
0x1ce: {  	v20 =	vld.idx.msk [tilespmem:v4+s14+$0x0], $0xffff  }
0x1cf: {  	[tilespmem:s25+$0x180] =	vst v21  }
0x1d0: {  	v21 =	vld.idx.msk [tilespmem:v4+s16+$0x0], $0xffff;
	_ =	sdelay $0x1  }
0x1d1: {  	[tilespmem:s11+$0x200] =	vst v19  }
0x1d2: {  	v19 =	vld.idx.msk [tilespmem:v5+s10+$0x0], $0xffff;
	[tilespmem:s18+$0x200] =	vst v20  }
0x1d3: {  	v20 =	vld.idx.msk [tilespmem:v5+s14+$0x0], $0xffff  }
0x1d4: {  	[tilespmem:s25+$0x200] =	vst v21  }
0x1d5: {  	v21 =	vld.idx.msk [tilespmem:v5+s16+$0x0], $0xffff;
	_ =	sdelay $0x1  }
0x1d6: {  	[tilespmem:s11+$0x280] =	vst v19  }
0x1d7: {  	v19 =	vld.idx.msk [tilespmem:v6+s10+$0x0], $0xffff;
	[tilespmem:s18+$0x280] =	vst v20  }
0x1d8: {  	v20 =	vld.idx.msk [tilespmem:v6+s14+$0x0], $0xffff  }
0x1d9: {  	[tilespmem:s25+$0x280] =	vst v21  }
0x1da: {  	v21 =	vld.idx.msk [tilespmem:v6+s16+$0x0], $0xffff;
	_ =	sdelay $0x1  }
0x1db: {  	v22 =	vld.idx.msk [tilespmem:v7+s8+$0x0], $0xffff;
	[tilespmem:s11+$0x300] =	vst v19  }
0x1dc: {  	v19 =	vld.idx.msk [tilespmem:v7+s10+$0x0], $0xffff;
	[tilespmem:s18+$0x300] =	vst v20  }
0x1dd: {  	v20 =	vld.idx.msk [tilespmem:v7+s14+$0x0], $0xffff  }
0x1de: {  	[tilespmem:s25+$0x300] =	vst v21  }
0x1df: {  	v21 =	vld.idx.msk [tilespmem:v7+s16+$0x0], $0xffff  }
0x1e0: {  	[tilespmem:s9+$0x380] =	vst v22  }
0x1e1: {  	v22 =	vld.idx.msk [tilespmem:v8+s8+$0x0], $0xffff;
	[tilespmem:s11+$0x380] =	vst v19  }
0x1e2: {  	v19 =	vld.idx.msk [tilespmem:v8+s10+$0x0], $0xffff;
	[tilespmem:s18+$0x380] =	vst v20  }
0x1e3: {  	v20 =	vld.idx.msk [tilespmem:v8+s14+$0x0], $0xffff  }
0x1e4: {  	[tilespmem:s25+$0x380] =	vst v21  }
0x1e5: {  	[tilespmem:s3+$0x680] =	vst v18;
	v21 =	vld.idx.msk [tilespmem:v8+s16+$0x0], $0xffff  }
0x1e6: {  	[tilespmem:s9+$0x400] =	vst v22  }
0x1e7: {  	v18 =	vld.idx.msk [tilespmem:v9+s8+$0x0], $0xffff;
	[tilespmem:s11+$0x400] =	vst v19  }
0x1e8: {  	v19 =	vld.idx.msk [tilespmem:v9+s10+$0x0], $0xffff;
	[tilespmem:s18+$0x400] =	vst v20  }
0x1e9: {  	[tilespmem:s1+$0x580] =	vst v17;
	v20 =	vld.idx.msk [tilespmem:v9+s14+$0x0], $0xffff  }
0x1ea: {  	[tilespmem:s25+$0x400] =	vst v21  }
0x1eb: {  	[tilespmem:s7+$0x480] =	vst v16;
	v17 =	vld.idx.msk [tilespmem:v9+s16+$0x0], $0xffff  }
0x1ec: {  	v16 =	vld.idx.msk [tilespmem:v10+s2+$0x0], $0xffff;
	[tilespmem:s9+$0x480] =	vst v18  }
0x1ed: {  	v18 =	vld.idx.msk [tilespmem:v10+s8+$0x0], $0xffff;
	[tilespmem:s11+$0x480] =	vst v19  }
0x1ee: {  	v19 =	vld.idx.msk [tilespmem:v10+s10+$0x0], $0xffff;
	[tilespmem:s18+$0x480] =	vst v20  }
0x1ef: {  	v20 =	vld.idx.msk [tilespmem:v10+s14+$0x0], $0xffff  }
0x1f0: {  	v21 =	vld.idx.msk [tilespmem:v14+s6+$0x0], $0xffff;
	[tilespmem:s25+$0x480] =	vst v17  }
0x1f1: {  	[tilespmem:s7+$0x500] =	vst v16;
	v17 =	vld.idx.msk [tilespmem:v10+s16+$0x0], $0xffff  }
0x1f2: {  	v16 =	vld.idx.msk [tilespmem:v11+s2+$0x0], $0xffff;
	[tilespmem:s9+$0x500] =	vst v18  }
0x1f3: {  	v18 =	vld.idx.msk [tilespmem:v11+s8+$0x0], $0xffff;
	[tilespmem:s11+$0x500] =	vst v19  }
0x1f4: {  	v19 =	vld.idx.msk [tilespmem:v11+s10+$0x0], $0xffff;
	[tilespmem:s18+$0x500] =	vst v20  }
0x1f5: {  	v20 =	vld.idx.msk [tilespmem:v11+s14+$0x0], $0xffff;
	[tilespmem:s3+$0x700] =	vst v21  }
0x1f6: {  	v21 =	vld.idx.msk [tilespmem:v12+s0+$0x0], $0xffff;
	[tilespmem:s25+$0x500] =	vst v17  }
0x1f7: {  	[tilespmem:s7+$0x580] =	vst v16;
	v17 =	vld.idx.msk [tilespmem:v11+s16+$0x0], $0xffff  }
0x1f8: {  	v16 =	vld.idx.msk [tilespmem:v12+s2+$0x0], $0xffff;
	[tilespmem:s9+$0x580] =	vst v18  }
0x1f9: {  	v18 =	vld.idx.msk [tilespmem:v12+s8+$0x0], $0xffff;
	[tilespmem:s11+$0x580] =	vst v19  }
0x1fa: {  	v19 =	vld.idx.msk [tilespmem:v12+s10+$0x0], $0xffff;
	[tilespmem:s18+$0x580] =	vst v20  }
0x1fb: {  	v20 =	vld.idx.msk [tilespmem:v12+s14+$0x0], $0xffff;
	[tilespmem:s1+$0x600] =	vst v21  }
0x1fc: {  	v21 =	vld.idx.msk [tilespmem:v15+s6+$0x0], $0xffff;
	[tilespmem:s25+$0x580] =	vst v17  }
0x1fd: {  	[tilespmem:s7+$0x600] =	vst v16;
	v17 =	vld.idx.msk [tilespmem:v12+s16+$0x0], $0xffff  }
0x1fe: {  	v16 =	vld.idx.msk [tilespmem:v13+s2+$0x0], $0xffff;
	[tilespmem:s9+$0x600] =	vst v18  }
0x1ff: {  	v18 =	vld.idx.msk [tilespmem:v13+s8+$0x0], $0xffff;
	[tilespmem:s11+$0x600] =	vst v19  }
0x200: {  	v19 =	vld.idx.msk [tilespmem:v13+s10+$0x0], $0xffff;
	[tilespmem:s18+$0x600] =	vst v20  }
0x201: {  	v20 =	vld.idx.msk [tilespmem:v13+s14+$0x0], $0xffff;
	[tilespmem:s3+$0x780] =	vst v21  }
0x202: {  	v21 =	vld.idx.msk [tilespmem:v13+s0+$0x0], $0xffff;
	[tilespmem:s25+$0x600] =	vst v17  }
0x203: {  	[tilespmem:s7+$0x680] =	vst v16;
	v17 =	vld.idx.msk [tilespmem:v13+s16+$0x0], $0xffff  }
0x204: {  	v16 =	vld.idx.msk [tilespmem:v14+s2+$0x0], $0xffff;
	[tilespmem:s9+$0x680] =	vst v18  }
0x205: {  	v18 =	vld.idx.msk [tilespmem:v14+s8+$0x0], $0xffff;
	[tilespmem:s11+$0x680] =	vst v19  }
0x206: {  	v19 =	vld.idx.msk [tilespmem:v14+s10+$0x0], $0xffff;
	[tilespmem:s18+$0x680] =	vst v20  }
0x207: {  	v20 =	vld.idx.msk [tilespmem:v14+s14+$0x0], $0xffff;
	[tilespmem:s1+$0x680] =	vst v21  }
0x208: {  	v21 =	vld.idx.msk [tilespmem:v14+s0+$0x0], $0xffff;
	[tilespmem:s25+$0x680] =	vst v17  }
0x209: {  	[tilespmem:s7+$0x700] =	vst v16;
	v17 =	vld.idx.msk [tilespmem:v14+s16+$0x0], $0xffff  }
0x20a: {  	v16 =	vld.idx.msk [tilespmem:v15+s2+$0x0], $0xffff;
	[tilespmem:s9+$0x700] =	vst v18  }
0x20b: {  	v18 =	vld.idx.msk [tilespmem:v15+s8+$0x0], $0xffff;
	[tilespmem:s11+$0x700] =	vst v19  }
0x20c: {  	v19 =	vld.idx.msk [tilespmem:v15+s10+$0x0], $0xffff;
	[tilespmem:s18+$0x700] =	vst v20  }
0x20d: {  	v20 =	vld.idx.msk [tilespmem:v15+s14+$0x0], $0xffff;
	[tilespmem:s1+$0x700] =	vst v21  }
0x20e: {  	v21 =	vld.idx.msk [tilespmem:v15+s0+$0x0], $0xffff;
	[tilespmem:s25+$0x700] =	vst v17  }
0x20f: {  	[tilespmem:s7+$0x780] =	vst v16;
	v17 =	vld.idx.msk [tilespmem:v15+s16+$0x0], $0xffff  }
0x210: {  	[tilespmem:s9+$0x780] =	vst v18  }
0x211: {  	[tilespmem:s11+$0x780] =	vst v19  }
0x212: {  	[tilespmem:s18+$0x780] =	vst v20  }
0x213: {  	p0 =	seq.s32 s15, $0x31;
	[tilespmem:s1+$0x780] =	vst v21  }
0x214: {  	s4 =	sshll.u32 s15, $0x14;
	s17 =	sshll.u32 @!p0 s19, $0x7;
	[tilespmem:s25+$0x780] =	vst v17  }
0x215: {  	s2 =	simm.s32 @!p0 $0x9600;
	s0 =	sadd.s32 @!p0 $0x200, s17;
	s3 =	rddreg [dreg:$0x4]  }
0x216: {  	s0 =	sand.u32 @!p0 $0xFE00, s0;
	s1 =	simm.s32 @!p0 $0x80;
	s5 =	rddreg [dreg:$0x5]  }
0x217: {  	[tilespmem:s2], [sflag:$0x1] =	stream.indirect.gather @!p0 [hbm4b:s3+s1], $0x40, s0, s1, $0xb8;
	[tilespmem:$0x1DA00] =	vst v63  }
0x218: {  	s0 =	sor.u32 s5, s4  }
0x219: {  	s7 =	simm.s32 $0x8000;
	s18 =	sshrl.u32 s0, $0x3  }
0x21a: {  	s8 =	simm.s32 $0x11600;
	s6 =	simm.s32 $0x400;
	s0 =	sadd.s32 s26, s18  }
0x21b: {  	[hbm4b:s0+s6] =	stream.strided.scatter [tilespmem:s8], [sflag:$0x5], $0x2000, s7, s6, $0x38;
	[tilespmem:$0x1DA00] =	vst v63  }
0x21c: {  	s0 =	sadd.s32 @!p0 $0x280, s17  }
0x21d: {  	s9 =	rddreg [dreg:$0x8];
	s2 =	simm.s32 @!p0 $0xB600;
	s0 =	sand.u32 @!p0 $0xFE80, s0  }
0x21e: {  	[tilespmem:s2], [sflag:$0x2] =	stream.indirect.gather @!p0 [hbm4b:s3+s1], $0x40, s0, s1, $0xb8;
	[tilespmem:$0x1DA00] =	vst v63  }
0x21f: {  	s10 =	simm.s32 $0x13600;
	s11 =	simm.s32 $0x3;
	s0 =	sadd.s32 s18, s9  }
0x220: {  	[hbm4b:s0+s6] =	stream.strided.scatter [tilespmem:s10], [sflag:$0x6], $0x2000, s7, s6, $0x38;
	[tilespmem:$0x1DA00] =	vst v63  }
0x221: {  	_ =	swait.ge [sflag:s11], $0x2000  }
0x222: {  	[sflag:s11] =	ssyncset.done $0x0  }
0x223: {  	s0 =	simm.s32 @!p1 $0x7;
	[sflag:s11] =	ssyncadd.s32 $0xFFFFE000  }
0x224: {  	_ =	swait.ge @!p1 [sflag:s0], $0x2000  }
0x225: {  	[sflag:s0] =	ssyncset.done @!p1 $0x0  }
0x226: {  	s20 =	simm.s32 $0x0;
	[sflag:s0] =	ssyncadd.s32 @!p1 $0xFFFFE000;
	s0 =	simm.s32 @!p1 $0x4  }
0x227: {  	s19 =	sor.u32 $0x2, s19;
	s12 =	sand.u32 $0x7000, s20;
	_ =	swait.ge @!p1 [sflag:s0], $0x2000  }
0x228: {  	s13 =	simm.s32 $0x0;
	s1 =	simm.s32 @!p1 $0x8;
	[sflag:s0] =	ssyncset.done @!p1 $0x0  }
0x229: {  	s14 =	sadd.s32 $0x0, s19;
	s1 =	simm.s32 @p1 $0x4;
	[sflag:s0] =	ssyncadd.s32 @!p1 $0xFFFFE000  }
0x22a: {  	s2 =	sand.u32 $0x3FFFE000, s13;
	s0 =	sshrl.u32 s12, $0x2;
	_ =	swait.ge [sflag:s1], $0x2000  }
0x22b: {  	s16 =	sand.u32 $0x30, s20;
	s0 =	sor.u32 s0, s2;
	[sflag:s1] =	ssyncset.done $0x0  }
0x22c: {  	s21 =	sshll.u32 s14, $0x6;
	s6 =	sor.u32 s16, s0;
	[sflag:s1] =	ssyncadd.s32 $0xFFFFE000  }
0x22d: {  	s22 =	sand.u32 $0x3FFFFFC0, s21;
	v17 =	vld [tilespmem:s6+$0xD600]  }
0x22e: {  	s0 =	sor.u32 s16, s22  }
0x22f: {  	v16 =	vld [tilespmem:s0+$0x6400];
	_ =	sdelay $0x2  }
0x230: {  	v17 =	vmul.f32 $8.000000000e+00, v17;
	_ =	sdelay $0x1  }
0x231: {  	v17 =	vadd.f32 v17, v16  }
0x232: {  	s21 =	simm.s32 $0x19688  }
0x233: {  	[tilespmem:s21+$0xFFFFFF78] =	vst v17  }
0x234: {  	v17 =	vld [tilespmem:s6+$0xD640];
	_ =	sdelay $0x1  }
0x235: {  	s23 =	simm.s32 $0x400  }
0x236: {  	s24 =	simm.s32 $0x100;
	s25 =	simm.s32 $0x10;
	s0 =	sand.u32 $0x7000, s23  }
0x237: {  	s4 =	smov.u32 s26;
	s1 =	sand.u32 $0x3FFFE000, s24;
	s0 =	sshrl.u32 s0, $0x2  }
0x238: {  	s26 =	sadd.s32 $0x0, s19;
	s2 =	sand.u32 $0x30, s25;
	s0 =	sor.u32 s0, s1;
	v17 =	vmul.f32 $8.000000000e+00, v17  }
0x239: {  	s5 =	sshll.u32 s26, $0x6;
	s7 =	sor.u32 s2, s0  }
0x23a: {  	s8 =	sand.u32 $0x3FFFFFC0, s5;
	v18 =	vld [tilespmem:s7+$0xD600];
	v19 =	vadd.f32 v17, v16  }
0x23b: {  	s0 =	sor.u32 s2, s8  }
0x23c: {  	v17 =	vld [tilespmem:s0+$0x6400];
	[tilespmem:s21+$0xFFFFFF89] =	vst v19  }
0x23d: {  	v19 =	vld [tilespmem:s6+$0xD680];
	_ =	sdelay $0x1  }
0x23e: {  	v18 =	vmul.f32 $8.000000000e+00, v18;
	_ =	sdelay $0x1  }
0x23f: {  	v18 =	vadd.f32 v18, v17  }
0x240: {  	s22 =	simm.s32 $0x19798;
	v19 =	vmul.f32 $8.000000000e+00, v19  }
0x241: {  	[tilespmem:s22+$0xFFFFFF78] =	vst v18  }
0x242: {  	v18 =	vld [tilespmem:s7+$0xD640];
	v19 =	vadd.f32 v19, v16  }
0x243: {  	s9 =	simm.s32 $0x800  }
0x244: {  	s10 =	simm.s32 $0x200;
	s0 =	sand.u32 $0x7000, s9;
	[tilespmem:s21+$0xFFFFFF9A] =	vst v19  }
0x245: {  	s11 =	simm.s32 $0x20;
	s1 =	sand.u32 $0x3FFFE000, s10;
	s0 =	sshrl.u32 s0, $0x2;
	v19 =	vld [tilespmem:s6+$0xD6C0]  }
0x246: {  	s12 =	sadd.s32 $0x0, s19;
	s2 =	sand.u32 $0x30, s11;
	s0 =	sor.u32 s0, s1  }
0x247: {  	s13 =	sshll.u32 s12, $0x6;
	s3 =	sor.u32 s2, s0;
	v18 =	vmul.f32 $8.000000000e+00, v18  }
0x248: {  	s14 =	sand.u32 $0x3FFFFFC0, s13;
	v20 =	vld [tilespmem:s3+$0xD600]  }
0x249: {  	s0 =	sor.u32 s2, s14;
	v21 =	vadd.f32 v18, v17  }
0x24a: {  	v18 =	vld [tilespmem:s0+$0x6400];
	v19 =	vmul.f32 $8.000000000e+00, v19  }
0x24b: {  	[tilespmem:s22+$0xFFFFFF89] =	vst v21  }
0x24c: {  	v21 =	vld [tilespmem:s7+$0xD680];
	v19 =	vadd.f32 v19, v16  }
0x24d: {  	v20 =	vmul.f32 $8.000000000e+00, v20  }
0x24e: {  	[tilespmem:s21+$0xFFFFFFAB] =	vst v19  }
0x24f: {  	v20 =	vadd.f32 v20, v18;
	v19 =	vld [tilespmem:s6+$0xD700]  }
0x250: {  	s11 =	simm.s32 $0x198A8  }
0x251: {  	[tilespmem:s11+$0xFFFFFF78] =	vst v20;
	v21 =	vmul.f32 $8.000000000e+00, v21  }
0x252: {  	v20 =	vld [tilespmem:s3+$0xD640]  }
0x253: {  	v21 =	vadd.f32 v21, v17  }
0x254: {  	v19 =	vmul.f32 $8.000000000e+00, v19  }
0x255: {  	s16 =	simm.s32 $0xC00;
	[tilespmem:s22+$0xFFFFFF9A] =	vst v21  }
0x256: {  	s25 =	sadd.s32 $0x0, s19;
	s23 =	simm.s32 $0x300;
	s0 =	sand.u32 $0x7000, s16;
	v21 =	vld [tilespmem:s7+$0xD6C0];
	v19 =	vadd.f32 v19, v16  }
0x257: {  	s24 =	simm.s32 $0x30;
	s1 =	sand.u32 $0x3FFFE000, s23;
	s0 =	sshrl.u32 s0, $0x2;
	v20 =	vmul.f32 $8.000000000e+00, v20  }
0x258: {  	s26 =	sshll.u32 s25, $0x6;
	s2 =	sand.u32 $0x30, s24;
	s0 =	sor.u32 s0, s1;
	[tilespmem:s21+$0xFFFFFFBC] =	vst v19  }
0x259: {  	s5 =	sand.u32 $0x3FFFFFC0, s26;
	s30 =	sor.u32 s2, s0;
	v20 =	vadd.f32 v20, v18;
	v22 =	vld [tilespmem:s6+$0xD740]  }
0x25a: {  	s0 =	sor.u32 s2, s5;
	v23 =	vld [tilespmem:s30+$0xD600]  }
0x25b: {  	v19 =	vld [tilespmem:s0+$0x6400];
	[tilespmem:s11+$0xFFFFFF89] =	vst v20;
	v21 =	vmul.f32 $8.000000000e+00, v21  }
0x25c: {  	v20 =	vld [tilespmem:s3+$0xD680]  }
0x25d: {  	v21 =	vadd.f32 v21, v17  }
0x25e: {  	v22 =	vmul.f32 $8.000000000e+00, v22  }
0x25f: {  	v23 =	vmul.f32 $8.000000000e+00, v23;
	[tilespmem:s22+$0xFFFFFFAB] =	vst v21  }
0x260: {  	v21 =	vld [tilespmem:s7+$0xD700];
	v22 =	vadd.f32 v22, v16  }
0x261: {  	v23 =	vadd.f32 v23, v19;
	v20 =	vmul.f32 $8.000000000e+00, v20  }
0x262: {  	s29 =	simm.s32 $0x199B8;
	[tilespmem:s21+$0xFFFFFFCD] =	vst v22  }
0x263: {  	[tilespmem:s29+$0xFFFFFF78] =	vst v23;
	v20 =	vadd.f32 v20, v18;
	v22 =	vld [tilespmem:s6+$0xD780]  }
0x264: {  	v23 =	vld [tilespmem:s30+$0xD640]  }
0x265: {  	[tilespmem:s11+$0xFFFFFF9A] =	vst v20;
	v21 =	vmul.f32 $8.000000000e+00, v21  }
0x266: {  	s8 =	simm.s32 $0x1000;
	v24 =	vld [tilespmem:s3+$0xD6C0]  }
0x267: {  	s12 =	simm.s32 $0x40;
	s10 =	simm.s32 $0x400;
	s0 =	sand.u32 $0x7000, s8;
	v20 =	vadd.f32 v21, v17  }
0x268: {  	s9 =	sadd.s32 $0x0, s19;
	s2 =	sand.u32 $0x3FFFE000, s10;
	s0 =	sshrl.u32 s0, $0x2;
	v21 =	vmul.f32 $8.000000000e+00, v22  }
0x269: {  	s1 =	sshll.u32 s9, $0x6;
	s5 =	sand.u32 $0x30, s12;
	s0 =	sor.u32 s0, s2;
	[tilespmem:s22+$0xFFFFFFBC] =	vst v20;
	v22 =	vmul.f32 $8.000000000e+00, v23  }
0x26a: {  	s1 =	sand.u32 $0x3FFFFFC0, s1;
	s0 =	sor.u32 s5, s0;
	v23 =	vld [tilespmem:s7+$0xD740];
	v21 =	vadd.f32 v21, v16  }
0x26b: {  	s1 =	sor.u32 s5, s1;
	v25 =	vld [tilespmem:s0+$0xD600];
	v24 =	vmul.f32 $8.000000000e+00, v24;
	v22 =	vadd.f32 v22, v19  }
0x26c: {  	v20 =	vld [tilespmem:s1+$0x6400];
	[tilespmem:s21+$0xFFFFFFDE] =	vst v21  }
0x26d: {  	v24 =	vadd.f32 v24, v18;
	[tilespmem:s29+$0xFFFFFF89] =	vst v22;
	v21 =	vld [tilespmem:s6+$0xD7C0]  }
0x26e: {  	v22 =	vld [tilespmem:s30+$0xD680]  }
0x26f: {  	[tilespmem:s11+$0xFFFFFFAB] =	vst v24;
	v23 =	vmul.f32 $8.000000000e+00, v23  }
0x270: {  	v25 =	vmul.f32 $8.000000000e+00, v25;
	v24 =	vld [tilespmem:s3+$0xD700]  }
0x271: {  	v23 =	vadd.f32 v23, v17  }
0x272: {  	v25 =	vadd.f32 v25, v20;
	v21 =	vmul.f32 $8.000000000e+00, v21  }
0x273: {  	s31 =	simm.s32 $0x19AC8;
	[tilespmem:s22+$0xFFFFFFCD] =	vst v23;
	v22 =	vmul.f32 $8.000000000e+00, v22  }
0x274: {  	[tilespmem:s31+$0xFFFFFF78] =	vst v25;
	v23 =	vld [tilespmem:s7+$0xD780];
	v21 =	vadd.f32 v21, v16  }
0x275: {  	v25 =	vld [tilespmem:s0+$0xD640];
	v24 =	vmul.f32 $8.000000000e+00, v24;
	v22 =	vadd.f32 v22, v19  }
0x276: {  	[tilespmem:s21+$0xFFFFFFEF] =	vst v21  }
0x277: {  	s13 =	simm.s32 $0x1400;
	v24 =	vadd.f32 v24, v18;
	[tilespmem:s29+$0xFFFFFF9A] =	vst v22;
	v21 =	vld [tilespmem:s6+$0xD800]  }
0x278: {  	s23 =	simm.s32 $0x50;
	s16 =	simm.s32 $0x500;
	s1 =	sand.u32 $0x7000, s13;
	v22 =	vld [tilespmem:s30+$0xD6C0]  }
0x279: {  	s14 =	sadd.s32 $0x0, s19;
	s5 =	sand.u32 $0x3FFFE000, s16;
	s1 =	sshrl.u32 s1, $0x2;
	[tilespmem:s11+$0xFFFFFFBC] =	vst v24;
	v23 =	vmul.f32 $8.000000000e+00, v23  }
0x27a: {  	s8 =	sand.u32 $0x30, s23;
	s2 =	sshll.u32 s14, $0x6;
	s1 =	sor.u32 s1, s5;
	v25 =	vmul.f32 $8.000000000e+00, v25;
	v24 =	vld [tilespmem:s3+$0xD740]  }
0x27b: {  	s2 =	sand.u32 $0x3FFFFFC0, s2;
	s16 =	sor.u32 s8, s1;
	v23 =	vadd.f32 v23, v17  }
0x27c: {  	s24 =	sor.u32 s8, s2;
	v26 =	vld [tilespmem:s16+$0xD600];
	v25 =	vadd.f32 v25, v20;
	v27 =	vmul.f32 $8.000000000e+00, v21  }
0x27d: {  	[tilespmem:s22+$0xFFFFFFDE] =	vst v23;
	v21 =	vld [tilespmem:s24+$0x6400];
	v22 =	vmul.f32 $8.000000000e+00, v22  }
0x27e: {  	[tilespmem:s31+$0xFFFFFF89] =	vst v25;
	v23 =	vld [tilespmem:s7+$0xD7C0];
	v25 =	vadd.f32 v27, v16  }
0x27f: {  	v24 =	vmul.f32 $8.000000000e+00, v24;
	v27 =	vld [tilespmem:s0+$0xD680];
	v22 =	vadd.f32 v22, v19  }
0x280: {  	[tilespmem:s21+$0x0] =	vst v25  }
0x281: {  	v24 =	vadd.f32 v24, v18;
	v25 =	vmul.f32 $8.000000000e+00, v26;
	[tilespmem:s29+$0xFFFFFFAB] =	vst v22;
	v22 =	vld [tilespmem:s6+$0xD840]  }
0x282: {  	v26 =	vld [tilespmem:s30+$0xD700]  }
0x283: {  	[tilespmem:s11+$0xFFFFFFCD] =	vst v24;
	v23 =	vmul.f32 $8.000000000e+00, v23;
	v25 =	vadd.f32 v25, v21  }
0x284: {  	s14 =	simm.s32 $0x19BD8;
	v24 =	vld [tilespmem:s3+$0xD780];
	v27 =	vmul.f32 $8.000000000e+00, v27  }
0x285: {  	v23 =	vadd.f32 v23, v17;
	[tilespmem:s14+$0xFFFFFF78] =	vst v25  }
0x286: {  	v25 =	vld [tilespmem:s16+$0xD640];
	v27 =	vadd.f32 v27, v20;
	v22 =	vmul.f32 $8.000000000e+00, v22  }
0x287: {  	[tilespmem:s22+$0xFFFFFFEF] =	vst v23;
	v26 =	vmul.f32 $8.000000000e+00, v26  }
0x288: {  	s25 =	simm.s32 $0x1800;
	v23 =	vld [tilespmem:s7+$0xD800];
	[tilespmem:s31+$0xFFFFFF9A] =	vst v27;
	v22 =	vadd.f32 v22, v16  }
0x289: {  	s1 =	sand.u32 $0x7000, s25;
	s8 =	simm.s32 $0x600;
	v24 =	vmul.f32 $8.000000000e+00, v24;
	v27 =	vld [tilespmem:s0+$0xD6C0];
	v26 =	vadd.f32 v26, v19  }
0x28a: {  	s9 =	simm.s32 $0x60;
	s5 =	sand.u32 $0x3FFFE000, s8;
	s1 =	sshrl.u32 s1, $0x2;
	[tilespmem:s21+$0x11] =	vst v22  }
0x28b: {  	s26 =	sadd.s32 $0x0, s19;
	s8 =	sand.u32 $0x30, s9;
	s1 =	sor.u32 s1, s5;
	v24 =	vadd.f32 v24, v18;
	v22 =	vmul.f32 $8.000000000e+00, v25;
	[tilespmem:s29+$0xFFFFFFBC] =	vst v26;
	v25 =	vld [tilespmem:s6+$0xD880]  }
0x28c: {  	s2 =	sshll.u32 s26, $0x6;
	s24 =	sor.u32 s8, s1;
	v26 =	vld [tilespmem:s30+$0xD740]  }
0x28d: {  	s2 =	sand.u32 $0x3FFFFFC0, s2;
	v28 =	vld [tilespmem:s24+$0xD600];
	[tilespmem:s11+$0xFFFFFFDE] =	vst v24;
	v23 =	vmul.f32 $8.000000000e+00, v23;
	v29 =	vadd.f32 v22, v21  }
0x28e: {  	s10 =	sor.u32 s8, s2;
	v24 =	vld [tilespmem:s3+$0xD7C0];
	v27 =	vmul.f32 $8.000000000e+00, v27  }
0x28f: {  	v22 =	vld [tilespmem:s10+$0x6400];
	v23 =	vadd.f32 v23, v17;
	[tilespmem:s14+$0xFFFFFF89] =	vst v29  }
0x290: {  	v29 =	vld [tilespmem:s16+$0xD680];
	v27 =	vadd.f32 v27, v20;
	v25 =	vmul.f32 $8.000000000e+00, v25  }
0x291: {  	[tilespmem:s22+$0x0] =	vst v23;
	v26 =	vmul.f32 $8.000000000e+00, v26  }
0x292: {  	v23 =	vmul.f32 $8.000000000e+00, v28;
	[tilespmem:s31+$0xFFFFFFAB] =	vst v27;
	v27 =	vld [tilespmem:s7+$0xD840];
	v25 =	vadd.f32 v25, v16  }
0x293: {  	v28 =	vld [tilespmem:s0+$0xD700];
	v26 =	vadd.f32 v26, v19  }
0x294: {  	v24 =	vmul.f32 $8.000000000e+00, v24;
	v23 =	vadd.f32 v23, v22;
	[tilespmem:s21+$0x22] =	vst v25  }
0x295: {  	s2 =	simm.s32 $0x19CE8;
	v25 =	vmul.f32 $8.000000000e+00, v29;
	[tilespmem:s29+$0xFFFFFFCD] =	vst v26;
	v26 =	vld [tilespmem:s6+$0xD8C0]  }
0x296: {  	[tilespmem:s2+$0xFFFFFF78] =	vst v23;
	v23 =	vadd.f32 v24, v18;
	v29 =	vld [tilespmem:s30+$0xD780]  }
0x297: {  	s12 =	sadd.s32 $0x0, s19;
	v24 =	vld [tilespmem:s24+$0xD640];
	v25 =	vadd.f32 v25, v21;
	v27 =	vmul.f32 $8.000000000e+00, v27  }
0x298: {  	s13 =	simm.s32 $0x70;
	s1 =	sshll.u32 s12, $0x6;
	[tilespmem:s11+$0xFFFFFFEF] =	vst v23;
	v28 =	vmul.f32 $8.000000000e+00, v28  }
0x299: {  	s23 =	simm.s32 $0x1C00;
	s5 =	sand.u32 $0x30, s13;
	s1 =	sand.u32 $0x3FFFFFC0, s1;
	[tilespmem:s14+$0xFFFFFF9A] =	vst v25;
	v25 =	vld [tilespmem:s3+$0xD800];
	v27 =	vadd.f32 v27, v17  }
0x29a: {  	s25 =	simm.s32 $0x700;
	s8 =	sand.u32 $0x7000, s23;
	s1 =	sor.u32 s5, s1;
	v30 =	vld [tilespmem:s16+$0xD6C0];
	v28 =	vadd.f32 v28, v20;
	v26 =	vmul.f32 $8.000000000e+00, v26  }
0x29b: {  	s26 =	sand.u32 $0x3FFFE000, s25;
	s8 =	sshrl.u32 s8, $0x2;
	v23 =	vld [tilespmem:s1+$0x6400];
	v29 =	vmul.f32 $8.000000000e+00, v29;
	[tilespmem:s22+$0x11] =	vst v27  }
0x29c: {  	s1 =	sor.u32 s8, s26;
	v24 =	vmul.f32 $8.000000000e+00, v24;
	[tilespmem:s31+$0xFFFFFFBC] =	vst v28;
	v27 =	vld [tilespmem:s7+$0xD880];
	v26 =	vadd.f32 v26, v16  }
0x29d: {  	s25 =	sor.u32 s5, s1;
	v28 =	vld [tilespmem:s0+$0xD740];
	v29 =	vadd.f32 v29, v19  }
0x29e: {  	v31 =	vld [tilespmem:s25+$0xD600];
	v24 =	vadd.f32 v24, v22;
	v25 =	vmul.f32 $8.000000000e+00, v25;
	[tilespmem:s21+$0x33] =	vst v26  }
0x29f: {  	v26 =	vmul.f32 $8.000000000e+00, v30;
	[tilespmem:s29+$0xFFFFFFDE] =	vst v29;
	v29 =	vld [tilespmem:s6+$0xD900]  }
0x2a0: {  	[tilespmem:s2+$0xFFFFFF89] =	vst v24;
	v24 =	vld [tilespmem:s30+$0xD7C0];
	v25 =	vadd.f32 v25, v18  }
0x2a1: {  	v30 =	vld [tilespmem:s24+$0xD680];
	v26 =	vadd.f32 v26, v21;
	v27 =	vmul.f32 $8.000000000e+00, v27  }
0x2a2: {  	v28 =	vmul.f32 $8.000000000e+00, v28;
	[tilespmem:s11+$0x0] =	vst v25  }
0x2a3: {  	v25 =	vmul.f32 $8.000000000e+00, v31;
	[tilespmem:s14+$0xFFFFFFAB] =	vst v26;
	v26 =	vld [tilespmem:s3+$0xD840];
	v27 =	vadd.f32 v27, v17  }
0x2a4: {  	v31 =	vld [tilespmem:s16+$0xD700];
	v28 =	vadd.f32 v28, v20;
	v29 =	vmul.f32 $8.000000000e+00, v29  }
0x2a5: {  	v25 =	vadd.f32 v25, v23;
	v24 =	vmul.f32 $8.000000000e+00, v24;
	[tilespmem:s22+$0x22] =	vst v27  }
0x2a6: {  	s28 =	simm.s32 $0x19DF8;
	v27 =	vmul.f32 $8.000000000e+00, v30;
	[tilespmem:s31+$0xFFFFFFCD] =	vst v28;
	v28 =	vld [tilespmem:s7+$0xD8C0];
	v29 =	vadd.f32 v29, v16  }
0x2a7: {  	[tilespmem:s28+$0xFFFFFF78] =	vst v25;
	v25 =	vld [tilespmem:s0+$0xD780];
	v24 =	vadd.f32 v24, v19  }
0x2a8: {  	s9 =	sadd.s32 $0x0, s19;
	v30 =	vld [tilespmem:s25+$0xD640];
	v27 =	vadd.f32 v27, v22;
	v26 =	vmul.f32 $8.000000000e+00, v26;
	[tilespmem:s21+$0x44] =	vst v29  }
0x2a9: {  	s10 =	simm.s32 $0x80;
	s1 =	sshll.u32 s9, $0x6;
	v29 =	vmul.f32 $8.000000000e+00, v31;
	[tilespmem:s29+$0xFFFFFFEF] =	vst v24;
	v31 =	vld [tilespmem:s6+$0xD940]  }
0x2aa: {  	s12 =	simm.s32 $0x2000;
	s5 =	sand.u32 $0x30, s10;
	s1 =	sand.u32 $0x3FFFFFC0, s1;
	[tilespmem:s2+$0xFFFFFF9A] =	vst v27;
	v27 =	vld [tilespmem:s30+$0xD800];
	v26 =	vadd.f32 v26, v18  }
0x2ab: {  	s13 =	simm.s32 $0x800;
	s8 =	sand.u32 $0x7000, s12;
	s1 =	sor.u32 s5, s1;
	v32 =	vld [tilespmem:s24+$0xD6C0];
	v29 =	vadd.f32 v29, v21;
	v28 =	vmul.f32 $8.000000000e+00, v28  }
0x2ac: {  	s23 =	sand.u32 $0x3FFFE000, s13;
	s8 =	sshrl.u32 s8, $0x2;
	v24 =	vld [tilespmem:s1+$0x6400];
	v25 =	vmul.f32 $8.000000000e+00, v25;
	[tilespmem:s11+$0x11] =	vst v26  }
0x2ad: {  	s1 =	sor.u32 s8, s23;
	v26 =	vmul.f32 $8.000000000e+00, v30;
	[tilespmem:s14+$0xFFFFFFBC] =	vst v29;
	v29 =	vld [tilespmem:s3+$0xD880];
	v28 =	vadd.f32 v28, v17  }
0x2ae: {  	s1 =	sor.u32 s5, s1;
	v30 =	vld [tilespmem:s16+$0xD740];
	v25 =	vadd.f32 v25, v20;
	v31 =	vmul.f32 $8.000000000e+00, v31  }
0x2af: {  	v33 =	vld [tilespmem:s1+$0xD600];
	v26 =	vadd.f32 v26, v23;
	v27 =	vmul.f32 $8.000000000e+00, v27;
	[tilespmem:s22+$0x33] =	vst v28  }
0x2b0: {  	v28 =	vmul.f32 $8.000000000e+00, v32;
	[tilespmem:s31+$0xFFFFFFDE] =	vst v25;
	v25 =	vld [tilespmem:s7+$0xD900];
	v31 =	vadd.f32 v31, v16  }
0x2b1: {  	[tilespmem:s28+$0xFFFFFF89] =	vst v26;
	v26 =	vld [tilespmem:s0+$0xD7C0];
	v27 =	vadd.f32 v27, v19  }
0x2b2: {  	s26 =	sadd.s32 $0x0, s19;
	v61 =	vld [tilespmem:s25+$0xD680];
	v28 =	vadd.f32 v28, v22;
	v29 =	vmul.f32 $8.000000000e+00, v29;
	[tilespmem:s21+$0x55] =	vst v31  }
0x2b3: {  	s9 =	simm.s32 $0x90;
	s5 =	sshll.u32 s26, $0x6;
	v30 =	vmul.f32 $8.000000000e+00, v30;
	[tilespmem:s29+$0x0] =	vst v27;
	v27 =	vld [tilespmem:s6+$0xD980]  }
0x2b4: {  	s26 =	sand.u32 $0x30, s9;
	s5 =	sand.u32 $0x3FFFFFC0, s5;
	v31 =	vmul.f32 $8.000000000e+00, v33;
	[tilespmem:s2+$0xFFFFFFAB] =	vst v28;
	v28 =	vld [tilespmem:s30+$0xD840];
	v29 =	vadd.f32 v29, v18  }
0x2b5: {  	s5 =	sor.u32 s26, s5;
	v62 =	vld [tilespmem:s24+$0xD700];
	v30 =	vadd.f32 v30, v21;
	v34 =	vmul.f32 $8.000000000e+00, v25  }
0x2b6: {  	v25 =	vld [tilespmem:s5+$0x6400];
	v31 =	vadd.f32 v31, v24;
	v26 =	vmul.f32 $8.000000000e+00, v26;
	[tilespmem:s11+$0x22] =	vst v29  }
0x2b7: {  	s23 =	simm.s32 $0x19F08;
	v29 =	vmul.f32 $8.000000000e+00, v61;
	[tilespmem:s14+$0xFFFFFFCD] =	vst v30;
	v35 =	vld [tilespmem:s3+$0xD8C0];
	v34 =	vadd.f32 v34, v17  }
0x2b8: {  	[tilespmem:s23+$0xFFFFFF78] =	vst v31;
	v30 =	vld [tilespmem:s16+$0xD780];
	v26 =	vadd.f32 v26, v20;
	v27 =	vmul.f32 $8.000000000e+00, v27  }
0x2b9: {  	v32 =	vld [tilespmem:s1+$0xD640];
	v29 =	vadd.f32 v29, v23;
	[tilespmem:s22+$0x44] =	vst v34;
	v28 =	vmul.f32 $8.000000000e+00, v28  }
0x2ba: {  	v33 =	vmul.f32 $8.000000000e+00, v62;
	[tilespmem:s31+$0xFFFFFFEF] =	vst v26;
	v26 =	vld [tilespmem:s7+$0xD940];
	v63 =	vadd.f32 v27, v16  }
0x2bb: {  	s12 =	simm.s32 $0xA;
	s10 =	simm.s32 $0x2400;
	[tilespmem:s28+$0xFFFFFF9A] =	vst v29;
	v29 =	vld [tilespmem:s0+$0xD800];
	v28 =	vadd.f32 v28, v19  }
0x2bc: {  	s13 =	sand.u32 $0x7000, s10;
	s8 =	simm.s32 $0x19F08;
	s5 =	simm.s32 $0x900;
	v31 =	vld [tilespmem:s25+$0xD6C0];
	v33 =	vadd.f32 v33, v22;
	v27 =	vmul.f32 $8.000000000e+00, v35;
	[tilespmem:s21+$0x66] =	vst v63  }
.LBB2_7:
0x2bd: {  	p1 =	sne.s32 s12, $0x3F;
	s5 =	sand.u32 $0x3FFFE000, s5;
	s13 =	sshrl.u32 s13, $0x2;
	v30 =	vmul.f32 $8.000000000e+00, v30;
	[tilespmem:s29+$0x11] =	vst v28;
	v28 =	vld [tilespmem:s6+$0xD9C0]  }
0x2be: {  	s6 =	smov.u32 s7;
	s7 =	smov.u32 s3;
	s5 =	sor.u32 s13, s5;
	v32 =	vmul.f32 $8.000000000e+00, v32;
	[tilespmem:s2+$0xFFFFFFBC] =	vst v33;
	v33 =	vld [tilespmem:s30+$0xD880];
	v27 =	vadd.f32 v27, v18  }
0x2bf: {  	s3 =	smov.u32 s30;
	s30 =	smov.u32 s0;
	s5 =	sor.u32 s26, s5;
	v34 =	vld [tilespmem:s24+$0xD740];
	v30 =	vadd.f32 v30, v21;
	v26 =	vmul.f32 $8.000000000e+00, v26  }
0x2c0: {  	s0 =	smov.u32 s16;
	s16 =	smov.u32 s24;
	s24 =	smov.u32 s25;
	v35 =	vld [tilespmem:s5+$0xD600];
	v32 =	vadd.f32 v32, v24;
	v29 =	vmul.f32 $8.000000000e+00, v29;
	[tilespmem:s11+$0x33] =	vst v27  }
0x2c1: {  	s25 =	smov.u32 s1;
	s1 =	smov.u32 s5;
	v27 =	vmul.f32 $8.000000000e+00, v31;
	[tilespmem:s14+$0xFFFFFFDE] =	vst v30;
	v30 =	vld [tilespmem:s7+$0xD900];
	v26 =	vadd.f32 v26, v17  }
0x2c2: {  	s5 =	sshrl.u32 s12, $0x5;
	[tilespmem:s23+$0xFFFFFF89] =	vst v32;
	v31 =	vld [tilespmem:s0+$0xD7C0];
	v29 =	vadd.f32 v29, v20;
	v28 =	vmul.f32 $8.000000000e+00, v28  }
0x2c3: {  	s5 =	sadd.s32 s19, s5;
	v32 =	vld [tilespmem:s25+$0xD680];
	v27 =	vadd.f32 v27, v23;
	v33 =	vmul.f32 $8.000000000e+00, v33;
	[tilespmem:s22+$0x55] =	vst v26  }
0x2c4: {  	s9 =	sadd.s32 $0x10, s9;
	s5 =	sshll.u32 s5, $0x6;
	v26 =	vmul.f32 $8.000000000e+00, v34;
	[tilespmem:s31+$0x0] =	vst v29;
	v29 =	vld [tilespmem:s6+$0xD980];
	v28 =	vadd.f32 v28, v16;
	v16 =	vmovc v17;
	v17 =	vmovc v18;
	v18 =	vmov v19  }
0x2c5: {  	s26 =	sand.u32 $0x30, s9;
	s5 =	sand.u32 $0x3FFFFFC0, s5;
	v19 =	vmovc v20;
	v20 =	vmovc v21;
	v21 =	vmov v22;
	v34 =	vmul.f32 $8.000000000e+00, v35;
	[tilespmem:s28+$0xFFFFFFAB] =	vst v27;
	v27 =	vld [tilespmem:s30+$0xD840];
	v33 =	vadd.f32 v33, v18  }
0x2c6: {  	s5 =	sor.u32 s26, s5;
	v22 =	vmovc v23;
	v23 =	vmovc v24;
	v24 =	vmov v25;
	v35 =	vld [tilespmem:s24+$0xD700];
	v26 =	vadd.f32 v26, v21;
	v30 =	vmul.f32 $8.000000000e+00, v30;
	[tilespmem:s21+$0x77] =	vst v28;
	s21 =	smov.u32 s22;
	s22 =	smov.u32 s11  }
0x2c7: {  	s11 =	smov.u32 s29;
	v25 =	vld [tilespmem:s5+$0x6400];
	v28 =	vadd.f32 v34, v24;
	v31 =	vmul.f32 $8.000000000e+00, v31;
	[tilespmem:s29+$0x22] =	vst v33;
	s29 =	smov.u32 s31;
	s31 =	smov.u32 s14  }
0x2c8: {  	s23 =	sadd.s32 $0x110, s23;
	s14 =	smov.u32 s2;
	v33 =	vmul.f32 $8.000000000e+00, v32;
	[tilespmem:s2+$0xFFFFFFCD] =	vst v26;
	v34 =	vld [tilespmem:s3+$0xD8C0];
	v26 =	vadd.f32 v30, v17;
	s2 =	smov.u32 s28  }
.Ltmp2:
0x2c9: {  	s28 =	smov.u32 s8;
	s8 =	smov.u32 s23;
	[tilespmem:s23+$0xFFFFFF78] =	vst v28;
	v30 =	vld [tilespmem:s16+$0xD780];
	v28 =	vadd.f32 v31, v20;
	v29 =	vmul.f32 $8.000000000e+00, v29;
	(pc) =	sbr.rel @p1 .LBB2_7-.Ltmp2, $4  }
0x2ca: {  	v32 =	vld [tilespmem:s1+$0xD640];
	v31 =	vadd.f32 v33, v23;
	v27 =	vmul.f32 $8.000000000e+00, v27;
	[tilespmem:s22+$0x44] =	vst v26  }
0x2cb: {  	v33 =	vmul.f32 $8.000000000e+00, v35;
	[tilespmem:s31+$0xFFFFFFEF] =	vst v28;
	v26 =	vld [tilespmem:s7+$0xD940];
	v35 =	vadd.f32 v29, v16  }
0x2cc: {  	s10 =	sadd.s32 $0x400, s10;
	[tilespmem:s28+$0xFFFFFF9A] =	vst v31;
	v29 =	vld [tilespmem:s0+$0xD800];
	v28 =	vadd.f32 v27, v19  }
0x2cd: {  	s13 =	sand.u32 $0x7000, s10;
	s5 =	sshll.u32 s12, $0x8;
	s12 =	sadd.s32 $0x1, s12;
	v31 =	vld [tilespmem:s25+$0xD6C0];
	v33 =	vadd.f32 v33, v22;
	v27 =	vmul.f32 $8.000000000e+00, v34;
	[tilespmem:s21+$0x66] =	vst v35  }
0x2ce: {  	s5 =	sand.u32 $0x3FFFE000, s5;
	s9 =	sshrl.u32 s13, $0x2  }
0x2cf: {  	s5 =	sor.u32 s9, s5  }
0x2d0: {  	s10 =	sor.u32 s26, s5  }
0x2d1: {  	v34 =	vld [tilespmem:s10+$0xD600];
	_ =	sdelay $0x4  }
0x2d2: {  	v34 =	vmul.f32 $8.000000000e+00, v34;
	_ =	sdelay $0x1  }
0x2d3: {  	v34 =	vadd.f32 v34, v25  }
0x2d4: {  	s5 =	sadd.s32 $0x110, s23  }
0x2d5: {  	[tilespmem:s5+$0xFFFFFF78] =	vst v34  }
0x2d6: {  	v34 =	vld [tilespmem:s10+$0xD640];
	_ =	sdelay $0x3  }
0x2d7: {  	v32 =	vmul.f32 $8.000000000e+00, v32  }
0x2d8: {  	v34 =	vmul.f32 $8.000000000e+00, v34  }
0x2d9: {  	v32 =	vadd.f32 v32, v24  }
0x2da: {  	v34 =	vadd.f32 v34, v25  }
0x2db: {  	[tilespmem:s23+$0xFFFFFF89] =	vst v32  }
0x2dc: {  	v32 =	vld [tilespmem:s1+$0xD680];
	[tilespmem:s5+$0xFFFFFF89] =	vst v34  }
0x2dd: {  	v34 =	vld [tilespmem:s10+$0xD680];
	_ =	sdelay $0x3  }
0x2de: {  	v32 =	vmul.f32 $8.000000000e+00, v32  }
0x2df: {  	v34 =	vmul.f32 $8.000000000e+00, v34  }
0x2e0: {  	v32 =	vadd.f32 v32, v24  }
0x2e1: {  	v34 =	vadd.f32 v34, v25  }
0x2e2: {  	[tilespmem:s8+$0xFFFFFF9A] =	vst v32  }
0x2e3: {  	v32 =	vld [tilespmem:s1+$0xD6C0];
	[tilespmem:s5+$0xFFFFFF9A] =	vst v34  }
0x2e4: {  	v34 =	vld [tilespmem:s10+$0xD6C0];
	_ =	sdelay $0x2  }
0x2e5: {  	v31 =	vmul.f32 $8.000000000e+00, v31  }
0x2e6: {  	v32 =	vmul.f32 $8.000000000e+00, v32  }
0x2e7: {  	v31 =	vadd.f32 v31, v23;
	v34 =	vmul.f32 $8.000000000e+00, v34  }
0x2e8: {  	v32 =	vadd.f32 v32, v24  }
0x2e9: {  	[tilespmem:s28+$0xFFFFFFAB] =	vst v31;
	v46 =	vadd.f32 v34, v25  }
0x2ea: {  	v47 =	vld [tilespmem:s25+$0xD700];
	[tilespmem:s8+$0xFFFFFFAB] =	vst v32  }
0x2eb: {  	v32 =	vld [tilespmem:s1+$0xD700];
	[tilespmem:s5+$0xFFFFFFAB] =	vst v46  }
0x2ec: {  	v31 =	vld [tilespmem:s10+$0xD700];
	_ =	sdelay $0x2  }
0x2ed: {  	v34 =	vmul.f32 $8.000000000e+00, v47  }
0x2ee: {  	v32 =	vmul.f32 $8.000000000e+00, v32  }
0x2ef: {  	v34 =	vadd.f32 v34, v23;
	v31 =	vmul.f32 $8.000000000e+00, v31  }
0x2f0: {  	[tilespmem:s2+$0xFFFFFFBC] =	vst v33;
	v32 =	vadd.f32 v32, v24  }
0x2f1: {  	v33 =	vld [tilespmem:s24+$0xD740];
	[tilespmem:s28+$0xFFFFFFBC] =	vst v34;
	v31 =	vadd.f32 v31, v25  }
0x2f2: {  	[tilespmem:s8+$0xFFFFFFBC] =	vst v32;
	v34 =	vld [tilespmem:s25+$0xD740]  }
0x2f3: {  	v32 =	vld [tilespmem:s1+$0xD740];
	[tilespmem:s5+$0xFFFFFFBC] =	vst v31  }
0x2f4: {  	v31 =	vld [tilespmem:s10+$0xD740];
	_ =	sdelay $0x1  }
0x2f5: {  	v33 =	vmul.f32 $8.000000000e+00, v33  }
0x2f6: {  	v34 =	vmul.f32 $8.000000000e+00, v34  }
0x2f7: {  	v33 =	vadd.f32 v33, v22;
	v32 =	vmul.f32 $8.000000000e+00, v32  }
0x2f8: {  	v34 =	vadd.f32 v34, v23;
	v31 =	vmul.f32 $8.000000000e+00, v31  }
0x2f9: {  	[tilespmem:s2+$0xFFFFFFCD] =	vst v33;
	v32 =	vadd.f32 v32, v24  }
0x2fa: {  	v33 =	vld [tilespmem:s24+$0xD780];
	[tilespmem:s28+$0xFFFFFFCD] =	vst v34;
	v31 =	vadd.f32 v31, v25  }
0x2fb: {  	[tilespmem:s8+$0xFFFFFFCD] =	vst v32;
	v34 =	vld [tilespmem:s25+$0xD780]  }
0x2fc: {  	v32 =	vld [tilespmem:s1+$0xD780];
	[tilespmem:s5+$0xFFFFFFCD] =	vst v31  }
0x2fd: {  	v31 =	vld [tilespmem:s10+$0xD780]  }
0x2fe: {  	v30 =	vmul.f32 $8.000000000e+00, v30  }
0x2ff: {  	v33 =	vmul.f32 $8.000000000e+00, v33  }
0x300: {  	v30 =	vadd.f32 v30, v21;
	v34 =	vmul.f32 $8.000000000e+00, v34  }
0x301: {  	v33 =	vadd.f32 v33, v22;
	v32 =	vmul.f32 $8.000000000e+00, v32  }
0x302: {  	[tilespmem:s14+$0xFFFFFFDE] =	vst v30;
	v48 =	vadd.f32 v34, v23;
	v31 =	vmul.f32 $8.000000000e+00, v31  }
0x303: {  	v49 =	vld [tilespmem:s16+$0xD7C0];
	[tilespmem:s2+$0xFFFFFFDE] =	vst v33;
	v32 =	vadd.f32 v32, v24  }
0x304: {  	v33 =	vld [tilespmem:s24+$0xD7C0];
	[tilespmem:s28+$0xFFFFFFDE] =	vst v48;
	v50 =	vadd.f32 v31, v25  }
0x305: {  	[tilespmem:s8+$0xFFFFFFDE] =	vst v32;
	v51 =	vld [tilespmem:s25+$0xD7C0]  }
0x306: {  	v32 =	vld [tilespmem:s1+$0xD7C0];
	[tilespmem:s5+$0xFFFFFFDE] =	vst v50  }
0x307: {  	v30 =	vld [tilespmem:s10+$0xD7C0]  }
0x308: {  	v34 =	vmul.f32 $8.000000000e+00, v49  }
0x309: {  	v33 =	vmul.f32 $8.000000000e+00, v33  }
0x30a: {  	v34 =	vadd.f32 v34, v21;
	v31 =	vmul.f32 $8.000000000e+00, v51  }
0x30b: {  	v33 =	vadd.f32 v33, v22;
	v32 =	vmul.f32 $8.000000000e+00, v32  }
0x30c: {  	[tilespmem:s14+$0xFFFFFFEF] =	vst v34;
	v31 =	vadd.f32 v31, v23;
	v30 =	vmul.f32 $8.000000000e+00, v30  }
0x30d: {  	[tilespmem:s2+$0xFFFFFFEF] =	vst v33;
	v32 =	vadd.f32 v32, v24;
	v34 =	vld [tilespmem:s16+$0xD800]  }
0x30e: {  	v33 =	vld [tilespmem:s24+$0xD800];
	[tilespmem:s28+$0xFFFFFFEF] =	vst v31;
	v30 =	vadd.f32 v30, v25  }
0x30f: {  	[tilespmem:s8+$0xFFFFFFEF] =	vst v32;
	v31 =	vld [tilespmem:s25+$0xD800]  }
0x310: {  	v32 =	vld [tilespmem:s1+$0xD800];
	[tilespmem:s5+$0xFFFFFFEF] =	vst v30  }
0x311: {  	v29 =	vmul.f32 $8.000000000e+00, v29;
	v30 =	vld [tilespmem:s10+$0xD800]  }
0x312: {  	v34 =	vmul.f32 $8.000000000e+00, v34  }
0x313: {  	v29 =	vadd.f32 v29, v20;
	v33 =	vmul.f32 $8.000000000e+00, v33  }
0x314: {  	v34 =	vadd.f32 v34, v21;
	v31 =	vmul.f32 $8.000000000e+00, v31  }
0x315: {  	[tilespmem:s31+$0x0] =	vst v29;
	v52 =	vadd.f32 v33, v22;
	v32 =	vmul.f32 $8.000000000e+00, v32  }
0x316: {  	v53 =	vld [tilespmem:s0+$0xD840];
	[tilespmem:s14+$0x0] =	vst v34;
	v31 =	vadd.f32 v31, v23;
	v30 =	vmul.f32 $8.000000000e+00, v30  }
0x317: {  	[tilespmem:s2+$0x0] =	vst v52;
	v54 =	vadd.f32 v32, v24;
	v34 =	vld [tilespmem:s16+$0xD840]  }
0x318: {  	v55 =	vld [tilespmem:s24+$0xD840];
	[tilespmem:s28+$0x0] =	vst v31;
	v30 =	vadd.f32 v30, v25  }
0x319: {  	[tilespmem:s8+$0x0] =	vst v54;
	v31 =	vld [tilespmem:s25+$0xD840]  }
0x31a: {  	v29 =	vld [tilespmem:s1+$0xD840];
	[tilespmem:s5+$0x0] =	vst v30  }
0x31b: {  	v56 =	vmul.f32 $8.000000000e+00, v53;
	v57 =	vld [tilespmem:s10+$0xD840]  }
0x31c: {  	v34 =	vmul.f32 $8.000000000e+00, v34  }
0x31d: {  	v32 =	vmul.f32 $8.000000000e+00, v55;
	v30 =	vadd.f32 v56, v20  }
0x31e: {  	[tilespmem:s29+$0x11] =	vst v28;
	v58 =	vadd.f32 v34, v21;
	v31 =	vmul.f32 $8.000000000e+00, v31  }
0x31f: {  	v59 =	vld [tilespmem:s30+$0xD880];
	v60 =	vadd.f32 v32, v22;
	v29 =	vmul.f32 $8.000000000e+00, v29;
	[tilespmem:s31+$0x11] =	vst v30  }
0x320: {  	[tilespmem:s14+$0x11] =	vst v58;
	v62 =	vadd.f32 v31, v23;
	v61 =	vld [tilespmem:s0+$0xD880];
	v63 =	vmul.f32 $8.000000000e+00, v57  }
0x321: {  	[tilespmem:s2+$0x11] =	vst v60;
	v29 =	vadd.f32 v29, v24;
	v36 =	vld [tilespmem:s16+$0xD880]  }
0x322: {  	v30 =	vld [tilespmem:s24+$0xD880];
	[tilespmem:s28+$0x11] =	vst v62;
	v37 =	vadd.f32 v63, v25  }
0x323: {  	[tilespmem:s8+$0x11] =	vst v29;
	v38 =	vld [tilespmem:s25+$0xD880]  }
0x324: {  	v39 =	vmul.f32 $8.000000000e+00, v59;
	v40 =	vld [tilespmem:s1+$0xD880];
	[tilespmem:s5+$0x11] =	vst v37  }
0x325: {  	v41 =	vmul.f32 $8.000000000e+00, v61;
	v42 =	vld [tilespmem:s10+$0xD880]  }
0x326: {  	v29 =	vadd.f32 v39, v19;
	v33 =	vmul.f32 $8.000000000e+00, v36  }
0x327: {  	v30 =	vmul.f32 $8.000000000e+00, v30;
	v28 =	vadd.f32 v41, v20  }
0x328: {  	[tilespmem:s29+$0x22] =	vst v29;
	v43 =	vadd.f32 v33, v21;
	v31 =	vmul.f32 $8.000000000e+00, v38  }
0x329: {  	v44 =	vld [tilespmem:s30+$0xD8C0];
	v46 =	vmul.f32 $8.000000000e+00, v40;
	v45 =	vadd.f32 v30, v22;
	[tilespmem:s31+$0x22] =	vst v28  }
0x32a: {  	[tilespmem:s14+$0x22] =	vst v43;
	v48 =	vadd.f32 v31, v23;
	v47 =	vld [tilespmem:s0+$0xD8C0];
	v49 =	vmul.f32 $8.000000000e+00, v42  }
0x32b: {  	v51 =	vadd.f32 v46, v24;
	v50 =	vld [tilespmem:s16+$0xD8C0];
	[tilespmem:s2+$0x22] =	vst v45  }
0x32c: {  	v52 =	vld [tilespmem:s24+$0xD8C0];
	[tilespmem:s28+$0x22] =	vst v48;
	v53 =	vadd.f32 v49, v25  }
0x32d: {  	[tilespmem:s8+$0x22] =	vst v51;
	v54 =	vld [tilespmem:s25+$0xD8C0]  }
0x32e: {  	v55 =	vmul.f32 $8.000000000e+00, v44;
	v56 =	vld [tilespmem:s1+$0xD8C0];
	[tilespmem:s5+$0x22] =	vst v53  }
0x32f: {  	v27 =	vadd.f32 v27, v18;
	v57 =	vmul.f32 $8.000000000e+00, v47;
	v58 =	vld [tilespmem:s10+$0xD8C0]  }
0x330: {  	v32 =	vmul.f32 $8.000000000e+00, v50;
	v28 =	vadd.f32 v55, v19  }
0x331: {  	[tilespmem:s11+$0x33] =	vst v27;
	v60 =	vmul.f32 $8.000000000e+00, v52;
	v59 =	vadd.f32 v57, v20  }
0x332: {  	v61 =	vld [tilespmem:s3+$0xD900];
	v62 =	vadd.f32 v32, v21;
	[tilespmem:s29+$0x33] =	vst v28;
	v31 =	vmul.f32 $8.000000000e+00, v54  }
0x333: {  	v37 =	vmul.f32 $8.000000000e+00, v56;
	v63 =	vld [tilespmem:s30+$0xD900];
	v36 =	vadd.f32 v60, v22;
	[tilespmem:s31+$0x33] =	vst v59  }
0x334: {  	[tilespmem:s14+$0x33] =	vst v62;
	v39 =	vadd.f32 v31, v23;
	v38 =	vld [tilespmem:s0+$0xD900];
	v40 =	vmul.f32 $8.000000000e+00, v58  }
0x335: {  	v41 =	vld [tilespmem:s16+$0xD900];
	v42 =	vadd.f32 v37, v24;
	[tilespmem:s2+$0x33] =	vst v36  }
0x336: {  	v43 =	vld [tilespmem:s24+$0xD900];
	[tilespmem:s28+$0x33] =	vst v39;
	v44 =	vadd.f32 v40, v25  }
0x337: {  	v30 =	vmul.f32 $8.000000000e+00, v61;
	[tilespmem:s8+$0x33] =	vst v42;
	v45 =	vld [tilespmem:s25+$0xD900]  }
0x338: {  	v47 =	vld [tilespmem:s1+$0xD900];
	v46 =	vmul.f32 $8.000000000e+00, v63;
	[tilespmem:s5+$0x33] =	vst v44  }
0x339: {  	v48 =	vadd.f32 v30, v18;
	v49 =	vmul.f32 $8.000000000e+00, v38;
	v50 =	vld [tilespmem:s10+$0xD900]  }
0x33a: {  	v34 =	vmul.f32 $8.000000000e+00, v41;
	v27 =	vadd.f32 v46, v19  }
0x33b: {  	[tilespmem:s11+$0x44] =	vst v48;
	v29 =	vmul.f32 $8.000000000e+00, v43;
	v51 =	vadd.f32 v49, v20  }
0x33c: {  	v52 =	vld [tilespmem:s3+$0xD940];
	v53 =	vadd.f32 v34, v21;
	[tilespmem:s29+$0x44] =	vst v27;
	v31 =	vmul.f32 $8.000000000e+00, v45  }
0x33d: {  	v56 =	vmul.f32 $8.000000000e+00, v47;
	v54 =	vld [tilespmem:s30+$0xD940];
	v55 =	vadd.f32 v29, v22;
	[tilespmem:s31+$0x44] =	vst v51  }
0x33e: {  	[tilespmem:s14+$0x44] =	vst v53;
	v58 =	vadd.f32 v31, v23;
	v57 =	vld [tilespmem:s0+$0xD940];
	v59 =	vmul.f32 $8.000000000e+00, v50  }
0x33f: {  	v60 =	vld [tilespmem:s16+$0xD940];
	v61 =	vadd.f32 v56, v24;
	[tilespmem:s2+$0x44] =	vst v55  }
0x340: {  	v26 =	vmul.f32 $8.000000000e+00, v26;
	v62 =	vld [tilespmem:s24+$0xD940];
	[tilespmem:s28+$0x44] =	vst v58;
	v63 =	vadd.f32 v59, v25  }
0x341: {  	v30 =	vmul.f32 $8.000000000e+00, v52;
	[tilespmem:s8+$0x44] =	vst v61;
	v36 =	vld [tilespmem:s25+$0xD940]  }
0x342: {  	v26 =	vadd.f32 v26, v17;
	v38 =	vld [tilespmem:s1+$0xD940];
	v37 =	vmul.f32 $8.000000000e+00, v54;
	[tilespmem:s5+$0x44] =	vst v63  }
0x343: {  	v39 =	vadd.f32 v30, v18;
	v40 =	vmul.f32 $8.000000000e+00, v57;
	v41 =	vld [tilespmem:s10+$0xD940]  }
0x344: {  	[tilespmem:s22+$0x55] =	vst v26;
	v43 =	vmul.f32 $8.000000000e+00, v60;
	v42 =	vadd.f32 v37, v19  }
0x345: {  	[tilespmem:s11+$0x55] =	vst v39;
	v44 =	vld [tilespmem:s7+$0xD980];
	v29 =	vmul.f32 $8.000000000e+00, v62;
	v45 =	vadd.f32 v40, v20  }
0x346: {  	v46 =	vld [tilespmem:s3+$0xD980];
	v47 =	vadd.f32 v43, v21;
	[tilespmem:s29+$0x55] =	vst v42;
	v48 =	vmul.f32 $8.000000000e+00, v36  }
0x347: {  	v51 =	vmul.f32 $8.000000000e+00, v38;
	v49 =	vld [tilespmem:s30+$0xD980];
	v50 =	vadd.f32 v29, v22;
	[tilespmem:s31+$0x55] =	vst v45  }
0x348: {  	[tilespmem:s14+$0x55] =	vst v47;
	v53 =	vadd.f32 v48, v23;
	v52 =	vld [tilespmem:s0+$0xD980];
	v54 =	vmul.f32 $8.000000000e+00, v41  }
0x349: {  	v55 =	vld [tilespmem:s16+$0xD980];
	v56 =	vadd.f32 v51, v24;
	[tilespmem:s2+$0x55] =	vst v50  }
0x34a: {  	v57 =	vmul.f32 $8.000000000e+00, v44;
	v58 =	vld [tilespmem:s24+$0xD980];
	[tilespmem:s28+$0x55] =	vst v53;
	v59 =	vadd.f32 v54, v25  }
0x34b: {  	v60 =	vmul.f32 $8.000000000e+00, v46;
	[tilespmem:s8+$0x55] =	vst v56;
	v61 =	vld [tilespmem:s25+$0xD980]  }
0x34c: {  	v36 =	vld [tilespmem:s1+$0xD980];
	v62 =	vadd.f32 v57, v17;
	v63 =	vmul.f32 $8.000000000e+00, v49;
	[tilespmem:s5+$0x55] =	vst v59  }
0x34d: {  	v37 =	vadd.f32 v60, v18;
	v38 =	vmul.f32 $8.000000000e+00, v52;
	v39 =	vld [tilespmem:s10+$0xD980]  }
0x34e: {  	v35 =	vld [tilespmem:s6+$0xD9C0];
	[tilespmem:s22+$0x66] =	vst v62;
	v40 =	vadd.f32 v63, v19;
	v41 =	vmul.f32 $8.000000000e+00, v55  }
0x34f: {  	[tilespmem:s11+$0x66] =	vst v37;
	v42 =	vld [tilespmem:s7+$0xD9C0];
	v44 =	vmul.f32 $8.000000000e+00, v58;
	v43 =	vadd.f32 v38, v20  }
0x350: {  	v45 =	vld [tilespmem:s3+$0xD9C0];
	[tilespmem:s29+$0x66] =	vst v40;
	v46 =	vadd.f32 v41, v21;
	v47 =	vmul.f32 $8.000000000e+00, v61  }
0x351: {  	v50 =	vmul.f32 $8.000000000e+00, v36;
	v48 =	vld [tilespmem:s30+$0xD9C0];
	v49 =	vadd.f32 v44, v22;
	[tilespmem:s31+$0x66] =	vst v43  }
0x352: {  	[tilespmem:s14+$0x66] =	vst v46;
	v52 =	vadd.f32 v47, v23;
	v51 =	vld [tilespmem:s0+$0xD9C0];
	v53 =	vmul.f32 $8.000000000e+00, v39  }
0x353: {  	v56 =	vadd.f32 v50, v24;
	v54 =	vmul.f32 $8.000000000e+00, v35;
	v55 =	vld [tilespmem:s16+$0xD9C0];
	[tilespmem:s2+$0x66] =	vst v49  }
0x354: {  	v57 =	vmul.f32 $8.000000000e+00, v42;
	v58 =	vld [tilespmem:s24+$0xD9C0];
	[tilespmem:s28+$0x66] =	vst v52;
	v59 =	vadd.f32 v53, v25  }
0x355: {  	v60 =	vmul.f32 $8.000000000e+00, v45;
	[tilespmem:s8+$0x66] =	vst v56;
	v16 =	vadd.f32 v54, v16;
	v61 =	vld [tilespmem:s25+$0xD9C0]  }
0x356: {  	v63 =	vld [tilespmem:s1+$0xD9C0];
	v17 =	vadd.f32 v57, v17;
	v62 =	vmul.f32 $8.000000000e+00, v48;
	[tilespmem:s5+$0x66] =	vst v59  }
0x357: {  	[tilespmem:s21+$0x77] =	vst v16;
	v16 =	vadd.f32 v60, v18;
	v18 =	vmul.f32 $8.000000000e+00, v51;
	v27 =	vld [tilespmem:s10+$0xD9C0]  }
0x358: {  	[tilespmem:s22+$0x77] =	vst v17;
	v17 =	vadd.f32 v62, v19;
	v19 =	vmul.f32 $8.000000000e+00, v55  }
0x359: {  	[tilespmem:s11+$0x77] =	vst v16;
	v16 =	vadd.f32 v18, v20;
	v18 =	vmul.f32 $8.000000000e+00, v58  }
0x35a: {  	[tilespmem:s29+$0x77] =	vst v17;
	v17 =	vadd.f32 v19, v21;
	v19 =	vmul.f32 $8.000000000e+00, v61  }
0x35b: {  	[tilespmem:s31+$0x77] =	vst v16;
	v16 =	vadd.f32 v18, v22;
	v18 =	vmul.f32 $8.000000000e+00, v63  }
0x35c: {  	[tilespmem:s14+$0x77] =	vst v17;
	v17 =	vadd.f32 v19, v23;
	v19 =	vmul.f32 $8.000000000e+00, v27  }
0x35d: {  	[tilespmem:s2+$0x77] =	vst v16;
	v16 =	vadd.f32 v18, v24  }
0x35e: {  	[tilespmem:s28+$0x77] =	vst v17;
	v17 =	vadd.f32 v19, v25  }
0x35f: {  	[tilespmem:s8+$0x77] =	vst v16  }
0x360: {  	s8 =	simm.s32 $0x19600;
	[tilespmem:s5+$0x77] =	vst v17  }
0x361: {  	v16 =	vld.idx.msk [tilespmem:v0+s8+$0x0], $0xffff  }
0x362: {  	s10 =	sand.u32 $0x6000, s20  }
0x363: {  	s11 =	sand.u32 $0x2000, s20;
	s0 =	sshrl.u32 s10, $0x2  }
0x364: {  	s12 =	sand.u32 $0x70, s20;
	s0 =	sor.u32 s0, s11  }
0x365: {  	s0 =	sor.u32 s12, s0  }
0x366: {  	[tilespmem:s0+$0x15600] =	vst v16  }
0x367: {  	v16 =	vld.idx.msk [tilespmem:v1+s8+$0x0], $0xffff;
	_ =	sdelay $0x3  }
0x368: {  	s7 =	sadd.s32 $0x15600, s0  }
0x369: {  	[tilespmem:s7+$0x80] =	vst v16  }
0x36a: {  	v16 =	vld.idx.msk [tilespmem:v2+s8+$0x0], $0xffff  }
0x36b: {  	s0 =	simm.s32 $0x19710  }
0x36c: {  	s13 =	simm.s32 $0x2000;
	v17 =	vld.idx.msk [tilespmem:v0+s0+$0x0], $0xffff  }
0x36d: {  	s1 =	sand.u32 $0x6000, s13;
	s14 =	simm.s32 $0x100  }
0x36e: {  	s1 =	sshrl.u32 s1, $0x2;
	s16 =	simm.s32 $0x4;
	s2 =	sand.u32 $0x2000, s14  }
0x36f: {  	s3 =	sand.u32 $0x70, s16;
	s1 =	sor.u32 s1, s2;
	[tilespmem:s7+$0x100] =	vst v16  }
0x370: {  	s1 =	sor.u32 s3, s1;
	v16 =	vld.idx.msk [tilespmem:v3+s8+$0x0], $0xffff  }
0x371: {  	[tilespmem:s1+$0x15600] =	vst v17  }
0x372: {  	v17 =	vld.idx.msk [tilespmem:v1+s0+$0x0], $0xffff;
	_ =	sdelay $0x2  }
0x373: {  	[tilespmem:s7+$0x180] =	vst v16  }
0x374: {  	s1 =	sadd.s32 $0x15600, s1;
	v16 =	vld.idx.msk [tilespmem:v4+s8+$0x0], $0xffff  }
0x375: {  	[tilespmem:s1+$0x80] =	vst v17  }
0x376: {  	v17 =	vld.idx.msk [tilespmem:v2+s0+$0x0], $0xffff  }
0x377: {  	s2 =	simm.s32 $0x19820  }
0x378: {  	s20 =	simm.s32 $0x4000;
	v18 =	vld.idx.msk [tilespmem:v0+s2+$0x0], $0xffff  }
0x379: {  	s21 =	simm.s32 $0x200;
	s3 =	sand.u32 $0x6000, s20;
	[tilespmem:s7+$0x200] =	vst v16  }
0x37a: {  	s22 =	simm.s32 $0x8;
	s3 =	sshrl.u32 s3, $0x2;
	s5 =	sand.u32 $0x2000, s21;
	v16 =	vld.idx.msk [tilespmem:v5+s8+$0x0], $0xffff  }
0x37b: {  	s6 =	sand.u32 $0x70, s22;
	s3 =	sor.u32 s3, s5;
	[tilespmem:s1+$0x100] =	vst v17  }
0x37c: {  	s3 =	sor.u32 s6, s3;
	v17 =	vld.idx.msk [tilespmem:v3+s0+$0x0], $0xffff  }
0x37d: {  	[tilespmem:s3+$0x15600] =	vst v18  }
0x37e: {  	v18 =	vld.idx.msk [tilespmem:v1+s2+$0x0], $0xffff  }
0x37f: {  	[tilespmem:s7+$0x280] =	vst v16  }
0x380: {  	v16 =	vld.idx.msk [tilespmem:v6+s8+$0x0], $0xffff  }
0x381: {  	[tilespmem:s1+$0x180] =	vst v17  }
0x382: {  	s3 =	sadd.s32 $0x15600, s3;
	v17 =	vld.idx.msk [tilespmem:v4+s0+$0x0], $0xffff  }
0x383: {  	[tilespmem:s3+$0x80] =	vst v18  }
0x384: {  	s6 =	simm.s32 $0x19930;
	v18 =	vld.idx.msk [tilespmem:v2+s2+$0x0], $0xffff  }
0x385: {  	s23 =	simm.s32 $0x6000;
	v19 =	vld.idx.msk [tilespmem:v0+s6+$0x0], $0xffff;
	[tilespmem:s7+$0x300] =	vst v16  }
0x386: {  	s24 =	simm.s32 $0x300;
	s5 =	sand.u32 $0x6000, s23;
	v16 =	vld.idx.msk [tilespmem:v7+s8+$0x0], $0xffff  }
0x387: {  	s25 =	simm.s32 $0xC;
	s9 =	sand.u32 $0x2000, s24;
	s5 =	sshrl.u32 s5, $0x2;
	[tilespmem:s1+$0x200] =	vst v17  }
0x388: {  	s10 =	sand.u32 $0x70, s25;
	s5 =	sor.u32 s5, s9;
	v17 =	vld.idx.msk [tilespmem:v5+s0+$0x0], $0xffff  }
0x389: {  	s5 =	sor.u32 s10, s5;
	[tilespmem:s3+$0x100] =	vst v18  }
0x38a: {  	[tilespmem:s5+$0x15600] =	vst v19;
	v18 =	vld.idx.msk [tilespmem:v3+s2+$0x0], $0xffff  }
0x38b: {  	v19 =	vld.idx.msk [tilespmem:v1+s6+$0x0], $0xffff;
	[tilespmem:s7+$0x380] =	vst v16  }
0x38c: {  	v16 =	vld.idx.msk [tilespmem:v8+s8+$0x0], $0xffff  }
0x38d: {  	[tilespmem:s1+$0x280] =	vst v17  }
0x38e: {  	v17 =	vld.idx.msk [tilespmem:v6+s0+$0x0], $0xffff  }
0x38f: {  	s9 =	sadd.s32 $0x15600, s5;
	[tilespmem:s3+$0x180] =	vst v18  }
0x390: {  	[tilespmem:s9+$0x80] =	vst v19;
	v18 =	vld.idx.msk [tilespmem:v4+s2+$0x0], $0xffff  }
0x391: {  	v19 =	vld.idx.msk [tilespmem:v2+s6+$0x0], $0xffff;
	[tilespmem:s7+$0x400] =	vst v16  }
0x392: {  	s10 =	simm.s32 $0x19A40;
	v16 =	vld.idx.msk [tilespmem:v9+s8+$0x0], $0xffff  }
0x393: {  	s26 =	simm.s32 $0x8000;
	v20 =	vld.idx.msk [tilespmem:v0+s10+$0x0], $0xffff;
	[tilespmem:s1+$0x300] =	vst v17  }
0x394: {  	s28 =	simm.s32 $0x400;
	s5 =	sand.u32 $0x6000, s26;
	v17 =	vld.idx.msk [tilespmem:v7+s0+$0x0], $0xffff  }
0x395: {  	s11 =	sand.u32 $0x2000, s28;
	s12 =	simm.s32 $0x10;
	s5 =	sshrl.u32 s5, $0x2;
	[tilespmem:s3+$0x200] =	vst v18  }
0x396: {  	s12 =	sand.u32 $0x70, s12;
	s5 =	sor.u32 s5, s11;
	[tilespmem:s9+$0x100] =	vst v19;
	v18 =	vld.idx.msk [tilespmem:v5+s2+$0x0], $0xffff  }
0x397: {  	s5 =	sor.u32 s12, s5;
	v19 =	vld.idx.msk [tilespmem:v3+s6+$0x0], $0xffff;
	[tilespmem:s7+$0x480] =	vst v16  }
0x398: {  	[tilespmem:s5+$0x15600] =	vst v20;
	v16 =	vld.idx.msk [tilespmem:v10+s8+$0x0], $0xffff  }
0x399: {  	v20 =	vld.idx.msk [tilespmem:v1+s10+$0x0], $0xffff;
	[tilespmem:s1+$0x380] =	vst v17  }
0x39a: {  	s14 =	simm.s32 $0x19B50;
	v17 =	vld.idx.msk [tilespmem:v8+s0+$0x0], $0xffff  }
0x39b: {  	v21 =	vld.idx.msk [tilespmem:v0+s14+$0x0], $0xffff;
	s12 =	simm.s32 $0xA000;
	[tilespmem:s3+$0x280] =	vst v18  }
0x39c: {  	s30 =	simm.s32 $0x14;
	s21 =	simm.s32 $0x500;
	s29 =	sand.u32 $0x6000, s12;
	[tilespmem:s9+$0x180] =	vst v19;
	v18 =	vld.idx.msk [tilespmem:v6+s2+$0x0], $0xffff  }
0x39d: {  	s31 =	sand.u32 $0x2000, s21;
	s11 =	sadd.s32 $0x15600, s5;
	s5 =	sshrl.u32 s29, $0x2;
	v19 =	vld.idx.msk [tilespmem:v4+s6+$0x0], $0xffff;
	[tilespmem:s7+$0x500] =	vst v16  }
0x39e: {  	s13 =	sand.u32 $0x70, s30;
	s5 =	sor.u32 s5, s31;
	[tilespmem:s11+$0x80] =	vst v20;
	v16 =	vld.idx.msk [tilespmem:v11+s8+$0x0], $0xffff  }
0x39f: {  	s5 =	sor.u32 s13, s5;
	v20 =	vld.idx.msk [tilespmem:v2+s10+$0x0], $0xffff;
	[tilespmem:s1+$0x400] =	vst v17  }
0x3a0: {  	[tilespmem:s5+$0x15600] =	vst v21;
	v17 =	vld.idx.msk [tilespmem:v9+s0+$0x0], $0xffff  }
0x3a1: {  	v21 =	vld.idx.msk [tilespmem:v1+s14+$0x0], $0xffff;
	[tilespmem:s3+$0x300] =	vst v18  }
0x3a2: {  	[tilespmem:s9+$0x200] =	vst v19;
	v18 =	vld.idx.msk [tilespmem:v7+s2+$0x0], $0xffff  }
0x3a3: {  	v19 =	vld.idx.msk [tilespmem:v5+s6+$0x0], $0xffff;
	[tilespmem:s7+$0x580] =	vst v16  }
0x3a4: {  	[tilespmem:s11+$0x100] =	vst v20;
	v16 =	vld.idx.msk [tilespmem:v12+s8+$0x0], $0xffff  }
0x3a5: {  	s20 =	sadd.s32 $0x15600, s5;
	v20 =	vld.idx.msk [tilespmem:v3+s10+$0x0], $0xffff;
	[tilespmem:s1+$0x480] =	vst v17  }
0x3a6: {  	s16 =	simm.s32 $0x19C60;
	[tilespmem:s20+$0x80] =	vst v21;
	v17 =	vld.idx.msk [tilespmem:v10+s0+$0x0], $0xffff  }
0x3a7: {  	v21 =	vld.idx.msk [tilespmem:v0+s16+$0x0], $0xffff;
	[tilespmem:s3+$0x380] =	vst v18  }
0x3a8: {  	[tilespmem:s9+$0x280] =	vst v19;
	v22 =	vld.idx.msk [tilespmem:v8+s2+$0x0], $0xffff  }
0x3a9: {  	v23 =	vld.idx.msk [tilespmem:v6+s6+$0x0], $0xffff;
	[tilespmem:s7+$0x600] =	vst v16  }
0x3aa: {  	[tilespmem:s11+$0x180] =	vst v20;
	v18 =	vld.idx.msk [tilespmem:v13+s8+$0x0], $0xffff  }
0x3ab: {  	v19 =	vld.idx.msk [tilespmem:v4+s10+$0x0], $0xffff;
	[tilespmem:s1+$0x500] =	vst v17  }
0x3ac: {  	v16 =	vld.idx.msk [tilespmem:v11+s0+$0x0], $0xffff  }
0x3ad: {  	v20 =	vld.idx.msk [tilespmem:v2+s14+$0x0], $0xffff;
	[tilespmem:s3+$0x400] =	vst v22  }
0x3ae: {  	s22 =	simm.s32 $0x18;
	s23 =	simm.s32 $0x1C;
	[tilespmem:s9+$0x300] =	vst v23;
	v17 =	vld.idx.msk [tilespmem:v9+s2+$0x0], $0xffff  }
.LBB2_9:
0x3af: {  	p1 =	sne.s32 s23, $0xFC;
	s12 =	sadd.s32 $0x2000, s12;
	v22 =	vld.idx.msk [tilespmem:v7+s6+$0x0], $0xffff;
	[tilespmem:s7+$0x680] =	vst v18;
	s24 =	smov.u32 s11  }
0x3b0: {  	s21 =	sadd.s32 $0x100, s21;
	s11 =	smov.u32 s20;
	s5 =	sand.u32 $0x6000, s12;
	[tilespmem:s24+$0x200] =	vst v19;
	v18 =	vld.idx.msk [tilespmem:v14+s8+$0x0], $0xffff  }
0x3b1: {  	s13 =	sand.u32 $0x2000, s21;
	s5 =	sshrl.u32 s5, $0x2;
	v19 =	vld.idx.msk [tilespmem:v5+s10+$0x0], $0xffff;
	[tilespmem:s1+$0x580] =	vst v16  }
0x3b2: {  	s20 =	sand.u32 $0x70, s22;
	s22 =	smov.u32 s23;
	s5 =	sor.u32 s5, s13;
	[tilespmem:s11+$0x100] =	vst v20;
	v16 =	vld.idx.msk [tilespmem:v12+s0+$0x0], $0xffff  }
0x3b3: {  	s5 =	sor.u32 s20, s5;
	v20 =	vld.idx.msk [tilespmem:v3+s14+$0x0], $0xffff;
	[tilespmem:s3+$0x480] =	vst v17  }
0x3b4: {  	[tilespmem:s5+$0x15600] =	vst v21;
	v17 =	vld.idx.msk [tilespmem:v10+s2+$0x0], $0xffff  }
0x3b5: {  	v21 =	vld.idx.msk [tilespmem:v1+s16+$0x0], $0xffff;
	[tilespmem:s9+$0x380] =	vst v22  }
0x3b6: {  	v22 =	vld.idx.msk [tilespmem:v8+s6+$0x0], $0xffff;
	[tilespmem:s7+$0x700] =	vst v18  }
0x3b7: {  	[tilespmem:s24+$0x280] =	vst v19;
	v23 =	vld.idx.msk [tilespmem:v15+s8+$0x0], $0xffff;
	s8 =	smov.u32 s0;
	s0 =	smov.u32 s2;
	s2 =	smov.u32 s6  }
0x3b8: {  	s6 =	smov.u32 s10;
	v24 =	vld.idx.msk [tilespmem:v6+s10+$0x0], $0xffff;
	[tilespmem:s1+$0x600] =	vst v16;
	s10 =	smov.u32 s14;
	s14 =	smov.u32 s16  }
0x3b9: {  	[tilespmem:s11+$0x180] =	vst v20;
	v18 =	vld.idx.msk [tilespmem:v13+s8+$0x0], $0xffff  }
.Ltmp3:
0x3ba: {  	s20 =	sadd.s32 $0x15600, s5;
	v19 =	vld.idx.msk [tilespmem:v4+s10+$0x0], $0xffff;
	[tilespmem:s3+$0x500] =	vst v17;
	(pc) =	sbr.rel @p1 .LBB2_9-.Ltmp3, $4  }
0x3bb: {  	[tilespmem:s20+$0x80] =	vst v21;
	v16 =	vld.idx.msk [tilespmem:v11+s0+$0x0], $0xffff  }
0x3bc: {  	v20 =	vld.idx.msk [tilespmem:v2+s16+$0x0], $0xffff;
	[tilespmem:s9+$0x400] =	vst v22  }
0x3bd: {  	s16 =	sadd.s32 $0x110, s16;
	v17 =	vld.idx.msk [tilespmem:v9+s2+$0x0], $0xffff;
	[tilespmem:s7+$0x780] =	vst v23;
	s7 =	smov.u32 s1;
	s1 =	smov.u32 s3  }
0x3be: {  	s23 =	sadd.s32 $0x4, s23;
	s3 =	smov.u32 s9;
	s9 =	smov.u32 s24;
	v21 =	vld.idx.msk [tilespmem:v0+s16+$0x0], $0xffff;
	[tilespmem:s24+$0x300] =	vst v24  }
0x3bf: {  	s5 =	sadd.s32 $0x2000, s12  }
0x3c0: {  	s25 =	sadd.s32 $0x100, s21;
	s5 =	sand.u32 $0x6000, s5  }
0x3c1: {  	s12 =	sand.u32 $0x2000, s25;
	s5 =	sshrl.u32 s5, $0x2  }
0x3c2: {  	s26 =	sand.u32 $0x70, s22;
	s5 =	sor.u32 s5, s12  }
0x3c3: {  	s5 =	sor.u32 s26, s5  }
0x3c4: {  	[tilespmem:s5+$0x15600] =	vst v21  }
0x3c5: {  	v21 =	vld.idx.msk [tilespmem:v1+s16+$0x0], $0xffff;
	_ =	sdelay $0x3  }
0x3c6: {  	s12 =	sadd.s32 $0x15600, s5  }
0x3c7: {  	[tilespmem:s12+$0x80] =	vst v21  }
0x3c8: {  	v21 =	vld.idx.msk [tilespmem:v2+s16+$0x0], $0xffff;
	_ =	sdelay $0x2  }
0x3c9: {  	[tilespmem:s20+$0x100] =	vst v20  }
0x3ca: {  	v20 =	vld.idx.msk [tilespmem:v3+s14+$0x0], $0xffff  }
0x3cb: {  	[tilespmem:s12+$0x100] =	vst v21  }
0x3cc: {  	v21 =	vld.idx.msk [tilespmem:v3+s16+$0x0], $0xffff;
	_ =	sdelay $0x2  }
0x3cd: {  	[tilespmem:s20+$0x180] =	vst v20  }
0x3ce: {  	v20 =	vld.idx.msk [tilespmem:v4+s14+$0x0], $0xffff  }
0x3cf: {  	[tilespmem:s12+$0x180] =	vst v21  }
0x3d0: {  	v21 =	vld.idx.msk [tilespmem:v4+s16+$0x0], $0xffff  }
0x3d1: {  	[tilespmem:s11+$0x200] =	vst v19  }
0x3d2: {  	v19 =	vld.idx.msk [tilespmem:v5+s10+$0x0], $0xffff  }
0x3d3: {  	[tilespmem:s20+$0x200] =	vst v20  }
0x3d4: {  	v20 =	vld.idx.msk [tilespmem:v5+s14+$0x0], $0xffff  }
0x3d5: {  	[tilespmem:s12+$0x200] =	vst v21  }
0x3d6: {  	v21 =	vld.idx.msk [tilespmem:v5+s16+$0x0], $0xffff  }
0x3d7: {  	[tilespmem:s11+$0x280] =	vst v19  }
0x3d8: {  	v19 =	vld.idx.msk [tilespmem:v6+s10+$0x0], $0xffff  }
0x3d9: {  	[tilespmem:s20+$0x280] =	vst v20  }
0x3da: {  	v20 =	vld.idx.msk [tilespmem:v6+s14+$0x0], $0xffff  }
0x3db: {  	[tilespmem:s12+$0x280] =	vst v21  }
0x3dc: {  	v21 =	vld.idx.msk [tilespmem:v6+s16+$0x0], $0xffff  }
0x3dd: {  	v22 =	vld.idx.msk [tilespmem:v7+s6+$0x0], $0xffff;
	[tilespmem:s11+$0x300] =	vst v19  }
0x3de: {  	v19 =	vld.idx.msk [tilespmem:v7+s10+$0x0], $0xffff  }
0x3df: {  	[tilespmem:s20+$0x300] =	vst v20  }
0x3e0: {  	v20 =	vld.idx.msk [tilespmem:v7+s14+$0x0], $0xffff  }
0x3e1: {  	[tilespmem:s12+$0x300] =	vst v21  }
0x3e2: {  	[tilespmem:s9+$0x380] =	vst v22;
	v21 =	vld.idx.msk [tilespmem:v7+s16+$0x0], $0xffff  }
0x3e3: {  	v22 =	vld.idx.msk [tilespmem:v8+s6+$0x0], $0xffff;
	[tilespmem:s11+$0x380] =	vst v19  }
0x3e4: {  	v19 =	vld.idx.msk [tilespmem:v8+s10+$0x0], $0xffff  }
0x3e5: {  	[tilespmem:s20+$0x380] =	vst v20  }
0x3e6: {  	v20 =	vld.idx.msk [tilespmem:v8+s14+$0x0], $0xffff  }
0x3e7: {  	[tilespmem:s12+$0x380] =	vst v21  }
0x3e8: {  	[tilespmem:s9+$0x400] =	vst v22;
	v60 =	vld.idx.msk [tilespmem:v8+s16+$0x0], $0xffff  }
0x3e9: {  	v22 =	vld.idx.msk [tilespmem:v9+s6+$0x0], $0xffff;
	[tilespmem:s11+$0x400] =	vst v19  }
0x3ea: {  	[tilespmem:s7+$0x680] =	vst v18;
	v19 =	vld.idx.msk [tilespmem:v9+s10+$0x0], $0xffff  }
0x3eb: {  	[tilespmem:s20+$0x400] =	vst v20  }
0x3ec: {  	[tilespmem:s3+$0x480] =	vst v17;
	v20 =	vld.idx.msk [tilespmem:v9+s14+$0x0], $0xffff  }
0x3ed: {  	v17 =	vld.idx.msk [tilespmem:v10+s2+$0x0], $0xffff;
	[tilespmem:s12+$0x400] =	vst v60  }
0x3ee: {  	[tilespmem:s9+$0x480] =	vst v22;
	v18 =	vld.idx.msk [tilespmem:v9+s16+$0x0], $0xffff  }
0x3ef: {  	v22 =	vld.idx.msk [tilespmem:v10+s6+$0x0], $0xffff;
	[tilespmem:s11+$0x480] =	vst v19  }
0x3f0: {  	[tilespmem:s1+$0x580] =	vst v16;
	v19 =	vld.idx.msk [tilespmem:v10+s10+$0x0], $0xffff  }
0x3f1: {  	v61 =	vld.idx.msk [tilespmem:v14+s8+$0x0], $0xffff;
	[tilespmem:s20+$0x480] =	vst v20  }
0x3f2: {  	[tilespmem:s3+$0x500] =	vst v17;
	v20 =	vld.idx.msk [tilespmem:v10+s14+$0x0], $0xffff  }
0x3f3: {  	v17 =	vld.idx.msk [tilespmem:v11+s2+$0x0], $0xffff;
	[tilespmem:s12+$0x480] =	vst v18  }
0x3f4: {  	[tilespmem:s9+$0x500] =	vst v22;
	v18 =	vld.idx.msk [tilespmem:v10+s16+$0x0], $0xffff  }
0x3f5: {  	v62 =	vld.idx.msk [tilespmem:v11+s6+$0x0], $0xffff;
	[tilespmem:s11+$0x500] =	vst v19  }
0x3f6: {  	[tilespmem:s7+$0x700] =	vst v61;
	v19 =	vld.idx.msk [tilespmem:v11+s10+$0x0], $0xffff  }
0x3f7: {  	v21 =	vld.idx.msk [tilespmem:v15+s8+$0x0], $0xffff;
	[tilespmem:s20+$0x500] =	vst v20  }
0x3f8: {  	[tilespmem:s3+$0x580] =	vst v17;
	v20 =	vld.idx.msk [tilespmem:v11+s14+$0x0], $0xffff  }
0x3f9: {  	[tilespmem:s12+$0x500] =	vst v18  }
0x3fa: {  	[tilespmem:s9+$0x580] =	vst v62;
	v16 =	vld.idx.msk [tilespmem:v11+s16+$0x0], $0xffff  }
0x3fb: {  	v17 =	vld.idx.msk [tilespmem:v12+s2+$0x0], $0xffff;
	[tilespmem:s11+$0x580] =	vst v19  }
0x3fc: {  	v19 =	vld.idx.msk [tilespmem:v12+s10+$0x0], $0xffff;
	[tilespmem:s7+$0x780] =	vst v21  }
0x3fd: {  	v21 =	vld.idx.msk [tilespmem:v12+s6+$0x0], $0xffff;
	[tilespmem:s20+$0x580] =	vst v20  }
0x3fe: {  	v20 =	vld.idx.msk [tilespmem:v12+s14+$0x0], $0xffff  }
0x3ff: {  	v63 =	vld.idx.msk [tilespmem:v12+s0+$0x0], $0xffff;
	[tilespmem:s12+$0x580] =	vst v16  }
0x400: {  	[tilespmem:s3+$0x600] =	vst v17;
	v16 =	vld.idx.msk [tilespmem:v12+s16+$0x0], $0xffff  }
0x401: {  	v17 =	vld.idx.msk [tilespmem:v13+s2+$0x0], $0xffff;
	[tilespmem:s11+$0x600] =	vst v19  }
0x402: {  	v19 =	vld.idx.msk [tilespmem:v13+s10+$0x0], $0xffff;
	[tilespmem:s9+$0x600] =	vst v21  }
0x403: {  	v21 =	vld.idx.msk [tilespmem:v13+s6+$0x0], $0xffff;
	[tilespmem:s20+$0x600] =	vst v20  }
0x404: {  	[tilespmem:s1+$0x600] =	vst v63;
	v20 =	vld.idx.msk [tilespmem:v13+s14+$0x0], $0xffff  }
0x405: {  	v18 =	vld.idx.msk [tilespmem:v13+s0+$0x0], $0xffff;
	[tilespmem:s12+$0x600] =	vst v16  }
0x406: {  	[tilespmem:s3+$0x680] =	vst v17;
	v16 =	vld.idx.msk [tilespmem:v13+s16+$0x0], $0xffff  }
0x407: {  	v17 =	vld.idx.msk [tilespmem:v14+s2+$0x0], $0xffff;
	[tilespmem:s11+$0x680] =	vst v19  }
0x408: {  	v19 =	vld.idx.msk [tilespmem:v14+s10+$0x0], $0xffff;
	[tilespmem:s9+$0x680] =	vst v21  }
0x409: {  	v21 =	vld.idx.msk [tilespmem:v14+s6+$0x0], $0xffff;
	[tilespmem:s20+$0x680] =	vst v20  }
0x40a: {  	v20 =	vld.idx.msk [tilespmem:v14+s14+$0x0], $0xffff;
	[tilespmem:s1+$0x680] =	vst v18  }
0x40b: {  	v18 =	vld.idx.msk [tilespmem:v14+s0+$0x0], $0xffff;
	[tilespmem:s12+$0x680] =	vst v16  }
0x40c: {  	[tilespmem:s3+$0x700] =	vst v17;
	v16 =	vld.idx.msk [tilespmem:v14+s16+$0x0], $0xffff  }
0x40d: {  	v17 =	vld.idx.msk [tilespmem:v15+s2+$0x0], $0xffff;
	[tilespmem:s11+$0x700] =	vst v19  }
0x40e: {  	v19 =	vld.idx.msk [tilespmem:v15+s10+$0x0], $0xffff;
	[tilespmem:s9+$0x700] =	vst v21  }
0x40f: {  	v21 =	vld.idx.msk [tilespmem:v15+s6+$0x0], $0xffff;
	[tilespmem:s20+$0x700] =	vst v20  }
0x410: {  	v20 =	vld.idx.msk [tilespmem:v15+s14+$0x0], $0xffff;
	[tilespmem:s1+$0x700] =	vst v18  }
0x411: {  	v18 =	vld.idx.msk [tilespmem:v15+s0+$0x0], $0xffff;
	[tilespmem:s12+$0x700] =	vst v16  }
0x412: {  	[tilespmem:s3+$0x780] =	vst v17;
	v16 =	vld.idx.msk [tilespmem:v15+s16+$0x0], $0xffff  }
0x413: {  	[tilespmem:s11+$0x780] =	vst v19  }
0x414: {  	[tilespmem:s9+$0x780] =	vst v21  }
0x415: {  	[tilespmem:s20+$0x780] =	vst v20  }
0x416: {  	[tilespmem:s1+$0x780] =	vst v18  }
0x417: {  	s2 =	simm.s32 @p0 $0x15600;
	[tilespmem:s12+$0x780] =	vst v16  }
0x418: {  	s0 =	simm.s32 @p0 $0x400;
	s1 =	simm.s32 @p0 $0x8000;
	s3 =	rddreg [dreg:$0x9]  }
0x419: {  	[hbm4b:s3+s0] =	stream.strided.scatter @p0 [tilespmem:s2], [sflag:$0x7], $0x2000, s1, s0, $0x38;
	[tilespmem:$0x1DA00] =	vst v63  }
0x41a: {  	s6 =	rddreg [dreg:$0x4];
	s0 =	sadd.s32 @!p0 $0x300, s17  }
0x41b: {  	s1 =	simm.s32 @!p0 $0x80;
	s2 =	simm.s32 @!p0 $0xD600;
	s0 =	sand.u32 @!p0 $0xFF00, s0  }
0x41c: {  	[tilespmem:s2], [sflag:$0x3] =	stream.indirect.gather @!p0 [hbm4b:s6+s1], $0x40, s0, s1, $0xb8;
	[tilespmem:$0x1DA00] =	vst v63  }
0x41d: {  	s0 =	sshll.u32 @!p0 s19, $0x12;
	s2 =	rddreg [dreg:$0x5]  }
0x41e: {  	s0 =	sor.u32 @!p0 s2, s0  }
0x41f: {  	s5 =	simm.s32 @!p0 $0x15600;
	s0 =	sshrl.u32 @!p0 s0, $0x3  }
0x420: {  	s3 =	simm.s32 @!p0 $0x8000;
	s2 =	simm.s32 @!p0 $0x400;
	s0 =	sadd.s32 @!p0 s4, s0  }
0x421: {  	[hbm4b:s0+s2] =	stream.strided.scatter @!p0 [tilespmem:s5], [sflag:$0x7], $0x2000, s3, s2, $0x38;
	[tilespmem:$0x1DA00] =	vst v63  }
0x422: {  	s0 =	sadd.s32 @!p0 $0x380, s17  }
0x423: {  	s15 =	sadd.s32 $0x1, s15;
	s2 =	simm.s32 @!p0 $0xF600;
	s0 =	sand.u32 @!p0 $0xFF80, s0  }
0x424: {  	[tilespmem:s2], [sflag:$0x4] =	stream.indirect.gather @!p0 [hbm4b:s6+s1], $0x40, s0, s1, $0xb8;
	[tilespmem:$0x1DA00] =	vst v63  }
0x425: {  	p0 =	sne.s32 s15, $0x32  }
.Ltmp4:
0x426: {  	_ = 	snop;
	(pc) =	sbr.rel @p0 .LBB2_2-.Ltmp4, $4  }
0x427: {  	_ = 	snop  }
0x428: {  	s29 =	simm.s32 $0x400;
	s30 =	simm.s32 $0x8000;
	s28 =	rddreg [dreg:$0xa]  }
0x429: {  	s31 =	simm.s32 $0x17600;
	s26 =	smov.u32 s4;
	s0 =	sadd.s32 s18, s28  }
0x42a: {  	[hbm4b:s0+s29] =	stream.strided.scatter [tilespmem:s31], [sflag:$0x8], $0x2000, s30, s29, $0x38;
	[tilespmem:$0x1DA00] =	vst v63  }
0x42b: {  	s0 =	simm.s32 $0x5  }
0x42c: {  	_ =	swait.ge [sflag:s0], $0x2000  }
0x42d: {  	[sflag:s0] =	ssyncset.done $0x0  }
0x42e: {  	s29 =	simm.s32 $0x6;
	[sflag:s0] =	ssyncadd.s32 $0xFFFFE000  }
0x42f: {  	_ =	swait.ge [sflag:s29], $0x2000  }
0x430: {  	[sflag:s29] =	ssyncset.done $0x0  }
0x431: {  	s30 =	simm.s32 $0x7;
	[sflag:s29] =	ssyncadd.s32 $0xFFFFE000  }
0x432: {  	_ =	swait.ge [sflag:s30], $0x2000  }
0x433: {  	[sflag:s30] =	ssyncset.done $0x0  }
0x434: {  	s1 =	simm.s32 $0x8;
	[sflag:s30] =	ssyncadd.s32 $0xFFFFE000  }
0x435: {  	_ =	swait.ge [sflag:s1], $0x2000  }
0x436: {  	s2 =	rddreg [dreg:$0xc]  }
0x437: {  	s31 =	rddreg [dreg:$0xb];
	s2 =	sadd.s32 $0x1, s2  }
0x438: {  	p0 =	sne.s32 s2, s31  }
.Ltmp5:
0x439: {  	_ = 	snop;
	(pc) =	sbr.rel @p0 .LBB2_1-.Ltmp5, $3  }
0x43a: {  	_ =	sdelay $0x1  }
0x43b: {  	[sflag:s1] =	ssyncset.done $0x0  }
0x43c: {  	[sflag:s1] =	ssyncadd.s32 $0xFFFFE000  }
0x43d: {  	_ =	sfence.sel $0x180000  }
0x43e: {  	[bflag:$0x0] =	sbarrier.arrive $0xFFFF  }
0x43f: {  	_ =	strace $0x90000047  }
0x440: {  	s0 =	stileid.u32;
	[bflag:$0x2] =	sbarrier.arrive $0xFFFF  }
0x441: {  	p0 =	sne.s32 s0, $0x0;
	s0 =	rddreg [dreg:$0x3]  }
0x442: {  	s0 =	sadd.s32 @!p0 $0x100000, s0  }
0x443: {  	[sflag:s0] =	ssyncadd.tile.s32 @!p0 $0x1;
	_ =	shalt  }
.Lfunc_end2:
_tile_overlayer_lowered:
.L_overlay_start_2:
0x444: {  	(tag) =	ssettag $0x2  }
0x445: {  	s0 =	rddreg [dreg:$0x0];
	s2 =	stileid.u32  }
0x446: {  	s1 =	rddreg [dreg:$0x1];
	p0 =	sne.s32 s2, $0x0  }
0x447: {  	s3 =	rddreg [dreg:$0x2];
	[bflag:$0x3] =	sbarrier.arrive $0xFFFF;
	s2 =	simm.s32 @!p0 $0x1C09  }
0x448: {  	[timem:s3], [sflag:s2] =	dma.local @!p0 [hbm:s0], s1  }
0x449: {  	s0 =	simm.s32 @!p0 $0x9  }
0x44a: {  	_ =	swait.ge @!p0 [sflag:s0], s1  }
0x44b: {  	s1 =	ssub.s32 @!p0 $0x0, s1;
	[sflag:s0] =	ssyncset.done @!p0 $0x0  }
0x44c: {  	[sflag:s0] =	ssyncadd.s32 @!p0 s1  }
0x44d: {  	[bflag:$0x3] =	sbarrier.arrive $0xFFFF  }
0x44e: {  	_ =	shalt  }

</sc_bundles>
